<compile_context>
chip_gen: v7x
topology: tpu7x:2x2x1
jax: 0.10.2.dev20260603
libtpu: 0.0.44.dev20260713+nightly
codegen_flags: <defaults>
</compile_context>

<pallas_src>
import functools

import jax
import jax.numpy as jnp
from jax.experimental import pallas as pl
from jax.experimental.pallas import tpu as pltpu
from jax.experimental.pallas import tpu_sc as plsc

NUM_EXPERTS = 64
TOP_K = 8
HIDDEN = 1024
INTER = 512
BATCH = 128

_NEG = -3e38
_NUM_WORKERS = 32
_TOK_PER_W = BATCH // _NUM_WORKERS
_VREGS = NUM_EXPERTS // 16
_PRE = 8
_DUMP = _TOK_PER_W * NUM_EXPERTS


_GDN = jax.lax.GatherDimensionNumbers(
    offset_dims=(), collapsed_slice_dims=(0,), start_index_map=(0,))


def _shuf(x, idx):
    return jax.lax.gather(x, idx[:, None], _GDN, slice_sizes=(1,),
                          mode=jax.lax.GatherScatterMode.PROMISE_IN_BOUNDS)


def _bcast_red(x, op, lane):
    for sh in (1, 2, 4, 8):
        x = op(x, _shuf(x, lane ^ sh))
    return x


def _routing_body(logits_hbm, comb_hbm, lg_v, comb_v):
    wid = jax.lax.axis_index("s") * 2 + jax.lax.axis_index("c")
    base = wid * _TOK_PER_W
    pltpu.sync_copy(logits_hbm.at[pl.ds(base, _TOK_PER_W)], lg_v)

    lane = jax.lax.broadcasted_iota(jnp.int32, (16,), 0)
    for r in range(_TOK_PER_W):
        v = [lg_v[r, pl.ds(j * 16, 16)] for j in range(_VREGS)]
        picks = []
        for k in range(TOP_K):
            m = jnp.maximum(jnp.maximum(v[0], v[1]), jnp.maximum(v[2], v[3]))
            s = _bcast_red(m, jnp.maximum, lane)
            idxv = jnp.where(v[0] == s, lane, NUM_EXPERTS)
            for j in range(1, _VREGS):
                idxv = jnp.minimum(idxv, jnp.where(v[j] == s, lane + j * 16, NUM_EXPERTS))
            first = _bcast_red(idxv, jnp.minimum, lane)
            picks.append((first, s))
            j_sel = jax.lax.shift_right_logical(first, 4)
            l_sel = jax.lax.bitwise_and(first, 15)
            for j in range(_VREGS):
                v[j] = jnp.where((lane == l_sel) & (j_sel == j), _NEG, v[j])
        s0 = picks[0][1]
        exps = [jnp.exp(s - s0) for _, s in picks]
        denom = exps[0]
        for t in exps[1:]:
            denom = denom + t
        inv = 1.0 / denom
        for j in range(_VREGS):
            chunk = jnp.zeros((16,), jnp.float32)
            lane_j = lane + j * 16
            for k in range(TOP_K):
                chunk = chunk + jnp.where(lane_j == picks[k][0], exps[k] * inv, 0.0)
            comb_v[pl.ds(r * NUM_EXPERTS + j * 16, 16)] = chunk

    pltpu.sync_copy(comb_v, comb_hbm.at[pl.ds(base * NUM_EXPERTS, _TOK_PER_W * NUM_EXPERTS)])


_route = functools.partial(
    pl.kernel,
    mesh=plsc.VectorSubcoreMesh(core_axis_name="c", subcore_axis_name="s"),
    out_type=jax.ShapeDtypeStruct((BATCH * NUM_EXPERTS,), jnp.float32),
    scratch_types=[
        pltpu.VMEM((_TOK_PER_W, NUM_EXPERTS), jnp.float32),
        pltpu.VMEM((_TOK_PER_W * NUM_EXPERTS,), jnp.float32),
    ],
)(_routing_body)


def _pre_body(xT_ref, wg_ref, wu_ref, wd_ref, y8_ref):
    xT = xT_ref[...]
    dn = (((1,), (0,)), ((), ()))
    g = jax.lax.dot_general(wg_ref[0], xT, dn, preferred_element_type=jnp.float32)
    u = jax.lax.dot_general(wu_ref[0], xT, dn, preferred_element_type=jnp.float32)
    h = (g * jax.nn.sigmoid(g)) * u
    y = jax.lax.dot_general(wd_ref[0], h, dn, preferred_element_type=jnp.float32)
    y8_ref[0] = y.astype(jnp.bfloat16)


def _moe_body(comb_ref, xT_ref, y8_ref, wg_ref, wu_ref, wd_ref, outT_ref, combT_ref):
    e = pl.program_id(0)

    @pl.when(e == 0)
    def _transpose_comb():
        combT_ref[...] = comb_ref[...].T

    def _apply(y):
        c = combT_ref[pl.ds(e, 1), :]

        @pl.when(e == 0)
        def _init():
            outT_ref[...] = y * c

        @pl.when(e > 0)
        def _acc():
            outT_ref[...] += y * c

    @pl.when(e < _PRE)
    def _use_pre():
        _apply(y8_ref[0].astype(jnp.float32))

    @pl.when(e >= _PRE)
    def _compute():
        xT = xT_ref[...]
        dn = (((1,), (0,)), ((), ()))
        g = jax.lax.dot_general(wg_ref[0], xT, dn, preferred_element_type=jnp.float32)
        u = jax.lax.dot_general(wu_ref[0], xT, dn, preferred_element_type=jnp.float32)
        h = (g * jax.nn.sigmoid(g)) * u
        _apply(jax.lax.dot_general(wd_ref[0], h, dn, preferred_element_type=jnp.float32))


def kernel(x, gate_w, w_gate, w_up, w_down):
    if x.ndim == 3:
        x2 = x[:, -1, :]
    else:
        x2 = x
    logits = (x2.astype(jnp.float16) @ gate_w.T.astype(jnp.float16)).astype(x2.dtype)
    xT = x2.T

    y8 = pl.pallas_call(
        _pre_body,
        grid=(_PRE,),
        in_specs=[
            pl.BlockSpec((HIDDEN, BATCH), lambda e: (0, 0)),
            pl.BlockSpec((1, INTER, HIDDEN), lambda e: (e, 0, 0)),
            pl.BlockSpec((1, INTER, HIDDEN), lambda e: (e, 0, 0)),
            pl.BlockSpec((1, HIDDEN, INTER), lambda e: (e, 0, 0)),
        ],
        out_specs=pl.BlockSpec((1, HIDDEN, BATCH), lambda e: (e, 0, 0)),
        out_shape=jax.ShapeDtypeStruct((_PRE, HIDDEN, BATCH), jnp.bfloat16),
        compiler_params=pltpu.CompilerParams(
            dimension_semantics=("arbitrary",),
        ),
    )(xT, w_gate, w_up, w_down)

    comb = _route(logits).reshape(BATCH, NUM_EXPERTS)

    outT = pl.pallas_call(
        _moe_body,
        grid=(NUM_EXPERTS,),
        in_specs=[
            pl.BlockSpec((BATCH, NUM_EXPERTS), lambda e: (0, 0)),
            pl.BlockSpec((HIDDEN, BATCH), lambda e: (0, 0)),
            pl.BlockSpec((1, HIDDEN, BATCH), lambda e: (jnp.minimum(e, _PRE - 1), 0, 0)),
            pl.BlockSpec((1, INTER, HIDDEN), lambda e: (jnp.maximum(e, _PRE), 0, 0)),
            pl.BlockSpec((1, INTER, HIDDEN), lambda e: (jnp.maximum(e, _PRE), 0, 0)),
            pl.BlockSpec((1, HIDDEN, INTER), lambda e: (jnp.maximum(e, _PRE), 0, 0)),
        ],
        out_specs=pl.BlockSpec((HIDDEN, BATCH), lambda e: (0, 0)),
        out_shape=jax.ShapeDtypeStruct((HIDDEN, BATCH), jnp.float32),
        scratch_shapes=[pltpu.VMEM((NUM_EXPERTS, BATCH), jnp.float32)],
        compiler_params=pltpu.CompilerParams(
            dimension_semantics=("arbitrary",),
        ),
    )(comb, xT, y8, w_gate, w_up, w_down)
    return outT.T

# --- scband reference (transcript-rebuilt; emitter-appended) ---
"""Pipeline reference for scband-qwen3-5-mo-e-39874476376659 (READ-ONLY COPY).

The authoritative reference and input builder live on the scoring server;
editing this copy changes nothing except your own understanding.
"""

import jax, jax.numpy as jnp
import numpy as np

NUM_EXPERTS = 64
TOP_K = 8
HIDDEN = 1024
INTER = 512
BATCH = 128


def setup_inputs(seed: int = 0) -> dict:
    key = jax.random.key(seed)
    ks = jax.random.split(key, 5)
    x = jax.random.normal(ks[0], (BATCH, 1, HIDDEN), dtype=jnp.float32)
    # router gate: nn.Linear(hidden_size, num_experts, bias=False) stored half in torch
    gate_w = jax.random.normal(ks[1], (NUM_EXPERTS, HIDDEN), dtype=jnp.float32) * 0.02
    # dequantized expert triplets: gate_w/up_w are [inter, hidden]; down_w is [hidden, inter]
    w_gate = jax.random.normal(ks[2], (NUM_EXPERTS, INTER, HIDDEN), dtype=jnp.float32) * 0.02
    w_up = jax.random.normal(ks[3], (NUM_EXPERTS, INTER, HIDDEN), dtype=jnp.float32) * 0.02
    w_down = jax.random.normal(ks[4], (NUM_EXPERTS, HIDDEN, INTER), dtype=jnp.float32) * 0.02
    return {"x": x, "gate_w": gate_w, "w_gate": w_gate, "w_up": w_up, "w_down": w_down}


def reference(x, gate_w, w_gate, w_up, w_down):
    # forward: take last-position token per sequence (decode step)
    if x.ndim == 2:
        x = x[:, None, :]
    curr_x = x[:, -1, :]  # [T, H]
    # router runs in fp16 (gate stored .half() in torch), logits cast back to activation dtype
    router_logits = (curr_x.astype(jnp.float16) @ gate_w.T.astype(jnp.float16)).astype(curr_x.dtype)
    topk_vals, topk_ids = jax.lax.top_k(router_logits, TOP_K)  # [T, K]
    topk_weights = jax.nn.softmax(topk_vals, axis=-1)  # [T, K]
    # combine weights as dense [T, E] (zero for unselected experts) -- mathematically
    # identical to the grouped per-expert dispatch/index_add_ in the torch module
    combine = jnp.sum(jax.nn.one_hot(topk_ids, NUM_EXPERTS, dtype=curr_x.dtype) * topk_weights[..., None], axis=1)  # [T, E]
    gate_act = jnp.einsum('th,emh->tem', curr_x, w_gate)
    up_act = jnp.einsum('th,emh->tem', curr_x, w_up)
    mixed = jax.nn.silu(gate_act) * up_act  # [T, E, I]
    expert_out = jnp.einsum('tem,ehm->teh', mixed, w_down)  # [T, E, H]
    output = jnp.einsum('teh,te->th', expert_out, combine)  # [T, H]
    return output

if __name__ == "__main__":
    import jax
    _d = setup_inputs()
    print(jax.jit(kernel)(*tuple(_d.values())))

</pallas_src>

<mosaic_0001>
#map = affine_map<(d0, d1) -> (0, 0)>
#map1 = affine_map<(d0, d1) -> (0)>
module attributes {stable_mosaic.version = 14 : i64} {
  func.func @_routing_body(%arg0: i32, %arg1: i32, %arg2: memref<128x64xf32, #tpu.memory_space<hbm>>, %arg3: memref<8192xf32, #tpu.memory_space<hbm>>, %arg4: memref<4x64xf32, #tpu.memory_space<vmem>>, %arg5: memref<256xf32, #tpu.memory_space<vmem>>) attributes {dimension_semantics = [#tpu.dimension_semantics<core_parallel>, #tpu.dimension_semantics<subcore_parallel>], iteration_bounds = array<i64: 2, 16>, scalar_prefetch = 0 : i64, scratch_operands = 2 : i64, tpu.core_type = #tpu.core_type<sc_vector_subcore>, window_params = [{transform_indices = #map}, {transform_indices = #map1}]} {
    %mul3A = arith.constant 2 : i32
    %mul3A_0 = arith.muli %arg1, %mul3A : i32
    %add3A = arith.addi %mul3A_0, %arg0 : i32
    %mul3A_1 = arith.constant 4 : i32
    %mul3A_2 = arith.muli %add3A, %mul3A_1 : i32
    "tpu.region"() ({
      %run_scoped3A = tpu.sem_alloc : memref<!tpu.dma_semaphore, #tpu.memory_space<semaphore_mem>>
      %dma_start3A = arith.constant 0 : i32
      %dma_start3A_5086 = tpu.memref_slice %arg2[%mul3A_2, %dma_start3A] : memref<128x64xf32, #tpu.memory_space<hbm>> -> memref<4x64xf32, #tpu.memory_space<hbm>>
      %dma_start3A_5087 = arith.constant 0 : i32
      %dma_start3A_5088 = tpu.memref_slice %arg2[%mul3A_2, %dma_start3A_5087] : memref<128x64xf32, #tpu.memory_space<hbm>> -> memref<4x64xf32, #tpu.memory_space<hbm>>
      tpu.enqueue_dma source(%dma_start3A_5088 : memref<4x64xf32, #tpu.memory_space<hbm>>) target(%arg4 : memref<4x64xf32, #tpu.memory_space<vmem>>) target_semaphore(%run_scoped3A : memref<!tpu.dma_semaphore, #tpu.memory_space<semaphore_mem>>)
      %dma_wait3A = arith.constant 0 : i32
      %dma_wait3A_5089 = tpu.memref_slice %arg2[%mul3A_2, %dma_wait3A] : memref<128x64xf32, #tpu.memory_space<hbm>> -> memref<4x64xf32, #tpu.memory_space<hbm>>
      %dma_wait3A_5090 = arith.constant 0 : i32
      %dma_wait3A_5091 = tpu.memref_slice %arg2[%mul3A_2, %dma_wait3A_5090] : memref<128x64xf32, #tpu.memory_space<hbm>> -> memref<4x64xf32, #tpu.memory_space<hbm>>
      tpu.wait_dma2 semaphore(%run_scoped3A : memref<!tpu.dma_semaphore, #tpu.memory_space<semaphore_mem>>) src(%dma_wait3A_5091 : memref<4x64xf32, #tpu.memory_space<hbm>>) dst(%arg4 : memref<4x64xf32, #tpu.memory_space<vmem>>)
      tpu.yield
    }) : () -> ()
    %iota3A = tpu.iota {dimensions = array<i32: 0>} : vector<16xi32>
    %get3A = arith.constant 0 : i32
    %get3A_3 = arith.index_cast %get3A : i32 to index
    %get3A_4 = arith.constant 0 : index
    %get3A_5 = tpu.vector_load %arg4[%get3A_3, %get3A_4] {strides = array<i32>} : memref<4x64xf32, #tpu.memory_space<vmem>>, vector<1x16xf32>,
    %get3A_6 = vector.shape_cast %get3A_5 : vector<1x16xf32> to vector<16xf32>
    %get3A_7 = arith.constant 0 : i32
    %get3A_8 = arith.index_cast %get3A_7 : i32 to index
    %get3A_9 = arith.constant 16 : index
    %get3A_10 = tpu.vector_load %arg4[%get3A_8, %get3A_9] {strides = array<i32>} : memref<4x64xf32, #tpu.memory_space<vmem>>, vector<1x16xf32>,
    %get3A_11 = vector.shape_cast %get3A_10 : vector<1x16xf32> to vector<16xf32>
    %get3A_12 = arith.constant 0 : i32
    %get3A_13 = arith.index_cast %get3A_12 : i32 to index
    %get3A_14 = arith.constant 32 : index
    %get3A_15 = tpu.vector_load %arg4[%get3A_13, %get3A_14] {strides = array<i32>} : memref<4x64xf32, #tpu.memory_space<vmem>>, vector<1x16xf32>,
    %get3A_16 = vector.shape_cast %get3A_15 : vector<1x16xf32> to vector<16xf32>
    %get3A_17 = arith.constant 0 : i32
    %get3A_18 = arith.index_cast %get3A_17 : i32 to index
    %get3A_19 = arith.constant 48 : index
    %get3A_20 = tpu.vector_load %arg4[%get3A_18, %get3A_19] {strides = array<i32>} : memref<4x64xf32, #tpu.memory_space<vmem>>, vector<1x16xf32>,
    %get3A_21 = vector.shape_cast %get3A_20 : vector<1x16xf32> to vector<16xf32>
    %max3A = arith.maximumf %get3A_6, %get3A_11 : vector<16xf32>
    %max3A_22 = arith.maximumf %get3A_16, %get3A_21 : vector<16xf32>
    %max3A_23 = arith.maximumf %max3A, %max3A_22 : vector<16xf32>
    %xor3A = arith.constant 1 : i32
    %xor3A_24 = vector.broadcast %xor3A : i32 to vector<16xi32>
    %xor3A_25 = arith.xori %iota3A, %xor3A_24 : vector<16xi32>
    %broadcast_in_dim3A = vector.shape_cast %xor3A_25 : vector<16xi32> to vector<16x1xi32>
    %gather3A = vector.shape_cast %broadcast_in_dim3A : vector<16x1xi32> to vector<16xi32>
    %gather3A_26 = tpu.dynamic_gather %max3A_23[%gather3A] in [0] : vector<16xf32>, vector<16xi32> -> vector<16xf32>
    %max3A_27 = arith.maximumf %max3A_23, %gather3A_26 : vector<16xf32>
    %xor3A_28 = arith.constant 2 : i32
    %xor3A_29 = vector.broadcast %xor3A_28 : i32 to vector<16xi32>
    %xor3A_30 = arith.xori %iota3A, %xor3A_29 : vector<16xi32>
    %broadcast_in_dim3A_31 = vector.shape_cast %xor3A_30 : vector<16xi32> to vector<16x1xi32>
    %gather3A_32 = vector.shape_cast %broadcast_in_dim3A_31 : vector<16x1xi32> to vector<16xi32>
    %gather3A_33 = tpu.dynamic_gather %max3A_27[%gather3A_32] in [0] : vector<16xf32>, vector<16xi32> -> vector<16xf32>
    %max3A_34 = arith.maximumf %max3A_27, %gather3A_33 : vector<16xf32>
    %xor3A_35 = arith.constant 4 : i32
    %xor3A_36 = vector.broadcast %xor3A_35 : i32 to vector<16xi32>
    %xor3A_37 = arith.xori %iota3A, %xor3A_36 : vector<16xi32>
    %broadcast_in_dim3A_38 = vector.shape_cast %xor3A_37 : vector<16xi32> to vector<16x1xi32>
    %gather3A_39 = vector.shape_cast %broadcast_in_dim3A_38 : vector<16x1xi32> to vector<16xi32>
    %gather3A_40 = tpu.dynamic_gather %max3A_34[%gather3A_39] in [0] : vector<16xf32>, vector<16xi32> -> vector<16xf32>
    %max3A_41 = arith.maximumf %max3A_34, %gather3A_40 : vector<16xf32>
    %xor3A_42 = arith.constant 8 : i32
    %xor3A_43 = vector.broadcast %xor3A_42 : i32 to vector<16xi32>
    %xor3A_44 = arith.xori %iota3A, %xor3A_43 : vector<16xi32>
    %broadcast_in_dim3A_45 = vector.shape_cast %xor3A_44 : vector<16xi32> to vector<16x1xi32>
    %gather3A_46 = vector.shape_cast %broadcast_in_dim3A_45 : vector<16x1xi32> to vector<16xi32>
    %gather3A_47 = tpu.dynamic_gather %max3A_41[%gather3A_46] in [0] : vector<16xf32>, vector<16xi32> -> vector<16xf32>
    %max3A_48 = arith.maximumf %max3A_41, %gather3A_47 : vector<16xf32>
    %eq3A = arith.cmpf oeq, %get3A_6, %max3A_48 : vector<16xf32>
    %jit3A = arith.constant 64 : i32
    %broadcast_in_dim3A_49 = vector.broadcast %jit3A : i32 to vector<16xi32>
    %select_n3A = arith.select %eq3A, %iota3A, %broadcast_in_dim3A_49 : vector<16xi1>, vector<16xi32>
    %eq3A_50 = arith.cmpf oeq, %get3A_11, %max3A_48 : vector<16xf32>
    %add3A_51 = arith.constant 16 : i32
    %add3A_52 = vector.broadcast %add3A_51 : i32 to vector<16xi32>
    %add3A_53 = arith.addi %iota3A, %add3A_52 : vector<16xi32>
    %jit3A_54 = arith.constant 64 : i32
    %broadcast_in_dim3A_55 = vector.broadcast %jit3A_54 : i32 to vector<16xi32>
    %select_n3A_56 = arith.select %eq3A_50, %add3A_53, %broadcast_in_dim3A_55 : vector<16xi1>, vector<16xi32>
    %min3A = arith.minsi %select_n3A, %select_n3A_56 : vector<16xi32>
    %eq3A_57 = arith.cmpf oeq, %get3A_16, %max3A_48 : vector<16xf32>
    %add3A_58 = arith.constant 32 : i32
    %add3A_59 = vector.broadcast %add3A_58 : i32 to vector<16xi32>
    %add3A_60 = arith.addi %iota3A, %add3A_59 : vector<16xi32>
    %jit3A_61 = arith.constant 64 : i32
    %broadcast_in_dim3A_62 = vector.broadcast %jit3A_61 : i32 to vector<16xi32>
    %select_n3A_63 = arith.select %eq3A_57, %add3A_60, %broadcast_in_dim3A_62 : vector<16xi1>, vector<16xi32>
    %min3A_64 = arith.minsi %min3A, %select_n3A_63 : vector<16xi32>
    %eq3A_65 = arith.cmpf oeq, %get3A_21, %max3A_48 : vector<16xf32>
    %add3A_66 = arith.constant 48 : i32
    %add3A_67 = vector.broadcast %add3A_66 : i32 to vector<16xi32>
    %add3A_68 = arith.addi %iota3A, %add3A_67 : vector<16xi32>
    %jit3A_69 = arith.constant 64 : i32
    %broadcast_in_dim3A_70 = vector.broadcast %jit3A_69 : i32 to vector<16xi32>
    %select_n3A_71 = arith.select %eq3A_65, %add3A_68, %broadcast_in_dim3A_70 : vector<16xi1>, vector<16xi32>
    %min3A_72 = arith.minsi %min3A_64, %select_n3A_71 : vector<16xi32>
    %xor3A_73 = arith.constant 1 : i32
    %xor3A_74 = vector.broadcast %xor3A_73 : i32 to vector<16xi32>
    %xor3A_75 = arith.xori %iota3A, %xor3A_74 : vector<16xi32>
    %broadcast_in_dim3A_76 = vector.shape_cast %xor3A_75 : vector<16xi32> to vector<16x1xi32>
    %gather3A_77 = vector.shape_cast %broadcast_in_dim3A_76 : vector<16x1xi32> to vector<16xi32>
    %gather3A_78 = tpu.dynamic_gather %min3A_72[%gather3A_77] in [0] : vector<16xi32>, vector<16xi32> -> vector<16xi32>
    %min3A_79 = arith.minsi %min3A_72, %gather3A_78 : vector<16xi32>
    %xor3A_80 = arith.constant 2 : i32
    %xor3A_81 = vector.broadcast %xor3A_80 : i32 to vector<16xi32>
    %xor3A_82 = arith.xori %iota3A, %xor3A_81 : vector<16xi32>
    %broadcast_in_dim3A_83 = vector.shape_cast %xor3A_82 : vector<16xi32> to vector<16x1xi32>
    %gather3A_84 = vector.shape_cast %broadcast_in_dim3A_83 : vector<16x1xi32> to vector<16xi32>
    %gather3A_85 = tpu.dynamic_gather %min3A_79[%gather3A_84] in [0] : vector<16xi32>, vector<16xi32> -> vector<16xi32>
    %min3A_86 = arith.minsi %min3A_79, %gather3A_85 : vector<16xi32>
    %xor3A_87 = arith.constant 4 : i32
    %xor3A_88 = vector.broadcast %xor3A_87 : i32 to vector<16xi32>
    %xor3A_89 = arith.xori %iota3A, %xor3A_88 : vector<16xi32>
    %broadcast_in_dim3A_90 = vector.shape_cast %xor3A_89 : vector<16xi32> to vector<16x1xi32>
    %gather3A_91 = vector.shape_cast %broadcast_in_dim3A_90 : vector<16x1xi32> to vector<16xi32>
    %gather3A_92 = tpu.dynamic_gather %min3A_86[%gather3A_91] in [0] : vector<16xi32>, vector<16xi32> -> vector<16xi32>
    %min3A_93 = arith.minsi %min3A_86, %gather3A_92 : vector<16xi32>
    %xor3A_94 = arith.constant 8 : i32
    %xor3A_95 = vector.broadcast %xor3A_94 : i32 to vector<16xi32>
    %xor3A_96 = arith.xori %iota3A, %xor3A_95 : vector<16xi32>
    %broadcast_in_dim3A_97 = vector.shape_cast %xor3A_96 : vector<16xi32> to vector<16x1xi32>
    %gather3A_98 = vector.shape_cast %broadcast_in_dim3A_97 : vector<16x1xi32> to vector<16xi32>
    %gather3A_99 = tpu.dynamic_gather %min3A_93[%gather3A_98] in [0] : vector<16xi32>, vector<16xi32> -> vector<16xi32>
    %min3A_100 = arith.minsi %min3A_93, %gather3A_99 : vector<16xi32>
    %shift_right_logical3A = arith.constant 4 : i32
    %shift_right_logical3A_101 = vector.broadcast %shift_right_logical3A : i32 to vector<16xi32>
    %shift_right_logical3A_102 = arith.shrui %min3A_100, %shift_right_logical3A_101 : vector<16xi32>
    %and3A = arith.constant 15 : i32
    %and3A_103 = vector.broadcast %and3A : i32 to vector<16xi32>
    %and3A_104 = arith.andi %min3A_100, %and3A_103 : vector<16xi32>
    %eq3A_105 = arith.cmpi eq, %iota3A, %and3A_104 : vector<16xi32>
    %eq3A_106 = arith.constant 0 : i32
    %eq3A_107 = vector.broadcast %eq3A_106 : i32 to vector<16xi32>
    %eq3A_108 = arith.cmpi eq, %shift_right_logical3A_102, %eq3A_107 : vector<16xi32>
    %and3A_109 = arith.andi %eq3A_105, %eq3A_108 : vector<16xi1>
    %jit3A_110 = arith.constant -3.000000e+38 : f32
    %broadcast_in_dim3A_111 = vector.broadcast %jit3A_110 : f32 to vector<16xf32>
    %select_n3A_112 = arith.select %and3A_109, %broadcast_in_dim3A_111, %get3A_6 : vector<16xi1>, vector<16xf32>
    %eq3A_113 = arith.cmpi eq, %iota3A, %and3A_104 : vector<16xi32>
    %eq3A_114 = arith.constant 1 : i32
    %eq3A_115 = vector.broadcast %eq3A_114 : i32 to vector<16xi32>
    %eq3A_116 = arith.cmpi eq, %shift_right_logical3A_102, %eq3A_115 : vector<16xi32>
    %and3A_117 = arith.andi %eq3A_113, %eq3A_116 : vector<16xi1>
    %jit3A_118 = arith.constant -3.000000e+38 : f32
    %broadcast_in_dim3A_119 = vector.broadcast %jit3A_118 : f32 to vector<16xf32>
    %select_n3A_120 = arith.select %and3A_117, %broadcast_in_dim3A_119, %get3A_11 : vector<16xi1>, vector<16xf32>
    %eq3A_121 = arith.cmpi eq, %iota3A, %and3A_104 : vector<16xi32>
    %eq3A_122 = arith.constant 2 : i32
    %eq3A_123 = vector.broadcast %eq3A_122 : i32 to vector<16xi32>
    %eq3A_124 = arith.cmpi eq, %shift_right_logical3A_102, %eq3A_123 : vector<16xi32>
    %and3A_125 = arith.andi %eq3A_121, %eq3A_124 : vector<16xi1>
    %jit3A_126 = arith.constant -3.000000e+38 : f32
    %broadcast_in_dim3A_127 = vector.broadcast %jit3A_126 : f32 to vector<16xf32>
    %select_n3A_128 = arith.select %and3A_125, %broadcast_in_dim3A_127, %get3A_16 : vector<16xi1>, vector<16xf32>
    %eq3A_129 = arith.cmpi eq, %iota3A, %and3A_104 : vector<16xi32>
    %eq3A_130 = arith.constant 3 : i32
    %eq3A_131 = vector.broadcast %eq3A_130 : i32 to vector<16xi32>
    %eq3A_132 = arith.cmpi eq, %shift_right_logical3A_102, %eq3A_131 : vector<16xi32>
    %and3A_133 = arith.andi %eq3A_129, %eq3A_132 : vector<16xi1>
    %jit3A_134 = arith.constant -3.000000e+38 : f32
    %broadcast_in_dim3A_135 = vector.broadcast %jit3A_134 : f32 to vector<16xf32>
    %select_n3A_136 = arith.select %and3A_133, %broadcast_in_dim3A_135, %get3A_21 : vector<16xi1>, vector<16xf32>
    %max3A_137 = arith.maximumf %select_n3A_112, %select_n3A_120 : vector<16xf32>
    %max3A_138 = arith.maximumf %select_n3A_128, %select_n3A_136 : vector<16xf32>
    %max3A_139 = arith.maximumf %max3A_137, %max3A_138 : vector<16xf32>
    %xor3A_140 = arith.constant 1 : i32
    %xor3A_141 = vector.broadcast %xor3A_140 : i32 to vector<16xi32>
    %xor3A_142 = arith.xori %iota3A, %xor3A_141 : vector<16xi32>
    %broadcast_in_dim3A_143 = vector.shape_cast %xor3A_142 : vector<16xi32> to vector<16x1xi32>
    %gather3A_144 = vector.shape_cast %broadcast_in_dim3A_143 : vector<16x1xi32> to vector<16xi32>
    %gather3A_145 = tpu.dynamic_gather %max3A_139[%gather3A_144] in [0] : vector<16xf32>, vector<16xi32> -> vector<16xf32>
    %max3A_146 = arith.maximumf %max3A_139, %gather3A_145 : vector<16xf32>
    %xor3A_147 = arith.constant 2 : i32
    %xor3A_148 = vector.broadcast %xor3A_147 : i32 to vector<16xi32>
    %xor3A_149 = arith.xori %iota3A, %xor3A_148 : vector<16xi32>
    %broadcast_in_dim3A_150 = vector.shape_cast %xor3A_149 : vector<16xi32> to vector<16x1xi32>
    %gather3A_151 = vector.shape_cast %broadcast_in_dim3A_150 : vector<16x1xi32> to vector<16xi32>
    %gather3A_152 = tpu.dynamic_gather %max3A_146[%gather3A_151] in [0] : vector<16xf32>, vector<16xi32> -> vector<16xf32>
    %max3A_153 = arith.maximumf %max3A_146, %gather3A_152 : vector<16xf32>
    %xor3A_154 = arith.constant 4 : i32
    %xor3A_155 = vector.broadcast %xor3A_154 : i32 to vector<16xi32>
    %xor3A_156 = arith.xori %iota3A, %xor3A_155 : vector<16xi32>
    %broadcast_in_dim3A_157 = vector.shape_cast %xor3A_156 : vector<16xi32> to vector<16x1xi32>
    %gather3A_158 = vector.shape_cast %broadcast_in_dim3A_157 : vector<16x1xi32> to vector<16xi32>
    %gather3A_159 = tpu.dynamic_gather %max3A_153[%gather3A_158] in [0] : vector<16xf32>, vector<16xi32> -> vector<16xf32>
    %max3A_160 = arith.maximumf %max3A_153, %gather3A_159 : vector<16xf32>
    %xor3A_161 = arith.constant 8 : i32
    %xor3A_162 = vector.broadcast %xor3A_161 : i32 to vector<16xi32>
    %xor3A_163 = arith.xori %iota3A, %xor3A_162 : vector<16xi32>
    %broadcast_in_dim3A_164 = vector.shape_cast %xor3A_163 : vector<16xi32> to vector<16x1xi32>
    %gather3A_165 = vector.shape_cast %broadcast_in_dim3A_164 : vector<16x1xi32> to vector<16xi32>
    %gather3A_166 = tpu.dynamic_gather %max3A_160[%gather3A_165] in [0] : vector<16xf32>, vector<16xi32> -> vector<16xf32>
    %max3A_167 = arith.maximumf %max3A_160, %gather3A_166 : vector<16xf32>
    %eq3A_168 = arith.cmpf oeq, %select_n3A_112, %max3A_167 : vector<16xf32>
    %jit3A_169 = arith.constant 64 : i32
    %broadcast_in_dim3A_170 = vector.broadcast %jit3A_169 : i32 to vector<16xi32>
    %select_n3A_171 = arith.select %eq3A_168, %iota3A, %broadcast_in_dim3A_170 : vector<16xi1>, vector<16xi32>
    %eq3A_172 = arith.cmpf oeq, %select_n3A_120, %max3A_167 : vector<16xf32>
    %add3A_173 = arith.constant 16 : i32
    %add3A_174 = vector.broadcast %add3A_173 : i32 to vector<16xi32>
    %add3A_175 = arith.addi %iota3A, %add3A_174 : vector<16xi32>
    %jit3A_176 = arith.constant 64 : i32
    %broadcast_in_dim3A_177 = vector.broadcast %jit3A_176 : i32 to vector<16xi32>
    %select_n3A_178 = arith.select %eq3A_172, %add3A_175, %broadcast_in_dim3A_177 : vector<16xi1>, vector<16xi32>
    %min3A_179 = arith.minsi %select_n3A_171, %select_n3A_178 : vector<16xi32>
    %eq3A_180 = arith.cmpf oeq, %select_n3A_128, %max3A_167 : vector<16xf32>
    %add3A_181 = arith.constant 32 : i32
    %add3A_182 = vector.broadcast %add3A_181 : i32 to vector<16xi32>
    %add3A_183 = arith.addi %iota3A, %add3A_182 : vector<16xi32>
    %jit3A_184 = arith.constant 64 : i32
    %broadcast_in_dim3A_185 = vector.broadcast %jit3A_184 : i32 to vector<16xi32>
    %select_n3A_186 = arith.select %eq3A_180, %add3A_183, %broadcast_in_dim3A_185 : vector<16xi1>, vector<16xi32>
    %min3A_187 = arith.minsi %min3A_179, %select_n3A_186 : vector<16xi32>
    %eq3A_188 = arith.cmpf oeq, %select_n3A_136, %max3A_167 : vector<16xf32>
    %add3A_189 = arith.constant 48 : i32
    %add3A_190 = vector.broadcast %add3A_189 : i32 to vector<16xi32>
    %add3A_191 = arith.addi %iota3A, %add3A_190 : vector<16xi32>
    %jit3A_192 = arith.constant 64 : i32
    %broadcast_in_dim3A_193 = vector.broadcast %jit3A_192 : i32 to vector<16xi32>
    %select_n3A_194 = arith.select %eq3A_188, %add3A_191, %broadcast_in_dim3A_193 : vector<16xi1>, vector<16xi32>
    %min3A_195 = arith.minsi %min3A_187, %select_n3A_194 : vector<16xi32>
    %xor3A_196 = arith.constant 1 : i32
    %xor3A_197 = vector.broadcast %xor3A_196 : i32 to vector<16xi32>
    %xor3A_198 = arith.xori %iota3A, %xor3A_197 : vector<16xi32>
    %broadcast_in_dim3A_199 = vector.shape_cast %xor3A_198 : vector<16xi32> to vector<16x1xi32>
    %gather3A_200 = vector.shape_cast %broadcast_in_dim3A_199 : vector<16x1xi32> to vector<16xi32>
    %gather3A_201 = tpu.dynamic_gather %min3A_195[%gather3A_200] in [0] : vector<16xi32>, vector<16xi32> -> vector<16xi32>
    %min3A_202 = arith.minsi %min3A_195, %gather3A_201 : vector<16xi32>
    %xor3A_203 = arith.constant 2 : i32
    %xor3A_204 = vector.broadcast %xor3A_203 : i32 to vector<16xi32>
    %xor3A_205 = arith.xori %iota3A, %xor3A_204 : vector<16xi32>
    %broadcast_in_dim3A_206 = vector.shape_cast %xor3A_205 : vector<16xi32> to vector<16x1xi32>
    %gather3A_207 = vector.shape_cast %broadcast_in_dim3A_206 : vector<16x1xi32> to vector<16xi32>
    %gather3A_208 = tpu.dynamic_gather %min3A_202[%gather3A_207] in [0] : vector<16xi32>, vector<16xi32> -> vector<16xi32>
    %min3A_209 = arith.minsi %min3A_202, %gather3A_208 : vector<16xi32>
    %xor3A_210 = arith.constant 4 : i32
    %xor3A_211 = vector.broadcast %xor3A_210 : i32 to vector<16xi32>
    %xor3A_212 = arith.xori %iota3A, %xor3A_211 : vector<16xi32>
    %broadcast_in_dim3A_213 = vector.shape_cast %xor3A_212 : vector<16xi32> to vector<16x1xi32>
    %gather3A_214 = vector.shape_cast %broadcast_in_dim3A_213 : vector<16x1xi32> to vector<16xi32>
    %gather3A_215 = tpu.dynamic_gather %min3A_209[%gather3A_214] in [0] : vector<16xi32>, vector<16xi32> -> vector<16xi32>
    %min3A_216 = arith.minsi %min3A_209, %gather3A_215 : vector<16xi32>
    %xor3A_217 = arith.constant 8 : i32
    %xor3A_218 = vector.broadcast %xor3A_217 : i32 to vector<16xi32>
    %xor3A_219 = arith.xori %iota3A, %xor3A_218 : vector<16xi32>
    %broadcast_in_dim3A_220 = vector.shape_cast %xor3A_219 : vector<16xi32> to vector<16x1xi32>
    %gather3A_221 = vector.shape_cast %broadcast_in_dim3A_220 : vector<16x1xi32> to vector<16xi32>
    %gather3A_222 = tpu.dynamic_gather %min3A_216[%gather3A_221] in [0] : vector<16xi32>, vector<16xi32> -> vector<16xi32>
    %min3A_223 = arith.minsi %min3A_216, %gather3A_222 : vector<16xi32>
    %shift_right_logical3A_224 = arith.constant 4 : i32
    %shift_right_logical3A_225 = vector.broadcast %shift_right_logical3A_224 : i32 to vector<16xi32>
    %shift_right_logical3A_226 = arith.shrui %min3A_223, %shift_right_logical3A_225 : vector<16xi32>
    %and3A_227 = arith.constant 15 : i32
    %and3A_228 = vector.broadcast %and3A_227 : i32 to vector<16xi32>
    %and3A_229 = arith.andi %min3A_223, %and3A_228 : vector<16xi32>
    %eq3A_230 = arith.cmpi eq, %iota3A, %and3A_229 : vector<16xi32>
    %eq3A_231 = arith.constant 0 : i32
    %eq3A_232 = vector.broadcast %eq3A_231 : i32 to vector<16xi32>
    %eq3A_233 = arith.cmpi eq, %shift_right_logical3A_226, %eq3A_232 : vector<16xi32>
    %and3A_234 = arith.andi %eq3A_230, %eq3A_233 : vector<16xi1>
    %jit3A_235 = arith.constant -3.000000e+38 : f32
    %broadcast_in_dim3A_236 = vector.broadcast %jit3A_235 : f32 to vector<16xf32>
    %select_n3A_237 = arith.select %and3A_234, %broadcast_in_dim3A_236, %select_n3A_112 : vector<16xi1>, vector<16xf32>
    %eq3A_238 = arith.cmpi eq, %iota3A, %and3A_229 : vector<16xi32>
    %eq3A_239 = arith.constant 1 : i32
    %eq3A_240 = vector.broadcast %eq3A_239 : i32 to vector<16xi32>
    %eq3A_241 = arith.cmpi eq, %shift_right_logical3A_226, %eq3A_240 : vector<16xi32>
    %and3A_242 = arith.andi %eq3A_238, %eq3A_241 : vector<16xi1>
    %jit3A_243 = arith.constant -3.000000e+38 : f32
    %broadcast_in_dim3A_244 = vector.broadcast %jit3A_243 : f32 to vector<16xf32>
    %select_n3A_245 = arith.select %and3A_242, %broadcast_in_dim3A_244, %select_n3A_120 : vector<16xi1>, vector<16xf32>
    %eq3A_246 = arith.cmpi eq, %iota3A, %and3A_229 : vector<16xi32>
    %eq3A_247 = arith.constant 2 : i32
    %eq3A_248 = vector.broadcast %eq3A_247 : i32 to vector<16xi32>
    %eq3A_249 = arith.cmpi eq, %shift_right_logical3A_226, %eq3A_248 : vector<16xi32>
    %and3A_250 = arith.andi %eq3A_246, %eq3A_249 : vector<16xi1>
    %jit3A_251 = arith.constant -3.000000e+38 : f32
    %broadcast_in_dim3A_252 = vector.broadcast %jit3A_251 : f32 to vector<16xf32>
    %select_n3A_253 = arith.select %and3A_250, %broadcast_in_dim3A_252, %select_n3A_128 : vector<16xi1>, vector<16xf32>
    %eq3A_254 = arith.cmpi eq, %iota3A, %and3A_229 : vector<16xi32>
    %eq3A_255 = arith.constant 3 : i32
    %eq3A_256 = vector.broadcast %eq3A_255 : i32 to vector<16xi32>
    %eq3A_257 = arith.cmpi eq, %shift_right_logical3A_226, %eq3A_256 : vector<16xi32>
    %and3A_258 = arith.andi %eq3A_254, %eq3A_257 : vector<16xi1>
    %jit3A_259 = arith.constant -3.000000e+38 : f32
    %broadcast_in_dim3A_260 = vector.broadcast %jit3A_259 : f32 to vector<16xf32>
    %select_n3A_261 = arith.select %and3A_258, %broadcast_in_dim3A_260, %select_n3A_136 : vector<16xi1>, vector<16xf32>
    %max3A_262 = arith.maximumf %select_n3A_237, %select_n3A_245 : vector<16xf32>
    %max3A_263 = arith.maximumf %select_n3A_253, %select_n3A_261 : vector<16xf32>
    %max3A_264 = arith.maximumf %max3A_262, %max3A_263 : vector<16xf32>
    %xor3A_265 = arith.constant 1 : i32
    %xor3A_266 = vector.broadcast %xor3A_265 : i32 to vector<16xi32>
    %xor3A_267 = arith.xori %iota3A, %xor3A_266 : vector<16xi32>
    %broadcast_in_dim3A_268 = vector.shape_cast %xor3A_267 : vector<16xi32> to vector<16x1xi32>
    %gather3A_269 = vector.shape_cast %broadcast_in_dim3A_268 : vector<16x1xi32> to vector<16xi32>
    %gather3A_270 = tpu.dynamic_gather %max3A_264[%gather3A_269] in [0] : vector<16xf32>, vector<16xi32> -> vector<16xf32>
    %max3A_271 = arith.maximumf %max3A_264, %gather3A_270 : vector<16xf32>
    %xor3A_272 = arith.constant 2 : i32
    %xor3A_273 = vector.broadcast %xor3A_272 : i32 to vector<16xi32>
    %xor3A_274 = arith.xori %iota3A, %xor3A_273 : vector<16xi32>
    %broadcast_in_dim3A_275 = vector.shape_cast %xor3A_274 : vector<16xi32> to vector<16x1xi32>
    %gather3A_276 = vector.shape_cast %broadcast_in_dim3A_275 : vector<16x1xi32> to vector<16xi32>
    %gather3A_277 = tpu.dynamic_gather %max3A_271[%gather3A_276] in [0] : vector<16xf32>, vector<16xi32> -> vector<16xf32>
    %max3A_278 = arith.maximumf %max3A_271, %gather3A_277 : vector<16xf32>
    %xor3A_279 = arith.constant 4 : i32
    %xor3A_280 = vector.broadcast %xor3A_279 : i32 to vector<16xi32>
    %xor3A_281 = arith.xori %iota3A, %xor3A_280 : vector<16xi32>
    %broadcast_in_dim3A_282 = vector.shape_cast %xor3A_281 : vector<16xi32> to vector<16x1xi32>
    %gather3A_283 = vector.shape_cast %broadcast_in_dim3A_282 : vector<16x1xi32> to vector<16xi32>
    %gather3A_284 = tpu.dynamic_gather %max3A_278[%gather3A_283] in [0] : vector<16xf32>, vector<16xi32> -> vector<16xf32>
    %max3A_285 = arith.maximumf %max3A_278, %gather3A_284 : vector<16xf32>
    %xor3A_286 = arith.constant 8 : i32
    %xor3A_287 = vector.broadcast %xor3A_286 : i32 to vector<16xi32>
    %xor3A_288 = arith.xori %iota3A, %xor3A_287 : vector<16xi32>
    %broadcast_in_dim3A_289 = vector.shape_cast %xor3A_288 : vector<16xi32> to vector<16x1xi32>
    %gather3A_290 = vector.shape_cast %broadcast_in_dim3A_289 : vector<16x1xi32> to vector<16xi32>
    %gather3A_291 = tpu.dynamic_gather %max3A_285[%gather3A_290] in [0] : vector<16xf32>, vector<16xi32> -> vector<16xf32>
    %max3A_292 = arith.maximumf %max3A_285, %gather3A_291 : vector<16xf32>
    %eq3A_293 = arith.cmpf oeq, %select_n3A_237, %max3A_292 : vector<16xf32>
    %jit3A_294 = arith.constant 64 : i32
    %broadcast_in_dim3A_295 = vector.broadcast %jit3A_294 : i32 to vector<16xi32>
    %select_n3A_296 = arith.select %eq3A_293, %iota3A, %broadcast_in_dim3A_295 : vector<16xi1>, vector<16xi32>
    %eq3A_297 = arith.cmpf oeq, %select_n3A_245, %max3A_292 : vector<16xf32>
    %add3A_298 = arith.constant 16 : i32
    %add3A_299 = vector.broadcast %add3A_298 : i32 to vector<16xi32>
    %add3A_300 = arith.addi %iota3A, %add3A_299 : vector<16xi32>
    %jit3A_301 = arith.constant 64 : i32
    %broadcast_in_dim3A_302 = vector.broadcast %jit3A_301 : i32 to vector<16xi32>
    %select_n3A_303 = arith.select %eq3A_297, %add3A_300, %broadcast_in_dim3A_302 : vector<16xi1>, vector<16xi32>
    %min3A_304 = arith.minsi %select_n3A_296, %select_n3A_303 : vector<16xi32>
    %eq3A_305 = arith.cmpf oeq, %select_n3A_253, %max3A_292 : vector<16xf32>
    %add3A_306 = arith.constant 32 : i32
    %add3A_307 = vector.broadcast %add3A_306 : i32 to vector<16xi32>
    %add3A_308 = arith.addi %iota3A, %add3A_307 : vector<16xi32>
    %jit3A_309 = arith.constant 64 : i32
    %broadcast_in_dim3A_310 = vector.broadcast %jit3A_309 : i32 to vector<16xi32>
    %select_n3A_311 = arith.select %eq3A_305, %add3A_308, %broadcast_in_dim3A_310 : vector<16xi1>, vector<16xi32>
    %min3A_312 = arith.minsi %min3A_304, %select_n3A_311 : vector<16xi32>
    %eq3A_313 = arith.cmpf oeq, %select_n3A_261, %max3A_292 : vector<16xf32>
    %add3A_314 = arith.constant 48 : i32
    %add3A_315 = vector.broadcast %add3A_314 : i32 to vector<16xi32>
    %add3A_316 = arith.addi %iota3A, %add3A_315 : vector<16xi32>
    %jit3A_317 = arith.constant 64 : i32
    %broadcast_in_dim3A_318 = vector.broadcast %jit3A_317 : i32 to vector<16xi32>
    %select_n3A_319 = arith.select %eq3A_313, %add3A_316, %broadcast_in_dim3A_318 : vector<16xi1>, vector<16xi32>
    %min3A_320 = arith.minsi %min3A_312, %select_n3A_319 : vector<16xi32>
    %xor3A_321 = arith.constant 1 : i32
    %xor3A_322 = vector.broadcast %xor3A_321 : i32 to vector<16xi32>
    %xor3A_323 = arith.xori %iota3A, %xor3A_322 : vector<16xi32>
    %broadcast_in_dim3A_324 = vector.shape_cast %xor3A_323 : vector<16xi32> to vector<16x1xi32>
    %gather3A_325 = vector.shape_cast %broadcast_in_dim3A_324 : vector<16x1xi32> to vector<16xi32>
    %gather3A_326 = tpu.dynamic_gather %min3A_320[%gather3A_325] in [0] : vector<16xi32>, vector<16xi32> -> vector<16xi32>
    %min3A_327 = arith.minsi %min3A_320, %gather3A_326 : vector<16xi32>
    %xor3A_328 = arith.constant 2 : i32
    %xor3A_329 = vector.broadcast %xor3A_328 : i32 to vector<16xi32>
    %xor3A_330 = arith.xori %iota3A, %xor3A_329 : vector<16xi32>
    %broadcast_in_dim3A_331 = vector.shape_cast %xor3A_330 : vector<16xi32> to vector<16x1xi32>
    %gather3A_332 = vector.shape_cast %broadcast_in_dim3A_331 : vector<16x1xi32> to vector<16xi32>
    %gather3A_333 = tpu.dynamic_gather %min3A_327[%gather3A_332] in [0] : vector<16xi32>, vector<16xi32> -> vector<16xi32>
    %min3A_334 = arith.minsi %min3A_327, %gather3A_333 : vector<16xi32>
    %xor3A_335 = arith.constant 4 : i32
    %xor3A_336 = vector.broadcast %xor3A_335 : i32 to vector<16xi32>
    %xor3A_337 = arith.xori %iota3A, %xor3A_336 : vector<16xi32>
    %broadcast_in_dim3A_338 = vector.shape_cast %xor3A_337 : vector<16xi32> to vector<16x1xi32>
    %gather3A_339 = vector.shape_cast %broadcast_in_dim3A_338 : vector<16x1xi32> to vector<16xi32>
    %gather3A_340 = tpu.dynamic_gather %min3A_334[%gather3A_339] in [0] : vector<16xi32>, vector<16xi32> -> vector<16xi32>
    %min3A_341 = arith.minsi %min3A_334, %gather3A_340 : vector<16xi32>
    %xor3A_342 = arith.constant 8 : i32
    %xor3A_343 = vector.broadcast %xor3A_342 : i32 to vector<16xi32>
    %xor3A_344 = arith.xori %iota3A, %xor3A_343 : vector<16xi32>
    %broadcast_in_dim3A_345 = vector.shape_cast %xor3A_344 : vector<16xi32> to vector<16x1xi32>
    %gather3A_346 = vector.shape_cast %broadcast_in_dim3A_345 : vector<16x1xi32> to vector<16xi32>
    %gather3A_347 = tpu.dynamic_gather %min3A_341[%gather3A_346] in [0] : vector<16xi32>, vector<16xi32> -> vector<16xi32>
    %min3A_348 = arith.minsi %min3A_341, %gather3A_347 : vector<16xi32>
    %shift_right_logical3A_349 = arith.constant 4 : i32
    %shift_right_logical3A_350 = vector.broadcast %shift_right_logical3A_349 : i32 to vector<16xi32>
    %shift_right_logical3A_351 = arith.shrui %min3A_348, %shift_right_logical3A_350 : vector<16xi32>
    %and3A_352 = arith.constant 15 : i32
    %and3A_353 = vector.broadcast %and3A_352 : i32 to vector<16xi32>
    %and3A_354 = arith.andi %min3A_348, %and3A_353 : vector<16xi32>
    %eq3A_355 = arith.cmpi eq, %iota3A, %and3A_354 : vector<16xi32>
    %eq3A_356 = arith.constant 0 : i32
    %eq3A_357 = vector.broadcast %eq3A_356 : i32 to vector<16xi32>
    %eq3A_358 = arith.cmpi eq, %shift_right_logical3A_351, %eq3A_357 : vector<16xi32>
    %and3A_359 = arith.andi %eq3A_355, %eq3A_358 : vector<16xi1>
    %jit3A_360 = arith.constant -3.000000e+38 : f32
    %broadcast_in_dim3A_361 = vector.broadcast %jit3A_360 : f32 to vector<16xf32>
    %select_n3A_362 = arith.select %and3A_359, %broadcast_in_dim3A_361, %select_n3A_237 : vector<16xi1>, vector<16xf32>
    %eq3A_363 = arith.cmpi eq, %iota3A, %and3A_354 : vector<16xi32>
    %eq3A_364 = arith.constant 1 : i32
    %eq3A_365 = vector.broadcast %eq3A_364 : i32 to vector<16xi32>
    %eq3A_366 = arith.cmpi eq, %shift_right_logical3A_351, %eq3A_365 : vector<16xi32>
    %and3A_367 = arith.andi %eq3A_363, %eq3A_366 : vector<16xi1>
    %jit3A_368 = arith.constant -3.000000e+38 : f32
    %broadcast_in_dim3A_369 = vector.broadcast %jit3A_368 : f32 to vector<16xf32>
    %select_n3A_370 = arith.select %and3A_367, %broadcast_in_dim3A_369, %select_n3A_245 : vector<16xi1>, vector<16xf32>
    %eq3A_371 = arith.cmpi eq, %iota3A, %and3A_354 : vector<16xi32>
    %eq3A_372 = arith.constant 2 : i32
    %eq3A_373 = vector.broadcast %eq3A_372 : i32 to vector<16xi32>
    %eq3A_374 = arith.cmpi eq, %shift_right_logical3A_351, %eq3A_373 : vector<16xi32>
    %and3A_375 = arith.andi %eq3A_371, %eq3A_374 : vector<16xi1>
    %jit3A_376 = arith.constant -3.000000e+38 : f32
    %broadcast_in_dim3A_377 = vector.broadcast %jit3A_376 : f32 to vector<16xf32>
    %select_n3A_378 = arith.select %and3A_375, %broadcast_in_dim3A_377, %select_n3A_253 : vector<16xi1>, vector<16xf32>
    %eq3A_379 = arith.cmpi eq, %iota3A, %and3A_354 : vector<16xi32>
    %eq3A_380 = arith.constant 3 : i32
    %eq3A_381 = vector.broadcast %eq3A_380 : i32 to vector<16xi32>
    %eq3A_382 = arith.cmpi eq, %shift_right_logical3A_351, %eq3A_381 : vector<16xi32>
    %and3A_383 = arith.andi %eq3A_379, %eq3A_382 : vector<16xi1>
    %jit3A_384 = arith.constant -3.000000e+38 : f32
    %broadcast_in_dim3A_385 = vector.broadcast %jit3A_384 : f32 to vector<16xf32>
    %select_n3A_386 = arith.select %and3A_383, %broadcast_in_dim3A_385, %select_n3A_261 : vector<16xi1>, vector<16xf32>
    %max3A_387 = arith.maximumf %select_n3A_362, %select_n3A_370 : vector<16xf32>
    %max3A_388 = arith.maximumf %select_n3A_378, %select_n3A_386 : vector<16xf32>
    %max3A_389 = arith.maximumf %max3A_387, %max3A_388 : vector<16xf32>
    %xor3A_390 = arith.constant 1 : i32
    %xor3A_391 = vector.broadcast %xor3A_390 : i32 to vector<16xi32>
    %xor3A_392 = arith.xori %iota3A, %xor3A_391 : vector<16xi32>
    %broadcast_in_dim3A_393 = vector.shape_cast %xor3A_392 : vector<16xi32> to vector<16x1xi32>
    %gather3A_394 = vector.shape_cast %broadcast_in_dim3A_393 : vector<16x1xi32> to vector<16xi32>
    %gather3A_395 = tpu.dynamic_gather %max3A_389[%gather3A_394] in [0] : vector<16xf32>, vector<16xi32> -> vector<16xf32>
    %max3A_396 = arith.maximumf %max3A_389, %gather3A_395 : vector<16xf32>
    %xor3A_397 = arith.constant 2 : i32
    %xor3A_398 = vector.broadcast %xor3A_397 : i32 to vector<16xi32>
    %xor3A_399 = arith.xori %iota3A, %xor3A_398 : vector<16xi32>
    %broadcast_in_dim3A_400 = vector.shape_cast %xor3A_399 : vector<16xi32> to vector<16x1xi32>
    %gather3A_401 = vector.shape_cast %broadcast_in_dim3A_400 : vector<16x1xi32> to vector<16xi32>
    %gather3A_402 = tpu.dynamic_gather %max3A_396[%gather3A_401] in [0] : vector<16xf32>, vector<16xi32> -> vector<16xf32>
    %max3A_403 = arith.maximumf %max3A_396, %gather3A_402 : vector<16xf32>
    %xor3A_404 = arith.constant 4 : i32
    %xor3A_405 = vector.broadcast %xor3A_404 : i32 to vector<16xi32>
    %xor3A_406 = arith.xori %iota3A, %xor3A_405 : vector<16xi32>
    %broadcast_in_dim3A_407 = vector.shape_cast %xor3A_406 : vector<16xi32> to vector<16x1xi32>
    %gather3A_408 = vector.shape_cast %broadcast_in_dim3A_407 : vector<16x1xi32> to vector<16xi32>
    %gather3A_409 = tpu.dynamic_gather %max3A_403[%gather3A_408] in [0] : vector<16xf32>, vector<16xi32> -> vector<16xf32>
    %max3A_410 = arith.maximumf %max3A_403, %gather3A_409 : vector<16xf32>
    %xor3A_411 = arith.constant 8 : i32
    %xor3A_412 = vector.broadcast %xor3A_411 : i32 to vector<16xi32>
    %xor3A_413 = arith.xori %iota3A, %xor3A_412 : vector<16xi32>
    %broadcast_in_dim3A_414 = vector.shape_cast %xor3A_413 : vector<16xi32> to vector<16x1xi32>
    %gather3A_415 = vector.shape_cast %broadcast_in_dim3A_414 : vector<16x1xi32> to vector<16xi32>
    %gather3A_416 = tpu.dynamic_gather %max3A_410[%gather3A_415] in [0] : vector<16xf32>, vector<16xi32> -> vector<16xf32>
    %max3A_417 = arith.maximumf %max3A_410, %gather3A_416 : vector<16xf32>
    %eq3A_418 = arith.cmpf oeq, %select_n3A_362, %max3A_417 : vector<16xf32>
    %jit3A_419 = arith.constant 64 : i32
    %broadcast_in_dim3A_420 = vector.broadcast %jit3A_419 : i32 to vector<16xi32>
    %select_n3A_421 = arith.select %eq3A_418, %iota3A, %broadcast_in_dim3A_420 : vector<16xi1>, vector<16xi32>
    %eq3A_422 = arith.cmpf oeq, %select_n3A_370, %max3A_417 : vector<16xf32>
    %add3A_423 = arith.constant 16 : i32
    %add3A_424 = vector.broadcast %add3A_423 : i32 to vector<16xi32>
    %add3A_425 = arith.addi %iota3A, %add3A_424 : vector<16xi32>
    %jit3A_426 = arith.constant 64 : i32
    %broadcast_in_dim3A_427 = vector.broadcast %jit3A_426 : i32 to vector<16xi32>
    %select_n3A_428 = arith.select %eq3A_422, %add3A_425, %broadcast_in_dim3A_427 : vector<16xi1>, vector<16xi32>
    %min3A_429 = arith.minsi %select_n3A_421, %select_n3A_428 : vector<16xi32>
    %eq3A_430 = arith.cmpf oeq, %select_n3A_378, %max3A_417 : vector<16xf32>
    %add3A_431 = arith.constant 32 : i32
    %add3A_432 = vector.broadcast %add3A_431 : i32 to vector<16xi32>
    %add3A_433 = arith.addi %iota3A, %add3A_432 : vector<16xi32>
    %jit3A_434 = arith.constant 64 : i32
    %broadcast_in_dim3A_435 = vector.broadcast %jit3A_434 : i32 to vector<16xi32>
    %select_n3A_436 = arith.select %eq3A_430, %add3A_433, %broadcast_in_dim3A_435 : vector<16xi1>, vector<16xi32>
    %min3A_437 = arith.minsi %min3A_429, %select_n3A_436 : vector<16xi32>
    %eq3A_438 = arith.cmpf oeq, %select_n3A_386, %max3A_417 : vector<16xf32>
    %add3A_439 = arith.constant 48 : i32
    %add3A_440 = vector.broadcast %add3A_439 : i32 to vector<16xi32>
    %add3A_441 = arith.addi %iota3A, %add3A_440 : vector<16xi32>
    %jit3A_442 = arith.constant 64 : i32
    %broadcast_in_dim3A_443 = vector.broadcast %jit3A_442 : i32 to vector<16xi32>
    %select_n3A_444 = arith.select %eq3A_438, %add3A_441, %broadcast_in_dim3A_443 : vector<16xi1>, vector<16xi32>
    %min3A_445 = arith.minsi %min3A_437, %select_n3A_444 : vector<16xi32>
    %xor3A_446 = arith.constant 1 : i32
    %xor3A_447 = vector.broadcast %xor3A_446 : i32 to vector<16xi32>
    %xor3A_448 = arith.xori %iota3A, %xor3A_447 : vector<16xi32>
    %broadcast_in_dim3A_449 = vector.shape_cast %xor3A_448 : vector<16xi32> to vector<16x1xi32>
    %gather3A_450 = vector.shape_cast %broadcast_in_dim3A_449 : vector<16x1xi32> to vector<16xi32>
    %gather3A_451 = tpu.dynamic_gather %min3A_445[%gather3A_450] in [0] : vector<16xi32>, vector<16xi32> -> vector<16xi32>
    %min3A_452 = arith.minsi %min3A_445, %gather3A_451 : vector<16xi32>
    %xor3A_453 = arith.constant 2 : i32
    %xor3A_454 = vector.broadcast %xor3A_453 : i32 to vector<16xi32>
    %xor3A_455 = arith.xori %iota3A, %xor3A_454 : vector<16xi32>
    %broadcast_in_dim3A_456 = vector.shape_cast %xor3A_455 : vector<16xi32> to vector<16x1xi32>
    %gather3A_457 = vector.shape_cast %broadcast_in_dim3A_456 : vector<16x1xi32> to vector<16xi32>
    %gather3A_458 = tpu.dynamic_gather %min3A_452[%gather3A_457] in [0] : vector<16xi32>, vector<16xi32> -> vector<16xi32>
    %min3A_459 = arith.minsi %min3A_452, %gather3A_458 : vector<16xi32>
    %xor3A_460 = arith.constant 4 : i32
    %xor3A_461 = vector.broadcast %xor3A_460 : i32 to vector<16xi32>
    %xor3A_462 = arith.xori %iota3A, %xor3A_461 : vector<16xi32>
    %broadcast_in_dim3A_463 = vector.shape_cast %xor3A_462 : vector<16xi32> to vector<16x1xi32>
    %gather3A_464 = vector.shape_cast %broadcast_in_dim3A_463 : vector<16x1xi32> to vector<16xi32>
    %gather3A_465 = tpu.dynamic_gather %min3A_459[%gather3A_464] in [0] : vector<16xi32>, vector<16xi32> -> vector<16xi32>
    %min3A_466 = arith.minsi %min3A_459, %gather3A_465 : vector<16xi32>
    %xor3A_467 = arith.constant 8 : i32
    %xor3A_468 = vector.broadcast %xor3A_467 : i32 to vector<16xi32>
    %xor3A_469 = arith.xori %iota3A, %xor3A_468 : vector<16xi32>
    %broadcast_in_dim3A_470 = vector.shape_cast %xor3A_469 : vector<16xi32> to vector<16x1xi32>
    %gather3A_471 = vector.shape_cast %broadcast_in_dim3A_470 : vector<16x1xi32> to vector<16xi32>
    %gather3A_472 = tpu.dynamic_gather %min3A_466[%gather3A_471] in [0] : vector<16xi32>, vector<16xi32> -> vector<16xi32>
    %min3A_473 = arith.minsi %min3A_466, %gather3A_472 : vector<16xi32>
    %shift_right_logical3A_474 = arith.constant 4 : i32
    %shift_right_logical3A_475 = vector.broadcast %shift_right_logical3A_474 : i32 to vector<16xi32>
    %shift_right_logical3A_476 = arith.shrui %min3A_473, %shift_right_logical3A_475 : vector<16xi32>
    %and3A_477 = arith.constant 15 : i32
    %and3A_478 = vector.broadcast %and3A_477 : i32 to vector<16xi32>
    %and3A_479 = arith.andi %min3A_473, %and3A_478 : vector<16xi32>
    %eq3A_480 = arith.cmpi eq, %iota3A, %and3A_479 : vector<16xi32>
    %eq3A_481 = arith.constant 0 : i32
    %eq3A_482 = vector.broadcast %eq3A_481 : i32 to vector<16xi32>
    %eq3A_483 = arith.cmpi eq, %shift_right_logical3A_476, %eq3A_482 : vector<16xi32>
    %and3A_484 = arith.andi %eq3A_480, %eq3A_483 : vector<16xi1>
    %jit3A_485 = arith.constant -3.000000e+38 : f32
    %broadcast_in_dim3A_486 = vector.broadcast %jit3A_485 : f32 to vector<16xf32>
    %select_n3A_487 = arith.select %and3A_484, %broadcast_in_dim3A_486, %select_n3A_362 : vector<16xi1>, vector<16xf32>
    %eq3A_488 = arith.cmpi eq, %iota3A, %and3A_479 : vector<16xi32>
    %eq3A_489 = arith.constant 1 : i32
    %eq3A_490 = vector.broadcast %eq3A_489 : i32 to vector<16xi32>
    %eq3A_491 = arith.cmpi eq, %shift_right_logical3A_476, %eq3A_490 : vector<16xi32>
    %and3A_492 = arith.andi %eq3A_488, %eq3A_491 : vector<16xi1>
    %jit3A_493 = arith.constant -3.000000e+38 : f32
    %broadcast_in_dim3A_494 = vector.broadcast %jit3A_493 : f32 to vector<16xf32>
    %select_n3A_495 = arith.select %and3A_492, %broadcast_in_dim3A_494, %select_n3A_370 : vector<16xi1>, vector<16xf32>
    %eq3A_496 = arith.cmpi eq, %iota3A, %and3A_479 : vector<16xi32>
    %eq3A_497 = arith.constant 2 : i32
    %eq3A_498 = vector.broadcast %eq3A_497 : i32 to vector<16xi32>
    %eq3A_499 = arith.cmpi eq, %shift_right_logical3A_476, %eq3A_498 : vector<16xi32>
    %and3A_500 = arith.andi %eq3A_496, %eq3A_499 : vector<16xi1>
    %jit3A_501 = arith.constant -3.000000e+38 : f32
    %broadcast_in_dim3A_502 = vector.broadcast %jit3A_501 : f32 to vector<16xf32>
    %select_n3A_503 = arith.select %and3A_500, %broadcast_in_dim3A_502, %select_n3A_378 : vector<16xi1>, vector<16xf32>
    %eq3A_504 = arith.cmpi eq, %iota3A, %and3A_479 : vector<16xi32>
    %eq3A_505 = arith.constant 3 : i32
    %eq3A_506 = vector.broadcast %eq3A_505 : i32 to vector<16xi32>
    %eq3A_507 = arith.cmpi eq, %shift_right_logical3A_476, %eq3A_506 : vector<16xi32>
    %and3A_508 = arith.andi %eq3A_504, %eq3A_507 : vector<16xi1>
    %jit3A_509 = arith.constant -3.000000e+38 : f32
    %broadcast_in_dim3A_510 = vector.broadcast %jit3A_509 : f32 to vector<16xf32>
    %select_n3A_511 = arith.select %and3A_508, %broadcast_in_dim3A_510, %select_n3A_386 : vector<16xi1>, vector<16xf32>
    %max3A_512 = arith.maximumf %select_n3A_487, %select_n3A_495 : vector<16xf32>
    %max3A_513 = arith.maximumf %select_n3A_503, %select_n3A_511 : vector<16xf32>
    %max3A_514 = arith.maximumf %max3A_512, %max3A_513 : vector<16xf32>
    %xor3A_515 = arith.constant 1 : i32
    %xor3A_516 = vector.broadcast %xor3A_515 : i32 to vector<16xi32>
    %xor3A_517 = arith.xori %iota3A, %xor3A_516 : vector<16xi32>
    %broadcast_in_dim3A_518 = vector.shape_cast %xor3A_517 : vector<16xi32> to vector<16x1xi32>
    %gather3A_519 = vector.shape_cast %broadcast_in_dim3A_518 : vector<16x1xi32> to vector<16xi32>
    %gather3A_520 = tpu.dynamic_gather %max3A_514[%gather3A_519] in [0] : vector<16xf32>, vector<16xi32> -> vector<16xf32>
    %max3A_521 = arith.maximumf %max3A_514, %gather3A_520 : vector<16xf32>
    %xor3A_522 = arith.constant 2 : i32
    %xor3A_523 = vector.broadcast %xor3A_522 : i32 to vector<16xi32>
    %xor3A_524 = arith.xori %iota3A, %xor3A_523 : vector<16xi32>
    %broadcast_in_dim3A_525 = vector.shape_cast %xor3A_524 : vector<16xi32> to vector<16x1xi32>
    %gather3A_526 = vector.shape_cast %broadcast_in_dim3A_525 : vector<16x1xi32> to vector<16xi32>
    %gather3A_527 = tpu.dynamic_gather %max3A_521[%gather3A_526] in [0] : vector<16xf32>, vector<16xi32> -> vector<16xf32>
    %max3A_528 = arith.maximumf %max3A_521, %gather3A_527 : vector<16xf32>
    %xor3A_529 = arith.constant 4 : i32
    %xor3A_530 = vector.broadcast %xor3A_529 : i32 to vector<16xi32>
    %xor3A_531 = arith.xori %iota3A, %xor3A_530 : vector<16xi32>
    %broadcast_in_dim3A_532 = vector.shape_cast %xor3A_531 : vector<16xi32> to vector<16x1xi32>
    %gather3A_533 = vector.shape_cast %broadcast_in_dim3A_532 : vector<16x1xi32> to vector<16xi32>
    %gather3A_534 = tpu.dynamic_gather %max3A_528[%gather3A_533] in [0] : vector<16xf32>, vector<16xi32> -> vector<16xf32>
    %max3A_535 = arith.maximumf %max3A_528, %gather3A_534 : vector<16xf32>
    %xor3A_536 = arith.constant 8 : i32
    %xor3A_537 = vector.broadcast %xor3A_536 : i32 to vector<16xi32>
    %xor3A_538 = arith.xori %iota3A, %xor3A_537 : vector<16xi32>
    %broadcast_in_dim3A_539 = vector.shape_cast %xor3A_538 : vector<16xi32> to vector<16x1xi32>
    %gather3A_540 = vector.shape_cast %broadcast_in_dim3A_539 : vector<16x1xi32> to vector<16xi32>
    %gather3A_541 = tpu.dynamic_gather %max3A_535[%gather3A_540] in [0] : vector<16xf32>, vector<16xi32> -> vector<16xf32>
    %max3A_542 = arith.maximumf %max3A_535, %gather3A_541 : vector<16xf32>
    %eq3A_543 = arith.cmpf oeq, %select_n3A_487, %max3A_542 : vector<16xf32>
    %jit3A_544 = arith.constant 64 : i32
    %broadcast_in_dim3A_545 = vector.broadcast %jit3A_544 : i32 to vector<16xi32>
    %select_n3A_546 = arith.select %eq3A_543, %iota3A, %broadcast_in_dim3A_545 : vector<16xi1>, vector<16xi32>
    %eq3A_547 = arith.cmpf oeq, %select_n3A_495, %max3A_542 : vector<16xf32>
    %add3A_548 = arith.constant 16 : i32
    %add3A_549 = vector.broadcast %add3A_548 : i32 to vector<16xi32>
    %add3A_550 = arith.addi %iota3A, %add3A_549 : vector<16xi32>
    %jit3A_551 = arith.constant 64 : i32
    %broadcast_in_dim3A_552 = vector.broadcast %jit3A_551 : i32 to vector<16xi32>
    %select_n3A_553 = arith.select %eq3A_547, %add3A_550, %broadcast_in_dim3A_552 : vector<16xi1>, vector<16xi32>
    %min3A_554 = arith.minsi %select_n3A_546, %select_n3A_553 : vector<16xi32>
    %eq3A_555 = arith.cmpf oeq, %select_n3A_503, %max3A_542 : vector<16xf32>
    %add3A_556 = arith.constant 32 : i32
    %add3A_557 = vector.broadcast %add3A_556 : i32 to vector<16xi32>
    %add3A_558 = arith.addi %iota3A, %add3A_557 : vector<16xi32>
    %jit3A_559 = arith.constant 64 : i32
    %broadcast_in_dim3A_560 = vector.broadcast %jit3A_559 : i32 to vector<16xi32>
    %select_n3A_561 = arith.select %eq3A_555, %add3A_558, %broadcast_in_dim3A_560 : vector<16xi1>, vector<16xi32>
    %min3A_562 = arith.minsi %min3A_554, %select_n3A_561 : vector<16xi32>
    %eq3A_563 = arith.cmpf oeq, %select_n3A_511, %max3A_542 : vector<16xf32>
    %add3A_564 = arith.constant 48 : i32
    %add3A_565 = vector.broadcast %add3A_564 : i32 to vector<16xi32>
    %add3A_566 = arith.addi %iota3A, %add3A_565 : vector<16xi32>
    %jit3A_567 = arith.constant 64 : i32
    %broadcast_in_dim3A_568 = vector.broadcast %jit3A_567 : i32 to vector<16xi32>
    %select_n3A_569 = arith.select %eq3A_563, %add3A_566, %broadcast_in_dim3A_568 : vector<16xi1>, vector<16xi32>
    %min3A_570 = arith.minsi %min3A_562, %select_n3A_569 : vector<16xi32>
    %xor3A_571 = arith.constant 1 : i32
    %xor3A_572 = vector.broadcast %xor3A_571 : i32 to vector<16xi32>
    %xor3A_573 = arith.xori %iota3A, %xor3A_572 : vector<16xi32>
    %broadcast_in_dim3A_574 = vector.shape_cast %xor3A_573 : vector<16xi32> to vector<16x1xi32>
    %gather3A_575 = vector.shape_cast %broadcast_in_dim3A_574 : vector<16x1xi32> to vector<16xi32>
    %gather3A_576 = tpu.dynamic_gather %min3A_570[%gather3A_575] in [0] : vector<16xi32>, vector<16xi32> -> vector<16xi32>
    %min3A_577 = arith.minsi %min3A_570, %gather3A_576 : vector<16xi32>
    %xor3A_578 = arith.constant 2 : i32
    %xor3A_579 = vector.broadcast %xor3A_578 : i32 to vector<16xi32>
    %xor3A_580 = arith.xori %iota3A, %xor3A_579 : vector<16xi32>
    %broadcast_in_dim3A_581 = vector.shape_cast %xor3A_580 : vector<16xi32> to vector<16x1xi32>
    %gather3A_582 = vector.shape_cast %broadcast_in_dim3A_581 : vector<16x1xi32> to vector<16xi32>
    %gather3A_583 = tpu.dynamic_gather %min3A_577[%gather3A_582] in [0] : vector<16xi32>, vector<16xi32> -> vector<16xi32>
    %min3A_584 = arith.minsi %min3A_577, %gather3A_583 : vector<16xi32>
    %xor3A_585 = arith.constant 4 : i32
    %xor3A_586 = vector.broadcast %xor3A_585 : i32 to vector<16xi32>
    %xor3A_587 = arith.xori %iota3A, %xor3A_586 : vector<16xi32>
    %broadcast_in_dim3A_588 = vector.shape_cast %xor3A_587 : vector<16xi32> to vector<16x1xi32>
    %gather3A_589 = vector.shape_cast %broadcast_in_dim3A_588 : vector<16x1xi32> to vector<16xi32>
    %gather3A_590 = tpu.dynamic_gather %min3A_584[%gather3A_589] in [0] : vector<16xi32>, vector<16xi32> -> vector<16xi32>
    %min3A_591 = arith.minsi %min3A_584, %gather3A_590 : vector<16xi32>
    %xor3A_592 = arith.constant 8 : i32
    %xor3A_593 = vector.broadcast %xor3A_592 : i32 to vector<16xi32>
    %xor3A_594 = arith.xori %iota3A, %xor3A_593 : vector<16xi32>
    %broadcast_in_dim3A_595 = vector.shape_cast %xor3A_594 : vector<16xi32> to vector<16x1xi32>
    %gather3A_596 = vector.shape_cast %broadcast_in_dim3A_595 : vector<16x1xi32> to vector<16xi32>
    %gather3A_597 = tpu.dynamic_gather %min3A_591[%gather3A_596] in [0] : vector<16xi32>, vector<16xi32> -> vector<16xi32>
    %min3A_598 = arith.minsi %min3A_591, %gather3A_597 : vector<16xi32>
    %shift_right_logical3A_599 = arith.constant 4 : i32
    %shift_right_logical3A_600 = vector.broadcast %shift_right_logical3A_599 : i32 to vector<16xi32>
    %shift_right_logical3A_601 = arith.shrui %min3A_598, %shift_right_logical3A_600 : vector<16xi32>
    %and3A_602 = arith.constant 15 : i32
    %and3A_603 = vector.broadcast %and3A_602 : i32 to vector<16xi32>
    %and3A_604 = arith.andi %min3A_598, %and3A_603 : vector<16xi32>
    %eq3A_605 = arith.cmpi eq, %iota3A, %and3A_604 : vector<16xi32>
    %eq3A_606 = arith.constant 0 : i32
    %eq3A_607 = vector.broadcast %eq3A_606 : i32 to vector<16xi32>
    %eq3A_608 = arith.cmpi eq, %shift_right_logical3A_601, %eq3A_607 : vector<16xi32>
    %and3A_609 = arith.andi %eq3A_605, %eq3A_608 : vector<16xi1>
    %jit3A_610 = arith.constant -3.000000e+38 : f32
    %broadcast_in_dim3A_611 = vector.broadcast %jit3A_610 : f32 to vector<16xf32>
    %select_n3A_612 = arith.select %and3A_609, %broadcast_in_dim3A_611, %select_n3A_487 : vector<16xi1>, vector<16xf32>
    %eq3A_613 = arith.cmpi eq, %iota3A, %and3A_604 : vector<16xi32>
    %eq3A_614 = arith.constant 1 : i32
    %eq3A_615 = vector.broadcast %eq3A_614 : i32 to vector<16xi32>
    %eq3A_616 = arith.cmpi eq, %shift_right_logical3A_601, %eq3A_615 : vector<16xi32>
    %and3A_617 = arith.andi %eq3A_613, %eq3A_616 : vector<16xi1>
    %jit3A_618 = arith.constant -3.000000e+38 : f32
    %broadcast_in_dim3A_619 = vector.broadcast %jit3A_618 : f32 to vector<16xf32>
    %select_n3A_620 = arith.select %and3A_617, %broadcast_in_dim3A_619, %select_n3A_495 : vector<16xi1>, vector<16xf32>
    %eq3A_621 = arith.cmpi eq, %iota3A, %and3A_604 : vector<16xi32>
    %eq3A_622 = arith.constant 2 : i32
    %eq3A_623 = vector.broadcast %eq3A_622 : i32 to vector<16xi32>
    %eq3A_624 = arith.cmpi eq, %shift_right_logical3A_601, %eq3A_623 : vector<16xi32>
    %and3A_625 = arith.andi %eq3A_621, %eq3A_624 : vector<16xi1>
    %jit3A_626 = arith.constant -3.000000e+38 : f32
    %broadcast_in_dim3A_627 = vector.broadcast %jit3A_626 : f32 to vector<16xf32>
    %select_n3A_628 = arith.select %and3A_625, %broadcast_in_dim3A_627, %select_n3A_503 : vector<16xi1>, vector<16xf32>
    %eq3A_629 = arith.cmpi eq, %iota3A, %and3A_604 : vector<16xi32>
    %eq3A_630 = arith.constant 3 : i32
    %eq3A_631 = vector.broadcast %eq3A_630 : i32 to vector<16xi32>
    %eq3A_632 = arith.cmpi eq, %shift_right_logical3A_601, %eq3A_631 : vector<16xi32>
    %and3A_633 = arith.andi %eq3A_629, %eq3A_632 : vector<16xi1>
    %jit3A_634 = arith.constant -3.000000e+38 : f32
    %broadcast_in_dim3A_635 = vector.broadcast %jit3A_634 : f32 to vector<16xf32>
    %select_n3A_636 = arith.select %and3A_633, %broadcast_in_dim3A_635, %select_n3A_511 : vector<16xi1>, vector<16xf32>
    %max3A_637 = arith.maximumf %select_n3A_612, %select_n3A_620 : vector<16xf32>
    %max3A_638 = arith.maximumf %select_n3A_628, %select_n3A_636 : vector<16xf32>
    %max3A_639 = arith.maximumf %max3A_637, %max3A_638 : vector<16xf32>
    %xor3A_640 = arith.constant 1 : i32
    %xor3A_641 = vector.broadcast %xor3A_640 : i32 to vector<16xi32>
    %xor3A_642 = arith.xori %iota3A, %xor3A_641 : vector<16xi32>
    %broadcast_in_dim3A_643 = vector.shape_cast %xor3A_642 : vector<16xi32> to vector<16x1xi32>
    %gather3A_644 = vector.shape_cast %broadcast_in_dim3A_643 : vector<16x1xi32> to vector<16xi32>
    %gather3A_645 = tpu.dynamic_gather %max3A_639[%gather3A_644] in [0] : vector<16xf32>, vector<16xi32> -> vector<16xf32>
    %max3A_646 = arith.maximumf %max3A_639, %gather3A_645 : vector<16xf32>
    %xor3A_647 = arith.constant 2 : i32
    %xor3A_648 = vector.broadcast %xor3A_647 : i32 to vector<16xi32>
    %xor3A_649 = arith.xori %iota3A, %xor3A_648 : vector<16xi32>
    %broadcast_in_dim3A_650 = vector.shape_cast %xor3A_649 : vector<16xi32> to vector<16x1xi32>
    %gather3A_651 = vector.shape_cast %broadcast_in_dim3A_650 : vector<16x1xi32> to vector<16xi32>
    %gather3A_652 = tpu.dynamic_gather %max3A_646[%gather3A_651] in [0] : vector<16xf32>, vector<16xi32> -> vector<16xf32>
    %max3A_653 = arith.maximumf %max3A_646, %gather3A_652 : vector<16xf32>
    %xor3A_654 = arith.constant 4 : i32
    %xor3A_655 = vector.broadcast %xor3A_654 : i32 to vector<16xi32>
    %xor3A_656 = arith.xori %iota3A, %xor3A_655 : vector<16xi32>
    %broadcast_in_dim3A_657 = vector.shape_cast %xor3A_656 : vector<16xi32> to vector<16x1xi32>
    %gather3A_658 = vector.shape_cast %broadcast_in_dim3A_657 : vector<16x1xi32> to vector<16xi32>
    %gather3A_659 = tpu.dynamic_gather %max3A_653[%gather3A_658] in [0] : vector<16xf32>, vector<16xi32> -> vector<16xf32>
    %max3A_660 = arith.maximumf %max3A_653, %gather3A_659 : vector<16xf32>
    %xor3A_661 = arith.constant 8 : i32
    %xor3A_662 = vector.broadcast %xor3A_661 : i32 to vector<16xi32>
    %xor3A_663 = arith.xori %iota3A, %xor3A_662 : vector<16xi32>
    %broadcast_in_dim3A_664 = vector.shape_cast %xor3A_663 : vector<16xi32> to vector<16x1xi32>
    %gather3A_665 = vector.shape_cast %broadcast_in_dim3A_664 : vector<16x1xi32> to vector<16xi32>
    %gather3A_666 = tpu.dynamic_gather %max3A_660[%gather3A_665] in [0] : vector<16xf32>, vector<16xi32> -> vector<16xf32>
    %max3A_667 = arith.maximumf %max3A_660, %gather3A_666 : vector<16xf32>
    %eq3A_668 = arith.cmpf oeq, %select_n3A_612, %max3A_667 : vector<16xf32>
    %jit3A_669 = arith.constant 64 : i32
    %broadcast_in_dim3A_670 = vector.broadcast %jit3A_669 : i32 to vector<16xi32>
    %select_n3A_671 = arith.select %eq3A_668, %iota3A, %broadcast_in_dim3A_670 : vector<16xi1>, vector<16xi32>
    %eq3A_672 = arith.cmpf oeq, %select_n3A_620, %max3A_667 : vector<16xf32>
    %add3A_673 = arith.constant 16 : i32
    %add3A_674 = vector.broadcast %add3A_673 : i32 to vector<16xi32>
    %add3A_675 = arith.addi %iota3A, %add3A_674 : vector<16xi32>
    %jit3A_676 = arith.constant 64 : i32
    %broadcast_in_dim3A_677 = vector.broadcast %jit3A_676 : i32 to vector<16xi32>
    %select_n3A_678 = arith.select %eq3A_672, %add3A_675, %broadcast_in_dim3A_677 : vector<16xi1>, vector<16xi32>
    %min3A_679 = arith.minsi %select_n3A_671, %select_n3A_678 : vector<16xi32>
    %eq3A_680 = arith.cmpf oeq, %select_n3A_628, %max3A_667 : vector<16xf32>
    %add3A_681 = arith.constant 32 : i32
    %add3A_682 = vector.broadcast %add3A_681 : i32 to vector<16xi32>
    %add3A_683 = arith.addi %iota3A, %add3A_682 : vector<16xi32>
    %jit3A_684 = arith.constant 64 : i32
    %broadcast_in_dim3A_685 = vector.broadcast %jit3A_684 : i32 to vector<16xi32>
    %select_n3A_686 = arith.select %eq3A_680, %add3A_683, %broadcast_in_dim3A_685 : vector<16xi1>, vector<16xi32>
    %min3A_687 = arith.minsi %min3A_679, %select_n3A_686 : vector<16xi32>
    %eq3A_688 = arith.cmpf oeq, %select_n3A_636, %max3A_667 : vector<16xf32>
    %add3A_689 = arith.constant 48 : i32
    %add3A_690 = vector.broadcast %add3A_689 : i32 to vector<16xi32>
    %add3A_691 = arith.addi %iota3A, %add3A_690 : vector<16xi32>
    %jit3A_692 = arith.constant 64 : i32
    %broadcast_in_dim3A_693 = vector.broadcast %jit3A_692 : i32 to vector<16xi32>
    %select_n3A_694 = arith.select %eq3A_688, %add3A_691, %broadcast_in_dim3A_693 : vector<16xi1>, vector<16xi32>
    %min3A_695 = arith.minsi %min3A_687, %select_n3A_694 : vector<16xi32>
    %xor3A_696 = arith.constant 1 : i32
    %xor3A_697 = vector.broadcast %xor3A_696 : i32 to vector<16xi32>
    %xor3A_698 = arith.xori %iota3A, %xor3A_697 : vector<16xi32>
    %broadcast_in_dim3A_699 = vector.shape_cast %xor3A_698 : vector<16xi32> to vector<16x1xi32>
    %gather3A_700 = vector.shape_cast %broadcast_in_dim3A_699 : vector<16x1xi32> to vector<16xi32>
    %gather3A_701 = tpu.dynamic_gather %min3A_695[%gather3A_700] in [0] : vector<16xi32>, vector<16xi32> -> vector<16xi32>
    %min3A_702 = arith.minsi %min3A_695, %gather3A_701 : vector<16xi32>
    %xor3A_703 = arith.constant 2 : i32
    %xor3A_704 = vector.broadcast %xor3A_703 : i32 to vector<16xi32>
    %xor3A_705 = arith.xori %iota3A, %xor3A_704 : vector<16xi32>
    %broadcast_in_dim3A_706 = vector.shape_cast %xor3A_705 : vector<16xi32> to vector<16x1xi32>
    %gather3A_707 = vector.shape_cast %broadcast_in_dim3A_706 : vector<16x1xi32> to vector<16xi32>
    %gather3A_708 = tpu.dynamic_gather %min3A_702[%gather3A_707] in [0] : vector<16xi32>, vector<16xi32> -> vector<16xi32>
    %min3A_709 = arith.minsi %min3A_702, %gather3A_708 : vector<16xi32>
    %xor3A_710 = arith.constant 4 : i32
    %xor3A_711 = vector.broadcast %xor3A_710 : i32 to vector<16xi32>
    %xor3A_712 = arith.xori %iota3A, %xor3A_711 : vector<16xi32>
    %broadcast_in_dim3A_713 = vector.shape_cast %xor3A_712 : vector<16xi32> to vector<16x1xi32>
    %gather3A_714 = vector.shape_cast %broadcast_in_dim3A_713 : vector<16x1xi32> to vector<16xi32>
    %gather3A_715 = tpu.dynamic_gather %min3A_709[%gather3A_714] in [0] : vector<16xi32>, vector<16xi32> -> vector<16xi32>
    %min3A_716 = arith.minsi %min3A_709, %gather3A_715 : vector<16xi32>
    %xor3A_717 = arith.constant 8 : i32
    %xor3A_718 = vector.broadcast %xor3A_717 : i32 to vector<16xi32>
    %xor3A_719 = arith.xori %iota3A, %xor3A_718 : vector<16xi32>
    %broadcast_in_dim3A_720 = vector.shape_cast %xor3A_719 : vector<16xi32> to vector<16x1xi32>
    %gather3A_721 = vector.shape_cast %broadcast_in_dim3A_720 : vector<16x1xi32> to vector<16xi32>
    %gather3A_722 = tpu.dynamic_gather %min3A_716[%gather3A_721] in [0] : vector<16xi32>, vector<16xi32> -> vector<16xi32>
    %min3A_723 = arith.minsi %min3A_716, %gather3A_722 : vector<16xi32>
    %shift_right_logical3A_724 = arith.constant 4 : i32
    %shift_right_logical3A_725 = vector.broadcast %shift_right_logical3A_724 : i32 to vector<16xi32>
    %shift_right_logical3A_726 = arith.shrui %min3A_723, %shift_right_logical3A_725 : vector<16xi32>
    %and3A_727 = arith.constant 15 : i32
    %and3A_728 = vector.broadcast %and3A_727 : i32 to vector<16xi32>
    %and3A_729 = arith.andi %min3A_723, %and3A_728 : vector<16xi32>
    %eq3A_730 = arith.cmpi eq, %iota3A, %and3A_729 : vector<16xi32>
    %eq3A_731 = arith.constant 0 : i32
    %eq3A_732 = vector.broadcast %eq3A_731 : i32 to vector<16xi32>
    %eq3A_733 = arith.cmpi eq, %shift_right_logical3A_726, %eq3A_732 : vector<16xi32>
    %and3A_734 = arith.andi %eq3A_730, %eq3A_733 : vector<16xi1>
    %jit3A_735 = arith.constant -3.000000e+38 : f32
    %broadcast_in_dim3A_736 = vector.broadcast %jit3A_735 : f32 to vector<16xf32>
    %select_n3A_737 = arith.select %and3A_734, %broadcast_in_dim3A_736, %select_n3A_612 : vector<16xi1>, vector<16xf32>
    %eq3A_738 = arith.cmpi eq, %iota3A, %and3A_729 : vector<16xi32>
    %eq3A_739 = arith.constant 1 : i32
    %eq3A_740 = vector.broadcast %eq3A_739 : i32 to vector<16xi32>
    %eq3A_741 = arith.cmpi eq, %shift_right_logical3A_726, %eq3A_740 : vector<16xi32>
    %and3A_742 = arith.andi %eq3A_738, %eq3A_741 : vector<16xi1>
    %jit3A_743 = arith.constant -3.000000e+38 : f32
    %broadcast_in_dim3A_744 = vector.broadcast %jit3A_743 : f32 to vector<16xf32>
    %select_n3A_745 = arith.select %and3A_742, %broadcast_in_dim3A_744, %select_n3A_620 : vector<16xi1>, vector<16xf32>
    %eq3A_746 = arith.cmpi eq, %iota3A, %and3A_729 : vector<16xi32>
    %eq3A_747 = arith.constant 2 : i32
    %eq3A_748 = vector.broadcast %eq3A_747 : i32 to vector<16xi32>
    %eq3A_749 = arith.cmpi eq, %shift_right_logical3A_726, %eq3A_748 : vector<16xi32>
    %and3A_750 = arith.andi %eq3A_746, %eq3A_749 : vector<16xi1>
    %jit3A_751 = arith.constant -3.000000e+38 : f32
    %broadcast_in_dim3A_752 = vector.broadcast %jit3A_751 : f32 to vector<16xf32>
    %select_n3A_753 = arith.select %and3A_750, %broadcast_in_dim3A_752, %select_n3A_628 : vector<16xi1>, vector<16xf32>
    %eq3A_754 = arith.cmpi eq, %iota3A, %and3A_729 : vector<16xi32>
    %eq3A_755 = arith.constant 3 : i32
    %eq3A_756 = vector.broadcast %eq3A_755 : i32 to vector<16xi32>
    %eq3A_757 = arith.cmpi eq, %shift_right_logical3A_726, %eq3A_756 : vector<16xi32>
    %and3A_758 = arith.andi %eq3A_754, %eq3A_757 : vector<16xi1>
    %jit3A_759 = arith.constant -3.000000e+38 : f32
    %broadcast_in_dim3A_760 = vector.broadcast %jit3A_759 : f32 to vector<16xf32>
    %select_n3A_761 = arith.select %and3A_758, %broadcast_in_dim3A_760, %select_n3A_636 : vector<16xi1>, vector<16xf32>
    %max3A_762 = arith.maximumf %select_n3A_737, %select_n3A_745 : vector<16xf32>
    %max3A_763 = arith.maximumf %select_n3A_753, %select_n3A_761 : vector<16xf32>
    %max3A_764 = arith.maximumf %max3A_762, %max3A_763 : vector<16xf32>
    %xor3A_765 = arith.constant 1 : i32
    %xor3A_766 = vector.broadcast %xor3A_765 : i32 to vector<16xi32>
    %xor3A_767 = arith.xori %iota3A, %xor3A_766 : vector<16xi32>
    %broadcast_in_dim3A_768 = vector.shape_cast %xor3A_767 : vector<16xi32> to vector<16x1xi32>
    %gather3A_769 = vector.shape_cast %broadcast_in_dim3A_768 : vector<16x1xi32> to vector<16xi32>
    %gather3A_770 = tpu.dynamic_gather %max3A_764[%gather3A_769] in [0] : vector<16xf32>, vector<16xi32> -> vector<16xf32>
    %max3A_771 = arith.maximumf %max3A_764, %gather3A_770 : vector<16xf32>
    %xor3A_772 = arith.constant 2 : i32
    %xor3A_773 = vector.broadcast %xor3A_772 : i32 to vector<16xi32>
    %xor3A_774 = arith.xori %iota3A, %xor3A_773 : vector<16xi32>
    %broadcast_in_dim3A_775 = vector.shape_cast %xor3A_774 : vector<16xi32> to vector<16x1xi32>
    %gather3A_776 = vector.shape_cast %broadcast_in_dim3A_775 : vector<16x1xi32> to vector<16xi32>
    %gather3A_777 = tpu.dynamic_gather %max3A_771[%gather3A_776] in [0] : vector<16xf32>, vector<16xi32> -> vector<16xf32>
    %max3A_778 = arith.maximumf %max3A_771, %gather3A_777 : vector<16xf32>
    %xor3A_779 = arith.constant 4 : i32
    %xor3A_780 = vector.broadcast %xor3A_779 : i32 to vector<16xi32>
    %xor3A_781 = arith.xori %iota3A, %xor3A_780 : vector<16xi32>
    %broadcast_in_dim3A_782 = vector.shape_cast %xor3A_781 : vector<16xi32> to vector<16x1xi32>
    %gather3A_783 = vector.shape_cast %broadcast_in_dim3A_782 : vector<16x1xi32> to vector<16xi32>
    %gather3A_784 = tpu.dynamic_gather %max3A_778[%gather3A_783] in [0] : vector<16xf32>, vector<16xi32> -> vector<16xf32>
    %max3A_785 = arith.maximumf %max3A_778, %gather3A_784 : vector<16xf32>
    %xor3A_786 = arith.constant 8 : i32
    %xor3A_787 = vector.broadcast %xor3A_786 : i32 to vector<16xi32>
    %xor3A_788 = arith.xori %iota3A, %xor3A_787 : vector<16xi32>
    %broadcast_in_dim3A_789 = vector.shape_cast %xor3A_788 : vector<16xi32> to vector<16x1xi32>
    %gather3A_790 = vector.shape_cast %broadcast_in_dim3A_789 : vector<16x1xi32> to vector<16xi32>
    %gather3A_791 = tpu.dynamic_gather %max3A_785[%gather3A_790] in [0] : vector<16xf32>, vector<16xi32> -> vector<16xf32>
    %max3A_792 = arith.maximumf %max3A_785, %gather3A_791 : vector<16xf32>
    %eq3A_793 = arith.cmpf oeq, %select_n3A_737, %max3A_792 : vector<16xf32>
    %jit3A_794 = arith.constant 64 : i32
    %broadcast_in_dim3A_795 = vector.broadcast %jit3A_794 : i32 to vector<16xi32>
    %select_n3A_796 = arith.select %eq3A_793, %iota3A, %broadcast_in_dim3A_795 : vector<16xi1>, vector<16xi32>
    %eq3A_797 = arith.cmpf oeq, %select_n3A_745, %max3A_792 : vector<16xf32>
    %add3A_798 = arith.constant 16 : i32
    %add3A_799 = vector.broadcast %add3A_798 : i32 to vector<16xi32>
    %add3A_800 = arith.addi %iota3A, %add3A_799 : vector<16xi32>
    %jit3A_801 = arith.constant 64 : i32
    %broadcast_in_dim3A_802 = vector.broadcast %jit3A_801 : i32 to vector<16xi32>
    %select_n3A_803 = arith.select %eq3A_797, %add3A_800, %broadcast_in_dim3A_802 : vector<16xi1>, vector<16xi32>
    %min3A_804 = arith.minsi %select_n3A_796, %select_n3A_803 : vector<16xi32>
    %eq3A_805 = arith.cmpf oeq, %select_n3A_753, %max3A_792 : vector<16xf32>
    %add3A_806 = arith.constant 32 : i32
    %add3A_807 = vector.broadcast %add3A_806 : i32 to vector<16xi32>
    %add3A_808 = arith.addi %iota3A, %add3A_807 : vector<16xi32>
    %jit3A_809 = arith.constant 64 : i32
    %broadcast_in_dim3A_810 = vector.broadcast %jit3A_809 : i32 to vector<16xi32>
    %select_n3A_811 = arith.select %eq3A_805, %add3A_808, %broadcast_in_dim3A_810 : vector<16xi1>, vector<16xi32>
    %min3A_812 = arith.minsi %min3A_804, %select_n3A_811 : vector<16xi32>
    %eq3A_813 = arith.cmpf oeq, %select_n3A_761, %max3A_792 : vector<16xf32>
    %add3A_814 = arith.constant 48 : i32
    %add3A_815 = vector.broadcast %add3A_814 : i32 to vector<16xi32>
    %add3A_816 = arith.addi %iota3A, %add3A_815 : vector<16xi32>
    %jit3A_817 = arith.constant 64 : i32
    %broadcast_in_dim3A_818 = vector.broadcast %jit3A_817 : i32 to vector<16xi32>
    %select_n3A_819 = arith.select %eq3A_813, %add3A_816, %broadcast_in_dim3A_818 : vector<16xi1>, vector<16xi32>
    %min3A_820 = arith.minsi %min3A_812, %select_n3A_819 : vector<16xi32>
    %xor3A_821 = arith.constant 1 : i32
    %xor3A_822 = vector.broadcast %xor3A_821 : i32 to vector<16xi32>
    %xor3A_823 = arith.xori %iota3A, %xor3A_822 : vector<16xi32>
    %broadcast_in_dim3A_824 = vector.shape_cast %xor3A_823 : vector<16xi32> to vector<16x1xi32>
    %gather3A_825 = vector.shape_cast %broadcast_in_dim3A_824 : vector<16x1xi32> to vector<16xi32>
    %gather3A_826 = tpu.dynamic_gather %min3A_820[%gather3A_825] in [0] : vector<16xi32>, vector<16xi32> -> vector<16xi32>
    %min3A_827 = arith.minsi %min3A_820, %gather3A_826 : vector<16xi32>
    %xor3A_828 = arith.constant 2 : i32
    %xor3A_829 = vector.broadcast %xor3A_828 : i32 to vector<16xi32>
    %xor3A_830 = arith.xori %iota3A, %xor3A_829 : vector<16xi32>
    %broadcast_in_dim3A_831 = vector.shape_cast %xor3A_830 : vector<16xi32> to vector<16x1xi32>
    %gather3A_832 = vector.shape_cast %broadcast_in_dim3A_831 : vector<16x1xi32> to vector<16xi32>
    %gather3A_833 = tpu.dynamic_gather %min3A_827[%gather3A_832] in [0] : vector<16xi32>, vector<16xi32> -> vector<16xi32>
    %min3A_834 = arith.minsi %min3A_827, %gather3A_833 : vector<16xi32>
    %xor3A_835 = arith.constant 4 : i32
    %xor3A_836 = vector.broadcast %xor3A_835 : i32 to vector<16xi32>
    %xor3A_837 = arith.xori %iota3A, %xor3A_836 : vector<16xi32>
    %broadcast_in_dim3A_838 = vector.shape_cast %xor3A_837 : vector<16xi32> to vector<16x1xi32>
    %gather3A_839 = vector.shape_cast %broadcast_in_dim3A_838 : vector<16x1xi32> to vector<16xi32>
    %gather3A_840 = tpu.dynamic_gather %min3A_834[%gather3A_839] in [0] : vector<16xi32>, vector<16xi32> -> vector<16xi32>
    %min3A_841 = arith.minsi %min3A_834, %gather3A_840 : vector<16xi32>
    %xor3A_842 = arith.constant 8 : i32
    %xor3A_843 = vector.broadcast %xor3A_842 : i32 to vector<16xi32>
    %xor3A_844 = arith.xori %iota3A, %xor3A_843 : vector<16xi32>
    %broadcast_in_dim3A_845 = vector.shape_cast %xor3A_844 : vector<16xi32> to vector<16x1xi32>
    %gather3A_846 = vector.shape_cast %broadcast_in_dim3A_845 : vector<16x1xi32> to vector<16xi32>
    %gather3A_847 = tpu.dynamic_gather %min3A_841[%gather3A_846] in [0] : vector<16xi32>, vector<16xi32> -> vector<16xi32>
    %min3A_848 = arith.minsi %min3A_841, %gather3A_847 : vector<16xi32>
    %shift_right_logical3A_849 = arith.constant 4 : i32
    %shift_right_logical3A_850 = vector.broadcast %shift_right_logical3A_849 : i32 to vector<16xi32>
    %shift_right_logical3A_851 = arith.shrui %min3A_848, %shift_right_logical3A_850 : vector<16xi32>
    %and3A_852 = arith.constant 15 : i32
    %and3A_853 = vector.broadcast %and3A_852 : i32 to vector<16xi32>
    %and3A_854 = arith.andi %min3A_848, %and3A_853 : vector<16xi32>
    %eq3A_855 = arith.cmpi eq, %iota3A, %and3A_854 : vector<16xi32>
    %eq3A_856 = arith.constant 0 : i32
    %eq3A_857 = vector.broadcast %eq3A_856 : i32 to vector<16xi32>
    %eq3A_858 = arith.cmpi eq, %shift_right_logical3A_851, %eq3A_857 : vector<16xi32>
    %and3A_859 = arith.andi %eq3A_855, %eq3A_858 : vector<16xi1>
    %jit3A_860 = arith.constant -3.000000e+38 : f32
    %broadcast_in_dim3A_861 = vector.broadcast %jit3A_860 : f32 to vector<16xf32>
    %select_n3A_862 = arith.select %and3A_859, %broadcast_in_dim3A_861, %select_n3A_737 : vector<16xi1>, vector<16xf32>
    %eq3A_863 = arith.cmpi eq, %iota3A, %and3A_854 : vector<16xi32>
    %eq3A_864 = arith.constant 1 : i32
    %eq3A_865 = vector.broadcast %eq3A_864 : i32 to vector<16xi32>
    %eq3A_866 = arith.cmpi eq, %shift_right_logical3A_851, %eq3A_865 : vector<16xi32>
    %and3A_867 = arith.andi %eq3A_863, %eq3A_866 : vector<16xi1>
    %jit3A_868 = arith.constant -3.000000e+38 : f32
    %broadcast_in_dim3A_869 = vector.broadcast %jit3A_868 : f32 to vector<16xf32>
    %select_n3A_870 = arith.select %and3A_867, %broadcast_in_dim3A_869, %select_n3A_745 : vector<16xi1>, vector<16xf32>
    %eq3A_871 = arith.cmpi eq, %iota3A, %and3A_854 : vector<16xi32>
    %eq3A_872 = arith.constant 2 : i32
    %eq3A_873 = vector.broadcast %eq3A_872 : i32 to vector<16xi32>
    %eq3A_874 = arith.cmpi eq, %shift_right_logical3A_851, %eq3A_873 : vector<16xi32>
    %and3A_875 = arith.andi %eq3A_871, %eq3A_874 : vector<16xi1>
    %jit3A_876 = arith.constant -3.000000e+38 : f32
    %broadcast_in_dim3A_877 = vector.broadcast %jit3A_876 : f32 to vector<16xf32>
    %select_n3A_878 = arith.select %and3A_875, %broadcast_in_dim3A_877, %select_n3A_753 : vector<16xi1>, vector<16xf32>
    %eq3A_879 = arith.cmpi eq, %iota3A, %and3A_854 : vector<16xi32>
    %eq3A_880 = arith.constant 3 : i32
    %eq3A_881 = vector.broadcast %eq3A_880 : i32 to vector<16xi32>
    %eq3A_882 = arith.cmpi eq, %shift_right_logical3A_851, %eq3A_881 : vector<16xi32>
    %and3A_883 = arith.andi %eq3A_879, %eq3A_882 : vector<16xi1>
    %jit3A_884 = arith.constant -3.000000e+38 : f32
    %broadcast_in_dim3A_885 = vector.broadcast %jit3A_884 : f32 to vector<16xf32>
    %select_n3A_886 = arith.select %and3A_883, %broadcast_in_dim3A_885, %select_n3A_761 : vector<16xi1>, vector<16xf32>
    %max3A_887 = arith.maximumf %select_n3A_862, %select_n3A_870 : vector<16xf32>
    %max3A_888 = arith.maximumf %select_n3A_878, %select_n3A_886 : vector<16xf32>
    %max3A_889 = arith.maximumf %max3A_887, %max3A_888 : vector<16xf32>
    %xor3A_890 = arith.constant 1 : i32
    %xor3A_891 = vector.broadcast %xor3A_890 : i32 to vector<16xi32>
    %xor3A_892 = arith.xori %iota3A, %xor3A_891 : vector<16xi32>
    %broadcast_in_dim3A_893 = vector.shape_cast %xor3A_892 : vector<16xi32> to vector<16x1xi32>
    %gather3A_894 = vector.shape_cast %broadcast_in_dim3A_893 : vector<16x1xi32> to vector<16xi32>
    %gather3A_895 = tpu.dynamic_gather %max3A_889[%gather3A_894] in [0] : vector<16xf32>, vector<16xi32> -> vector<16xf32>
    %max3A_896 = arith.maximumf %max3A_889, %gather3A_895 : vector<16xf32>
    %xor3A_897 = arith.constant 2 : i32
    %xor3A_898 = vector.broadcast %xor3A_897 : i32 to vector<16xi32>
    %xor3A_899 = arith.xori %iota3A, %xor3A_898 : vector<16xi32>
    %broadcast_in_dim3A_900 = vector.shape_cast %xor3A_899 : vector<16xi32> to vector<16x1xi32>
    %gather3A_901 = vector.shape_cast %broadcast_in_dim3A_900 : vector<16x1xi32> to vector<16xi32>
    %gather3A_902 = tpu.dynamic_gather %max3A_896[%gather3A_901] in [0] : vector<16xf32>, vector<16xi32> -> vector<16xf32>
    %max3A_903 = arith.maximumf %max3A_896, %gather3A_902 : vector<16xf32>
    %xor3A_904 = arith.constant 4 : i32
    %xor3A_905 = vector.broadcast %xor3A_904 : i32 to vector<16xi32>
    %xor3A_906 = arith.xori %iota3A, %xor3A_905 : vector<16xi32>
    %broadcast_in_dim3A_907 = vector.shape_cast %xor3A_906 : vector<16xi32> to vector<16x1xi32>
    %gather3A_908 = vector.shape_cast %broadcast_in_dim3A_907 : vector<16x1xi32> to vector<16xi32>
    %gather3A_909 = tpu.dynamic_gather %max3A_903[%gather3A_908] in [0] : vector<16xf32>, vector<16xi32> -> vector<16xf32>
    %max3A_910 = arith.maximumf %max3A_903, %gather3A_909 : vector<16xf32>
    %xor3A_911 = arith.constant 8 : i32
    %xor3A_912 = vector.broadcast %xor3A_911 : i32 to vector<16xi32>
    %xor3A_913 = arith.xori %iota3A, %xor3A_912 : vector<16xi32>
    %broadcast_in_dim3A_914 = vector.shape_cast %xor3A_913 : vector<16xi32> to vector<16x1xi32>
    %gather3A_915 = vector.shape_cast %broadcast_in_dim3A_914 : vector<16x1xi32> to vector<16xi32>
    %gather3A_916 = tpu.dynamic_gather %max3A_910[%gather3A_915] in [0] : vector<16xf32>, vector<16xi32> -> vector<16xf32>
    %max3A_917 = arith.maximumf %max3A_910, %gather3A_916 : vector<16xf32>
    %eq3A_918 = arith.cmpf oeq, %select_n3A_862, %max3A_917 : vector<16xf32>
    %jit3A_919 = arith.constant 64 : i32
    %broadcast_in_dim3A_920 = vector.broadcast %jit3A_919 : i32 to vector<16xi32>
    %select_n3A_921 = arith.select %eq3A_918, %iota3A, %broadcast_in_dim3A_920 : vector<16xi1>, vector<16xi32>
    %eq3A_922 = arith.cmpf oeq, %select_n3A_870, %max3A_917 : vector<16xf32>
    %add3A_923 = arith.constant 16 : i32
    %add3A_924 = vector.broadcast %add3A_923 : i32 to vector<16xi32>
    %add3A_925 = arith.addi %iota3A, %add3A_924 : vector<16xi32>
    %jit3A_926 = arith.constant 64 : i32
    %broadcast_in_dim3A_927 = vector.broadcast %jit3A_926 : i32 to vector<16xi32>
    %select_n3A_928 = arith.select %eq3A_922, %add3A_925, %broadcast_in_dim3A_927 : vector<16xi1>, vector<16xi32>
    %min3A_929 = arith.minsi %select_n3A_921, %select_n3A_928 : vector<16xi32>
    %eq3A_930 = arith.cmpf oeq, %select_n3A_878, %max3A_917 : vector<16xf32>
    %add3A_931 = arith.constant 32 : i32
    %add3A_932 = vector.broadcast %add3A_931 : i32 to vector<16xi32>
    %add3A_933 = arith.addi %iota3A, %add3A_932 : vector<16xi32>
    %jit3A_934 = arith.constant 64 : i32
    %broadcast_in_dim3A_935 = vector.broadcast %jit3A_934 : i32 to vector<16xi32>
    %select_n3A_936 = arith.select %eq3A_930, %add3A_933, %broadcast_in_dim3A_935 : vector<16xi1>, vector<16xi32>
    %min3A_937 = arith.minsi %min3A_929, %select_n3A_936 : vector<16xi32>
    %eq3A_938 = arith.cmpf oeq, %select_n3A_886, %max3A_917 : vector<16xf32>
    %add3A_939 = arith.constant 48 : i32
    %add3A_940 = vector.broadcast %add3A_939 : i32 to vector<16xi32>
    %add3A_941 = arith.addi %iota3A, %add3A_940 : vector<16xi32>
    %jit3A_942 = arith.constant 64 : i32
    %broadcast_in_dim3A_943 = vector.broadcast %jit3A_942 : i32 to vector<16xi32>
    %select_n3A_944 = arith.select %eq3A_938, %add3A_941, %broadcast_in_dim3A_943 : vector<16xi1>, vector<16xi32>
    %min3A_945 = arith.minsi %min3A_937, %select_n3A_944 : vector<16xi32>
    %xor3A_946 = arith.constant 1 : i32
    %xor3A_947 = vector.broadcast %xor3A_946 : i32 to vector<16xi32>
    %xor3A_948 = arith.xori %iota3A, %xor3A_947 : vector<16xi32>
    %broadcast_in_dim3A_949 = vector.shape_cast %xor3A_948 : vector<16xi32> to vector<16x1xi32>
    %gather3A_950 = vector.shape_cast %broadcast_in_dim3A_949 : vector<16x1xi32> to vector<16xi32>
    %gather3A_951 = tpu.dynamic_gather %min3A_945[%gather3A_950] in [0] : vector<16xi32>, vector<16xi32> -> vector<16xi32>
    %min3A_952 = arith.minsi %min3A_945, %gather3A_951 : vector<16xi32>
    %xor3A_953 = arith.constant 2 : i32
    %xor3A_954 = vector.broadcast %xor3A_953 : i32 to vector<16xi32>
    %xor3A_955 = arith.xori %iota3A, %xor3A_954 : vector<16xi32>
    %broadcast_in_dim3A_956 = vector.shape_cast %xor3A_955 : vector<16xi32> to vector<16x1xi32>
    %gather3A_957 = vector.shape_cast %broadcast_in_dim3A_956 : vector<16x1xi32> to vector<16xi32>
    %gather3A_958 = tpu.dynamic_gather %min3A_952[%gather3A_957] in [0] : vector<16xi32>, vector<16xi32> -> vector<16xi32>
    %min3A_959 = arith.minsi %min3A_952, %gather3A_958 : vector<16xi32>
    %xor3A_960 = arith.constant 4 : i32
    %xor3A_961 = vector.broadcast %xor3A_960 : i32 to vector<16xi32>
    %xor3A_962 = arith.xori %iota3A, %xor3A_961 : vector<16xi32>
    %broadcast_in_dim3A_963 = vector.shape_cast %xor3A_962 : vector<16xi32> to vector<16x1xi32>
    %gather3A_964 = vector.shape_cast %broadcast_in_dim3A_963 : vector<16x1xi32> to vector<16xi32>
    %gather3A_965 = tpu.dynamic_gather %min3A_959[%gather3A_964] in [0] : vector<16xi32>, vector<16xi32> -> vector<16xi32>
    %min3A_966 = arith.minsi %min3A_959, %gather3A_965 : vector<16xi32>
    %xor3A_967 = arith.constant 8 : i32
    %xor3A_968 = vector.broadcast %xor3A_967 : i32 to vector<16xi32>
    %xor3A_969 = arith.xori %iota3A, %xor3A_968 : vector<16xi32>
    %broadcast_in_dim3A_970 = vector.shape_cast %xor3A_969 : vector<16xi32> to vector<16x1xi32>
    %gather3A_971 = vector.shape_cast %broadcast_in_dim3A_970 : vector<16x1xi32> to vector<16xi32>
    %gather3A_972 = tpu.dynamic_gather %min3A_966[%gather3A_971] in [0] : vector<16xi32>, vector<16xi32> -> vector<16xi32>
    %min3A_973 = arith.minsi %min3A_966, %gather3A_972 : vector<16xi32>
    %shift_right_logical3A_974 = arith.constant 4 : i32
    %shift_right_logical3A_975 = vector.broadcast %shift_right_logical3A_974 : i32 to vector<16xi32>
    %shift_right_logical3A_976 = arith.shrui %min3A_973, %shift_right_logical3A_975 : vector<16xi32>
    %and3A_977 = arith.constant 15 : i32
    %and3A_978 = vector.broadcast %and3A_977 : i32 to vector<16xi32>
    %and3A_979 = arith.andi %min3A_973, %and3A_978 : vector<16xi32>
    %eq3A_980 = arith.cmpi eq, %iota3A, %and3A_979 : vector<16xi32>
    %eq3A_981 = arith.constant 0 : i32
    %eq3A_982 = vector.broadcast %eq3A_981 : i32 to vector<16xi32>
    %eq3A_983 = arith.cmpi eq, %shift_right_logical3A_976, %eq3A_982 : vector<16xi32>
    %and3A_984 = arith.andi %eq3A_980, %eq3A_983 : vector<16xi1>
    %jit3A_985 = arith.constant -3.000000e+38 : f32
    %broadcast_in_dim3A_986 = vector.broadcast %jit3A_985 : f32 to vector<16xf32>
    %select_n3A_987 = arith.select %and3A_984, %broadcast_in_dim3A_986, %select_n3A_862 : vector<16xi1>, vector<16xf32>
    %eq3A_988 = arith.cmpi eq, %iota3A, %and3A_979 : vector<16xi32>
    %eq3A_989 = arith.constant 1 : i32
    %eq3A_990 = vector.broadcast %eq3A_989 : i32 to vector<16xi32>
    %eq3A_991 = arith.cmpi eq, %shift_right_logical3A_976, %eq3A_990 : vector<16xi32>
    %and3A_992 = arith.andi %eq3A_988, %eq3A_991 : vector<16xi1>
    %jit3A_993 = arith.constant -3.000000e+38 : f32
    %broadcast_in_dim3A_994 = vector.broadcast %jit3A_993 : f32 to vector<16xf32>
    %select_n3A_995 = arith.select %and3A_992, %broadcast_in_dim3A_994, %select_n3A_870 : vector<16xi1>, vector<16xf32>
    %eq3A_996 = arith.cmpi eq, %iota3A, %and3A_979 : vector<16xi32>
    %eq3A_997 = arith.constant 2 : i32
    %eq3A_998 = vector.broadcast %eq3A_997 : i32 to vector<16xi32>
    %eq3A_999 = arith.cmpi eq, %shift_right_logical3A_976, %eq3A_998 : vector<16xi32>
    %and3A_1000 = arith.andi %eq3A_996, %eq3A_999 : vector<16xi1>
    %jit3A_1001 = arith.constant -3.000000e+38 : f32
    %broadcast_in_dim3A_1002 = vector.broadcast %jit3A_1001 : f32 to vector<16xf32>
    %select_n3A_1003 = arith.select %and3A_1000, %broadcast_in_dim3A_1002, %select_n3A_878 : vector<16xi1>, vector<16xf32>
    %eq3A_1004 = arith.cmpi eq, %iota3A, %and3A_979 : vector<16xi32>
    %eq3A_1005 = arith.constant 3 : i32
    %eq3A_1006 = vector.broadcast %eq3A_1005 : i32 to vector<16xi32>
    %eq3A_1007 = arith.cmpi eq, %shift_right_logical3A_976, %eq3A_1006 : vector<16xi32>
    %and3A_1008 = arith.andi %eq3A_1004, %eq3A_1007 : vector<16xi1>
    %jit3A_1009 = arith.constant -3.000000e+38 : f32
    %broadcast_in_dim3A_1010 = vector.broadcast %jit3A_1009 : f32 to vector<16xf32>
    %select_n3A_1011 = arith.select %and3A_1008, %broadcast_in_dim3A_1010, %select_n3A_886 : vector<16xi1>, vector<16xf32>
    %sub3A = arith.subf %max3A_48, %max3A_48 : vector<16xf32>
    %exp3A = math.exp %sub3A : vector<16xf32>
    %sub3A_1012 = arith.subf %max3A_167, %max3A_48 : vector<16xf32>
    %exp3A_1013 = math.exp %sub3A_1012 : vector<16xf32>
    %sub3A_1014 = arith.subf %max3A_292, %max3A_48 : vector<16xf32>
    %exp3A_1015 = math.exp %sub3A_1014 : vector<16xf32>
    %sub3A_1016 = arith.subf %max3A_417, %max3A_48 : vector<16xf32>
    %exp3A_1017 = math.exp %sub3A_1016 : vector<16xf32>
    %sub3A_1018 = arith.subf %max3A_542, %max3A_48 : vector<16xf32>
    %exp3A_1019 = math.exp %sub3A_1018 : vector<16xf32>
    %sub3A_1020 = arith.subf %max3A_667, %max3A_48 : vector<16xf32>
    %exp3A_1021 = math.exp %sub3A_1020 : vector<16xf32>
    %sub3A_1022 = arith.subf %max3A_792, %max3A_48 : vector<16xf32>
    %exp3A_1023 = math.exp %sub3A_1022 : vector<16xf32>
    %sub3A_1024 = arith.subf %max3A_917, %max3A_48 : vector<16xf32>
    %exp3A_1025 = math.exp %sub3A_1024 : vector<16xf32>
    %add3A_1026 = arith.addf %exp3A, %exp3A_1013 : vector<16xf32>
    %add3A_1027 = arith.addf %add3A_1026, %exp3A_1015 : vector<16xf32>
    %add3A_1028 = arith.addf %add3A_1027, %exp3A_1017 : vector<16xf32>
    %add3A_1029 = arith.addf %add3A_1028, %exp3A_1019 : vector<16xf32>
    %add3A_1030 = arith.addf %add3A_1029, %exp3A_1021 : vector<16xf32>
    %add3A_1031 = arith.addf %add3A_1030, %exp3A_1023 : vector<16xf32>
    %add3A_1032 = arith.addf %add3A_1031, %exp3A_1025 : vector<16xf32>
    %div3A = arith.constant 1.000000e+00 : f32
    %div3A_1033 = vector.broadcast %div3A : f32 to vector<16xf32>
    %div3A_1034 = arith.divf %div3A_1033, %add3A_1032 : vector<16xf32>
    %broadcast_in_dim3A_1035 = arith.constant 0.000000e+00 : f32
    %broadcast_in_dim3A_1036 = vector.broadcast %broadcast_in_dim3A_1035 : f32 to vector<16xf32>
    %add3A_1037 = arith.constant 0 : i32
    %add3A_1038 = vector.broadcast %add3A_1037 : i32 to vector<16xi32>
    %add3A_1039 = arith.addi %iota3A, %add3A_1038 : vector<16xi32>
    %eq3A_1040 = arith.cmpi eq, %add3A_1039, %min3A_100 : vector<16xi32>
    %mul3A_1041 = arith.mulf %exp3A, %div3A_1034 : vector<16xf32>
    %jit3A_1042 = arith.constant 0.000000e+00 : f32
    %broadcast_in_dim3A_1043 = vector.broadcast %jit3A_1042 : f32 to vector<16xf32>
    %select_n3A_1044 = arith.select %eq3A_1040, %mul3A_1041, %broadcast_in_dim3A_1043 : vector<16xi1>, vector<16xf32>
    %add3A_1045 = arith.addf %broadcast_in_dim3A_1036, %select_n3A_1044 : vector<16xf32>
    %eq3A_1046 = arith.cmpi eq, %add3A_1039, %min3A_223 : vector<16xi32>
    %mul3A_1047 = arith.mulf %exp3A_1013, %div3A_1034 : vector<16xf32>
    %jit3A_1048 = arith.constant 0.000000e+00 : f32
    %broadcast_in_dim3A_1049 = vector.broadcast %jit3A_1048 : f32 to vector<16xf32>
    %select_n3A_1050 = arith.select %eq3A_1046, %mul3A_1047, %broadcast_in_dim3A_1049 : vector<16xi1>, vector<16xf32>
    %add3A_1051 = arith.addf %add3A_1045, %select_n3A_1050 : vector<16xf32>
    %eq3A_1052 = arith.cmpi eq, %add3A_1039, %min3A_348 : vector<16xi32>
    %mul3A_1053 = arith.mulf %exp3A_1015, %div3A_1034 : vector<16xf32>
    %jit3A_1054 = arith.constant 0.000000e+00 : f32
    %broadcast_in_dim3A_1055 = vector.broadcast %jit3A_1054 : f32 to vector<16xf32>
    %select_n3A_1056 = arith.select %eq3A_1052, %mul3A_1053, %broadcast_in_dim3A_1055 : vector<16xi1>, vector<16xf32>
    %add3A_1057 = arith.addf %add3A_1051, %select_n3A_1056 : vector<16xf32>
    %eq3A_1058 = arith.cmpi eq, %add3A_1039, %min3A_473 : vector<16xi32>
    %mul3A_1059 = arith.mulf %exp3A_1017, %div3A_1034 : vector<16xf32>
    %jit3A_1060 = arith.constant 0.000000e+00 : f32
    %broadcast_in_dim3A_1061 = vector.broadcast %jit3A_1060 : f32 to vector<16xf32>
    %select_n3A_1062 = arith.select %eq3A_1058, %mul3A_1059, %broadcast_in_dim3A_1061 : vector<16xi1>, vector<16xf32>
    %add3A_1063 = arith.addf %add3A_1057, %select_n3A_1062 : vector<16xf32>
    %eq3A_1064 = arith.cmpi eq, %add3A_1039, %min3A_598 : vector<16xi32>
    %mul3A_1065 = arith.mulf %exp3A_1019, %div3A_1034 : vector<16xf32>
    %jit3A_1066 = arith.constant 0.000000e+00 : f32
    %broadcast_in_dim3A_1067 = vector.broadcast %jit3A_1066 : f32 to vector<16xf32>
    %select_n3A_1068 = arith.select %eq3A_1064, %mul3A_1065, %broadcast_in_dim3A_1067 : vector<16xi1>, vector<16xf32>
    %add3A_1069 = arith.addf %add3A_1063, %select_n3A_1068 : vector<16xf32>
    %eq3A_1070 = arith.cmpi eq, %add3A_1039, %min3A_723 : vector<16xi32>
    %mul3A_1071 = arith.mulf %exp3A_1021, %div3A_1034 : vector<16xf32>
    %jit3A_1072 = arith.constant 0.000000e+00 : f32
    %broadcast_in_dim3A_1073 = vector.broadcast %jit3A_1072 : f32 to vector<16xf32>
    %select_n3A_1074 = arith.select %eq3A_1070, %mul3A_1071, %broadcast_in_dim3A_1073 : vector<16xi1>, vector<16xf32>
    %add3A_1075 = arith.addf %add3A_1069, %select_n3A_1074 : vector<16xf32>
    %eq3A_1076 = arith.cmpi eq, %add3A_1039, %min3A_848 : vector<16xi32>
    %mul3A_1077 = arith.mulf %exp3A_1023, %div3A_1034 : vector<16xf32>
    %jit3A_1078 = arith.constant 0.000000e+00 : f32
    %broadcast_in_dim3A_1079 = vector.broadcast %jit3A_1078 : f32 to vector<16xf32>
    %select_n3A_1080 = arith.select %eq3A_1076, %mul3A_1077, %broadcast_in_dim3A_1079 : vector<16xi1>, vector<16xf32>
    %add3A_1081 = arith.addf %add3A_1075, %select_n3A_1080 : vector<16xf32>
    %eq3A_1082 = arith.cmpi eq, %add3A_1039, %min3A_973 : vector<16xi32>
    %mul3A_1083 = arith.mulf %exp3A_1025, %div3A_1034 : vector<16xf32>
    %jit3A_1084 = arith.constant 0.000000e+00 : f32
    %broadcast_in_dim3A_1085 = vector.broadcast %jit3A_1084 : f32 to vector<16xf32>
    %select_n3A_1086 = arith.select %eq3A_1082, %mul3A_1083, %broadcast_in_dim3A_1085 : vector<16xi1>, vector<16xf32>
    %add3A_1087 = arith.addf %add3A_1081, %select_n3A_1086 : vector<16xf32>
    %swap3A = arith.constant 0 : index
    %swap3A_1088 = tpu.vector_load %arg5[%swap3A] {strides = array<i32>} : memref<256xf32, #tpu.memory_space<vmem>>, vector<16xf32>,
    %swap3A_1089 = vector.shape_cast %swap3A_1088 : vector<16xf32> to vector<16xf32>
    %swap3A_1090 = vector.shape_cast %add3A_1087 : vector<16xf32> to vector<16xf32>
    tpu.vector_store %arg5[%swap3A], %swap3A_1090 {strides = array<i32>} : memref<256xf32, #tpu.memory_space<vmem>>, vector<16xf32>,
    %broadcast_in_dim3A_1091 = arith.constant 0.000000e+00 : f32
    %broadcast_in_dim3A_1092 = vector.broadcast %broadcast_in_dim3A_1091 : f32 to vector<16xf32>
    %add3A_1093 = arith.constant 16 : i32
    %add3A_1094 = vector.broadcast %add3A_1093 : i32 to vector<16xi32>
    %add3A_1095 = arith.addi %iota3A, %add3A_1094 : vector<16xi32>
    %eq3A_1096 = arith.cmpi eq, %add3A_1095, %min3A_100 : vector<16xi32>
    %mul3A_1097 = arith.mulf %exp3A, %div3A_1034 : vector<16xf32>
    %jit3A_1098 = arith.constant 0.000000e+00 : f32
    %broadcast_in_dim3A_1099 = vector.broadcast %jit3A_1098 : f32 to vector<16xf32>
    %select_n3A_1100 = arith.select %eq3A_1096, %mul3A_1097, %broadcast_in_dim3A_1099 : vector<16xi1>, vector<16xf32>
    %add3A_1101 = arith.addf %broadcast_in_dim3A_1092, %select_n3A_1100 : vector<16xf32>
    %eq3A_1102 = arith.cmpi eq, %add3A_1095, %min3A_223 : vector<16xi32>
    %mul3A_1103 = arith.mulf %exp3A_1013, %div3A_1034 : vector<16xf32>
    %jit3A_1104 = arith.constant 0.000000e+00 : f32
    %broadcast_in_dim3A_1105 = vector.broadcast %jit3A_1104 : f32 to vector<16xf32>
    %select_n3A_1106 = arith.select %eq3A_1102, %mul3A_1103, %broadcast_in_dim3A_1105 : vector<16xi1>, vector<16xf32>
    %add3A_1107 = arith.addf %add3A_1101, %select_n3A_1106 : vector<16xf32>
    %eq3A_1108 = arith.cmpi eq, %add3A_1095, %min3A_348 : vector<16xi32>
    %mul3A_1109 = arith.mulf %exp3A_1015, %div3A_1034 : vector<16xf32>
    %jit3A_1110 = arith.constant 0.000000e+00 : f32
    %broadcast_in_dim3A_1111 = vector.broadcast %jit3A_1110 : f32 to vector<16xf32>
    %select_n3A_1112 = arith.select %eq3A_1108, %mul3A_1109, %broadcast_in_dim3A_1111 : vector<16xi1>, vector<16xf32>
    %add3A_1113 = arith.addf %add3A_1107, %select_n3A_1112 : vector<16xf32>
    %eq3A_1114 = arith.cmpi eq, %add3A_1095, %min3A_473 : vector<16xi32>
    %mul3A_1115 = arith.mulf %exp3A_1017, %div3A_1034 : vector<16xf32>
    %jit3A_1116 = arith.constant 0.000000e+00 : f32
    %broadcast_in_dim3A_1117 = vector.broadcast %jit3A_1116 : f32 to vector<16xf32>
    %select_n3A_1118 = arith.select %eq3A_1114, %mul3A_1115, %broadcast_in_dim3A_1117 : vector<16xi1>, vector<16xf32>
    %add3A_1119 = arith.addf %add3A_1113, %select_n3A_1118 : vector<16xf32>
    %eq3A_1120 = arith.cmpi eq, %add3A_1095, %min3A_598 : vector<16xi32>
    %mul3A_1121 = arith.mulf %exp3A_1019, %div3A_1034 : vector<16xf32>
    %jit3A_1122 = arith.constant 0.000000e+00 : f32
    %broadcast_in_dim3A_1123 = vector.broadcast %jit3A_1122 : f32 to vector<16xf32>
    %select_n3A_1124 = arith.select %eq3A_1120, %mul3A_1121, %broadcast_in_dim3A_1123 : vector<16xi1>, vector<16xf32>
    %add3A_1125 = arith.addf %add3A_1119, %select_n3A_1124 : vector<16xf32>
    %eq3A_1126 = arith.cmpi eq, %add3A_1095, %min3A_723 : vector<16xi32>
    %mul3A_1127 = arith.mulf %exp3A_1021, %div3A_1034 : vector<16xf32>
    %jit3A_1128 = arith.constant 0.000000e+00 : f32
    %broadcast_in_dim3A_1129 = vector.broadcast %jit3A_1128 : f32 to vector<16xf32>
    %select_n3A_1130 = arith.select %eq3A_1126, %mul3A_1127, %broadcast_in_dim3A_1129 : vector<16xi1>, vector<16xf32>
    %add3A_1131 = arith.addf %add3A_1125, %select_n3A_1130 : vector<16xf32>
    %eq3A_1132 = arith.cmpi eq, %add3A_1095, %min3A_848 : vector<16xi32>
    %mul3A_1133 = arith.mulf %exp3A_1023, %div3A_1034 : vector<16xf32>
    %jit3A_1134 = arith.constant 0.000000e+00 : f32
    %broadcast_in_dim3A_1135 = vector.broadcast %jit3A_1134 : f32 to vector<16xf32>
    %select_n3A_1136 = arith.select %eq3A_1132, %mul3A_1133, %broadcast_in_dim3A_1135 : vector<16xi1>, vector<16xf32>
    %add3A_1137 = arith.addf %add3A_1131, %select_n3A_1136 : vector<16xf32>
    %eq3A_1138 = arith.cmpi eq, %add3A_1095, %min3A_973 : vector<16xi32>
    %mul3A_1139 = arith.mulf %exp3A_1025, %div3A_1034 : vector<16xf32>
    %jit3A_1140 = arith.constant 0.000000e+00 : f32
    %broadcast_in_dim3A_1141 = vector.broadcast %jit3A_1140 : f32 to vector<16xf32>
    %select_n3A_1142 = arith.select %eq3A_1138, %mul3A_1139, %broadcast_in_dim3A_1141 : vector<16xi1>, vector<16xf32>
    %add3A_1143 = arith.addf %add3A_1137, %select_n3A_1142 : vector<16xf32>
    %swap3A_1144 = arith.constant 16 : index
    %swap3A_1145 = tpu.vector_load %arg5[%swap3A_1144] {strides = array<i32>} : memref<256xf32, #tpu.memory_space<vmem>>, vector<16xf32>,
    %swap3A_1146 = vector.shape_cast %swap3A_1145 : vector<16xf32> to vector<16xf32>
    %swap3A_1147 = vector.shape_cast %add3A_1143 : vector<16xf32> to vector<16xf32>
    tpu.vector_store %arg5[%swap3A_1144], %swap3A_1147 {strides = array<i32>} : memref<256xf32, #tpu.memory_space<vmem>>, vector<16xf32>,
    %broadcast_in_dim3A_1148 = arith.constant 0.000000e+00 : f32
    %broadcast_in_dim3A_1149 = vector.broadcast %broadcast_in_dim3A_1148 : f32 to vector<16xf32>
    %add3A_1150 = arith.constant 32 : i32
    %add3A_1151 = vector.broadcast %add3A_1150 : i32 to vector<16xi32>
    %add3A_1152 = arith.addi %iota3A, %add3A_1151 : vector<16xi32>
    %eq3A_1153 = arith.cmpi eq, %add3A_1152, %min3A_100 : vector<16xi32>
    %mul3A_1154 = arith.mulf %exp3A, %div3A_1034 : vector<16xf32>
    %jit3A_1155 = arith.constant 0.000000e+00 : f32
    %broadcast_in_dim3A_1156 = vector.broadcast %jit3A_1155 : f32 to vector<16xf32>
    %select_n3A_1157 = arith.select %eq3A_1153, %mul3A_1154, %broadcast_in_dim3A_1156 : vector<16xi1>, vector<16xf32>
    %add3A_1158 = arith.addf %broadcast_in_dim3A_1149, %select_n3A_1157 : vector<16xf32>
    %eq3A_1159 = arith.cmpi eq, %add3A_1152, %min3A_223 : vector<16xi32>
    %mul3A_1160 = arith.mulf %exp3A_1013, %div3A_1034 : vector<16xf32>
    %jit3A_1161 = arith.constant 0.000000e+00 : f32
    %broadcast_in_dim3A_1162 = vector.broadcast %jit3A_1161 : f32 to vector<16xf32>
    %select_n3A_1163 = arith.select %eq3A_1159, %mul3A_1160, %broadcast_in_dim3A_1162 : vector<16xi1>, vector<16xf32>
    %add3A_1164 = arith.addf %add3A_1158, %select_n3A_1163 : vector<16xf32>
    %eq3A_1165 = arith.cmpi eq, %add3A_1152, %min3A_348 : vector<16xi32>
    %mul3A_1166 = arith.mulf %exp3A_1015, %div3A_1034 : vector<16xf32>
    %jit3A_1167 = arith.constant 0.000000e+00 : f32
    %broadcast_in_dim3A_1168 = vector.broadcast %jit3A_1167 : f32 to vector<16xf32>
    %select_n3A_1169 = arith.select %eq3A_1165, %mul3A_1166, %broadcast_in_dim3A_1168 : vector<16xi1>, vector<16xf32>
    %add3A_1170 = arith.addf %add3A_1164, %select_n3A_1169 : vector<16xf32>
    %eq3A_1171 = arith.cmpi eq, %add3A_1152, %min3A_473 : vector<16xi32>
    %mul3A_1172 = arith.mulf %exp3A_1017, %div3A_1034 : vector<16xf32>
    %jit3A_1173 = arith.constant 0.000000e+00 : f32
    %broadcast_in_dim3A_1174 = vector.broadcast %jit3A_1173 : f32 to vector<16xf32>
    %select_n3A_1175 = arith.select %eq3A_1171, %mul3A_1172, %broadcast_in_dim3A_1174 : vector<16xi1>, vector<16xf32>
    %add3A_1176 = arith.addf %add3A_1170, %select_n3A_1175 : vector<16xf32>
    %eq3A_1177 = arith.cmpi eq, %add3A_1152, %min3A_598 : vector<16xi32>
    %mul3A_1178 = arith.mulf %exp3A_1019, %div3A_1034 : vector<16xf32>
    %jit3A_1179 = arith.constant 0.000000e+00 : f32
    %broadcast_in_dim3A_1180 = vector.broadcast %jit3A_1179 : f32 to vector<16xf32>
    %select_n3A_1181 = arith.select %eq3A_1177, %mul3A_1178, %broadcast_in_dim3A_1180 : vector<16xi1>, vector<16xf32>
    %add3A_1182 = arith.addf %add3A_1176, %select_n3A_1181 : vector<16xf32>
    %eq3A_1183 = arith.cmpi eq, %add3A_1152, %min3A_723 : vector<16xi32>
    %mul3A_1184 = arith.mulf %exp3A_1021, %div3A_1034 : vector<16xf32>
    %jit3A_1185 = arith.constant 0.000000e+00 : f32
    %broadcast_in_dim3A_1186 = vector.broadcast %jit3A_1185 : f32 to vector<16xf32>
    %select_n3A_1187 = arith.select %eq3A_1183, %mul3A_1184, %broadcast_in_dim3A_1186 : vector<16xi1>, vector<16xf32>
    %add3A_1188 = arith.addf %add3A_1182, %select_n3A_1187 : vector<16xf32>
    %eq3A_1189 = arith.cmpi eq, %add3A_1152, %min3A_848 : vector<16xi32>
    %mul3A_1190 = arith.mulf %exp3A_1023, %div3A_1034 : vector<16xf32>
    %jit3A_1191 = arith.constant 0.000000e+00 : f32
    %broadcast_in_dim3A_1192 = vector.broadcast %jit3A_1191 : f32 to vector<16xf32>
    %select_n3A_1193 = arith.select %eq3A_1189, %mul3A_1190, %broadcast_in_dim3A_1192 : vector<16xi1>, vector<16xf32>
    %add3A_1194 = arith.addf %add3A_1188, %select_n3A_1193 : vector<16xf32>
    %eq3A_1195 = arith.cmpi eq, %add3A_1152, %min3A_973 : vector<16xi32>
    %mul3A_1196 = arith.mulf %exp3A_1025, %div3A_1034 : vector<16xf32>
    %jit3A_1197 = arith.constant 0.000000e+00 : f32
    %broadcast_in_dim3A_1198 = vector.broadcast %jit3A_1197 : f32 to vector<16xf32>
    %select_n3A_1199 = arith.select %eq3A_1195, %mul3A_1196, %broadcast_in_dim3A_1198 : vector<16xi1>, vector<16xf32>
    %add3A_1200 = arith.addf %add3A_1194, %select_n3A_1199 : vector<16xf32>
    %swap3A_1201 = arith.constant 32 : index
    %swap3A_1202 = tpu.vector_load %arg5[%swap3A_1201] {strides = array<i32>} : memref<256xf32, #tpu.memory_space<vmem>>, vector<16xf32>,
    %swap3A_1203 = vector.shape_cast %swap3A_1202 : vector<16xf32> to vector<16xf32>
    %swap3A_1204 = vector.shape_cast %add3A_1200 : vector<16xf32> to vector<16xf32>
    tpu.vector_store %arg5[%swap3A_1201], %swap3A_1204 {strides = array<i32>} : memref<256xf32, #tpu.memory_space<vmem>>, vector<16xf32>,
    %broadcast_in_dim3A_1205 = arith.constant 0.000000e+00 : f32
    %broadcast_in_dim3A_1206 = vector.broadcast %broadcast_in_dim3A_1205 : f32 to vector<16xf32>
    %add3A_1207 = arith.constant 48 : i32
    %add3A_1208 = vector.broadcast %add3A_1207 : i32 to vector<16xi32>
    %add3A_1209 = arith.addi %iota3A, %add3A_1208 : vector<16xi32>
    %eq3A_1210 = arith.cmpi eq, %add3A_1209, %min3A_100 : vector<16xi32>
    %mul3A_1211 = arith.mulf %exp3A, %div3A_1034 : vector<16xf32>
    %jit3A_1212 = arith.constant 0.000000e+00 : f32
    %broadcast_in_dim3A_1213 = vector.broadcast %jit3A_1212 : f32 to vector<16xf32>
    %select_n3A_1214 = arith.select %eq3A_1210, %mul3A_1211, %broadcast_in_dim3A_1213 : vector<16xi1>, vector<16xf32>
    %add3A_1215 = arith.addf %broadcast_in_dim3A_1206, %select_n3A_1214 : vector<16xf32>
    %eq3A_1216 = arith.cmpi eq, %add3A_1209, %min3A_223 : vector<16xi32>
    %mul3A_1217 = arith.mulf %exp3A_1013, %div3A_1034 : vector<16xf32>
    %jit3A_1218 = arith.constant 0.000000e+00 : f32
    %broadcast_in_dim3A_1219 = vector.broadcast %jit3A_1218 : f32 to vector<16xf32>
    %select_n3A_1220 = arith.select %eq3A_1216, %mul3A_1217, %broadcast_in_dim3A_1219 : vector<16xi1>, vector<16xf32>
    %add3A_1221 = arith.addf %add3A_1215, %select_n3A_1220 : vector<16xf32>
    %eq3A_1222 = arith.cmpi eq, %add3A_1209, %min3A_348 : vector<16xi32>
    %mul3A_1223 = arith.mulf %exp3A_1015, %div3A_1034 : vector<16xf32>
    %jit3A_1224 = arith.constant 0.000000e+00 : f32
    %broadcast_in_dim3A_1225 = vector.broadcast %jit3A_1224 : f32 to vector<16xf32>
    %select_n3A_1226 = arith.select %eq3A_1222, %mul3A_1223, %broadcast_in_dim3A_1225 : vector<16xi1>, vector<16xf32>
    %add3A_1227 = arith.addf %add3A_1221, %select_n3A_1226 : vector<16xf32>
    %eq3A_1228 = arith.cmpi eq, %add3A_1209, %min3A_473 : vector<16xi32>
    %mul3A_1229 = arith.mulf %exp3A_1017, %div3A_1034 : vector<16xf32>
    %jit3A_1230 = arith.constant 0.000000e+00 : f32
    %broadcast_in_dim3A_1231 = vector.broadcast %jit3A_1230 : f32 to vector<16xf32>
    %select_n3A_1232 = arith.select %eq3A_1228, %mul3A_1229, %broadcast_in_dim3A_1231 : vector<16xi1>, vector<16xf32>
    %add3A_1233 = arith.addf %add3A_1227, %select_n3A_1232 : vector<16xf32>
    %eq3A_1234 = arith.cmpi eq, %add3A_1209, %min3A_598 : vector<16xi32>
    %mul3A_1235 = arith.mulf %exp3A_1019, %div3A_1034 : vector<16xf32>
    %jit3A_1236 = arith.constant 0.000000e+00 : f32
    %broadcast_in_dim3A_1237 = vector.broadcast %jit3A_1236 : f32 to vector<16xf32>
    %select_n3A_1238 = arith.select %eq3A_1234, %mul3A_1235, %broadcast_in_dim3A_1237 : vector<16xi1>, vector<16xf32>
    %add3A_1239 = arith.addf %add3A_1233, %select_n3A_1238 : vector<16xf32>
    %eq3A_1240 = arith.cmpi eq, %add3A_1209, %min3A_723 : vector<16xi32>
    %mul3A_1241 = arith.mulf %exp3A_1021, %div3A_1034 : vector<16xf32>
    %jit3A_1242 = arith.constant 0.000000e+00 : f32
    %broadcast_in_dim3A_1243 = vector.broadcast %jit3A_1242 : f32 to vector<16xf32>
    %select_n3A_1244 = arith.select %eq3A_1240, %mul3A_1241, %broadcast_in_dim3A_1243 : vector<16xi1>, vector<16xf32>
    %add3A_1245 = arith.addf %add3A_1239, %select_n3A_1244 : vector<16xf32>
    %eq3A_1246 = arith.cmpi eq, %add3A_1209, %min3A_848 : vector<16xi32>
    %mul3A_1247 = arith.mulf %exp3A_1023, %div3A_1034 : vector<16xf32>
    %jit3A_1248 = arith.constant 0.000000e+00 : f32
    %broadcast_in_dim3A_1249 = vector.broadcast %jit3A_1248 : f32 to vector<16xf32>
    %select_n3A_1250 = arith.select %eq3A_1246, %mul3A_1247, %broadcast_in_dim3A_1249 : vector<16xi1>, vector<16xf32>
    %add3A_1251 = arith.addf %add3A_1245, %select_n3A_1250 : vector<16xf32>
    %eq3A_1252 = arith.cmpi eq, %add3A_1209, %min3A_973 : vector<16xi32>
    %mul3A_1253 = arith.mulf %exp3A_1025, %div3A_1034 : vector<16xf32>
    %jit3A_1254 = arith.constant 0.000000e+00 : f32
    %broadcast_in_dim3A_1255 = vector.broadcast %jit3A_1254 : f32 to vector<16xf32>
    %select_n3A_1256 = arith.select %eq3A_1252, %mul3A_1253, %broadcast_in_dim3A_1255 : vector<16xi1>, vector<16xf32>
    %add3A_1257 = arith.addf %add3A_1251, %select_n3A_1256 : vector<16xf32>
    %swap3A_1258 = arith.constant 48 : index
    %swap3A_1259 = tpu.vector_load %arg5[%swap3A_1258] {strides = array<i32>} : memref<256xf32, #tpu.memory_space<vmem>>, vector<16xf32>,
    %swap3A_1260 = vector.shape_cast %swap3A_1259 : vector<16xf32> to vector<16xf32>
    %swap3A_1261 = vector.shape_cast %add3A_1257 : vector<16xf32> to vector<16xf32>
    tpu.vector_store %arg5[%swap3A_1258], %swap3A_1261 {strides = array<i32>} : memref<256xf32, #tpu.memory_space<vmem>>, vector<16xf32>,
    %get3A_1262 = arith.constant 1 : i32
    %get3A_1263 = arith.index_cast %get3A_1262 : i32 to index
    %get3A_1264 = arith.constant 0 : index
    %get3A_1265 = tpu.vector_load %arg4[%get3A_1263, %get3A_1264] {strides = array<i32>} : memref<4x64xf32, #tpu.memory_space<vmem>>, vector<1x16xf32>,
    %get3A_1266 = vector.shape_cast %get3A_1265 : vector<1x16xf32> to vector<16xf32>
    %get3A_1267 = arith.constant 1 : i32
    %get3A_1268 = arith.index_cast %get3A_1267 : i32 to index
    %get3A_1269 = arith.constant 16 : index
    %get3A_1270 = tpu.vector_load %arg4[%get3A_1268, %get3A_1269] {strides = array<i32>} : memref<4x64xf32, #tpu.memory_space<vmem>>, vector<1x16xf32>,
    %get3A_1271 = vector.shape_cast %get3A_1270 : vector<1x16xf32> to vector<16xf32>
    %get3A_1272 = arith.constant 1 : i32
    %get3A_1273 = arith.index_cast %get3A_1272 : i32 to index
    %get3A_1274 = arith.constant 32 : index
    %get3A_1275 = tpu.vector_load %arg4[%get3A_1273, %get3A_1274] {strides = array<i32>} : memref<4x64xf32, #tpu.memory_space<vmem>>, vector<1x16xf32>,
    %get3A_1276 = vector.shape_cast %get3A_1275 : vector<1x16xf32> to vector<16xf32>
    %get3A_1277 = arith.constant 1 : i32
    %get3A_1278 = arith.index_cast %get3A_1277 : i32 to index
    %get3A_1279 = arith.constant 48 : index
    %get3A_1280 = tpu.vector_load %arg4[%get3A_1278, %get3A_1279] {strides = array<i32>} : memref<4x64xf32, #tpu.memory_space<vmem>>, vector<1x16xf32>,
    %get3A_1281 = vector.shape_cast %get3A_1280 : vector<1x16xf32> to vector<16xf32>
    %max3A_1282 = arith.maximumf %get3A_1266, %get3A_1271 : vector<16xf32>
    %max3A_1283 = arith.maximumf %get3A_1276, %get3A_1281 : vector<16xf32>
    %max3A_1284 = arith.maximumf %max3A_1282, %max3A_1283 : vector<16xf32>
    %xor3A_1285 = arith.constant 1 : i32
    %xor3A_1286 = vector.broadcast %xor3A_1285 : i32 to vector<16xi32>
    %xor3A_1287 = arith.xori %iota3A, %xor3A_1286 : vector<16xi32>
    %broadcast_in_dim3A_1288 = vector.shape_cast %xor3A_1287 : vector<16xi32> to vector<16x1xi32>
    %gather3A_1289 = vector.shape_cast %broadcast_in_dim3A_1288 : vector<16x1xi32> to vector<16xi32>
    %gather3A_1290 = tpu.dynamic_gather %max3A_1284[%gather3A_1289] in [0] : vector<16xf32>, vector<16xi32> -> vector<16xf32>
    %max3A_1291 = arith.maximumf %max3A_1284, %gather3A_1290 : vector<16xf32>
    %xor3A_1292 = arith.constant 2 : i32
    %xor3A_1293 = vector.broadcast %xor3A_1292 : i32 to vector<16xi32>
    %xor3A_1294 = arith.xori %iota3A, %xor3A_1293 : vector<16xi32>
    %broadcast_in_dim3A_1295 = vector.shape_cast %xor3A_1294 : vector<16xi32> to vector<16x1xi32>
    %gather3A_1296 = vector.shape_cast %broadcast_in_dim3A_1295 : vector<16x1xi32> to vector<16xi32>
    %gather3A_1297 = tpu.dynamic_gather %max3A_1291[%gather3A_1296] in [0] : vector<16xf32>, vector<16xi32> -> vector<16xf32>
    %max3A_1298 = arith.maximumf %max3A_1291, %gather3A_1297 : vector<16xf32>
    %xor3A_1299 = arith.constant 4 : i32
    %xor3A_1300 = vector.broadcast %xor3A_1299 : i32 to vector<16xi32>
    %xor3A_1301 = arith.xori %iota3A, %xor3A_1300 : vector<16xi32>
    %broadcast_in_dim3A_1302 = vector.shape_cast %xor3A_1301 : vector<16xi32> to vector<16x1xi32>
    %gather3A_1303 = vector.shape_cast %broadcast_in_dim3A_1302 : vector<16x1xi32> to vector<16xi32>
    %gather3A_1304 = tpu.dynamic_gather %max3A_1298[%gather3A_1303] in [0] : vector<16xf32>, vector<16xi32> -> vector<16xf32>
    %max3A_1305 = arith.maximumf %max3A_1298, %gather3A_1304 : vector<16xf32>
    %xor3A_1306 = arith.constant 8 : i32
    %xor3A_1307 = vector.broadcast %xor3A_1306 : i32 to vector<16xi32>
    %xor3A_1308 = arith.xori %iota3A, %xor3A_1307 : vector<16xi32>
    %broadcast_in_dim3A_1309 = vector.shape_cast %xor3A_1308 : vector<16xi32> to vector<16x1xi32>
    %gather3A_1310 = vector.shape_cast %broadcast_in_dim3A_1309 : vector<16x1xi32> to vector<16xi32>
    %gather3A_1311 = tpu.dynamic_gather %max3A_1305[%gather3A_1310] in [0] : vector<16xf32>, vector<16xi32> -> vector<16xf32>
    %max3A_1312 = arith.maximumf %max3A_1305, %gather3A_1311 : vector<16xf32>
    %eq3A_1313 = arith.cmpf oeq, %get3A_1266, %max3A_1312 : vector<16xf32>
    %jit3A_1314 = arith.constant 64 : i32
    %broadcast_in_dim3A_1315 = vector.broadcast %jit3A_1314 : i32 to vector<16xi32>
    %select_n3A_1316 = arith.select %eq3A_1313, %iota3A, %broadcast_in_dim3A_1315 : vector<16xi1>, vector<16xi32>
    %eq3A_1317 = arith.cmpf oeq, %get3A_1271, %max3A_1312 : vector<16xf32>
    %add3A_1318 = arith.constant 16 : i32
    %add3A_1319 = vector.broadcast %add3A_1318 : i32 to vector<16xi32>
    %add3A_1320 = arith.addi %iota3A, %add3A_1319 : vector<16xi32>
    %jit3A_1321 = arith.constant 64 : i32
    %broadcast_in_dim3A_1322 = vector.broadcast %jit3A_1321 : i32 to vector<16xi32>
    %select_n3A_1323 = arith.select %eq3A_1317, %add3A_1320, %broadcast_in_dim3A_1322 : vector<16xi1>, vector<16xi32>
    %min3A_1324 = arith.minsi %select_n3A_1316, %select_n3A_1323 : vector<16xi32>
    %eq3A_1325 = arith.cmpf oeq, %get3A_1276, %max3A_1312 : vector<16xf32>
    %add3A_1326 = arith.constant 32 : i32
    %add3A_1327 = vector.broadcast %add3A_1326 : i32 to vector<16xi32>
    %add3A_1328 = arith.addi %iota3A, %add3A_1327 : vector<16xi32>
    %jit3A_1329 = arith.constant 64 : i32
    %broadcast_in_dim3A_1330 = vector.broadcast %jit3A_1329 : i32 to vector<16xi32>
    %select_n3A_1331 = arith.select %eq3A_1325, %add3A_1328, %broadcast_in_dim3A_1330 : vector<16xi1>, vector<16xi32>
    %min3A_1332 = arith.minsi %min3A_1324, %select_n3A_1331 : vector<16xi32>
    %eq3A_1333 = arith.cmpf oeq, %get3A_1281, %max3A_1312 : vector<16xf32>
    %add3A_1334 = arith.constant 48 : i32
    %add3A_1335 = vector.broadcast %add3A_1334 : i32 to vector<16xi32>
    %add3A_1336 = arith.addi %iota3A, %add3A_1335 : vector<16xi32>
    %jit3A_1337 = arith.constant 64 : i32
    %broadcast_in_dim3A_1338 = vector.broadcast %jit3A_1337 : i32 to vector<16xi32>
    %select_n3A_1339 = arith.select %eq3A_1333, %add3A_1336, %broadcast_in_dim3A_1338 : vector<16xi1>, vector<16xi32>
    %min3A_1340 = arith.minsi %min3A_1332, %select_n3A_1339 : vector<16xi32>
    %xor3A_1341 = arith.constant 1 : i32
    %xor3A_1342 = vector.broadcast %xor3A_1341 : i32 to vector<16xi32>
    %xor3A_1343 = arith.xori %iota3A, %xor3A_1342 : vector<16xi32>
    %broadcast_in_dim3A_1344 = vector.shape_cast %xor3A_1343 : vector<16xi32> to vector<16x1xi32>
    %gather3A_1345 = vector.shape_cast %broadcast_in_dim3A_1344 : vector<16x1xi32> to vector<16xi32>
    %gather3A_1346 = tpu.dynamic_gather %min3A_1340[%gather3A_1345] in [0] : vector<16xi32>, vector<16xi32> -> vector<16xi32>
    %min3A_1347 = arith.minsi %min3A_1340, %gather3A_1346 : vector<16xi32>
    %xor3A_1348 = arith.constant 2 : i32
    %xor3A_1349 = vector.broadcast %xor3A_1348 : i32 to vector<16xi32>
    %xor3A_1350 = arith.xori %iota3A, %xor3A_1349 : vector<16xi32>
    %broadcast_in_dim3A_1351 = vector.shape_cast %xor3A_1350 : vector<16xi32> to vector<16x1xi32>
    %gather3A_1352 = vector.shape_cast %broadcast_in_dim3A_1351 : vector<16x1xi32> to vector<16xi32>
    %gather3A_1353 = tpu.dynamic_gather %min3A_1347[%gather3A_1352] in [0] : vector<16xi32>, vector<16xi32> -> vector<16xi32>
    %min3A_1354 = arith.minsi %min3A_1347, %gather3A_1353 : vector<16xi32>
    %xor3A_1355 = arith.constant 4 : i32
    %xor3A_1356 = vector.broadcast %xor3A_1355 : i32 to vector<16xi32>
    %xor3A_1357 = arith.xori %iota3A, %xor3A_1356 : vector<16xi32>
    %broadcast_in_dim3A_1358 = vector.shape_cast %xor3A_1357 : vector<16xi32> to vector<16x1xi32>
    %gather3A_1359 = vector.shape_cast %broadcast_in_dim3A_1358 : vector<16x1xi32> to vector<16xi32>
    %gather3A_1360 = tpu.dynamic_gather %min3A_1354[%gather3A_1359] in [0] : vector<16xi32>, vector<16xi32> -> vector<16xi32>
    %min3A_1361 = arith.minsi %min3A_1354, %gather3A_1360 : vector<16xi32>
    %xor3A_1362 = arith.constant 8 : i32
    %xor3A_1363 = vector.broadcast %xor3A_1362 : i32 to vector<16xi32>
    %xor3A_1364 = arith.xori %iota3A, %xor3A_1363 : vector<16xi32>
    %broadcast_in_dim3A_1365 = vector.shape_cast %xor3A_1364 : vector<16xi32> to vector<16x1xi32>
    %gather3A_1366 = vector.shape_cast %broadcast_in_dim3A_1365 : vector<16x1xi32> to vector<16xi32>
    %gather3A_1367 = tpu.dynamic_gather %min3A_1361[%gather3A_1366] in [0] : vector<16xi32>, vector<16xi32> -> vector<16xi32>
    %min3A_1368 = arith.minsi %min3A_1361, %gather3A_1367 : vector<16xi32>
    %shift_right_logical3A_1369 = arith.constant 4 : i32
    %shift_right_logical3A_1370 = vector.broadcast %shift_right_logical3A_1369 : i32 to vector<16xi32>
    %shift_right_logical3A_1371 = arith.shrui %min3A_1368, %shift_right_logical3A_1370 : vector<16xi32>
    %and3A_1372 = arith.constant 15 : i32
    %and3A_1373 = vector.broadcast %and3A_1372 : i32 to vector<16xi32>
    %and3A_1374 = arith.andi %min3A_1368, %and3A_1373 : vector<16xi32>
    %eq3A_1375 = arith.cmpi eq, %iota3A, %and3A_1374 : vector<16xi32>
    %eq3A_1376 = arith.constant 0 : i32
    %eq3A_1377 = vector.broadcast %eq3A_1376 : i32 to vector<16xi32>
    %eq3A_1378 = arith.cmpi eq, %shift_right_logical3A_1371, %eq3A_1377 : vector<16xi32>
    %and3A_1379 = arith.andi %eq3A_1375, %eq3A_1378 : vector<16xi1>
    %jit3A_1380 = arith.constant -3.000000e+38 : f32
    %broadcast_in_dim3A_1381 = vector.broadcast %jit3A_1380 : f32 to vector<16xf32>
    %select_n3A_1382 = arith.select %and3A_1379, %broadcast_in_dim3A_1381, %get3A_1266 : vector<16xi1>, vector<16xf32>
    %eq3A_1383 = arith.cmpi eq, %iota3A, %and3A_1374 : vector<16xi32>
    %eq3A_1384 = arith.constant 1 : i32
    %eq3A_1385 = vector.broadcast %eq3A_1384 : i32 to vector<16xi32>
    %eq3A_1386 = arith.cmpi eq, %shift_right_logical3A_1371, %eq3A_1385 : vector<16xi32>
    %and3A_1387 = arith.andi %eq3A_1383, %eq3A_1386 : vector<16xi1>
    %jit3A_1388 = arith.constant -3.000000e+38 : f32
    %broadcast_in_dim3A_1389 = vector.broadcast %jit3A_1388 : f32 to vector<16xf32>
    %select_n3A_1390 = arith.select %and3A_1387, %broadcast_in_dim3A_1389, %get3A_1271 : vector<16xi1>, vector<16xf32>
    %eq3A_1391 = arith.cmpi eq, %iota3A, %and3A_1374 : vector<16xi32>
    %eq3A_1392 = arith.constant 2 : i32
    %eq3A_1393 = vector.broadcast %eq3A_1392 : i32 to vector<16xi32>
    %eq3A_1394 = arith.cmpi eq, %shift_right_logical3A_1371, %eq3A_1393 : vector<16xi32>
    %and3A_1395 = arith.andi %eq3A_1391, %eq3A_1394 : vector<16xi1>
    %jit3A_1396 = arith.constant -3.000000e+38 : f32
    %broadcast_in_dim3A_1397 = vector.broadcast %jit3A_1396 : f32 to vector<16xf32>
    %select_n3A_1398 = arith.select %and3A_1395, %broadcast_in_dim3A_1397, %get3A_1276 : vector<16xi1>, vector<16xf32>
    %eq3A_1399 = arith.cmpi eq, %iota3A, %and3A_1374 : vector<16xi32>
    %eq3A_1400 = arith.constant 3 : i32
    %eq3A_1401 = vector.broadcast %eq3A_1400 : i32 to vector<16xi32>
    %eq3A_1402 = arith.cmpi eq, %shift_right_logical3A_1371, %eq3A_1401 : vector<16xi32>
    %and3A_1403 = arith.andi %eq3A_1399, %eq3A_1402 : vector<16xi1>
    %jit3A_1404 = arith.constant -3.000000e+38 : f32
    %broadcast_in_dim3A_1405 = vector.broadcast %jit3A_1404 : f32 to vector<16xf32>
    %select_n3A_1406 = arith.select %and3A_1403, %broadcast_in_dim3A_1405, %get3A_1281 : vector<16xi1>, vector<16xf32>
    %max3A_1407 = arith.maximumf %select_n3A_1382, %select_n3A_1390 : vector<16xf32>
    %max3A_1408 = arith.maximumf %select_n3A_1398, %select_n3A_1406 : vector<16xf32>
    %max3A_1409 = arith.maximumf %max3A_1407, %max3A_1408 : vector<16xf32>
    %xor3A_1410 = arith.constant 1 : i32
    %xor3A_1411 = vector.broadcast %xor3A_1410 : i32 to vector<16xi32>
    %xor3A_1412 = arith.xori %iota3A, %xor3A_1411 : vector<16xi32>
    %broadcast_in_dim3A_1413 = vector.shape_cast %xor3A_1412 : vector<16xi32> to vector<16x1xi32>
    %gather3A_1414 = vector.shape_cast %broadcast_in_dim3A_1413 : vector<16x1xi32> to vector<16xi32>
    %gather3A_1415 = tpu.dynamic_gather %max3A_1409[%gather3A_1414] in [0] : vector<16xf32>, vector<16xi32> -> vector<16xf32>
    %max3A_1416 = arith.maximumf %max3A_1409, %gather3A_1415 : vector<16xf32>
    %xor3A_1417 = arith.constant 2 : i32
    %xor3A_1418 = vector.broadcast %xor3A_1417 : i32 to vector<16xi32>
    %xor3A_1419 = arith.xori %iota3A, %xor3A_1418 : vector<16xi32>
    %broadcast_in_dim3A_1420 = vector.shape_cast %xor3A_1419 : vector<16xi32> to vector<16x1xi32>
    %gather3A_1421 = vector.shape_cast %broadcast_in_dim3A_1420 : vector<16x1xi32> to vector<16xi32>
    %gather3A_1422 = tpu.dynamic_gather %max3A_1416[%gather3A_1421] in [0] : vector<16xf32>, vector<16xi32> -> vector<16xf32>
    %max3A_1423 = arith.maximumf %max3A_1416, %gather3A_1422 : vector<16xf32>
    %xor3A_1424 = arith.constant 4 : i32
    %xor3A_1425 = vector.broadcast %xor3A_1424 : i32 to vector<16xi32>
    %xor3A_1426 = arith.xori %iota3A, %xor3A_1425 : vector<16xi32>
    %broadcast_in_dim3A_1427 = vector.shape_cast %xor3A_1426 : vector<16xi32> to vector<16x1xi32>
    %gather3A_1428 = vector.shape_cast %broadcast_in_dim3A_1427 : vector<16x1xi32> to vector<16xi32>
    %gather3A_1429 = tpu.dynamic_gather %max3A_1423[%gather3A_1428] in [0] : vector<16xf32>, vector<16xi32> -> vector<16xf32>
    %max3A_1430 = arith.maximumf %max3A_1423, %gather3A_1429 : vector<16xf32>
    %xor3A_1431 = arith.constant 8 : i32
    %xor3A_1432 = vector.broadcast %xor3A_1431 : i32 to vector<16xi32>
    %xor3A_1433 = arith.xori %iota3A, %xor3A_1432 : vector<16xi32>
    %broadcast_in_dim3A_1434 = vector.shape_cast %xor3A_1433 : vector<16xi32> to vector<16x1xi32>
    %gather3A_1435 = vector.shape_cast %broadcast_in_dim3A_1434 : vector<16x1xi32> to vector<16xi32>
    %gather3A_1436 = tpu.dynamic_gather %max3A_1430[%gather3A_1435] in [0] : vector<16xf32>, vector<16xi32> -> vector<16xf32>
    %max3A_1437 = arith.maximumf %max3A_1430, %gather3A_1436 : vector<16xf32>
    %eq3A_1438 = arith.cmpf oeq, %select_n3A_1382, %max3A_1437 : vector<16xf32>
    %jit3A_1439 = arith.constant 64 : i32
    %broadcast_in_dim3A_1440 = vector.broadcast %jit3A_1439 : i32 to vector<16xi32>
    %select_n3A_1441 = arith.select %eq3A_1438, %iota3A, %broadcast_in_dim3A_1440 : vector<16xi1>, vector<16xi32>
    %eq3A_1442 = arith.cmpf oeq, %select_n3A_1390, %max3A_1437 : vector<16xf32>
    %add3A_1443 = arith.constant 16 : i32
    %add3A_1444 = vector.broadcast %add3A_1443 : i32 to vector<16xi32>
    %add3A_1445 = arith.addi %iota3A, %add3A_1444 : vector<16xi32>
    %jit3A_1446 = arith.constant 64 : i32
    %broadcast_in_dim3A_1447 = vector.broadcast %jit3A_1446 : i32 to vector<16xi32>
    %select_n3A_1448 = arith.select %eq3A_1442, %add3A_1445, %broadcast_in_dim3A_1447 : vector<16xi1>, vector<16xi32>
    %min3A_1449 = arith.minsi %select_n3A_1441, %select_n3A_1448 : vector<16xi32>
    %eq3A_1450 = arith.cmpf oeq, %select_n3A_1398, %max3A_1437 : vector<16xf32>
    %add3A_1451 = arith.constant 32 : i32
    %add3A_1452 = vector.broadcast %add3A_1451 : i32 to vector<16xi32>
    %add3A_1453 = arith.addi %iota3A, %add3A_1452 : vector<16xi32>
    %jit3A_1454 = arith.constant 64 : i32
    %broadcast_in_dim3A_1455 = vector.broadcast %jit3A_1454 : i32 to vector<16xi32>
    %select_n3A_1456 = arith.select %eq3A_1450, %add3A_1453, %broadcast_in_dim3A_1455 : vector<16xi1>, vector<16xi32>
    %min3A_1457 = arith.minsi %min3A_1449, %select_n3A_1456 : vector<16xi32>
    %eq3A_1458 = arith.cmpf oeq, %select_n3A_1406, %max3A_1437 : vector<16xf32>
    %add3A_1459 = arith.constant 48 : i32
    %add3A_1460 = vector.broadcast %add3A_1459 : i32 to vector<16xi32>
    %add3A_1461 = arith.addi %iota3A, %add3A_1460 : vector<16xi32>
    %jit3A_1462 = arith.constant 64 : i32
    %broadcast_in_dim3A_1463 = vector.broadcast %jit3A_1462 : i32 to vector<16xi32>
    %select_n3A_1464 = arith.select %eq3A_1458, %add3A_1461, %broadcast_in_dim3A_1463 : vector<16xi1>, vector<16xi32>
    %min3A_1465 = arith.minsi %min3A_1457, %select_n3A_1464 : vector<16xi32>
    %xor3A_1466 = arith.constant 1 : i32
    %xor3A_1467 = vector.broadcast %xor3A_1466 : i32 to vector<16xi32>
    %xor3A_1468 = arith.xori %iota3A, %xor3A_1467 : vector<16xi32>
    %broadcast_in_dim3A_1469 = vector.shape_cast %xor3A_1468 : vector<16xi32> to vector<16x1xi32>
    %gather3A_1470 = vector.shape_cast %broadcast_in_dim3A_1469 : vector<16x1xi32> to vector<16xi32>
    %gather3A_1471 = tpu.dynamic_gather %min3A_1465[%gather3A_1470] in [0] : vector<16xi32>, vector<16xi32> -> vector<16xi32>
    %min3A_1472 = arith.minsi %min3A_1465, %gather3A_1471 : vector<16xi32>
    %xor3A_1473 = arith.constant 2 : i32
    %xor3A_1474 = vector.broadcast %xor3A_1473 : i32 to vector<16xi32>
    %xor3A_1475 = arith.xori %iota3A, %xor3A_1474 : vector<16xi32>
    %broadcast_in_dim3A_1476 = vector.shape_cast %xor3A_1475 : vector<16xi32> to vector<16x1xi32>
    %gather3A_1477 = vector.shape_cast %broadcast_in_dim3A_1476 : vector<16x1xi32> to vector<16xi32>
    %gather3A_1478 = tpu.dynamic_gather %min3A_1472[%gather3A_1477] in [0] : vector<16xi32>, vector<16xi32> -> vector<16xi32>
    %min3A_1479 = arith.minsi %min3A_1472, %gather3A_1478 : vector<16xi32>
    %xor3A_1480 = arith.constant 4 : i32
    %xor3A_1481 = vector.broadcast %xor3A_1480 : i32 to vector<16xi32>
    %xor3A_1482 = arith.xori %iota3A, %xor3A_1481 : vector<16xi32>
    %broadcast_in_dim3A_1483 = vector.shape_cast %xor3A_1482 : vector<16xi32> to vector<16x1xi32>
    %gather3A_1484 = vector.shape_cast %broadcast_in_dim3A_1483 : vector<16x1xi32> to vector<16xi32>
    %gather3A_1485 = tpu.dynamic_gather %min3A_1479[%gather3A_1484] in [0] : vector<16xi32>, vector<16xi32> -> vector<16xi32>
    %min3A_1486 = arith.minsi %min3A_1479, %gather3A_1485 : vector<16xi32>
    %xor3A_1487 = arith.constant 8 : i32
    %xor3A_1488 = vector.broadcast %xor3A_1487 : i32 to vector<16xi32>
    %xor3A_1489 = arith.xori %iota3A, %xor3A_1488 : vector<16xi32>
    %broadcast_in_dim3A_1490 = vector.shape_cast %xor3A_1489 : vector<16xi32> to vector<16x1xi32>
    %gather3A_1491 = vector.shape_cast %broadcast_in_dim3A_1490 : vector<16x1xi32> to vector<16xi32>
    %gather3A_1492 = tpu.dynamic_gather %min3A_1486[%gather3A_1491] in [0] : vector<16xi32>, vector<16xi32> -> vector<16xi32>
    %min3A_1493 = arith.minsi %min3A_1486, %gather3A_1492 : vector<16xi32>
    %shift_right_logical3A_1494 = arith.constant 4 : i32
    %shift_right_logical3A_1495 = vector.broadcast %shift_right_logical3A_1494 : i32 to vector<16xi32>
    %shift_right_logical3A_1496 = arith.shrui %min3A_1493, %shift_right_logical3A_1495 : vector<16xi32>
    %and3A_1497 = arith.constant 15 : i32
    %and3A_1498 = vector.broadcast %and3A_1497 : i32 to vector<16xi32>
    %and3A_1499 = arith.andi %min3A_1493, %and3A_1498 : vector<16xi32>
    %eq3A_1500 = arith.cmpi eq, %iota3A, %and3A_1499 : vector<16xi32>
    %eq3A_1501 = arith.constant 0 : i32
    %eq3A_1502 = vector.broadcast %eq3A_1501 : i32 to vector<16xi32>
    %eq3A_1503 = arith.cmpi eq, %shift_right_logical3A_1496, %eq3A_1502 : vector<16xi32>
    %and3A_1504 = arith.andi %eq3A_1500, %eq3A_1503 : vector<16xi1>
    %jit3A_1505 = arith.constant -3.000000e+38 : f32
    %broadcast_in_dim3A_1506 = vector.broadcast %jit3A_1505 : f32 to vector<16xf32>
    %select_n3A_1507 = arith.select %and3A_1504, %broadcast_in_dim3A_1506, %select_n3A_1382 : vector<16xi1>, vector<16xf32>
    %eq3A_1508 = arith.cmpi eq, %iota3A, %and3A_1499 : vector<16xi32>
    %eq3A_1509 = arith.constant 1 : i32
    %eq3A_1510 = vector.broadcast %eq3A_1509 : i32 to vector<16xi32>
    %eq3A_1511 = arith.cmpi eq, %shift_right_logical3A_1496, %eq3A_1510 : vector<16xi32>
    %and3A_1512 = arith.andi %eq3A_1508, %eq3A_1511 : vector<16xi1>
    %jit3A_1513 = arith.constant -3.000000e+38 : f32
    %broadcast_in_dim3A_1514 = vector.broadcast %jit3A_1513 : f32 to vector<16xf32>
    %select_n3A_1515 = arith.select %and3A_1512, %broadcast_in_dim3A_1514, %select_n3A_1390 : vector<16xi1>, vector<16xf32>
    %eq3A_1516 = arith.cmpi eq, %iota3A, %and3A_1499 : vector<16xi32>
    %eq3A_1517 = arith.constant 2 : i32
    %eq3A_1518 = vector.broadcast %eq3A_1517 : i32 to vector<16xi32>
    %eq3A_1519 = arith.cmpi eq, %shift_right_logical3A_1496, %eq3A_1518 : vector<16xi32>
    %and3A_1520 = arith.andi %eq3A_1516, %eq3A_1519 : vector<16xi1>
    %jit3A_1521 = arith.constant -3.000000e+38 : f32
    %broadcast_in_dim3A_1522 = vector.broadcast %jit3A_1521 : f32 to vector<16xf32>
    %select_n3A_1523 = arith.select %and3A_1520, %broadcast_in_dim3A_1522, %select_n3A_1398 : vector<16xi1>, vector<16xf32>
    %eq3A_1524 = arith.cmpi eq, %iota3A, %and3A_1499 : vector<16xi32>
    %eq3A_1525 = arith.constant 3 : i32
    %eq3A_1526 = vector.broadcast %eq3A_1525 : i32 to vector<16xi32>
    %eq3A_1527 = arith.cmpi eq, %shift_right_logical3A_1496, %eq3A_1526 : vector<16xi32>
    %and3A_1528 = arith.andi %eq3A_1524, %eq3A_1527 : vector<16xi1>
    %jit3A_1529 = arith.constant -3.000000e+38 : f32
    %broadcast_in_dim3A_1530 = vector.broadcast %jit3A_1529 : f32 to vector<16xf32>
    %select_n3A_1531 = arith.select %and3A_1528, %broadcast_in_dim3A_1530, %select_n3A_1406 : vector<16xi1>, vector<16xf32>
    %max3A_1532 = arith.maximumf %select_n3A_1507, %select_n3A_1515 : vector<16xf32>
    %max3A_1533 = arith.maximumf %select_n3A_1523, %select_n3A_1531 : vector<16xf32>
    %max3A_1534 = arith.maximumf %max3A_1532, %max3A_1533 : vector<16xf32>
    %xor3A_1535 = arith.constant 1 : i32
    %xor3A_1536 = vector.broadcast %xor3A_1535 : i32 to vector<16xi32>
    %xor3A_1537 = arith.xori %iota3A, %xor3A_1536 : vector<16xi32>
    %broadcast_in_dim3A_1538 = vector.shape_cast %xor3A_1537 : vector<16xi32> to vector<16x1xi32>
    %gather3A_1539 = vector.shape_cast %broadcast_in_dim3A_1538 : vector<16x1xi32> to vector<16xi32>
    %gather3A_1540 = tpu.dynamic_gather %max3A_1534[%gather3A_1539] in [0] : vector<16xf32>, vector<16xi32> -> vector<16xf32>
    %max3A_1541 = arith.maximumf %max3A_1534, %gather3A_1540 : vector<16xf32>
    %xor3A_1542 = arith.constant 2 : i32
    %xor3A_1543 = vector.broadcast %xor3A_1542 : i32 to vector<16xi32>
    %xor3A_1544 = arith.xori %iota3A, %xor3A_1543 : vector<16xi32>
    %broadcast_in_dim3A_1545 = vector.shape_cast %xor3A_1544 : vector<16xi32> to vector<16x1xi32>
    %gather3A_1546 = vector.shape_cast %broadcast_in_dim3A_1545 : vector<16x1xi32> to vector<16xi32>
    %gather3A_1547 = tpu.dynamic_gather %max3A_1541[%gather3A_1546] in [0] : vector<16xf32>, vector<16xi32> -> vector<16xf32>
    %max3A_1548 = arith.maximumf %max3A_1541, %gather3A_1547 : vector<16xf32>
    %xor3A_1549 = arith.constant 4 : i32
    %xor3A_1550 = vector.broadcast %xor3A_1549 : i32 to vector<16xi32>
    %xor3A_1551 = arith.xori %iota3A, %xor3A_1550 : vector<16xi32>
    %broadcast_in_dim3A_1552 = vector.shape_cast %xor3A_1551 : vector<16xi32> to vector<16x1xi32>
    %gather3A_1553 = vector.shape_cast %broadcast_in_dim3A_1552 : vector<16x1xi32> to vector<16xi32>
    %gather3A_1554 = tpu.dynamic_gather %max3A_1548[%gather3A_1553] in [0] : vector<16xf32>, vector<16xi32> -> vector<16xf32>
    %max3A_1555 = arith.maximumf %max3A_1548, %gather3A_1554 : vector<16xf32>
    %xor3A_1556 = arith.constant 8 : i32
    %xor3A_1557 = vector.broadcast %xor3A_1556 : i32 to vector<16xi32>
    %xor3A_1558 = arith.xori %iota3A, %xor3A_1557 : vector<16xi32>
    %broadcast_in_dim3A_1559 = vector.shape_cast %xor3A_1558 : vector<16xi32> to vector<16x1xi32>
    %gather3A_1560 = vector.shape_cast %broadcast_in_dim3A_1559 : vector<16x1xi32> to vector<16xi32>
    %gather3A_1561 = tpu.dynamic_gather %max3A_1555[%gather3A_1560] in [0] : vector<16xf32>, vector<16xi32> -> vector<16xf32>
    %max3A_1562 = arith.maximumf %max3A_1555, %gather3A_1561 : vector<16xf32>
    %eq3A_1563 = arith.cmpf oeq, %select_n3A_1507, %max3A_1562 : vector<16xf32>
    %jit3A_1564 = arith.constant 64 : i32
    %broadcast_in_dim3A_1565 = vector.broadcast %jit3A_1564 : i32 to vector<16xi32>
    %select_n3A_1566 = arith.select %eq3A_1563, %iota3A, %broadcast_in_dim3A_1565 : vector<16xi1>, vector<16xi32>
    %eq3A_1567 = arith.cmpf oeq, %select_n3A_1515, %max3A_1562 : vector<16xf32>
    %add3A_1568 = arith.constant 16 : i32
    %add3A_1569 = vector.broadcast %add3A_1568 : i32 to vector<16xi32>
    %add3A_1570 = arith.addi %iota3A, %add3A_1569 : vector<16xi32>
    %jit3A_1571 = arith.constant 64 : i32
    %broadcast_in_dim3A_1572 = vector.broadcast %jit3A_1571 : i32 to vector<16xi32>
    %select_n3A_1573 = arith.select %eq3A_1567, %add3A_1570, %broadcast_in_dim3A_1572 : vector<16xi1>, vector<16xi32>
    %min3A_1574 = arith.minsi %select_n3A_1566, %select_n3A_1573 : vector<16xi32>
    %eq3A_1575 = arith.cmpf oeq, %select_n3A_1523, %max3A_1562 : vector<16xf32>
    %add3A_1576 = arith.constant 32 : i32
    %add3A_1577 = vector.broadcast %add3A_1576 : i32 to vector<16xi32>
    %add3A_1578 = arith.addi %iota3A, %add3A_1577 : vector<16xi32>
    %jit3A_1579 = arith.constant 64 : i32
    %broadcast_in_dim3A_1580 = vector.broadcast %jit3A_1579 : i32 to vector<16xi32>
    %select_n3A_1581 = arith.select %eq3A_1575, %add3A_1578, %broadcast_in_dim3A_1580 : vector<16xi1>, vector<16xi32>
    %min3A_1582 = arith.minsi %min3A_1574, %select_n3A_1581 : vector<16xi32>
    %eq3A_1583 = arith.cmpf oeq, %select_n3A_1531, %max3A_1562 : vector<16xf32>
    %add3A_1584 = arith.constant 48 : i32
    %add3A_1585 = vector.broadcast %add3A_1584 : i32 to vector<16xi32>
    %add3A_1586 = arith.addi %iota3A, %add3A_1585 : vector<16xi32>
    %jit3A_1587 = arith.constant 64 : i32
    %broadcast_in_dim3A_1588 = vector.broadcast %jit3A_1587 : i32 to vector<16xi32>
    %select_n3A_1589 = arith.select %eq3A_1583, %add3A_1586, %broadcast_in_dim3A_1588 : vector<16xi1>, vector<16xi32>
    %min3A_1590 = arith.minsi %min3A_1582, %select_n3A_1589 : vector<16xi32>
    %xor3A_1591 = arith.constant 1 : i32
    %xor3A_1592 = vector.broadcast %xor3A_1591 : i32 to vector<16xi32>
    %xor3A_1593 = arith.xori %iota3A, %xor3A_1592 : vector<16xi32>
    %broadcast_in_dim3A_1594 = vector.shape_cast %xor3A_1593 : vector<16xi32> to vector<16x1xi32>
    %gather3A_1595 = vector.shape_cast %broadcast_in_dim3A_1594 : vector<16x1xi32> to vector<16xi32>
    %gather3A_1596 = tpu.dynamic_gather %min3A_1590[%gather3A_1595] in [0] : vector<16xi32>, vector<16xi32> -> vector<16xi32>
    %min3A_1597 = arith.minsi %min3A_1590, %gather3A_1596 : vector<16xi32>
    %xor3A_1598 = arith.constant 2 : i32
    %xor3A_1599 = vector.broadcast %xor3A_1598 : i32 to vector<16xi32>
    %xor3A_1600 = arith.xori %iota3A, %xor3A_1599 : vector<16xi32>
    %broadcast_in_dim3A_1601 = vector.shape_cast %xor3A_1600 : vector<16xi32> to vector<16x1xi32>
    %gather3A_1602 = vector.shape_cast %broadcast_in_dim3A_1601 : vector<16x1xi32> to vector<16xi32>
    %gather3A_1603 = tpu.dynamic_gather %min3A_1597[%gather3A_1602] in [0] : vector<16xi32>, vector<16xi32> -> vector<16xi32>
    %min3A_1604 = arith.minsi %min3A_1597, %gather3A_1603 : vector<16xi32>
    %xor3A_1605 = arith.constant 4 : i32
    %xor3A_1606 = vector.broadcast %xor3A_1605 : i32 to vector<16xi32>
    %xor3A_1607 = arith.xori %iota3A, %xor3A_1606 : vector<16xi32>
    %broadcast_in_dim3A_1608 = vector.shape_cast %xor3A_1607 : vector<16xi32> to vector<16x1xi32>
    %gather3A_1609 = vector.shape_cast %broadcast_in_dim3A_1608 : vector<16x1xi32> to vector<16xi32>
    %gather3A_1610 = tpu.dynamic_gather %min3A_1604[%gather3A_1609] in [0] : vector<16xi32>, vector<16xi32> -> vector<16xi32>
    %min3A_1611 = arith.minsi %min3A_1604, %gather3A_1610 : vector<16xi32>
    %xor3A_1612 = arith.constant 8 : i32
    %xor3A_1613 = vector.broadcast %xor3A_1612 : i32 to vector<16xi32>
    %xor3A_1614 = arith.xori %iota3A, %xor3A_1613 : vector<16xi32>
    %broadcast_in_dim3A_1615 = vector.shape_cast %xor3A_1614 : vector<16xi32> to vector<16x1xi32>
    %gather3A_1616 = vector.shape_cast %broadcast_in_dim3A_1615 : vector<16x1xi32> to vector<16xi32>
    %gather3A_1617 = tpu.dynamic_gather %min3A_1611[%gather3A_1616] in [0] : vector<16xi32>, vector<16xi32> -> vector<16xi32>
    %min3A_1618 = arith.minsi %min3A_1611, %gather3A_1617 : vector<16xi32>
    %shift_right_logical3A_1619 = arith.constant 4 : i32
    %shift_right_logical3A_1620 = vector.broadcast %shift_right_logical3A_1619 : i32 to vector<16xi32>
    %shift_right_logical3A_1621 = arith.shrui %min3A_1618, %shift_right_logical3A_1620 : vector<16xi32>
    %and3A_1622 = arith.constant 15 : i32
    %and3A_1623 = vector.broadcast %and3A_1622 : i32 to vector<16xi32>
    %and3A_1624 = arith.andi %min3A_1618, %and3A_1623 : vector<16xi32>
    %eq3A_1625 = arith.cmpi eq, %iota3A, %and3A_1624 : vector<16xi32>
    %eq3A_1626 = arith.constant 0 : i32
    %eq3A_1627 = vector.broadcast %eq3A_1626 : i32 to vector<16xi32>
    %eq3A_1628 = arith.cmpi eq, %shift_right_logical3A_1621, %eq3A_1627 : vector<16xi32>
    %and3A_1629 = arith.andi %eq3A_1625, %eq3A_1628 : vector<16xi1>
    %jit3A_1630 = arith.constant -3.000000e+38 : f32
    %broadcast_in_dim3A_1631 = vector.broadcast %jit3A_1630 : f32 to vector<16xf32>
    %select_n3A_1632 = arith.select %and3A_1629, %broadcast_in_dim3A_1631, %select_n3A_1507 : vector<16xi1>, vector<16xf32>
    %eq3A_1633 = arith.cmpi eq, %iota3A, %and3A_1624 : vector<16xi32>
    %eq3A_1634 = arith.constant 1 : i32
    %eq3A_1635 = vector.broadcast %eq3A_1634 : i32 to vector<16xi32>
    %eq3A_1636 = arith.cmpi eq, %shift_right_logical3A_1621, %eq3A_1635 : vector<16xi32>
    %and3A_1637 = arith.andi %eq3A_1633, %eq3A_1636 : vector<16xi1>
    %jit3A_1638 = arith.constant -3.000000e+38 : f32
    %broadcast_in_dim3A_1639 = vector.broadcast %jit3A_1638 : f32 to vector<16xf32>
    %select_n3A_1640 = arith.select %and3A_1637, %broadcast_in_dim3A_1639, %select_n3A_1515 : vector<16xi1>, vector<16xf32>
    %eq3A_1641 = arith.cmpi eq, %iota3A, %and3A_1624 : vector<16xi32>
    %eq3A_1642 = arith.constant 2 : i32
    %eq3A_1643 = vector.broadcast %eq3A_1642 : i32 to vector<16xi32>
    %eq3A_1644 = arith.cmpi eq, %shift_right_logical3A_1621, %eq3A_1643 : vector<16xi32>
    %and3A_1645 = arith.andi %eq3A_1641, %eq3A_1644 : vector<16xi1>
    %jit3A_1646 = arith.constant -3.000000e+38 : f32
    %broadcast_in_dim3A_1647 = vector.broadcast %jit3A_1646 : f32 to vector<16xf32>
    %select_n3A_1648 = arith.select %and3A_1645, %broadcast_in_dim3A_1647, %select_n3A_1523 : vector<16xi1>, vector<16xf32>
    %eq3A_1649 = arith.cmpi eq, %iota3A, %and3A_1624 : vector<16xi32>
    %eq3A_1650 = arith.constant 3 : i32
    %eq3A_1651 = vector.broadcast %eq3A_1650 : i32 to vector<16xi32>
    %eq3A_1652 = arith.cmpi eq, %shift_right_logical3A_1621, %eq3A_1651 : vector<16xi32>
    %and3A_1653 = arith.andi %eq3A_1649, %eq3A_1652 : vector<16xi1>
    %jit3A_1654 = arith.constant -3.000000e+38 : f32
    %broadcast_in_dim3A_1655 = vector.broadcast %jit3A_1654 : f32 to vector<16xf32>
    %select_n3A_1656 = arith.select %and3A_1653, %broadcast_in_dim3A_1655, %select_n3A_1531 : vector<16xi1>, vector<16xf32>
    %max3A_1657 = arith.maximumf %select_n3A_1632, %select_n3A_1640 : vector<16xf32>
    %max3A_1658 = arith.maximumf %select_n3A_1648, %select_n3A_1656 : vector<16xf32>
    %max3A_1659 = arith.maximumf %max3A_1657, %max3A_1658 : vector<16xf32>
    %xor3A_1660 = arith.constant 1 : i32
    %xor3A_1661 = vector.broadcast %xor3A_1660 : i32 to vector<16xi32>
    %xor3A_1662 = arith.xori %iota3A, %xor3A_1661 : vector<16xi32>
    %broadcast_in_dim3A_1663 = vector.shape_cast %xor3A_1662 : vector<16xi32> to vector<16x1xi32>
    %gather3A_1664 = vector.shape_cast %broadcast_in_dim3A_1663 : vector<16x1xi32> to vector<16xi32>
    %gather3A_1665 = tpu.dynamic_gather %max3A_1659[%gather3A_1664] in [0] : vector<16xf32>, vector<16xi32> -> vector<16xf32>
    %max3A_1666 = arith.maximumf %max3A_1659, %gather3A_1665 : vector<16xf32>
    %xor3A_1667 = arith.constant 2 : i32
    %xor3A_1668 = vector.broadcast %xor3A_1667 : i32 to vector<16xi32>
    %xor3A_1669 = arith.xori %iota3A, %xor3A_1668 : vector<16xi32>
    %broadcast_in_dim3A_1670 = vector.shape_cast %xor3A_1669 : vector<16xi32> to vector<16x1xi32>
    %gather3A_1671 = vector.shape_cast %broadcast_in_dim3A_1670 : vector<16x1xi32> to vector<16xi32>
    %gather3A_1672 = tpu.dynamic_gather %max3A_1666[%gather3A_1671] in [0] : vector<16xf32>, vector<16xi32> -> vector<16xf32>
    %max3A_1673 = arith.maximumf %max3A_1666, %gather3A_1672 : vector<16xf32>
    %xor3A_1674 = arith.constant 4 : i32
    %xor3A_1675 = vector.broadcast %xor3A_1674 : i32 to vector<16xi32>
    %xor3A_1676 = arith.xori %iota3A, %xor3A_1675 : vector<16xi32>
    %broadcast_in_dim3A_1677 = vector.shape_cast %xor3A_1676 : vector<16xi32> to vector<16x1xi32>
    %gather3A_1678 = vector.shape_cast %broadcast_in_dim3A_1677 : vector<16x1xi32> to vector<16xi32>
    %gather3A_1679 = tpu.dynamic_gather %max3A_1673[%gather3A_1678] in [0] : vector<16xf32>, vector<16xi32> -> vector<16xf32>
    %max3A_1680 = arith.maximumf %max3A_1673, %gather3A_1679 : vector<16xf32>
    %xor3A_1681 = arith.constant 8 : i32
    %xor3A_1682 = vector.broadcast %xor3A_1681 : i32 to vector<16xi32>
    %xor3A_1683 = arith.xori %iota3A, %xor3A_1682 : vector<16xi32>
    %broadcast_in_dim3A_1684 = vector.shape_cast %xor3A_1683 : vector<16xi32> to vector<16x1xi32>
    %gather3A_1685 = vector.shape_cast %broadcast_in_dim3A_1684 : vector<16x1xi32> to vector<16xi32>
    %gather3A_1686 = tpu.dynamic_gather %max3A_1680[%gather3A_1685] in [0] : vector<16xf32>, vector<16xi32> -> vector<16xf32>
    %max3A_1687 = arith.maximumf %max3A_1680, %gather3A_1686 : vector<16xf32>
    %eq3A_1688 = arith.cmpf oeq, %select_n3A_1632, %max3A_1687 : vector<16xf32>
    %jit3A_1689 = arith.constant 64 : i32
    %broadcast_in_dim3A_1690 = vector.broadcast %jit3A_1689 : i32 to vector<16xi32>
    %select_n3A_1691 = arith.select %eq3A_1688, %iota3A, %broadcast_in_dim3A_1690 : vector<16xi1>, vector<16xi32>
    %eq3A_1692 = arith.cmpf oeq, %select_n3A_1640, %max3A_1687 : vector<16xf32>
    %add3A_1693 = arith.constant 16 : i32
    %add3A_1694 = vector.broadcast %add3A_1693 : i32 to vector<16xi32>
    %add3A_1695 = arith.addi %iota3A, %add3A_1694 : vector<16xi32>
    %jit3A_1696 = arith.constant 64 : i32
    %broadcast_in_dim3A_1697 = vector.broadcast %jit3A_1696 : i32 to vector<16xi32>
    %select_n3A_1698 = arith.select %eq3A_1692, %add3A_1695, %broadcast_in_dim3A_1697 : vector<16xi1>, vector<16xi32>
    %min3A_1699 = arith.minsi %select_n3A_1691, %select_n3A_1698 : vector<16xi32>
    %eq3A_1700 = arith.cmpf oeq, %select_n3A_1648, %max3A_1687 : vector<16xf32>
    %add3A_1701 = arith.constant 32 : i32
    %add3A_1702 = vector.broadcast %add3A_1701 : i32 to vector<16xi32>
    %add3A_1703 = arith.addi %iota3A, %add3A_1702 : vector<16xi32>
    %jit3A_1704 = arith.constant 64 : i32
    %broadcast_in_dim3A_1705 = vector.broadcast %jit3A_1704 : i32 to vector<16xi32>
    %select_n3A_1706 = arith.select %eq3A_1700, %add3A_1703, %broadcast_in_dim3A_1705 : vector<16xi1>, vector<16xi32>
    %min3A_1707 = arith.minsi %min3A_1699, %select_n3A_1706 : vector<16xi32>
    %eq3A_1708 = arith.cmpf oeq, %select_n3A_1656, %max3A_1687 : vector<16xf32>
    %add3A_1709 = arith.constant 48 : i32
    %add3A_1710 = vector.broadcast %add3A_1709 : i32 to vector<16xi32>
    %add3A_1711 = arith.addi %iota3A, %add3A_1710 : vector<16xi32>
    %jit3A_1712 = arith.constant 64 : i32
    %broadcast_in_dim3A_1713 = vector.broadcast %jit3A_1712 : i32 to vector<16xi32>
    %select_n3A_1714 = arith.select %eq3A_1708, %add3A_1711, %broadcast_in_dim3A_1713 : vector<16xi1>, vector<16xi32>
    %min3A_1715 = arith.minsi %min3A_1707, %select_n3A_1714 : vector<16xi32>
    %xor3A_1716 = arith.constant 1 : i32
    %xor3A_1717 = vector.broadcast %xor3A_1716 : i32 to vector<16xi32>
    %xor3A_1718 = arith.xori %iota3A, %xor3A_1717 : vector<16xi32>
    %broadcast_in_dim3A_1719 = vector.shape_cast %xor3A_1718 : vector<16xi32> to vector<16x1xi32>
    %gather3A_1720 = vector.shape_cast %broadcast_in_dim3A_1719 : vector<16x1xi32> to vector<16xi32>
    %gather3A_1721 = tpu.dynamic_gather %min3A_1715[%gather3A_1720] in [0] : vector<16xi32>, vector<16xi32> -> vector<16xi32>
    %min3A_1722 = arith.minsi %min3A_1715, %gather3A_1721 : vector<16xi32>
    %xor3A_1723 = arith.constant 2 : i32
    %xor3A_1724 = vector.broadcast %xor3A_1723 : i32 to vector<16xi32>
    %xor3A_1725 = arith.xori %iota3A, %xor3A_1724 : vector<16xi32>
    %broadcast_in_dim3A_1726 = vector.shape_cast %xor3A_1725 : vector<16xi32> to vector<16x1xi32>
    %gather3A_1727 = vector.shape_cast %broadcast_in_dim3A_1726 : vector<16x1xi32> to vector<16xi32>
    %gather3A_1728 = tpu.dynamic_gather %min3A_1722[%gather3A_1727] in [0] : vector<16xi32>, vector<16xi32> -> vector<16xi32>
    %min3A_1729 = arith.minsi %min3A_1722, %gather3A_1728 : vector<16xi32>
    %xor3A_1730 = arith.constant 4 : i32
    %xor3A_1731 = vector.broadcast %xor3A_1730 : i32 to vector<16xi32>
    %xor3A_1732 = arith.xori %iota3A, %xor3A_1731 : vector<16xi32>
    %broadcast_in_dim3A_1733 = vector.shape_cast %xor3A_1732 : vector<16xi32> to vector<16x1xi32>
    %gather3A_1734 = vector.shape_cast %broadcast_in_dim3A_1733 : vector<16x1xi32> to vector<16xi32>
    %gather3A_1735 = tpu.dynamic_gather %min3A_1729[%gather3A_1734] in [0] : vector<16xi32>, vector<16xi32> -> vector<16xi32>
    %min3A_1736 = arith.minsi %min3A_1729, %gather3A_1735 : vector<16xi32>
    %xor3A_1737 = arith.constant 8 : i32
    %xor3A_1738 = vector.broadcast %xor3A_1737 : i32 to vector<16xi32>
    %xor3A_1739 = arith.xori %iota3A, %xor3A_1738 : vector<16xi32>
    %broadcast_in_dim3A_1740 = vector.shape_cast %xor3A_1739 : vector<16xi32> to vector<16x1xi32>
    %gather3A_1741 = vector.shape_cast %broadcast_in_dim3A_1740 : vector<16x1xi32> to vector<16xi32>
    %gather3A_1742 = tpu.dynamic_gather %min3A_1736[%gather3A_1741] in [0] : vector<16xi32>, vector<16xi32> -> vector<16xi32>
    %min3A_1743 = arith.minsi %min3A_1736, %gather3A_1742 : vector<16xi32>
    %shift_right_logical3A_1744 = arith.constant 4 : i32
    %shift_right_logical3A_1745 = vector.broadcast %shift_right_logical3A_1744 : i32 to vector<16xi32>
    %shift_right_logical3A_1746 = arith.shrui %min3A_1743, %shift_right_logical3A_1745 : vector<16xi32>
    %and3A_1747 = arith.constant 15 : i32
    %and3A_1748 = vector.broadcast %and3A_1747 : i32 to vector<16xi32>
    %and3A_1749 = arith.andi %min3A_1743, %and3A_1748 : vector<16xi32>
    %eq3A_1750 = arith.cmpi eq, %iota3A, %and3A_1749 : vector<16xi32>
    %eq3A_1751 = arith.constant 0 : i32
    %eq3A_1752 = vector.broadcast %eq3A_1751 : i32 to vector<16xi32>
    %eq3A_1753 = arith.cmpi eq, %shift_right_logical3A_1746, %eq3A_1752 : vector<16xi32>
    %and3A_1754 = arith.andi %eq3A_1750, %eq3A_1753 : vector<16xi1>
    %jit3A_1755 = arith.constant -3.000000e+38 : f32
    %broadcast_in_dim3A_1756 = vector.broadcast %jit3A_1755 : f32 to vector<16xf32>
    %select_n3A_1757 = arith.select %and3A_1754, %broadcast_in_dim3A_1756, %select_n3A_1632 : vector<16xi1>, vector<16xf32>
    %eq3A_1758 = arith.cmpi eq, %iota3A, %and3A_1749 : vector<16xi32>
    %eq3A_1759 = arith.constant 1 : i32
    %eq3A_1760 = vector.broadcast %eq3A_1759 : i32 to vector<16xi32>
    %eq3A_1761 = arith.cmpi eq, %shift_right_logical3A_1746, %eq3A_1760 : vector<16xi32>
    %and3A_1762 = arith.andi %eq3A_1758, %eq3A_1761 : vector<16xi1>
    %jit3A_1763 = arith.constant -3.000000e+38 : f32
    %broadcast_in_dim3A_1764 = vector.broadcast %jit3A_1763 : f32 to vector<16xf32>
    %select_n3A_1765 = arith.select %and3A_1762, %broadcast_in_dim3A_1764, %select_n3A_1640 : vector<16xi1>, vector<16xf32>
    %eq3A_1766 = arith.cmpi eq, %iota3A, %and3A_1749 : vector<16xi32>
    %eq3A_1767 = arith.constant 2 : i32
    %eq3A_1768 = vector.broadcast %eq3A_1767 : i32 to vector<16xi32>
    %eq3A_1769 = arith.cmpi eq, %shift_right_logical3A_1746, %eq3A_1768 : vector<16xi32>
    %and3A_1770 = arith.andi %eq3A_1766, %eq3A_1769 : vector<16xi1>
    %jit3A_1771 = arith.constant -3.000000e+38 : f32
    %broadcast_in_dim3A_1772 = vector.broadcast %jit3A_1771 : f32 to vector<16xf32>
    %select_n3A_1773 = arith.select %and3A_1770, %broadcast_in_dim3A_1772, %select_n3A_1648 : vector<16xi1>, vector<16xf32>
    %eq3A_1774 = arith.cmpi eq, %iota3A, %and3A_1749 : vector<16xi32>
    %eq3A_1775 = arith.constant 3 : i32
    %eq3A_1776 = vector.broadcast %eq3A_1775 : i32 to vector<16xi32>
    %eq3A_1777 = arith.cmpi eq, %shift_right_logical3A_1746, %eq3A_1776 : vector<16xi32>
    %and3A_1778 = arith.andi %eq3A_1774, %eq3A_1777 : vector<16xi1>
    %jit3A_1779 = arith.constant -3.000000e+38 : f32
    %broadcast_in_dim3A_1780 = vector.broadcast %jit3A_1779 : f32 to vector<16xf32>
    %select_n3A_1781 = arith.select %and3A_1778, %broadcast_in_dim3A_1780, %select_n3A_1656 : vector<16xi1>, vector<16xf32>
    %max3A_1782 = arith.maximumf %select_n3A_1757, %select_n3A_1765 : vector<16xf32>
    %max3A_1783 = arith.maximumf %select_n3A_1773, %select_n3A_1781 : vector<16xf32>
    %max3A_1784 = arith.maximumf %max3A_1782, %max3A_1783 : vector<16xf32>
    %xor3A_1785 = arith.constant 1 : i32
    %xor3A_1786 = vector.broadcast %xor3A_1785 : i32 to vector<16xi32>
    %xor3A_1787 = arith.xori %iota3A, %xor3A_1786 : vector<16xi32>
    %broadcast_in_dim3A_1788 = vector.shape_cast %xor3A_1787 : vector<16xi32> to vector<16x1xi32>
    %gather3A_1789 = vector.shape_cast %broadcast_in_dim3A_1788 : vector<16x1xi32> to vector<16xi32>
    %gather3A_1790 = tpu.dynamic_gather %max3A_1784[%gather3A_1789] in [0] : vector<16xf32>, vector<16xi32> -> vector<16xf32>
    %max3A_1791 = arith.maximumf %max3A_1784, %gather3A_1790 : vector<16xf32>
    %xor3A_1792 = arith.constant 2 : i32
    %xor3A_1793 = vector.broadcast %xor3A_1792 : i32 to vector<16xi32>
    %xor3A_1794 = arith.xori %iota3A, %xor3A_1793 : vector<16xi32>
    %broadcast_in_dim3A_1795 = vector.shape_cast %xor3A_1794 : vector<16xi32> to vector<16x1xi32>
    %gather3A_1796 = vector.shape_cast %broadcast_in_dim3A_1795 : vector<16x1xi32> to vector<16xi32>
    %gather3A_1797 = tpu.dynamic_gather %max3A_1791[%gather3A_1796] in [0] : vector<16xf32>, vector<16xi32> -> vector<16xf32>
    %max3A_1798 = arith.maximumf %max3A_1791, %gather3A_1797 : vector<16xf32>
    %xor3A_1799 = arith.constant 4 : i32
    %xor3A_1800 = vector.broadcast %xor3A_1799 : i32 to vector<16xi32>
    %xor3A_1801 = arith.xori %iota3A, %xor3A_1800 : vector<16xi32>
    %broadcast_in_dim3A_1802 = vector.shape_cast %xor3A_1801 : vector<16xi32> to vector<16x1xi32>
    %gather3A_1803 = vector.shape_cast %broadcast_in_dim3A_1802 : vector<16x1xi32> to vector<16xi32>
    %gather3A_1804 = tpu.dynamic_gather %max3A_1798[%gather3A_1803] in [0] : vector<16xf32>, vector<16xi32> -> vector<16xf32>
    %max3A_1805 = arith.maximumf %max3A_1798, %gather3A_1804 : vector<16xf32>
    %xor3A_1806 = arith.constant 8 : i32
    %xor3A_1807 = vector.broadcast %xor3A_1806 : i32 to vector<16xi32>
    %xor3A_1808 = arith.xori %iota3A, %xor3A_1807 : vector<16xi32>
    %broadcast_in_dim3A_1809 = vector.shape_cast %xor3A_1808 : vector<16xi32> to vector<16x1xi32>
    %gather3A_1810 = vector.shape_cast %broadcast_in_dim3A_1809 : vector<16x1xi32> to vector<16xi32>
    %gather3A_1811 = tpu.dynamic_gather %max3A_1805[%gather3A_1810] in [0] : vector<16xf32>, vector<16xi32> -> vector<16xf32>
    %max3A_1812 = arith.maximumf %max3A_1805, %gather3A_1811 : vector<16xf32>
    %eq3A_1813 = arith.cmpf oeq, %select_n3A_1757, %max3A_1812 : vector<16xf32>
    %jit3A_1814 = arith.constant 64 : i32
    %broadcast_in_dim3A_1815 = vector.broadcast %jit3A_1814 : i32 to vector<16xi32>
    %select_n3A_1816 = arith.select %eq3A_1813, %iota3A, %broadcast_in_dim3A_1815 : vector<16xi1>, vector<16xi32>
    %eq3A_1817 = arith.cmpf oeq, %select_n3A_1765, %max3A_1812 : vector<16xf32>
    %add3A_1818 = arith.constant 16 : i32
    %add3A_1819 = vector.broadcast %add3A_1818 : i32 to vector<16xi32>
    %add3A_1820 = arith.addi %iota3A, %add3A_1819 : vector<16xi32>
    %jit3A_1821 = arith.constant 64 : i32
    %broadcast_in_dim3A_1822 = vector.broadcast %jit3A_1821 : i32 to vector<16xi32>
    %select_n3A_1823 = arith.select %eq3A_1817, %add3A_1820, %broadcast_in_dim3A_1822 : vector<16xi1>, vector<16xi32>
    %min3A_1824 = arith.minsi %select_n3A_1816, %select_n3A_1823 : vector<16xi32>
    %eq3A_1825 = arith.cmpf oeq, %select_n3A_1773, %max3A_1812 : vector<16xf32>
    %add3A_1826 = arith.constant 32 : i32
    %add3A_1827 = vector.broadcast %add3A_1826 : i32 to vector<16xi32>
    %add3A_1828 = arith.addi %iota3A, %add3A_1827 : vector<16xi32>
    %jit3A_1829 = arith.constant 64 : i32
    %broadcast_in_dim3A_1830 = vector.broadcast %jit3A_1829 : i32 to vector<16xi32>
    %select_n3A_1831 = arith.select %eq3A_1825, %add3A_1828, %broadcast_in_dim3A_1830 : vector<16xi1>, vector<16xi32>
    %min3A_1832 = arith.minsi %min3A_1824, %select_n3A_1831 : vector<16xi32>
    %eq3A_1833 = arith.cmpf oeq, %select_n3A_1781, %max3A_1812 : vector<16xf32>
    %add3A_1834 = arith.constant 48 : i32
    %add3A_1835 = vector.broadcast %add3A_1834 : i32 to vector<16xi32>
    %add3A_1836 = arith.addi %iota3A, %add3A_1835 : vector<16xi32>
    %jit3A_1837 = arith.constant 64 : i32
    %broadcast_in_dim3A_1838 = vector.broadcast %jit3A_1837 : i32 to vector<16xi32>
    %select_n3A_1839 = arith.select %eq3A_1833, %add3A_1836, %broadcast_in_dim3A_1838 : vector<16xi1>, vector<16xi32>
    %min3A_1840 = arith.minsi %min3A_1832, %select_n3A_1839 : vector<16xi32>
    %xor3A_1841 = arith.constant 1 : i32
    %xor3A_1842 = vector.broadcast %xor3A_1841 : i32 to vector<16xi32>
    %xor3A_1843 = arith.xori %iota3A, %xor3A_1842 : vector<16xi32>
    %broadcast_in_dim3A_1844 = vector.shape_cast %xor3A_1843 : vector<16xi32> to vector<16x1xi32>
    %gather3A_1845 = vector.shape_cast %broadcast_in_dim3A_1844 : vector<16x1xi32> to vector<16xi32>
    %gather3A_1846 = tpu.dynamic_gather %min3A_1840[%gather3A_1845] in [0] : vector<16xi32>, vector<16xi32> -> vector<16xi32>
    %min3A_1847 = arith.minsi %min3A_1840, %gather3A_1846 : vector<16xi32>
    %xor3A_1848 = arith.constant 2 : i32
    %xor3A_1849 = vector.broadcast %xor3A_1848 : i32 to vector<16xi32>
    %xor3A_1850 = arith.xori %iota3A, %xor3A_1849 : vector<16xi32>
    %broadcast_in_dim3A_1851 = vector.shape_cast %xor3A_1850 : vector<16xi32> to vector<16x1xi32>
    %gather3A_1852 = vector.shape_cast %broadcast_in_dim3A_1851 : vector<16x1xi32> to vector<16xi32>
    %gather3A_1853 = tpu.dynamic_gather %min3A_1847[%gather3A_1852] in [0] : vector<16xi32>, vector<16xi32> -> vector<16xi32>
    %min3A_1854 = arith.minsi %min3A_1847, %gather3A_1853 : vector<16xi32>
    %xor3A_1855 = arith.constant 4 : i32
    %xor3A_1856 = vector.broadcast %xor3A_1855 : i32 to vector<16xi32>
    %xor3A_1857 = arith.xori %iota3A, %xor3A_1856 : vector<16xi32>
    %broadcast_in_dim3A_1858 = vector.shape_cast %xor3A_1857 : vector<16xi32> to vector<16x1xi32>
    %gather3A_1859 = vector.shape_cast %broadcast_in_dim3A_1858 : vector<16x1xi32> to vector<16xi32>
    %gather3A_1860 = tpu.dynamic_gather %min3A_1854[%gather3A_1859] in [0] : vector<16xi32>, vector<16xi32> -> vector<16xi32>
    %min3A_1861 = arith.minsi %min3A_1854, %gather3A_1860 : vector<16xi32>
    %xor3A_1862 = arith.constant 8 : i32
    %xor3A_1863 = vector.broadcast %xor3A_1862 : i32 to vector<16xi32>
    %xor3A_1864 = arith.xori %iota3A, %xor3A_1863 : vector<16xi32>
    %broadcast_in_dim3A_1865 = vector.shape_cast %xor3A_1864 : vector<16xi32> to vector<16x1xi32>
    %gather3A_1866 = vector.shape_cast %broadcast_in_dim3A_1865 : vector<16x1xi32> to vector<16xi32>
    %gather3A_1867 = tpu.dynamic_gather %min3A_1861[%gather3A_1866] in [0] : vector<16xi32>, vector<16xi32> -> vector<16xi32>
    %min3A_1868 = arith.minsi %min3A_1861, %gather3A_1867 : vector<16xi32>
    %shift_right_logical3A_1869 = arith.constant 4 : i32
    %shift_right_logical3A_1870 = vector.broadcast %shift_right_logical3A_1869 : i32 to vector<16xi32>
    %shift_right_logical3A_1871 = arith.shrui %min3A_1868, %shift_right_logical3A_1870 : vector<16xi32>
    %and3A_1872 = arith.constant 15 : i32
    %and3A_1873 = vector.broadcast %and3A_1872 : i32 to vector<16xi32>
    %and3A_1874 = arith.andi %min3A_1868, %and3A_1873 : vector<16xi32>
    %eq3A_1875 = arith.cmpi eq, %iota3A, %and3A_1874 : vector<16xi32>
    %eq3A_1876 = arith.constant 0 : i32
    %eq3A_1877 = vector.broadcast %eq3A_1876 : i32 to vector<16xi32>
    %eq3A_1878 = arith.cmpi eq, %shift_right_logical3A_1871, %eq3A_1877 : vector<16xi32>
    %and3A_1879 = arith.andi %eq3A_1875, %eq3A_1878 : vector<16xi1>
    %jit3A_1880 = arith.constant -3.000000e+38 : f32
    %broadcast_in_dim3A_1881 = vector.broadcast %jit3A_1880 : f32 to vector<16xf32>
    %select_n3A_1882 = arith.select %and3A_1879, %broadcast_in_dim3A_1881, %select_n3A_1757 : vector<16xi1>, vector<16xf32>
    %eq3A_1883 = arith.cmpi eq, %iota3A, %and3A_1874 : vector<16xi32>
    %eq3A_1884 = arith.constant 1 : i32
    %eq3A_1885 = vector.broadcast %eq3A_1884 : i32 to vector<16xi32>
    %eq3A_1886 = arith.cmpi eq, %shift_right_logical3A_1871, %eq3A_1885 : vector<16xi32>
    %and3A_1887 = arith.andi %eq3A_1883, %eq3A_1886 : vector<16xi1>
    %jit3A_1888 = arith.constant -3.000000e+38 : f32
    %broadcast_in_dim3A_1889 = vector.broadcast %jit3A_1888 : f32 to vector<16xf32>
    %select_n3A_1890 = arith.select %and3A_1887, %broadcast_in_dim3A_1889, %select_n3A_1765 : vector<16xi1>, vector<16xf32>
    %eq3A_1891 = arith.cmpi eq, %iota3A, %and3A_1874 : vector<16xi32>
    %eq3A_1892 = arith.constant 2 : i32
    %eq3A_1893 = vector.broadcast %eq3A_1892 : i32 to vector<16xi32>
    %eq3A_1894 = arith.cmpi eq, %shift_right_logical3A_1871, %eq3A_1893 : vector<16xi32>
    %and3A_1895 = arith.andi %eq3A_1891, %eq3A_1894 : vector<16xi1>
    %jit3A_1896 = arith.constant -3.000000e+38 : f32
    %broadcast_in_dim3A_1897 = vector.broadcast %jit3A_1896 : f32 to vector<16xf32>
    %select_n3A_1898 = arith.select %and3A_1895, %broadcast_in_dim3A_1897, %select_n3A_1773 : vector<16xi1>, vector<16xf32>
    %eq3A_1899 = arith.cmpi eq, %iota3A, %and3A_1874 : vector<16xi32>
    %eq3A_1900 = arith.constant 3 : i32
    %eq3A_1901 = vector.broadcast %eq3A_1900 : i32 to vector<16xi32>
    %eq3A_1902 = arith.cmpi eq, %shift_right_logical3A_1871, %eq3A_1901 : vector<16xi32>
    %and3A_1903 = arith.andi %eq3A_1899, %eq3A_1902 : vector<16xi1>
    %jit3A_1904 = arith.constant -3.000000e+38 : f32
    %broadcast_in_dim3A_1905 = vector.broadcast %jit3A_1904 : f32 to vector<16xf32>
    %select_n3A_1906 = arith.select %and3A_1903, %broadcast_in_dim3A_1905, %select_n3A_1781 : vector<16xi1>, vector<16xf32>
    %max3A_1907 = arith.maximumf %select_n3A_1882, %select_n3A_1890 : vector<16xf32>
    %max3A_1908 = arith.maximumf %select_n3A_1898, %select_n3A_1906 : vector<16xf32>
    %max3A_1909 = arith.maximumf %max3A_1907, %max3A_1908 : vector<16xf32>
    %xor3A_1910 = arith.constant 1 : i32
    %xor3A_1911 = vector.broadcast %xor3A_1910 : i32 to vector<16xi32>
    %xor3A_1912 = arith.xori %iota3A, %xor3A_1911 : vector<16xi32>
    %broadcast_in_dim3A_1913 = vector.shape_cast %xor3A_1912 : vector<16xi32> to vector<16x1xi32>
    %gather3A_1914 = vector.shape_cast %broadcast_in_dim3A_1913 : vector<16x1xi32> to vector<16xi32>
    %gather3A_1915 = tpu.dynamic_gather %max3A_1909[%gather3A_1914] in [0] : vector<16xf32>, vector<16xi32> -> vector<16xf32>
    %max3A_1916 = arith.maximumf %max3A_1909, %gather3A_1915 : vector<16xf32>
    %xor3A_1917 = arith.constant 2 : i32
    %xor3A_1918 = vector.broadcast %xor3A_1917 : i32 to vector<16xi32>
    %xor3A_1919 = arith.xori %iota3A, %xor3A_1918 : vector<16xi32>
    %broadcast_in_dim3A_1920 = vector.shape_cast %xor3A_1919 : vector<16xi32> to vector<16x1xi32>
    %gather3A_1921 = vector.shape_cast %broadcast_in_dim3A_1920 : vector<16x1xi32> to vector<16xi32>
    %gather3A_1922 = tpu.dynamic_gather %max3A_1916[%gather3A_1921] in [0] : vector<16xf32>, vector<16xi32> -> vector<16xf32>
    %max3A_1923 = arith.maximumf %max3A_1916, %gather3A_1922 : vector<16xf32>
    %xor3A_1924 = arith.constant 4 : i32
    %xor3A_1925 = vector.broadcast %xor3A_1924 : i32 to vector<16xi32>
    %xor3A_1926 = arith.xori %iota3A, %xor3A_1925 : vector<16xi32>
    %broadcast_in_dim3A_1927 = vector.shape_cast %xor3A_1926 : vector<16xi32> to vector<16x1xi32>
    %gather3A_1928 = vector.shape_cast %broadcast_in_dim3A_1927 : vector<16x1xi32> to vector<16xi32>
    %gather3A_1929 = tpu.dynamic_gather %max3A_1923[%gather3A_1928] in [0] : vector<16xf32>, vector<16xi32> -> vector<16xf32>
    %max3A_1930 = arith.maximumf %max3A_1923, %gather3A_1929 : vector<16xf32>
    %xor3A_1931 = arith.constant 8 : i32
    %xor3A_1932 = vector.broadcast %xor3A_1931 : i32 to vector<16xi32>
    %xor3A_1933 = arith.xori %iota3A, %xor3A_1932 : vector<16xi32>
    %broadcast_in_dim3A_1934 = vector.shape_cast %xor3A_1933 : vector<16xi32> to vector<16x1xi32>
    %gather3A_1935 = vector.shape_cast %broadcast_in_dim3A_1934 : vector<16x1xi32> to vector<16xi32>
    %gather3A_1936 = tpu.dynamic_gather %max3A_1930[%gather3A_1935] in [0] : vector<16xf32>, vector<16xi32> -> vector<16xf32>
    %max3A_1937 = arith.maximumf %max3A_1930, %gather3A_1936 : vector<16xf32>
    %eq3A_1938 = arith.cmpf oeq, %select_n3A_1882, %max3A_1937 : vector<16xf32>
    %jit3A_1939 = arith.constant 64 : i32
    %broadcast_in_dim3A_1940 = vector.broadcast %jit3A_1939 : i32 to vector<16xi32>
    %select_n3A_1941 = arith.select %eq3A_1938, %iota3A, %broadcast_in_dim3A_1940 : vector<16xi1>, vector<16xi32>
    %eq3A_1942 = arith.cmpf oeq, %select_n3A_1890, %max3A_1937 : vector<16xf32>
    %add3A_1943 = arith.constant 16 : i32
    %add3A_1944 = vector.broadcast %add3A_1943 : i32 to vector<16xi32>
    %add3A_1945 = arith.addi %iota3A, %add3A_1944 : vector<16xi32>
    %jit3A_1946 = arith.constant 64 : i32
    %broadcast_in_dim3A_1947 = vector.broadcast %jit3A_1946 : i32 to vector<16xi32>
    %select_n3A_1948 = arith.select %eq3A_1942, %add3A_1945, %broadcast_in_dim3A_1947 : vector<16xi1>, vector<16xi32>
    %min3A_1949 = arith.minsi %select_n3A_1941, %select_n3A_1948 : vector<16xi32>
    %eq3A_1950 = arith.cmpf oeq, %select_n3A_1898, %max3A_1937 : vector<16xf32>
    %add3A_1951 = arith.constant 32 : i32
    %add3A_1952 = vector.broadcast %add3A_1951 : i32 to vector<16xi32>
    %add3A_1953 = arith.addi %iota3A, %add3A_1952 : vector<16xi32>
    %jit3A_1954 = arith.constant 64 : i32
    %broadcast_in_dim3A_1955 = vector.broadcast %jit3A_1954 : i32 to vector<16xi32>
    %select_n3A_1956 = arith.select %eq3A_1950, %add3A_1953, %broadcast_in_dim3A_1955 : vector<16xi1>, vector<16xi32>
    %min3A_1957 = arith.minsi %min3A_1949, %select_n3A_1956 : vector<16xi32>
    %eq3A_1958 = arith.cmpf oeq, %select_n3A_1906, %max3A_1937 : vector<16xf32>
    %add3A_1959 = arith.constant 48 : i32
    %add3A_1960 = vector.broadcast %add3A_1959 : i32 to vector<16xi32>
    %add3A_1961 = arith.addi %iota3A, %add3A_1960 : vector<16xi32>
    %jit3A_1962 = arith.constant 64 : i32
    %broadcast_in_dim3A_1963 = vector.broadcast %jit3A_1962 : i32 to vector<16xi32>
    %select_n3A_1964 = arith.select %eq3A_1958, %add3A_1961, %broadcast_in_dim3A_1963 : vector<16xi1>, vector<16xi32>
    %min3A_1965 = arith.minsi %min3A_1957, %select_n3A_1964 : vector<16xi32>
    %xor3A_1966 = arith.constant 1 : i32
    %xor3A_1967 = vector.broadcast %xor3A_1966 : i32 to vector<16xi32>
    %xor3A_1968 = arith.xori %iota3A, %xor3A_1967 : vector<16xi32>
    %broadcast_in_dim3A_1969 = vector.shape_cast %xor3A_1968 : vector<16xi32> to vector<16x1xi32>
    %gather3A_1970 = vector.shape_cast %broadcast_in_dim3A_1969 : vector<16x1xi32> to vector<16xi32>
    %gather3A_1971 = tpu.dynamic_gather %min3A_1965[%gather3A_1970] in [0] : vector<16xi32>, vector<16xi32> -> vector<16xi32>
    %min3A_1972 = arith.minsi %min3A_1965, %gather3A_1971 : vector<16xi32>
    %xor3A_1973 = arith.constant 2 : i32
    %xor3A_1974 = vector.broadcast %xor3A_1973 : i32 to vector<16xi32>
    %xor3A_1975 = arith.xori %iota3A, %xor3A_1974 : vector<16xi32>
    %broadcast_in_dim3A_1976 = vector.shape_cast %xor3A_1975 : vector<16xi32> to vector<16x1xi32>
    %gather3A_1977 = vector.shape_cast %broadcast_in_dim3A_1976 : vector<16x1xi32> to vector<16xi32>
    %gather3A_1978 = tpu.dynamic_gather %min3A_1972[%gather3A_1977] in [0] : vector<16xi32>, vector<16xi32> -> vector<16xi32>
    %min3A_1979 = arith.minsi %min3A_1972, %gather3A_1978 : vector<16xi32>
    %xor3A_1980 = arith.constant 4 : i32
    %xor3A_1981 = vector.broadcast %xor3A_1980 : i32 to vector<16xi32>
    %xor3A_1982 = arith.xori %iota3A, %xor3A_1981 : vector<16xi32>
    %broadcast_in_dim3A_1983 = vector.shape_cast %xor3A_1982 : vector<16xi32> to vector<16x1xi32>
    %gather3A_1984 = vector.shape_cast %broadcast_in_dim3A_1983 : vector<16x1xi32> to vector<16xi32>
    %gather3A_1985 = tpu.dynamic_gather %min3A_1979[%gather3A_1984] in [0] : vector<16xi32>, vector<16xi32> -> vector<16xi32>
    %min3A_1986 = arith.minsi %min3A_1979, %gather3A_1985 : vector<16xi32>
    %xor3A_1987 = arith.constant 8 : i32
    %xor3A_1988 = vector.broadcast %xor3A_1987 : i32 to vector<16xi32>
    %xor3A_1989 = arith.xori %iota3A, %xor3A_1988 : vector<16xi32>
    %broadcast_in_dim3A_1990 = vector.shape_cast %xor3A_1989 : vector<16xi32> to vector<16x1xi32>
    %gather3A_1991 = vector.shape_cast %broadcast_in_dim3A_1990 : vector<16x1xi32> to vector<16xi32>
    %gather3A_1992 = tpu.dynamic_gather %min3A_1986[%gather3A_1991] in [0] : vector<16xi32>, vector<16xi32> -> vector<16xi32>
    %min3A_1993 = arith.minsi %min3A_1986, %gather3A_1992 : vector<16xi32>
    %shift_right_logical3A_1994 = arith.constant 4 : i32
    %shift_right_logical3A_1995 = vector.broadcast %shift_right_logical3A_1994 : i32 to vector<16xi32>
    %shift_right_logical3A_1996 = arith.shrui %min3A_1993, %shift_right_logical3A_1995 : vector<16xi32>
    %and3A_1997 = arith.constant 15 : i32
    %and3A_1998 = vector.broadcast %and3A_1997 : i32 to vector<16xi32>
    %and3A_1999 = arith.andi %min3A_1993, %and3A_1998 : vector<16xi32>
    %eq3A_2000 = arith.cmpi eq, %iota3A, %and3A_1999 : vector<16xi32>
    %eq3A_2001 = arith.constant 0 : i32
    %eq3A_2002 = vector.broadcast %eq3A_2001 : i32 to vector<16xi32>
    %eq3A_2003 = arith.cmpi eq, %shift_right_logical3A_1996, %eq3A_2002 : vector<16xi32>
    %and3A_2004 = arith.andi %eq3A_2000, %eq3A_2003 : vector<16xi1>
    %jit3A_2005 = arith.constant -3.000000e+38 : f32
    %broadcast_in_dim3A_2006 = vector.broadcast %jit3A_2005 : f32 to vector<16xf32>
    %select_n3A_2007 = arith.select %and3A_2004, %broadcast_in_dim3A_2006, %select_n3A_1882 : vector<16xi1>, vector<16xf32>
    %eq3A_2008 = arith.cmpi eq, %iota3A, %and3A_1999 : vector<16xi32>
    %eq3A_2009 = arith.constant 1 : i32
    %eq3A_2010 = vector.broadcast %eq3A_2009 : i32 to vector<16xi32>
    %eq3A_2011 = arith.cmpi eq, %shift_right_logical3A_1996, %eq3A_2010 : vector<16xi32>
    %and3A_2012 = arith.andi %eq3A_2008, %eq3A_2011 : vector<16xi1>
    %jit3A_2013 = arith.constant -3.000000e+38 : f32
    %broadcast_in_dim3A_2014 = vector.broadcast %jit3A_2013 : f32 to vector<16xf32>
    %select_n3A_2015 = arith.select %and3A_2012, %broadcast_in_dim3A_2014, %select_n3A_1890 : vector<16xi1>, vector<16xf32>
    %eq3A_2016 = arith.cmpi eq, %iota3A, %and3A_1999 : vector<16xi32>
    %eq3A_2017 = arith.constant 2 : i32
    %eq3A_2018 = vector.broadcast %eq3A_2017 : i32 to vector<16xi32>
    %eq3A_2019 = arith.cmpi eq, %shift_right_logical3A_1996, %eq3A_2018 : vector<16xi32>
    %and3A_2020 = arith.andi %eq3A_2016, %eq3A_2019 : vector<16xi1>
    %jit3A_2021 = arith.constant -3.000000e+38 : f32
    %broadcast_in_dim3A_2022 = vector.broadcast %jit3A_2021 : f32 to vector<16xf32>
    %select_n3A_2023 = arith.select %and3A_2020, %broadcast_in_dim3A_2022, %select_n3A_1898 : vector<16xi1>, vector<16xf32>
    %eq3A_2024 = arith.cmpi eq, %iota3A, %and3A_1999 : vector<16xi32>
    %eq3A_2025 = arith.constant 3 : i32
    %eq3A_2026 = vector.broadcast %eq3A_2025 : i32 to vector<16xi32>
    %eq3A_2027 = arith.cmpi eq, %shift_right_logical3A_1996, %eq3A_2026 : vector<16xi32>
    %and3A_2028 = arith.andi %eq3A_2024, %eq3A_2027 : vector<16xi1>
    %jit3A_2029 = arith.constant -3.000000e+38 : f32
    %broadcast_in_dim3A_2030 = vector.broadcast %jit3A_2029 : f32 to vector<16xf32>
    %select_n3A_2031 = arith.select %and3A_2028, %broadcast_in_dim3A_2030, %select_n3A_1906 : vector<16xi1>, vector<16xf32>
    %max3A_2032 = arith.maximumf %select_n3A_2007, %select_n3A_2015 : vector<16xf32>
    %max3A_2033 = arith.maximumf %select_n3A_2023, %select_n3A_2031 : vector<16xf32>
    %max3A_2034 = arith.maximumf %max3A_2032, %max3A_2033 : vector<16xf32>
    %xor3A_2035 = arith.constant 1 : i32
    %xor3A_2036 = vector.broadcast %xor3A_2035 : i32 to vector<16xi32>
    %xor3A_2037 = arith.xori %iota3A, %xor3A_2036 : vector<16xi32>
    %broadcast_in_dim3A_2038 = vector.shape_cast %xor3A_2037 : vector<16xi32> to vector<16x1xi32>
    %gather3A_2039 = vector.shape_cast %broadcast_in_dim3A_2038 : vector<16x1xi32> to vector<16xi32>
    %gather3A_2040 = tpu.dynamic_gather %max3A_2034[%gather3A_2039] in [0] : vector<16xf32>, vector<16xi32> -> vector<16xf32>
    %max3A_2041 = arith.maximumf %max3A_2034, %gather3A_2040 : vector<16xf32>
    %xor3A_2042 = arith.constant 2 : i32
    %xor3A_2043 = vector.broadcast %xor3A_2042 : i32 to vector<16xi32>
    %xor3A_2044 = arith.xori %iota3A, %xor3A_2043 : vector<16xi32>
    %broadcast_in_dim3A_2045 = vector.shape_cast %xor3A_2044 : vector<16xi32> to vector<16x1xi32>
    %gather3A_2046 = vector.shape_cast %broadcast_in_dim3A_2045 : vector<16x1xi32> to vector<16xi32>
    %gather3A_2047 = tpu.dynamic_gather %max3A_2041[%gather3A_2046] in [0] : vector<16xf32>, vector<16xi32> -> vector<16xf32>
    %max3A_2048 = arith.maximumf %max3A_2041, %gather3A_2047 : vector<16xf32>
    %xor3A_2049 = arith.constant 4 : i32
    %xor3A_2050 = vector.broadcast %xor3A_2049 : i32 to vector<16xi32>
    %xor3A_2051 = arith.xori %iota3A, %xor3A_2050 : vector<16xi32>
    %broadcast_in_dim3A_2052 = vector.shape_cast %xor3A_2051 : vector<16xi32> to vector<16x1xi32>
    %gather3A_2053 = vector.shape_cast %broadcast_in_dim3A_2052 : vector<16x1xi32> to vector<16xi32>
    %gather3A_2054 = tpu.dynamic_gather %max3A_2048[%gather3A_2053] in [0] : vector<16xf32>, vector<16xi32> -> vector<16xf32>
    %max3A_2055 = arith.maximumf %max3A_2048, %gather3A_2054 : vector<16xf32>
    %xor3A_2056 = arith.constant 8 : i32
    %xor3A_2057 = vector.broadcast %xor3A_2056 : i32 to vector<16xi32>
    %xor3A_2058 = arith.xori %iota3A, %xor3A_2057 : vector<16xi32>
    %broadcast_in_dim3A_2059 = vector.shape_cast %xor3A_2058 : vector<16xi32> to vector<16x1xi32>
    %gather3A_2060 = vector.shape_cast %broadcast_in_dim3A_2059 : vector<16x1xi32> to vector<16xi32>
    %gather3A_2061 = tpu.dynamic_gather %max3A_2055[%gather3A_2060] in [0] : vector<16xf32>, vector<16xi32> -> vector<16xf32>
    %max3A_2062 = arith.maximumf %max3A_2055, %gather3A_2061 : vector<16xf32>
    %eq3A_2063 = arith.cmpf oeq, %select_n3A_2007, %max3A_2062 : vector<16xf32>
    %jit3A_2064 = arith.constant 64 : i32
    %broadcast_in_dim3A_2065 = vector.broadcast %jit3A_2064 : i32 to vector<16xi32>
    %select_n3A_2066 = arith.select %eq3A_2063, %iota3A, %broadcast_in_dim3A_2065 : vector<16xi1>, vector<16xi32>
    %eq3A_2067 = arith.cmpf oeq, %select_n3A_2015, %max3A_2062 : vector<16xf32>
    %add3A_2068 = arith.constant 16 : i32
    %add3A_2069 = vector.broadcast %add3A_2068 : i32 to vector<16xi32>
    %add3A_2070 = arith.addi %iota3A, %add3A_2069 : vector<16xi32>
    %jit3A_2071 = arith.constant 64 : i32
    %broadcast_in_dim3A_2072 = vector.broadcast %jit3A_2071 : i32 to vector<16xi32>
    %select_n3A_2073 = arith.select %eq3A_2067, %add3A_2070, %broadcast_in_dim3A_2072 : vector<16xi1>, vector<16xi32>
    %min3A_2074 = arith.minsi %select_n3A_2066, %select_n3A_2073 : vector<16xi32>
    %eq3A_2075 = arith.cmpf oeq, %select_n3A_2023, %max3A_2062 : vector<16xf32>
    %add3A_2076 = arith.constant 32 : i32
    %add3A_2077 = vector.broadcast %add3A_2076 : i32 to vector<16xi32>
    %add3A_2078 = arith.addi %iota3A, %add3A_2077 : vector<16xi32>
    %jit3A_2079 = arith.constant 64 : i32
    %broadcast_in_dim3A_2080 = vector.broadcast %jit3A_2079 : i32 to vector<16xi32>
    %select_n3A_2081 = arith.select %eq3A_2075, %add3A_2078, %broadcast_in_dim3A_2080 : vector<16xi1>, vector<16xi32>
    %min3A_2082 = arith.minsi %min3A_2074, %select_n3A_2081 : vector<16xi32>
    %eq3A_2083 = arith.cmpf oeq, %select_n3A_2031, %max3A_2062 : vector<16xf32>
    %add3A_2084 = arith.constant 48 : i32
    %add3A_2085 = vector.broadcast %add3A_2084 : i32 to vector<16xi32>
    %add3A_2086 = arith.addi %iota3A, %add3A_2085 : vector<16xi32>
    %jit3A_2087 = arith.constant 64 : i32
    %broadcast_in_dim3A_2088 = vector.broadcast %jit3A_2087 : i32 to vector<16xi32>
    %select_n3A_2089 = arith.select %eq3A_2083, %add3A_2086, %broadcast_in_dim3A_2088 : vector<16xi1>, vector<16xi32>
    %min3A_2090 = arith.minsi %min3A_2082, %select_n3A_2089 : vector<16xi32>
    %xor3A_2091 = arith.constant 1 : i32
    %xor3A_2092 = vector.broadcast %xor3A_2091 : i32 to vector<16xi32>
    %xor3A_2093 = arith.xori %iota3A, %xor3A_2092 : vector<16xi32>
    %broadcast_in_dim3A_2094 = vector.shape_cast %xor3A_2093 : vector<16xi32> to vector<16x1xi32>
    %gather3A_2095 = vector.shape_cast %broadcast_in_dim3A_2094 : vector<16x1xi32> to vector<16xi32>
    %gather3A_2096 = tpu.dynamic_gather %min3A_2090[%gather3A_2095] in [0] : vector<16xi32>, vector<16xi32> -> vector<16xi32>
    %min3A_2097 = arith.minsi %min3A_2090, %gather3A_2096 : vector<16xi32>
    %xor3A_2098 = arith.constant 2 : i32
    %xor3A_2099 = vector.broadcast %xor3A_2098 : i32 to vector<16xi32>
    %xor3A_2100 = arith.xori %iota3A, %xor3A_2099 : vector<16xi32>
    %broadcast_in_dim3A_2101 = vector.shape_cast %xor3A_2100 : vector<16xi32> to vector<16x1xi32>
    %gather3A_2102 = vector.shape_cast %broadcast_in_dim3A_2101 : vector<16x1xi32> to vector<16xi32>
    %gather3A_2103 = tpu.dynamic_gather %min3A_2097[%gather3A_2102] in [0] : vector<16xi32>, vector<16xi32> -> vector<16xi32>
    %min3A_2104 = arith.minsi %min3A_2097, %gather3A_2103 : vector<16xi32>
    %xor3A_2105 = arith.constant 4 : i32
    %xor3A_2106 = vector.broadcast %xor3A_2105 : i32 to vector<16xi32>
    %xor3A_2107 = arith.xori %iota3A, %xor3A_2106 : vector<16xi32>
    %broadcast_in_dim3A_2108 = vector.shape_cast %xor3A_2107 : vector<16xi32> to vector<16x1xi32>
    %gather3A_2109 = vector.shape_cast %broadcast_in_dim3A_2108 : vector<16x1xi32> to vector<16xi32>
    %gather3A_2110 = tpu.dynamic_gather %min3A_2104[%gather3A_2109] in [0] : vector<16xi32>, vector<16xi32> -> vector<16xi32>
    %min3A_2111 = arith.minsi %min3A_2104, %gather3A_2110 : vector<16xi32>
    %xor3A_2112 = arith.constant 8 : i32
    %xor3A_2113 = vector.broadcast %xor3A_2112 : i32 to vector<16xi32>
    %xor3A_2114 = arith.xori %iota3A, %xor3A_2113 : vector<16xi32>
    %broadcast_in_dim3A_2115 = vector.shape_cast %xor3A_2114 : vector<16xi32> to vector<16x1xi32>
    %gather3A_2116 = vector.shape_cast %broadcast_in_dim3A_2115 : vector<16x1xi32> to vector<16xi32>
    %gather3A_2117 = tpu.dynamic_gather %min3A_2111[%gather3A_2116] in [0] : vector<16xi32>, vector<16xi32> -> vector<16xi32>
    %min3A_2118 = arith.minsi %min3A_2111, %gather3A_2117 : vector<16xi32>
    %shift_right_logical3A_2119 = arith.constant 4 : i32
    %shift_right_logical3A_2120 = vector.broadcast %shift_right_logical3A_2119 : i32 to vector<16xi32>
    %shift_right_logical3A_2121 = arith.shrui %min3A_2118, %shift_right_logical3A_2120 : vector<16xi32>
    %and3A_2122 = arith.constant 15 : i32
    %and3A_2123 = vector.broadcast %and3A_2122 : i32 to vector<16xi32>
    %and3A_2124 = arith.andi %min3A_2118, %and3A_2123 : vector<16xi32>
    %eq3A_2125 = arith.cmpi eq, %iota3A, %and3A_2124 : vector<16xi32>
    %eq3A_2126 = arith.constant 0 : i32
    %eq3A_2127 = vector.broadcast %eq3A_2126 : i32 to vector<16xi32>
    %eq3A_2128 = arith.cmpi eq, %shift_right_logical3A_2121, %eq3A_2127 : vector<16xi32>
    %and3A_2129 = arith.andi %eq3A_2125, %eq3A_2128 : vector<16xi1>
    %jit3A_2130 = arith.constant -3.000000e+38 : f32
    %broadcast_in_dim3A_2131 = vector.broadcast %jit3A_2130 : f32 to vector<16xf32>
    %select_n3A_2132 = arith.select %and3A_2129, %broadcast_in_dim3A_2131, %select_n3A_2007 : vector<16xi1>, vector<16xf32>
    %eq3A_2133 = arith.cmpi eq, %iota3A, %and3A_2124 : vector<16xi32>
    %eq3A_2134 = arith.constant 1 : i32
    %eq3A_2135 = vector.broadcast %eq3A_2134 : i32 to vector<16xi32>
    %eq3A_2136 = arith.cmpi eq, %shift_right_logical3A_2121, %eq3A_2135 : vector<16xi32>
    %and3A_2137 = arith.andi %eq3A_2133, %eq3A_2136 : vector<16xi1>
    %jit3A_2138 = arith.constant -3.000000e+38 : f32
    %broadcast_in_dim3A_2139 = vector.broadcast %jit3A_2138 : f32 to vector<16xf32>
    %select_n3A_2140 = arith.select %and3A_2137, %broadcast_in_dim3A_2139, %select_n3A_2015 : vector<16xi1>, vector<16xf32>
    %eq3A_2141 = arith.cmpi eq, %iota3A, %and3A_2124 : vector<16xi32>
    %eq3A_2142 = arith.constant 2 : i32
    %eq3A_2143 = vector.broadcast %eq3A_2142 : i32 to vector<16xi32>
    %eq3A_2144 = arith.cmpi eq, %shift_right_logical3A_2121, %eq3A_2143 : vector<16xi32>
    %and3A_2145 = arith.andi %eq3A_2141, %eq3A_2144 : vector<16xi1>
    %jit3A_2146 = arith.constant -3.000000e+38 : f32
    %broadcast_in_dim3A_2147 = vector.broadcast %jit3A_2146 : f32 to vector<16xf32>
    %select_n3A_2148 = arith.select %and3A_2145, %broadcast_in_dim3A_2147, %select_n3A_2023 : vector<16xi1>, vector<16xf32>
    %eq3A_2149 = arith.cmpi eq, %iota3A, %and3A_2124 : vector<16xi32>
    %eq3A_2150 = arith.constant 3 : i32
    %eq3A_2151 = vector.broadcast %eq3A_2150 : i32 to vector<16xi32>
    %eq3A_2152 = arith.cmpi eq, %shift_right_logical3A_2121, %eq3A_2151 : vector<16xi32>
    %and3A_2153 = arith.andi %eq3A_2149, %eq3A_2152 : vector<16xi1>
    %jit3A_2154 = arith.constant -3.000000e+38 : f32
    %broadcast_in_dim3A_2155 = vector.broadcast %jit3A_2154 : f32 to vector<16xf32>
    %select_n3A_2156 = arith.select %and3A_2153, %broadcast_in_dim3A_2155, %select_n3A_2031 : vector<16xi1>, vector<16xf32>
    %max3A_2157 = arith.maximumf %select_n3A_2132, %select_n3A_2140 : vector<16xf32>
    %max3A_2158 = arith.maximumf %select_n3A_2148, %select_n3A_2156 : vector<16xf32>
    %max3A_2159 = arith.maximumf %max3A_2157, %max3A_2158 : vector<16xf32>
    %xor3A_2160 = arith.constant 1 : i32
    %xor3A_2161 = vector.broadcast %xor3A_2160 : i32 to vector<16xi32>
    %xor3A_2162 = arith.xori %iota3A, %xor3A_2161 : vector<16xi32>
    %broadcast_in_dim3A_2163 = vector.shape_cast %xor3A_2162 : vector<16xi32> to vector<16x1xi32>
    %gather3A_2164 = vector.shape_cast %broadcast_in_dim3A_2163 : vector<16x1xi32> to vector<16xi32>
    %gather3A_2165 = tpu.dynamic_gather %max3A_2159[%gather3A_2164] in [0] : vector<16xf32>, vector<16xi32> -> vector<16xf32>
    %max3A_2166 = arith.maximumf %max3A_2159, %gather3A_2165 : vector<16xf32>
    %xor3A_2167 = arith.constant 2 : i32
    %xor3A_2168 = vector.broadcast %xor3A_2167 : i32 to vector<16xi32>
    %xor3A_2169 = arith.xori %iota3A, %xor3A_2168 : vector<16xi32>
    %broadcast_in_dim3A_2170 = vector.shape_cast %xor3A_2169 : vector<16xi32> to vector<16x1xi32>
    %gather3A_2171 = vector.shape_cast %broadcast_in_dim3A_2170 : vector<16x1xi32> to vector<16xi32>
    %gather3A_2172 = tpu.dynamic_gather %max3A_2166[%gather3A_2171] in [0] : vector<16xf32>, vector<16xi32> -> vector<16xf32>
    %max3A_2173 = arith.maximumf %max3A_2166, %gather3A_2172 : vector<16xf32>
    %xor3A_2174 = arith.constant 4 : i32
    %xor3A_2175 = vector.broadcast %xor3A_2174 : i32 to vector<16xi32>
    %xor3A_2176 = arith.xori %iota3A, %xor3A_2175 : vector<16xi32>
    %broadcast_in_dim3A_2177 = vector.shape_cast %xor3A_2176 : vector<16xi32> to vector<16x1xi32>
    %gather3A_2178 = vector.shape_cast %broadcast_in_dim3A_2177 : vector<16x1xi32> to vector<16xi32>
    %gather3A_2179 = tpu.dynamic_gather %max3A_2173[%gather3A_2178] in [0] : vector<16xf32>, vector<16xi32> -> vector<16xf32>
    %max3A_2180 = arith.maximumf %max3A_2173, %gather3A_2179 : vector<16xf32>
    %xor3A_2181 = arith.constant 8 : i32
    %xor3A_2182 = vector.broadcast %xor3A_2181 : i32 to vector<16xi32>
    %xor3A_2183 = arith.xori %iota3A, %xor3A_2182 : vector<16xi32>
    %broadcast_in_dim3A_2184 = vector.shape_cast %xor3A_2183 : vector<16xi32> to vector<16x1xi32>
    %gather3A_2185 = vector.shape_cast %broadcast_in_dim3A_2184 : vector<16x1xi32> to vector<16xi32>
    %gather3A_2186 = tpu.dynamic_gather %max3A_2180[%gather3A_2185] in [0] : vector<16xf32>, vector<16xi32> -> vector<16xf32>
    %max3A_2187 = arith.maximumf %max3A_2180, %gather3A_2186 : vector<16xf32>
    %eq3A_2188 = arith.cmpf oeq, %select_n3A_2132, %max3A_2187 : vector<16xf32>
    %jit3A_2189 = arith.constant 64 : i32
    %broadcast_in_dim3A_2190 = vector.broadcast %jit3A_2189 : i32 to vector<16xi32>
    %select_n3A_2191 = arith.select %eq3A_2188, %iota3A, %broadcast_in_dim3A_2190 : vector<16xi1>, vector<16xi32>
    %eq3A_2192 = arith.cmpf oeq, %select_n3A_2140, %max3A_2187 : vector<16xf32>
    %add3A_2193 = arith.constant 16 : i32
    %add3A_2194 = vector.broadcast %add3A_2193 : i32 to vector<16xi32>
    %add3A_2195 = arith.addi %iota3A, %add3A_2194 : vector<16xi32>
    %jit3A_2196 = arith.constant 64 : i32
    %broadcast_in_dim3A_2197 = vector.broadcast %jit3A_2196 : i32 to vector<16xi32>
    %select_n3A_2198 = arith.select %eq3A_2192, %add3A_2195, %broadcast_in_dim3A_2197 : vector<16xi1>, vector<16xi32>
    %min3A_2199 = arith.minsi %select_n3A_2191, %select_n3A_2198 : vector<16xi32>
    %eq3A_2200 = arith.cmpf oeq, %select_n3A_2148, %max3A_2187 : vector<16xf32>
    %add3A_2201 = arith.constant 32 : i32
    %add3A_2202 = vector.broadcast %add3A_2201 : i32 to vector<16xi32>
    %add3A_2203 = arith.addi %iota3A, %add3A_2202 : vector<16xi32>
    %jit3A_2204 = arith.constant 64 : i32
    %broadcast_in_dim3A_2205 = vector.broadcast %jit3A_2204 : i32 to vector<16xi32>
    %select_n3A_2206 = arith.select %eq3A_2200, %add3A_2203, %broadcast_in_dim3A_2205 : vector<16xi1>, vector<16xi32>
    %min3A_2207 = arith.minsi %min3A_2199, %select_n3A_2206 : vector<16xi32>
    %eq3A_2208 = arith.cmpf oeq, %select_n3A_2156, %max3A_2187 : vector<16xf32>
    %add3A_2209 = arith.constant 48 : i32
    %add3A_2210 = vector.broadcast %add3A_2209 : i32 to vector<16xi32>
    %add3A_2211 = arith.addi %iota3A, %add3A_2210 : vector<16xi32>
    %jit3A_2212 = arith.constant 64 : i32
    %broadcast_in_dim3A_2213 = vector.broadcast %jit3A_2212 : i32 to vector<16xi32>
    %select_n3A_2214 = arith.select %eq3A_2208, %add3A_2211, %broadcast_in_dim3A_2213 : vector<16xi1>, vector<16xi32>
    %min3A_2215 = arith.minsi %min3A_2207, %select_n3A_2214 : vector<16xi32>
    %xor3A_2216 = arith.constant 1 : i32
    %xor3A_2217 = vector.broadcast %xor3A_2216 : i32 to vector<16xi32>
    %xor3A_2218 = arith.xori %iota3A, %xor3A_2217 : vector<16xi32>
    %broadcast_in_dim3A_2219 = vector.shape_cast %xor3A_2218 : vector<16xi32> to vector<16x1xi32>
    %gather3A_2220 = vector.shape_cast %broadcast_in_dim3A_2219 : vector<16x1xi32> to vector<16xi32>
    %gather3A_2221 = tpu.dynamic_gather %min3A_2215[%gather3A_2220] in [0] : vector<16xi32>, vector<16xi32> -> vector<16xi32>
    %min3A_2222 = arith.minsi %min3A_2215, %gather3A_2221 : vector<16xi32>
    %xor3A_2223 = arith.constant 2 : i32
    %xor3A_2224 = vector.broadcast %xor3A_2223 : i32 to vector<16xi32>
    %xor3A_2225 = arith.xori %iota3A, %xor3A_2224 : vector<16xi32>
    %broadcast_in_dim3A_2226 = vector.shape_cast %xor3A_2225 : vector<16xi32> to vector<16x1xi32>
    %gather3A_2227 = vector.shape_cast %broadcast_in_dim3A_2226 : vector<16x1xi32> to vector<16xi32>
    %gather3A_2228 = tpu.dynamic_gather %min3A_2222[%gather3A_2227] in [0] : vector<16xi32>, vector<16xi32> -> vector<16xi32>
    %min3A_2229 = arith.minsi %min3A_2222, %gather3A_2228 : vector<16xi32>
    %xor3A_2230 = arith.constant 4 : i32
    %xor3A_2231 = vector.broadcast %xor3A_2230 : i32 to vector<16xi32>
    %xor3A_2232 = arith.xori %iota3A, %xor3A_2231 : vector<16xi32>
    %broadcast_in_dim3A_2233 = vector.shape_cast %xor3A_2232 : vector<16xi32> to vector<16x1xi32>
    %gather3A_2234 = vector.shape_cast %broadcast_in_dim3A_2233 : vector<16x1xi32> to vector<16xi32>
    %gather3A_2235 = tpu.dynamic_gather %min3A_2229[%gather3A_2234] in [0] : vector<16xi32>, vector<16xi32> -> vector<16xi32>
    %min3A_2236 = arith.minsi %min3A_2229, %gather3A_2235 : vector<16xi32>
    %xor3A_2237 = arith.constant 8 : i32
    %xor3A_2238 = vector.broadcast %xor3A_2237 : i32 to vector<16xi32>
    %xor3A_2239 = arith.xori %iota3A, %xor3A_2238 : vector<16xi32>
    %broadcast_in_dim3A_2240 = vector.shape_cast %xor3A_2239 : vector<16xi32> to vector<16x1xi32>
    %gather3A_2241 = vector.shape_cast %broadcast_in_dim3A_2240 : vector<16x1xi32> to vector<16xi32>
    %gather3A_2242 = tpu.dynamic_gather %min3A_2236[%gather3A_2241] in [0] : vector<16xi32>, vector<16xi32> -> vector<16xi32>
    %min3A_2243 = arith.minsi %min3A_2236, %gather3A_2242 : vector<16xi32>
    %shift_right_logical3A_2244 = arith.constant 4 : i32
    %shift_right_logical3A_2245 = vector.broadcast %shift_right_logical3A_2244 : i32 to vector<16xi32>
    %shift_right_logical3A_2246 = arith.shrui %min3A_2243, %shift_right_logical3A_2245 : vector<16xi32>
    %and3A_2247 = arith.constant 15 : i32
    %and3A_2248 = vector.broadcast %and3A_2247 : i32 to vector<16xi32>
    %and3A_2249 = arith.andi %min3A_2243, %and3A_2248 : vector<16xi32>
    %eq3A_2250 = arith.cmpi eq, %iota3A, %and3A_2249 : vector<16xi32>
    %eq3A_2251 = arith.constant 0 : i32
    %eq3A_2252 = vector.broadcast %eq3A_2251 : i32 to vector<16xi32>
    %eq3A_2253 = arith.cmpi eq, %shift_right_logical3A_2246, %eq3A_2252 : vector<16xi32>
    %and3A_2254 = arith.andi %eq3A_2250, %eq3A_2253 : vector<16xi1>
    %jit3A_2255 = arith.constant -3.000000e+38 : f32
    %broadcast_in_dim3A_2256 = vector.broadcast %jit3A_2255 : f32 to vector<16xf32>
    %select_n3A_2257 = arith.select %and3A_2254, %broadcast_in_dim3A_2256, %select_n3A_2132 : vector<16xi1>, vector<16xf32>
    %eq3A_2258 = arith.cmpi eq, %iota3A, %and3A_2249 : vector<16xi32>
    %eq3A_2259 = arith.constant 1 : i32
    %eq3A_2260 = vector.broadcast %eq3A_2259 : i32 to vector<16xi32>
    %eq3A_2261 = arith.cmpi eq, %shift_right_logical3A_2246, %eq3A_2260 : vector<16xi32>
    %and3A_2262 = arith.andi %eq3A_2258, %eq3A_2261 : vector<16xi1>
    %jit3A_2263 = arith.constant -3.000000e+38 : f32
    %broadcast_in_dim3A_2264 = vector.broadcast %jit3A_2263 : f32 to vector<16xf32>
    %select_n3A_2265 = arith.select %and3A_2262, %broadcast_in_dim3A_2264, %select_n3A_2140 : vector<16xi1>, vector<16xf32>
    %eq3A_2266 = arith.cmpi eq, %iota3A, %and3A_2249 : vector<16xi32>
    %eq3A_2267 = arith.constant 2 : i32
    %eq3A_2268 = vector.broadcast %eq3A_2267 : i32 to vector<16xi32>
    %eq3A_2269 = arith.cmpi eq, %shift_right_logical3A_2246, %eq3A_2268 : vector<16xi32>
    %and3A_2270 = arith.andi %eq3A_2266, %eq3A_2269 : vector<16xi1>
    %jit3A_2271 = arith.constant -3.000000e+38 : f32
    %broadcast_in_dim3A_2272 = vector.broadcast %jit3A_2271 : f32 to vector<16xf32>
    %select_n3A_2273 = arith.select %and3A_2270, %broadcast_in_dim3A_2272, %select_n3A_2148 : vector<16xi1>, vector<16xf32>
    %eq3A_2274 = arith.cmpi eq, %iota3A, %and3A_2249 : vector<16xi32>
    %eq3A_2275 = arith.constant 3 : i32
    %eq3A_2276 = vector.broadcast %eq3A_2275 : i32 to vector<16xi32>
    %eq3A_2277 = arith.cmpi eq, %shift_right_logical3A_2246, %eq3A_2276 : vector<16xi32>
    %and3A_2278 = arith.andi %eq3A_2274, %eq3A_2277 : vector<16xi1>
    %jit3A_2279 = arith.constant -3.000000e+38 : f32
    %broadcast_in_dim3A_2280 = vector.broadcast %jit3A_2279 : f32 to vector<16xf32>
    %select_n3A_2281 = arith.select %and3A_2278, %broadcast_in_dim3A_2280, %select_n3A_2156 : vector<16xi1>, vector<16xf32>
    %sub3A_2282 = arith.subf %max3A_1312, %max3A_1312 : vector<16xf32>
    %exp3A_2283 = math.exp %sub3A_2282 : vector<16xf32>
    %sub3A_2284 = arith.subf %max3A_1437, %max3A_1312 : vector<16xf32>
    %exp3A_2285 = math.exp %sub3A_2284 : vector<16xf32>
    %sub3A_2286 = arith.subf %max3A_1562, %max3A_1312 : vector<16xf32>
    %exp3A_2287 = math.exp %sub3A_2286 : vector<16xf32>
    %sub3A_2288 = arith.subf %max3A_1687, %max3A_1312 : vector<16xf32>
    %exp3A_2289 = math.exp %sub3A_2288 : vector<16xf32>
    %sub3A_2290 = arith.subf %max3A_1812, %max3A_1312 : vector<16xf32>
    %exp3A_2291 = math.exp %sub3A_2290 : vector<16xf32>
    %sub3A_2292 = arith.subf %max3A_1937, %max3A_1312 : vector<16xf32>
    %exp3A_2293 = math.exp %sub3A_2292 : vector<16xf32>
    %sub3A_2294 = arith.subf %max3A_2062, %max3A_1312 : vector<16xf32>
    %exp3A_2295 = math.exp %sub3A_2294 : vector<16xf32>
    %sub3A_2296 = arith.subf %max3A_2187, %max3A_1312 : vector<16xf32>
    %exp3A_2297 = math.exp %sub3A_2296 : vector<16xf32>
    %add3A_2298 = arith.addf %exp3A_2283, %exp3A_2285 : vector<16xf32>
    %add3A_2299 = arith.addf %add3A_2298, %exp3A_2287 : vector<16xf32>
    %add3A_2300 = arith.addf %add3A_2299, %exp3A_2289 : vector<16xf32>
    %add3A_2301 = arith.addf %add3A_2300, %exp3A_2291 : vector<16xf32>
    %add3A_2302 = arith.addf %add3A_2301, %exp3A_2293 : vector<16xf32>
    %add3A_2303 = arith.addf %add3A_2302, %exp3A_2295 : vector<16xf32>
    %add3A_2304 = arith.addf %add3A_2303, %exp3A_2297 : vector<16xf32>
    %div3A_2305 = arith.constant 1.000000e+00 : f32
    %div3A_2306 = vector.broadcast %div3A_2305 : f32 to vector<16xf32>
    %div3A_2307 = arith.divf %div3A_2306, %add3A_2304 : vector<16xf32>
    %broadcast_in_dim3A_2308 = arith.constant 0.000000e+00 : f32
    %broadcast_in_dim3A_2309 = vector.broadcast %broadcast_in_dim3A_2308 : f32 to vector<16xf32>
    %add3A_2310 = arith.constant 0 : i32
    %add3A_2311 = vector.broadcast %add3A_2310 : i32 to vector<16xi32>
    %add3A_2312 = arith.addi %iota3A, %add3A_2311 : vector<16xi32>
    %eq3A_2313 = arith.cmpi eq, %add3A_2312, %min3A_1368 : vector<16xi32>
    %mul3A_2314 = arith.mulf %exp3A_2283, %div3A_2307 : vector<16xf32>
    %jit3A_2315 = arith.constant 0.000000e+00 : f32
    %broadcast_in_dim3A_2316 = vector.broadcast %jit3A_2315 : f32 to vector<16xf32>
    %select_n3A_2317 = arith.select %eq3A_2313, %mul3A_2314, %broadcast_in_dim3A_2316 : vector<16xi1>, vector<16xf32>
    %add3A_2318 = arith.addf %broadcast_in_dim3A_2309, %select_n3A_2317 : vector<16xf32>
    %eq3A_2319 = arith.cmpi eq, %add3A_2312, %min3A_1493 : vector<16xi32>
    %mul3A_2320 = arith.mulf %exp3A_2285, %div3A_2307 : vector<16xf32>
    %jit3A_2321 = arith.constant 0.000000e+00 : f32
    %broadcast_in_dim3A_2322 = vector.broadcast %jit3A_2321 : f32 to vector<16xf32>
    %select_n3A_2323 = arith.select %eq3A_2319, %mul3A_2320, %broadcast_in_dim3A_2322 : vector<16xi1>, vector<16xf32>
    %add3A_2324 = arith.addf %add3A_2318, %select_n3A_2323 : vector<16xf32>
    %eq3A_2325 = arith.cmpi eq, %add3A_2312, %min3A_1618 : vector<16xi32>
    %mul3A_2326 = arith.mulf %exp3A_2287, %div3A_2307 : vector<16xf32>
    %jit3A_2327 = arith.constant 0.000000e+00 : f32
    %broadcast_in_dim3A_2328 = vector.broadcast %jit3A_2327 : f32 to vector<16xf32>
    %select_n3A_2329 = arith.select %eq3A_2325, %mul3A_2326, %broadcast_in_dim3A_2328 : vector<16xi1>, vector<16xf32>
    %add3A_2330 = arith.addf %add3A_2324, %select_n3A_2329 : vector<16xf32>
    %eq3A_2331 = arith.cmpi eq, %add3A_2312, %min3A_1743 : vector<16xi32>
    %mul3A_2332 = arith.mulf %exp3A_2289, %div3A_2307 : vector<16xf32>
    %jit3A_2333 = arith.constant 0.000000e+00 : f32
    %broadcast_in_dim3A_2334 = vector.broadcast %jit3A_2333 : f32 to vector<16xf32>
    %select_n3A_2335 = arith.select %eq3A_2331, %mul3A_2332, %broadcast_in_dim3A_2334 : vector<16xi1>, vector<16xf32>
    %add3A_2336 = arith.addf %add3A_2330, %select_n3A_2335 : vector<16xf32>
    %eq3A_2337 = arith.cmpi eq, %add3A_2312, %min3A_1868 : vector<16xi32>
    %mul3A_2338 = arith.mulf %exp3A_2291, %div3A_2307 : vector<16xf32>
    %jit3A_2339 = arith.constant 0.000000e+00 : f32
    %broadcast_in_dim3A_2340 = vector.broadcast %jit3A_2339 : f32 to vector<16xf32>
    %select_n3A_2341 = arith.select %eq3A_2337, %mul3A_2338, %broadcast_in_dim3A_2340 : vector<16xi1>, vector<16xf32>
    %add3A_2342 = arith.addf %add3A_2336, %select_n3A_2341 : vector<16xf32>
    %eq3A_2343 = arith.cmpi eq, %add3A_2312, %min3A_1993 : vector<16xi32>
    %mul3A_2344 = arith.mulf %exp3A_2293, %div3A_2307 : vector<16xf32>
    %jit3A_2345 = arith.constant 0.000000e+00 : f32
    %broadcast_in_dim3A_2346 = vector.broadcast %jit3A_2345 : f32 to vector<16xf32>
    %select_n3A_2347 = arith.select %eq3A_2343, %mul3A_2344, %broadcast_in_dim3A_2346 : vector<16xi1>, vector<16xf32>
    %add3A_2348 = arith.addf %add3A_2342, %select_n3A_2347 : vector<16xf32>
    %eq3A_2349 = arith.cmpi eq, %add3A_2312, %min3A_2118 : vector<16xi32>
    %mul3A_2350 = arith.mulf %exp3A_2295, %div3A_2307 : vector<16xf32>
    %jit3A_2351 = arith.constant 0.000000e+00 : f32
    %broadcast_in_dim3A_2352 = vector.broadcast %jit3A_2351 : f32 to vector<16xf32>
    %select_n3A_2353 = arith.select %eq3A_2349, %mul3A_2350, %broadcast_in_dim3A_2352 : vector<16xi1>, vector<16xf32>
    %add3A_2354 = arith.addf %add3A_2348, %select_n3A_2353 : vector<16xf32>
    %eq3A_2355 = arith.cmpi eq, %add3A_2312, %min3A_2243 : vector<16xi32>
    %mul3A_2356 = arith.mulf %exp3A_2297, %div3A_2307 : vector<16xf32>
    %jit3A_2357 = arith.constant 0.000000e+00 : f32
    %broadcast_in_dim3A_2358 = vector.broadcast %jit3A_2357 : f32 to vector<16xf32>
    %select_n3A_2359 = arith.select %eq3A_2355, %mul3A_2356, %broadcast_in_dim3A_2358 : vector<16xi1>, vector<16xf32>
    %add3A_2360 = arith.addf %add3A_2354, %select_n3A_2359 : vector<16xf32>
    %swap3A_2361 = arith.constant 64 : index
    %swap3A_2362 = tpu.vector_load %arg5[%swap3A_2361] {strides = array<i32>} : memref<256xf32, #tpu.memory_space<vmem>>, vector<16xf32>,
    %swap3A_2363 = vector.shape_cast %swap3A_2362 : vector<16xf32> to vector<16xf32>
    %swap3A_2364 = vector.shape_cast %add3A_2360 : vector<16xf32> to vector<16xf32>
    tpu.vector_store %arg5[%swap3A_2361], %swap3A_2364 {strides = array<i32>} : memref<256xf32, #tpu.memory_space<vmem>>, vector<16xf32>,
    %broadcast_in_dim3A_2365 = arith.constant 0.000000e+00 : f32
    %broadcast_in_dim3A_2366 = vector.broadcast %broadcast_in_dim3A_2365 : f32 to vector<16xf32>
    %add3A_2367 = arith.constant 16 : i32
    %add3A_2368 = vector.broadcast %add3A_2367 : i32 to vector<16xi32>
    %add3A_2369 = arith.addi %iota3A, %add3A_2368 : vector<16xi32>
    %eq3A_2370 = arith.cmpi eq, %add3A_2369, %min3A_1368 : vector<16xi32>
    %mul3A_2371 = arith.mulf %exp3A_2283, %div3A_2307 : vector<16xf32>
    %jit3A_2372 = arith.constant 0.000000e+00 : f32
    %broadcast_in_dim3A_2373 = vector.broadcast %jit3A_2372 : f32 to vector<16xf32>
    %select_n3A_2374 = arith.select %eq3A_2370, %mul3A_2371, %broadcast_in_dim3A_2373 : vector<16xi1>, vector<16xf32>
    %add3A_2375 = arith.addf %broadcast_in_dim3A_2366, %select_n3A_2374 : vector<16xf32>
    %eq3A_2376 = arith.cmpi eq, %add3A_2369, %min3A_1493 : vector<16xi32>
    %mul3A_2377 = arith.mulf %exp3A_2285, %div3A_2307 : vector<16xf32>
    %jit3A_2378 = arith.constant 0.000000e+00 : f32
    %broadcast_in_dim3A_2379 = vector.broadcast %jit3A_2378 : f32 to vector<16xf32>
    %select_n3A_2380 = arith.select %eq3A_2376, %mul3A_2377, %broadcast_in_dim3A_2379 : vector<16xi1>, vector<16xf32>
    %add3A_2381 = arith.addf %add3A_2375, %select_n3A_2380 : vector<16xf32>
    %eq3A_2382 = arith.cmpi eq, %add3A_2369, %min3A_1618 : vector<16xi32>
    %mul3A_2383 = arith.mulf %exp3A_2287, %div3A_2307 : vector<16xf32>
    %jit3A_2384 = arith.constant 0.000000e+00 : f32
    %broadcast_in_dim3A_2385 = vector.broadcast %jit3A_2384 : f32 to vector<16xf32>
    %select_n3A_2386 = arith.select %eq3A_2382, %mul3A_2383, %broadcast_in_dim3A_2385 : vector<16xi1>, vector<16xf32>
    %add3A_2387 = arith.addf %add3A_2381, %select_n3A_2386 : vector<16xf32>
    %eq3A_2388 = arith.cmpi eq, %add3A_2369, %min3A_1743 : vector<16xi32>
    %mul3A_2389 = arith.mulf %exp3A_2289, %div3A_2307 : vector<16xf32>
    %jit3A_2390 = arith.constant 0.000000e+00 : f32
    %broadcast_in_dim3A_2391 = vector.broadcast %jit3A_2390 : f32 to vector<16xf32>
    %select_n3A_2392 = arith.select %eq3A_2388, %mul3A_2389, %broadcast_in_dim3A_2391 : vector<16xi1>, vector<16xf32>
    %add3A_2393 = arith.addf %add3A_2387, %select_n3A_2392 : vector<16xf32>
    %eq3A_2394 = arith.cmpi eq, %add3A_2369, %min3A_1868 : vector<16xi32>
    %mul3A_2395 = arith.mulf %exp3A_2291, %div3A_2307 : vector<16xf32>
    %jit3A_2396 = arith.constant 0.000000e+00 : f32
    %broadcast_in_dim3A_2397 = vector.broadcast %jit3A_2396 : f32 to vector<16xf32>
    %select_n3A_2398 = arith.select %eq3A_2394, %mul3A_2395, %broadcast_in_dim3A_2397 : vector<16xi1>, vector<16xf32>
    %add3A_2399 = arith.addf %add3A_2393, %select_n3A_2398 : vector<16xf32>
    %eq3A_2400 = arith.cmpi eq, %add3A_2369, %min3A_1993 : vector<16xi32>
    %mul3A_2401 = arith.mulf %exp3A_2293, %div3A_2307 : vector<16xf32>
    %jit3A_2402 = arith.constant 0.000000e+00 : f32
    %broadcast_in_dim3A_2403 = vector.broadcast %jit3A_2402 : f32 to vector<16xf32>
    %select_n3A_2404 = arith.select %eq3A_2400, %mul3A_2401, %broadcast_in_dim3A_2403 : vector<16xi1>, vector<16xf32>
    %add3A_2405 = arith.addf %add3A_2399, %select_n3A_2404 : vector<16xf32>
    %eq3A_2406 = arith.cmpi eq, %add3A_2369, %min3A_2118 : vector<16xi32>
    %mul3A_2407 = arith.mulf %exp3A_2295, %div3A_2307 : vector<16xf32>
    %jit3A_2408 = arith.constant 0.000000e+00 : f32
    %broadcast_in_dim3A_2409 = vector.broadcast %jit3A_2408 : f32 to vector<16xf32>
    %select_n3A_2410 = arith.select %eq3A_2406, %mul3A_2407, %broadcast_in_dim3A_2409 : vector<16xi1>, vector<16xf32>
    %add3A_2411 = arith.addf %add3A_2405, %select_n3A_2410 : vector<16xf32>
    %eq3A_2412 = arith.cmpi eq, %add3A_2369, %min3A_2243 : vector<16xi32>
    %mul3A_2413 = arith.mulf %exp3A_2297, %div3A_2307 : vector<16xf32>
    %jit3A_2414 = arith.constant 0.000000e+00 : f32
    %broadcast_in_dim3A_2415 = vector.broadcast %jit3A_2414 : f32 to vector<16xf32>
    %select_n3A_2416 = arith.select %eq3A_2412, %mul3A_2413, %broadcast_in_dim3A_2415 : vector<16xi1>, vector<16xf32>
    %add3A_2417 = arith.addf %add3A_2411, %select_n3A_2416 : vector<16xf32>
    %swap3A_2418 = arith.constant 80 : index
    %swap3A_2419 = tpu.vector_load %arg5[%swap3A_2418] {strides = array<i32>} : memref<256xf32, #tpu.memory_space<vmem>>, vector<16xf32>,
    %swap3A_2420 = vector.shape_cast %swap3A_2419 : vector<16xf32> to vector<16xf32>
    %swap3A_2421 = vector.shape_cast %add3A_2417 : vector<16xf32> to vector<16xf32>
    tpu.vector_store %arg5[%swap3A_2418], %swap3A_2421 {strides = array<i32>} : memref<256xf32, #tpu.memory_space<vmem>>, vector<16xf32>,
    %broadcast_in_dim3A_2422 = arith.constant 0.000000e+00 : f32
    %broadcast_in_dim3A_2423 = vector.broadcast %broadcast_in_dim3A_2422 : f32 to vector<16xf32>
    %add3A_2424 = arith.constant 32 : i32
    %add3A_2425 = vector.broadcast %add3A_2424 : i32 to vector<16xi32>
    %add3A_2426 = arith.addi %iota3A, %add3A_2425 : vector<16xi32>
    %eq3A_2427 = arith.cmpi eq, %add3A_2426, %min3A_1368 : vector<16xi32>
    %mul3A_2428 = arith.mulf %exp3A_2283, %div3A_2307 : vector<16xf32>
    %jit3A_2429 = arith.constant 0.000000e+00 : f32
    %broadcast_in_dim3A_2430 = vector.broadcast %jit3A_2429 : f32 to vector<16xf32>
    %select_n3A_2431 = arith.select %eq3A_2427, %mul3A_2428, %broadcast_in_dim3A_2430 : vector<16xi1>, vector<16xf32>
    %add3A_2432 = arith.addf %broadcast_in_dim3A_2423, %select_n3A_2431 : vector<16xf32>
    %eq3A_2433 = arith.cmpi eq, %add3A_2426, %min3A_1493 : vector<16xi32>
    %mul3A_2434 = arith.mulf %exp3A_2285, %div3A_2307 : vector<16xf32>
    %jit3A_2435 = arith.constant 0.000000e+00 : f32
    %broadcast_in_dim3A_2436 = vector.broadcast %jit3A_2435 : f32 to vector<16xf32>
    %select_n3A_2437 = arith.select %eq3A_2433, %mul3A_2434, %broadcast_in_dim3A_2436 : vector<16xi1>, vector<16xf32>
    %add3A_2438 = arith.addf %add3A_2432, %select_n3A_2437 : vector<16xf32>
    %eq3A_2439 = arith.cmpi eq, %add3A_2426, %min3A_1618 : vector<16xi32>
    %mul3A_2440 = arith.mulf %exp3A_2287, %div3A_2307 : vector<16xf32>
    %jit3A_2441 = arith.constant 0.000000e+00 : f32
    %broadcast_in_dim3A_2442 = vector.broadcast %jit3A_2441 : f32 to vector<16xf32>
    %select_n3A_2443 = arith.select %eq3A_2439, %mul3A_2440, %broadcast_in_dim3A_2442 : vector<16xi1>, vector<16xf32>
    %add3A_2444 = arith.addf %add3A_2438, %select_n3A_2443 : vector<16xf32>
    %eq3A_2445 = arith.cmpi eq, %add3A_2426, %min3A_1743 : vector<16xi32>
    %mul3A_2446 = arith.mulf %exp3A_2289, %div3A_2307 : vector<16xf32>
    %jit3A_2447 = arith.constant 0.000000e+00 : f32
    %broadcast_in_dim3A_2448 = vector.broadcast %jit3A_2447 : f32 to vector<16xf32>
    %select_n3A_2449 = arith.select %eq3A_2445, %mul3A_2446, %broadcast_in_dim3A_2448 : vector<16xi1>, vector<16xf32>
    %add3A_2450 = arith.addf %add3A_2444, %select_n3A_2449 : vector<16xf32>
    %eq3A_2451 = arith.cmpi eq, %add3A_2426, %min3A_1868 : vector<16xi32>
    %mul3A_2452 = arith.mulf %exp3A_2291, %div3A_2307 : vector<16xf32>
    %jit3A_2453 = arith.constant 0.000000e+00 : f32
    %broadcast_in_dim3A_2454 = vector.broadcast %jit3A_2453 : f32 to vector<16xf32>
    %select_n3A_2455 = arith.select %eq3A_2451, %mul3A_2452, %broadcast_in_dim3A_2454 : vector<16xi1>, vector<16xf32>
    %add3A_2456 = arith.addf %add3A_2450, %select_n3A_2455 : vector<16xf32>
    %eq3A_2457 = arith.cmpi eq, %add3A_2426, %min3A_1993 : vector<16xi32>
    %mul3A_2458 = arith.mulf %exp3A_2293, %div3A_2307 : vector<16xf32>
    %jit3A_2459 = arith.constant 0.000000e+00 : f32
    %broadcast_in_dim3A_2460 = vector.broadcast %jit3A_2459 : f32 to vector<16xf32>
    %select_n3A_2461 = arith.select %eq3A_2457, %mul3A_2458, %broadcast_in_dim3A_2460 : vector<16xi1>, vector<16xf32>
    %add3A_2462 = arith.addf %add3A_2456, %select_n3A_2461 : vector<16xf32>
    %eq3A_2463 = arith.cmpi eq, %add3A_2426, %min3A_2118 : vector<16xi32>
    %mul3A_2464 = arith.mulf %exp3A_2295, %div3A_2307 : vector<16xf32>
    %jit3A_2465 = arith.constant 0.000000e+00 : f32
    %broadcast_in_dim3A_2466 = vector.broadcast %jit3A_2465 : f32 to vector<16xf32>
    %select_n3A_2467 = arith.select %eq3A_2463, %mul3A_2464, %broadcast_in_dim3A_2466 : vector<16xi1>, vector<16xf32>
    %add3A_2468 = arith.addf %add3A_2462, %select_n3A_2467 : vector<16xf32>
    %eq3A_2469 = arith.cmpi eq, %add3A_2426, %min3A_2243 : vector<16xi32>
    %mul3A_2470 = arith.mulf %exp3A_2297, %div3A_2307 : vector<16xf32>
    %jit3A_2471 = arith.constant 0.000000e+00 : f32
    %broadcast_in_dim3A_2472 = vector.broadcast %jit3A_2471 : f32 to vector<16xf32>
    %select_n3A_2473 = arith.select %eq3A_2469, %mul3A_2470, %broadcast_in_dim3A_2472 : vector<16xi1>, vector<16xf32>
    %add3A_2474 = arith.addf %add3A_2468, %select_n3A_2473 : vector<16xf32>
    %swap3A_2475 = arith.constant 96 : index
    %swap3A_2476 = tpu.vector_load %arg5[%swap3A_2475] {strides = array<i32>} : memref<256xf32, #tpu.memory_space<vmem>>, vector<16xf32>,
    %swap3A_2477 = vector.shape_cast %swap3A_2476 : vector<16xf32> to vector<16xf32>
    %swap3A_2478 = vector.shape_cast %add3A_2474 : vector<16xf32> to vector<16xf32>
    tpu.vector_store %arg5[%swap3A_2475], %swap3A_2478 {strides = array<i32>} : memref<256xf32, #tpu.memory_space<vmem>>, vector<16xf32>,
    %broadcast_in_dim3A_2479 = arith.constant 0.000000e+00 : f32
    %broadcast_in_dim3A_2480 = vector.broadcast %broadcast_in_dim3A_2479 : f32 to vector<16xf32>
    %add3A_2481 = arith.constant 48 : i32
    %add3A_2482 = vector.broadcast %add3A_2481 : i32 to vector<16xi32>
    %add3A_2483 = arith.addi %iota3A, %add3A_2482 : vector<16xi32>
    %eq3A_2484 = arith.cmpi eq, %add3A_2483, %min3A_1368 : vector<16xi32>
    %mul3A_2485 = arith.mulf %exp3A_2283, %div3A_2307 : vector<16xf32>
    %jit3A_2486 = arith.constant 0.000000e+00 : f32
    %broadcast_in_dim3A_2487 = vector.broadcast %jit3A_2486 : f32 to vector<16xf32>
    %select_n3A_2488 = arith.select %eq3A_2484, %mul3A_2485, %broadcast_in_dim3A_2487 : vector<16xi1>, vector<16xf32>
    %add3A_2489 = arith.addf %broadcast_in_dim3A_2480, %select_n3A_2488 : vector<16xf32>
    %eq3A_2490 = arith.cmpi eq, %add3A_2483, %min3A_1493 : vector<16xi32>
    %mul3A_2491 = arith.mulf %exp3A_2285, %div3A_2307 : vector<16xf32>
    %jit3A_2492 = arith.constant 0.000000e+00 : f32
    %broadcast_in_dim3A_2493 = vector.broadcast %jit3A_2492 : f32 to vector<16xf32>
    %select_n3A_2494 = arith.select %eq3A_2490, %mul3A_2491, %broadcast_in_dim3A_2493 : vector<16xi1>, vector<16xf32>
    %add3A_2495 = arith.addf %add3A_2489, %select_n3A_2494 : vector<16xf32>
    %eq3A_2496 = arith.cmpi eq, %add3A_2483, %min3A_1618 : vector<16xi32>
    %mul3A_2497 = arith.mulf %exp3A_2287, %div3A_2307 : vector<16xf32>
    %jit3A_2498 = arith.constant 0.000000e+00 : f32
    %broadcast_in_dim3A_2499 = vector.broadcast %jit3A_2498 : f32 to vector<16xf32>
    %select_n3A_2500 = arith.select %eq3A_2496, %mul3A_2497, %broadcast_in_dim3A_2499 : vector<16xi1>, vector<16xf32>
    %add3A_2501 = arith.addf %add3A_2495, %select_n3A_2500 : vector<16xf32>
    %eq3A_2502 = arith.cmpi eq, %add3A_2483, %min3A_1743 : vector<16xi32>
    %mul3A_2503 = arith.mulf %exp3A_2289, %div3A_2307 : vector<16xf32>
    %jit3A_2504 = arith.constant 0.000000e+00 : f32
    %broadcast_in_dim3A_2505 = vector.broadcast %jit3A_2504 : f32 to vector<16xf32>
    %select_n3A_2506 = arith.select %eq3A_2502, %mul3A_2503, %broadcast_in_dim3A_2505 : vector<16xi1>, vector<16xf32>
    %add3A_2507 = arith.addf %add3A_2501, %select_n3A_2506 : vector<16xf32>
    %eq3A_2508 = arith.cmpi eq, %add3A_2483, %min3A_1868 : vector<16xi32>
    %mul3A_2509 = arith.mulf %exp3A_2291, %div3A_2307 : vector<16xf32>
    %jit3A_2510 = arith.constant 0.000000e+00 : f32
    %broadcast_in_dim3A_2511 = vector.broadcast %jit3A_2510 : f32 to vector<16xf32>
    %select_n3A_2512 = arith.select %eq3A_2508, %mul3A_2509, %broadcast_in_dim3A_2511 : vector<16xi1>, vector<16xf32>
    %add3A_2513 = arith.addf %add3A_2507, %select_n3A_2512 : vector<16xf32>
    %eq3A_2514 = arith.cmpi eq, %add3A_2483, %min3A_1993 : vector<16xi32>
    %mul3A_2515 = arith.mulf %exp3A_2293, %div3A_2307 : vector<16xf32>
    %jit3A_2516 = arith.constant 0.000000e+00 : f32
    %broadcast_in_dim3A_2517 = vector.broadcast %jit3A_2516 : f32 to vector<16xf32>
    %select_n3A_2518 = arith.select %eq3A_2514, %mul3A_2515, %broadcast_in_dim3A_2517 : vector<16xi1>, vector<16xf32>
    %add3A_2519 = arith.addf %add3A_2513, %select_n3A_2518 : vector<16xf32>
    %eq3A_2520 = arith.cmpi eq, %add3A_2483, %min3A_2118 : vector<16xi32>
    %mul3A_2521 = arith.mulf %exp3A_2295, %div3A_2307 : vector<16xf32>
    %jit3A_2522 = arith.constant 0.000000e+00 : f32
    %broadcast_in_dim3A_2523 = vector.broadcast %jit3A_2522 : f32 to vector<16xf32>
    %select_n3A_2524 = arith.select %eq3A_2520, %mul3A_2521, %broadcast_in_dim3A_2523 : vector<16xi1>, vector<16xf32>
    %add3A_2525 = arith.addf %add3A_2519, %select_n3A_2524 : vector<16xf32>
    %eq3A_2526 = arith.cmpi eq, %add3A_2483, %min3A_2243 : vector<16xi32>
    %mul3A_2527 = arith.mulf %exp3A_2297, %div3A_2307 : vector<16xf32>
    %jit3A_2528 = arith.constant 0.000000e+00 : f32
    %broadcast_in_dim3A_2529 = vector.broadcast %jit3A_2528 : f32 to vector<16xf32>
    %select_n3A_2530 = arith.select %eq3A_2526, %mul3A_2527, %broadcast_in_dim3A_2529 : vector<16xi1>, vector<16xf32>
    %add3A_2531 = arith.addf %add3A_2525, %select_n3A_2530 : vector<16xf32>
    %swap3A_2532 = arith.constant 112 : index
    %swap3A_2533 = tpu.vector_load %arg5[%swap3A_2532] {strides = array<i32>} : memref<256xf32, #tpu.memory_space<vmem>>, vector<16xf32>,
    %swap3A_2534 = vector.shape_cast %swap3A_2533 : vector<16xf32> to vector<16xf32>
    %swap3A_2535 = vector.shape_cast %add3A_2531 : vector<16xf32> to vector<16xf32>
    tpu.vector_store %arg5[%swap3A_2532], %swap3A_2535 {strides = array<i32>} : memref<256xf32, #tpu.memory_space<vmem>>, vector<16xf32>,
    %get3A_2536 = arith.constant 2 : i32
    %get3A_2537 = arith.index_cast %get3A_2536 : i32 to index
    %get3A_2538 = arith.constant 0 : index
    %get3A_2539 = tpu.vector_load %arg4[%get3A_2537, %get3A_2538] {strides = array<i32>} : memref<4x64xf32, #tpu.memory_space<vmem>>, vector<1x16xf32>,
    %get3A_2540 = vector.shape_cast %get3A_2539 : vector<1x16xf32> to vector<16xf32>
    %get3A_2541 = arith.constant 2 : i32
    %get3A_2542 = arith.index_cast %get3A_2541 : i32 to index
    %get3A_2543 = arith.constant 16 : index
    %get3A_2544 = tpu.vector_load %arg4[%get3A_2542, %get3A_2543] {strides = array<i32>} : memref<4x64xf32, #tpu.memory_space<vmem>>, vector<1x16xf32>,
    %get3A_2545 = vector.shape_cast %get3A_2544 : vector<1x16xf32> to vector<16xf32>
    %get3A_2546 = arith.constant 2 : i32
    %get3A_2547 = arith.index_cast %get3A_2546 : i32 to index
    %get3A_2548 = arith.constant 32 : index
    %get3A_2549 = tpu.vector_load %arg4[%get3A_2547, %get3A_2548] {strides = array<i32>} : memref<4x64xf32, #tpu.memory_space<vmem>>, vector<1x16xf32>,
    %get3A_2550 = vector.shape_cast %get3A_2549 : vector<1x16xf32> to vector<16xf32>
    %get3A_2551 = arith.constant 2 : i32
    %get3A_2552 = arith.index_cast %get3A_2551 : i32 to index
    %get3A_2553 = arith.constant 48 : index
    %get3A_2554 = tpu.vector_load %arg4[%get3A_2552, %get3A_2553] {strides = array<i32>} : memref<4x64xf32, #tpu.memory_space<vmem>>, vector<1x16xf32>,
    %get3A_2555 = vector.shape_cast %get3A_2554 : vector<1x16xf32> to vector<16xf32>
    %max3A_2556 = arith.maximumf %get3A_2540, %get3A_2545 : vector<16xf32>
    %max3A_2557 = arith.maximumf %get3A_2550, %get3A_2555 : vector<16xf32>
    %max3A_2558 = arith.maximumf %max3A_2556, %max3A_2557 : vector<16xf32>
    %xor3A_2559 = arith.constant 1 : i32
    %xor3A_2560 = vector.broadcast %xor3A_2559 : i32 to vector<16xi32>
    %xor3A_2561 = arith.xori %iota3A, %xor3A_2560 : vector<16xi32>
    %broadcast_in_dim3A_2562 = vector.shape_cast %xor3A_2561 : vector<16xi32> to vector<16x1xi32>
    %gather3A_2563 = vector.shape_cast %broadcast_in_dim3A_2562 : vector<16x1xi32> to vector<16xi32>
    %gather3A_2564 = tpu.dynamic_gather %max3A_2558[%gather3A_2563] in [0] : vector<16xf32>, vector<16xi32> -> vector<16xf32>
    %max3A_2565 = arith.maximumf %max3A_2558, %gather3A_2564 : vector<16xf32>
    %xor3A_2566 = arith.constant 2 : i32
    %xor3A_2567 = vector.broadcast %xor3A_2566 : i32 to vector<16xi32>
    %xor3A_2568 = arith.xori %iota3A, %xor3A_2567 : vector<16xi32>
    %broadcast_in_dim3A_2569 = vector.shape_cast %xor3A_2568 : vector<16xi32> to vector<16x1xi32>
    %gather3A_2570 = vector.shape_cast %broadcast_in_dim3A_2569 : vector<16x1xi32> to vector<16xi32>
    %gather3A_2571 = tpu.dynamic_gather %max3A_2565[%gather3A_2570] in [0] : vector<16xf32>, vector<16xi32> -> vector<16xf32>
    %max3A_2572 = arith.maximumf %max3A_2565, %gather3A_2571 : vector<16xf32>
    %xor3A_2573 = arith.constant 4 : i32
    %xor3A_2574 = vector.broadcast %xor3A_2573 : i32 to vector<16xi32>
    %xor3A_2575 = arith.xori %iota3A, %xor3A_2574 : vector<16xi32>
    %broadcast_in_dim3A_2576 = vector.shape_cast %xor3A_2575 : vector<16xi32> to vector<16x1xi32>
    %gather3A_2577 = vector.shape_cast %broadcast_in_dim3A_2576 : vector<16x1xi32> to vector<16xi32>
    %gather3A_2578 = tpu.dynamic_gather %max3A_2572[%gather3A_2577] in [0] : vector<16xf32>, vector<16xi32> -> vector<16xf32>
    %max3A_2579 = arith.maximumf %max3A_2572, %gather3A_2578 : vector<16xf32>
    %xor3A_2580 = arith.constant 8 : i32
    %xor3A_2581 = vector.broadcast %xor3A_2580 : i32 to vector<16xi32>
    %xor3A_2582 = arith.xori %iota3A, %xor3A_2581 : vector<16xi32>
    %broadcast_in_dim3A_2583 = vector.shape_cast %xor3A_2582 : vector<16xi32> to vector<16x1xi32>
    %gather3A_2584 = vector.shape_cast %broadcast_in_dim3A_2583 : vector<16x1xi32> to vector<16xi32>
    %gather3A_2585 = tpu.dynamic_gather %max3A_2579[%gather3A_2584] in [0] : vector<16xf32>, vector<16xi32> -> vector<16xf32>
    %max3A_2586 = arith.maximumf %max3A_2579, %gather3A_2585 : vector<16xf32>
    %eq3A_2587 = arith.cmpf oeq, %get3A_2540, %max3A_2586 : vector<16xf32>
    %jit3A_2588 = arith.constant 64 : i32
    %broadcast_in_dim3A_2589 = vector.broadcast %jit3A_2588 : i32 to vector<16xi32>
    %select_n3A_2590 = arith.select %eq3A_2587, %iota3A, %broadcast_in_dim3A_2589 : vector<16xi1>, vector<16xi32>
    %eq3A_2591 = arith.cmpf oeq, %get3A_2545, %max3A_2586 : vector<16xf32>
    %add3A_2592 = arith.constant 16 : i32
    %add3A_2593 = vector.broadcast %add3A_2592 : i32 to vector<16xi32>
    %add3A_2594 = arith.addi %iota3A, %add3A_2593 : vector<16xi32>
    %jit3A_2595 = arith.constant 64 : i32
    %broadcast_in_dim3A_2596 = vector.broadcast %jit3A_2595 : i32 to vector<16xi32>
    %select_n3A_2597 = arith.select %eq3A_2591, %add3A_2594, %broadcast_in_dim3A_2596 : vector<16xi1>, vector<16xi32>
    %min3A_2598 = arith.minsi %select_n3A_2590, %select_n3A_2597 : vector<16xi32>
    %eq3A_2599 = arith.cmpf oeq, %get3A_2550, %max3A_2586 : vector<16xf32>
    %add3A_2600 = arith.constant 32 : i32
    %add3A_2601 = vector.broadcast %add3A_2600 : i32 to vector<16xi32>
    %add3A_2602 = arith.addi %iota3A, %add3A_2601 : vector<16xi32>
    %jit3A_2603 = arith.constant 64 : i32
    %broadcast_in_dim3A_2604 = vector.broadcast %jit3A_2603 : i32 to vector<16xi32>
    %select_n3A_2605 = arith.select %eq3A_2599, %add3A_2602, %broadcast_in_dim3A_2604 : vector<16xi1>, vector<16xi32>
    %min3A_2606 = arith.minsi %min3A_2598, %select_n3A_2605 : vector<16xi32>
    %eq3A_2607 = arith.cmpf oeq, %get3A_2555, %max3A_2586 : vector<16xf32>
    %add3A_2608 = arith.constant 48 : i32
    %add3A_2609 = vector.broadcast %add3A_2608 : i32 to vector<16xi32>
    %add3A_2610 = arith.addi %iota3A, %add3A_2609 : vector<16xi32>
    %jit3A_2611 = arith.constant 64 : i32
    %broadcast_in_dim3A_2612 = vector.broadcast %jit3A_2611 : i32 to vector<16xi32>
    %select_n3A_2613 = arith.select %eq3A_2607, %add3A_2610, %broadcast_in_dim3A_2612 : vector<16xi1>, vector<16xi32>
    %min3A_2614 = arith.minsi %min3A_2606, %select_n3A_2613 : vector<16xi32>
    %xor3A_2615 = arith.constant 1 : i32
    %xor3A_2616 = vector.broadcast %xor3A_2615 : i32 to vector<16xi32>
    %xor3A_2617 = arith.xori %iota3A, %xor3A_2616 : vector<16xi32>
    %broadcast_in_dim3A_2618 = vector.shape_cast %xor3A_2617 : vector<16xi32> to vector<16x1xi32>
    %gather3A_2619 = vector.shape_cast %broadcast_in_dim3A_2618 : vector<16x1xi32> to vector<16xi32>
    %gather3A_2620 = tpu.dynamic_gather %min3A_2614[%gather3A_2619] in [0] : vector<16xi32>, vector<16xi32> -> vector<16xi32>
    %min3A_2621 = arith.minsi %min3A_2614, %gather3A_2620 : vector<16xi32>
    %xor3A_2622 = arith.constant 2 : i32
    %xor3A_2623 = vector.broadcast %xor3A_2622 : i32 to vector<16xi32>
    %xor3A_2624 = arith.xori %iota3A, %xor3A_2623 : vector<16xi32>
    %broadcast_in_dim3A_2625 = vector.shape_cast %xor3A_2624 : vector<16xi32> to vector<16x1xi32>
    %gather3A_2626 = vector.shape_cast %broadcast_in_dim3A_2625 : vector<16x1xi32> to vector<16xi32>
    %gather3A_2627 = tpu.dynamic_gather %min3A_2621[%gather3A_2626] in [0] : vector<16xi32>, vector<16xi32> -> vector<16xi32>
    %min3A_2628 = arith.minsi %min3A_2621, %gather3A_2627 : vector<16xi32>
    %xor3A_2629 = arith.constant 4 : i32
    %xor3A_2630 = vector.broadcast %xor3A_2629 : i32 to vector<16xi32>
    %xor3A_2631 = arith.xori %iota3A, %xor3A_2630 : vector<16xi32>
    %broadcast_in_dim3A_2632 = vector.shape_cast %xor3A_2631 : vector<16xi32> to vector<16x1xi32>
    %gather3A_2633 = vector.shape_cast %broadcast_in_dim3A_2632 : vector<16x1xi32> to vector<16xi32>
    %gather3A_2634 = tpu.dynamic_gather %min3A_2628[%gather3A_2633] in [0] : vector<16xi32>, vector<16xi32> -> vector<16xi32>
    %min3A_2635 = arith.minsi %min3A_2628, %gather3A_2634 : vector<16xi32>
    %xor3A_2636 = arith.constant 8 : i32
    %xor3A_2637 = vector.broadcast %xor3A_2636 : i32 to vector<16xi32>
    %xor3A_2638 = arith.xori %iota3A, %xor3A_2637 : vector<16xi32>
    %broadcast_in_dim3A_2639 = vector.shape_cast %xor3A_2638 : vector<16xi32> to vector<16x1xi32>
    %gather3A_2640 = vector.shape_cast %broadcast_in_dim3A_2639 : vector<16x1xi32> to vector<16xi32>
    %gather3A_2641 = tpu.dynamic_gather %min3A_2635[%gather3A_2640] in [0] : vector<16xi32>, vector<16xi32> -> vector<16xi32>
    %min3A_2642 = arith.minsi %min3A_2635, %gather3A_2641 : vector<16xi32>
    %shift_right_logical3A_2643 = arith.constant 4 : i32
    %shift_right_logical3A_2644 = vector.broadcast %shift_right_logical3A_2643 : i32 to vector<16xi32>
    %shift_right_logical3A_2645 = arith.shrui %min3A_2642, %shift_right_logical3A_2644 : vector<16xi32>
    %and3A_2646 = arith.constant 15 : i32
    %and3A_2647 = vector.broadcast %and3A_2646 : i32 to vector<16xi32>
    %and3A_2648 = arith.andi %min3A_2642, %and3A_2647 : vector<16xi32>
    %eq3A_2649 = arith.cmpi eq, %iota3A, %and3A_2648 : vector<16xi32>
    %eq3A_2650 = arith.constant 0 : i32
    %eq3A_2651 = vector.broadcast %eq3A_2650 : i32 to vector<16xi32>
    %eq3A_2652 = arith.cmpi eq, %shift_right_logical3A_2645, %eq3A_2651 : vector<16xi32>
    %and3A_2653 = arith.andi %eq3A_2649, %eq3A_2652 : vector<16xi1>
    %jit3A_2654 = arith.constant -3.000000e+38 : f32
    %broadcast_in_dim3A_2655 = vector.broadcast %jit3A_2654 : f32 to vector<16xf32>
    %select_n3A_2656 = arith.select %and3A_2653, %broadcast_in_dim3A_2655, %get3A_2540 : vector<16xi1>, vector<16xf32>
    %eq3A_2657 = arith.cmpi eq, %iota3A, %and3A_2648 : vector<16xi32>
    %eq3A_2658 = arith.constant 1 : i32
    %eq3A_2659 = vector.broadcast %eq3A_2658 : i32 to vector<16xi32>
    %eq3A_2660 = arith.cmpi eq, %shift_right_logical3A_2645, %eq3A_2659 : vector<16xi32>
    %and3A_2661 = arith.andi %eq3A_2657, %eq3A_2660 : vector<16xi1>
    %jit3A_2662 = arith.constant -3.000000e+38 : f32
    %broadcast_in_dim3A_2663 = vector.broadcast %jit3A_2662 : f32 to vector<16xf32>
    %select_n3A_2664 = arith.select %and3A_2661, %broadcast_in_dim3A_2663, %get3A_2545 : vector<16xi1>, vector<16xf32>
    %eq3A_2665 = arith.cmpi eq, %iota3A, %and3A_2648 : vector<16xi32>
    %eq3A_2666 = arith.constant 2 : i32
    %eq3A_2667 = vector.broadcast %eq3A_2666 : i32 to vector<16xi32>
    %eq3A_2668 = arith.cmpi eq, %shift_right_logical3A_2645, %eq3A_2667 : vector<16xi32>
    %and3A_2669 = arith.andi %eq3A_2665, %eq3A_2668 : vector<16xi1>
    %jit3A_2670 = arith.constant -3.000000e+38 : f32
    %broadcast_in_dim3A_2671 = vector.broadcast %jit3A_2670 : f32 to vector<16xf32>
    %select_n3A_2672 = arith.select %and3A_2669, %broadcast_in_dim3A_2671, %get3A_2550 : vector<16xi1>, vector<16xf32>
    %eq3A_2673 = arith.cmpi eq, %iota3A, %and3A_2648 : vector<16xi32>
    %eq3A_2674 = arith.constant 3 : i32
    %eq3A_2675 = vector.broadcast %eq3A_2674 : i32 to vector<16xi32>
    %eq3A_2676 = arith.cmpi eq, %shift_right_logical3A_2645, %eq3A_2675 : vector<16xi32>
    %and3A_2677 = arith.andi %eq3A_2673, %eq3A_2676 : vector<16xi1>
    %jit3A_2678 = arith.constant -3.000000e+38 : f32
    %broadcast_in_dim3A_2679 = vector.broadcast %jit3A_2678 : f32 to vector<16xf32>
    %select_n3A_2680 = arith.select %and3A_2677, %broadcast_in_dim3A_2679, %get3A_2555 : vector<16xi1>, vector<16xf32>
    %max3A_2681 = arith.maximumf %select_n3A_2656, %select_n3A_2664 : vector<16xf32>
    %max3A_2682 = arith.maximumf %select_n3A_2672, %select_n3A_2680 : vector<16xf32>
    %max3A_2683 = arith.maximumf %max3A_2681, %max3A_2682 : vector<16xf32>
    %xor3A_2684 = arith.constant 1 : i32
    %xor3A_2685 = vector.broadcast %xor3A_2684 : i32 to vector<16xi32>
    %xor3A_2686 = arith.xori %iota3A, %xor3A_2685 : vector<16xi32>
    %broadcast_in_dim3A_2687 = vector.shape_cast %xor3A_2686 : vector<16xi32> to vector<16x1xi32>
    %gather3A_2688 = vector.shape_cast %broadcast_in_dim3A_2687 : vector<16x1xi32> to vector<16xi32>
    %gather3A_2689 = tpu.dynamic_gather %max3A_2683[%gather3A_2688] in [0] : vector<16xf32>, vector<16xi32> -> vector<16xf32>
    %max3A_2690 = arith.maximumf %max3A_2683, %gather3A_2689 : vector<16xf32>
    %xor3A_2691 = arith.constant 2 : i32
    %xor3A_2692 = vector.broadcast %xor3A_2691 : i32 to vector<16xi32>
    %xor3A_2693 = arith.xori %iota3A, %xor3A_2692 : vector<16xi32>
    %broadcast_in_dim3A_2694 = vector.shape_cast %xor3A_2693 : vector<16xi32> to vector<16x1xi32>
    %gather3A_2695 = vector.shape_cast %broadcast_in_dim3A_2694 : vector<16x1xi32> to vector<16xi32>
    %gather3A_2696 = tpu.dynamic_gather %max3A_2690[%gather3A_2695] in [0] : vector<16xf32>, vector<16xi32> -> vector<16xf32>
    %max3A_2697 = arith.maximumf %max3A_2690, %gather3A_2696 : vector<16xf32>
    %xor3A_2698 = arith.constant 4 : i32
    %xor3A_2699 = vector.broadcast %xor3A_2698 : i32 to vector<16xi32>
    %xor3A_2700 = arith.xori %iota3A, %xor3A_2699 : vector<16xi32>
    %broadcast_in_dim3A_2701 = vector.shape_cast %xor3A_2700 : vector<16xi32> to vector<16x1xi32>
    %gather3A_2702 = vector.shape_cast %broadcast_in_dim3A_2701 : vector<16x1xi32> to vector<16xi32>
    %gather3A_2703 = tpu.dynamic_gather %max3A_2697[%gather3A_2702] in [0] : vector<16xf32>, vector<16xi32> -> vector<16xf32>
    %max3A_2704 = arith.maximumf %max3A_2697, %gather3A_2703 : vector<16xf32>
    %xor3A_2705 = arith.constant 8 : i32
    %xor3A_2706 = vector.broadcast %xor3A_2705 : i32 to vector<16xi32>
    %xor3A_2707 = arith.xori %iota3A, %xor3A_2706 : vector<16xi32>
    %broadcast_in_dim3A_2708 = vector.shape_cast %xor3A_2707 : vector<16xi32> to vector<16x1xi32>
    %gather3A_2709 = vector.shape_cast %broadcast_in_dim3A_2708 : vector<16x1xi32> to vector<16xi32>
    %gather3A_2710 = tpu.dynamic_gather %max3A_2704[%gather3A_2709] in [0] : vector<16xf32>, vector<16xi32> -> vector<16xf32>
    %max3A_2711 = arith.maximumf %max3A_2704, %gather3A_2710 : vector<16xf32>
    %eq3A_2712 = arith.cmpf oeq, %select_n3A_2656, %max3A_2711 : vector<16xf32>
    %jit3A_2713 = arith.constant 64 : i32
    %broadcast_in_dim3A_2714 = vector.broadcast %jit3A_2713 : i32 to vector<16xi32>
    %select_n3A_2715 = arith.select %eq3A_2712, %iota3A, %broadcast_in_dim3A_2714 : vector<16xi1>, vector<16xi32>
    %eq3A_2716 = arith.cmpf oeq, %select_n3A_2664, %max3A_2711 : vector<16xf32>
    %add3A_2717 = arith.constant 16 : i32
    %add3A_2718 = vector.broadcast %add3A_2717 : i32 to vector<16xi32>
    %add3A_2719 = arith.addi %iota3A, %add3A_2718 : vector<16xi32>
    %jit3A_2720 = arith.constant 64 : i32
    %broadcast_in_dim3A_2721 = vector.broadcast %jit3A_2720 : i32 to vector<16xi32>
    %select_n3A_2722 = arith.select %eq3A_2716, %add3A_2719, %broadcast_in_dim3A_2721 : vector<16xi1>, vector<16xi32>
    %min3A_2723 = arith.minsi %select_n3A_2715, %select_n3A_2722 : vector<16xi32>
    %eq3A_2724 = arith.cmpf oeq, %select_n3A_2672, %max3A_2711 : vector<16xf32>
    %add3A_2725 = arith.constant 32 : i32
    %add3A_2726 = vector.broadcast %add3A_2725 : i32 to vector<16xi32>
    %add3A_2727 = arith.addi %iota3A, %add3A_2726 : vector<16xi32>
    %jit3A_2728 = arith.constant 64 : i32
    %broadcast_in_dim3A_2729 = vector.broadcast %jit3A_2728 : i32 to vector<16xi32>
    %select_n3A_2730 = arith.select %eq3A_2724, %add3A_2727, %broadcast_in_dim3A_2729 : vector<16xi1>, vector<16xi32>
    %min3A_2731 = arith.minsi %min3A_2723, %select_n3A_2730 : vector<16xi32>
    %eq3A_2732 = arith.cmpf oeq, %select_n3A_2680, %max3A_2711 : vector<16xf32>
    %add3A_2733 = arith.constant 48 : i32
    %add3A_2734 = vector.broadcast %add3A_2733 : i32 to vector<16xi32>
    %add3A_2735 = arith.addi %iota3A, %add3A_2734 : vector<16xi32>
    %jit3A_2736 = arith.constant 64 : i32
    %broadcast_in_dim3A_2737 = vector.broadcast %jit3A_2736 : i32 to vector<16xi32>
    %select_n3A_2738 = arith.select %eq3A_2732, %add3A_2735, %broadcast_in_dim3A_2737 : vector<16xi1>, vector<16xi32>
    %min3A_2739 = arith.minsi %min3A_2731, %select_n3A_2738 : vector<16xi32>
    %xor3A_2740 = arith.constant 1 : i32
    %xor3A_2741 = vector.broadcast %xor3A_2740 : i32 to vector<16xi32>
    %xor3A_2742 = arith.xori %iota3A, %xor3A_2741 : vector<16xi32>
    %broadcast_in_dim3A_2743 = vector.shape_cast %xor3A_2742 : vector<16xi32> to vector<16x1xi32>
    %gather3A_2744 = vector.shape_cast %broadcast_in_dim3A_2743 : vector<16x1xi32> to vector<16xi32>
    %gather3A_2745 = tpu.dynamic_gather %min3A_2739[%gather3A_2744] in [0] : vector<16xi32>, vector<16xi32> -> vector<16xi32>
    %min3A_2746 = arith.minsi %min3A_2739, %gather3A_2745 : vector<16xi32>
    %xor3A_2747 = arith.constant 2 : i32
    %xor3A_2748 = vector.broadcast %xor3A_2747 : i32 to vector<16xi32>
    %xor3A_2749 = arith.xori %iota3A, %xor3A_2748 : vector<16xi32>
    %broadcast_in_dim3A_2750 = vector.shape_cast %xor3A_2749 : vector<16xi32> to vector<16x1xi32>
    %gather3A_2751 = vector.shape_cast %broadcast_in_dim3A_2750 : vector<16x1xi32> to vector<16xi32>
    %gather3A_2752 = tpu.dynamic_gather %min3A_2746[%gather3A_2751] in [0] : vector<16xi32>, vector<16xi32> -> vector<16xi32>
    %min3A_2753 = arith.minsi %min3A_2746, %gather3A_2752 : vector<16xi32>
    %xor3A_2754 = arith.constant 4 : i32
    %xor3A_2755 = vector.broadcast %xor3A_2754 : i32 to vector<16xi32>
    %xor3A_2756 = arith.xori %iota3A, %xor3A_2755 : vector<16xi32>
    %broadcast_in_dim3A_2757 = vector.shape_cast %xor3A_2756 : vector<16xi32> to vector<16x1xi32>
    %gather3A_2758 = vector.shape_cast %broadcast_in_dim3A_2757 : vector<16x1xi32> to vector<16xi32>
    %gather3A_2759 = tpu.dynamic_gather %min3A_2753[%gather3A_2758] in [0] : vector<16xi32>, vector<16xi32> -> vector<16xi32>
    %min3A_2760 = arith.minsi %min3A_2753, %gather3A_2759 : vector<16xi32>
    %xor3A_2761 = arith.constant 8 : i32
    %xor3A_2762 = vector.broadcast %xor3A_2761 : i32 to vector<16xi32>
    %xor3A_2763 = arith.xori %iota3A, %xor3A_2762 : vector<16xi32>
    %broadcast_in_dim3A_2764 = vector.shape_cast %xor3A_2763 : vector<16xi32> to vector<16x1xi32>
    %gather3A_2765 = vector.shape_cast %broadcast_in_dim3A_2764 : vector<16x1xi32> to vector<16xi32>
    %gather3A_2766 = tpu.dynamic_gather %min3A_2760[%gather3A_2765] in [0] : vector<16xi32>, vector<16xi32> -> vector<16xi32>
    %min3A_2767 = arith.minsi %min3A_2760, %gather3A_2766 : vector<16xi32>
    %shift_right_logical3A_2768 = arith.constant 4 : i32
    %shift_right_logical3A_2769 = vector.broadcast %shift_right_logical3A_2768 : i32 to vector<16xi32>
    %shift_right_logical3A_2770 = arith.shrui %min3A_2767, %shift_right_logical3A_2769 : vector<16xi32>
    %and3A_2771 = arith.constant 15 : i32
    %and3A_2772 = vector.broadcast %and3A_2771 : i32 to vector<16xi32>
    %and3A_2773 = arith.andi %min3A_2767, %and3A_2772 : vector<16xi32>
    %eq3A_2774 = arith.cmpi eq, %iota3A, %and3A_2773 : vector<16xi32>
    %eq3A_2775 = arith.constant 0 : i32
    %eq3A_2776 = vector.broadcast %eq3A_2775 : i32 to vector<16xi32>
    %eq3A_2777 = arith.cmpi eq, %shift_right_logical3A_2770, %eq3A_2776 : vector<16xi32>
    %and3A_2778 = arith.andi %eq3A_2774, %eq3A_2777 : vector<16xi1>
    %jit3A_2779 = arith.constant -3.000000e+38 : f32
    %broadcast_in_dim3A_2780 = vector.broadcast %jit3A_2779 : f32 to vector<16xf32>
    %select_n3A_2781 = arith.select %and3A_2778, %broadcast_in_dim3A_2780, %select_n3A_2656 : vector<16xi1>, vector<16xf32>
    %eq3A_2782 = arith.cmpi eq, %iota3A, %and3A_2773 : vector<16xi32>
    %eq3A_2783 = arith.constant 1 : i32
    %eq3A_2784 = vector.broadcast %eq3A_2783 : i32 to vector<16xi32>
    %eq3A_2785 = arith.cmpi eq, %shift_right_logical3A_2770, %eq3A_2784 : vector<16xi32>
    %and3A_2786 = arith.andi %eq3A_2782, %eq3A_2785 : vector<16xi1>
    %jit3A_2787 = arith.constant -3.000000e+38 : f32
    %broadcast_in_dim3A_2788 = vector.broadcast %jit3A_2787 : f32 to vector<16xf32>
    %select_n3A_2789 = arith.select %and3A_2786, %broadcast_in_dim3A_2788, %select_n3A_2664 : vector<16xi1>, vector<16xf32>
    %eq3A_2790 = arith.cmpi eq, %iota3A, %and3A_2773 : vector<16xi32>
    %eq3A_2791 = arith.constant 2 : i32
    %eq3A_2792 = vector.broadcast %eq3A_2791 : i32 to vector<16xi32>
    %eq3A_2793 = arith.cmpi eq, %shift_right_logical3A_2770, %eq3A_2792 : vector<16xi32>
    %and3A_2794 = arith.andi %eq3A_2790, %eq3A_2793 : vector<16xi1>
    %jit3A_2795 = arith.constant -3.000000e+38 : f32
    %broadcast_in_dim3A_2796 = vector.broadcast %jit3A_2795 : f32 to vector<16xf32>
    %select_n3A_2797 = arith.select %and3A_2794, %broadcast_in_dim3A_2796, %select_n3A_2672 : vector<16xi1>, vector<16xf32>
    %eq3A_2798 = arith.cmpi eq, %iota3A, %and3A_2773 : vector<16xi32>
    %eq3A_2799 = arith.constant 3 : i32
    %eq3A_2800 = vector.broadcast %eq3A_2799 : i32 to vector<16xi32>
    %eq3A_2801 = arith.cmpi eq, %shift_right_logical3A_2770, %eq3A_2800 : vector<16xi32>
    %and3A_2802 = arith.andi %eq3A_2798, %eq3A_2801 : vector<16xi1>
    %jit3A_2803 = arith.constant -3.000000e+38 : f32
    %broadcast_in_dim3A_2804 = vector.broadcast %jit3A_2803 : f32 to vector<16xf32>
    %select_n3A_2805 = arith.select %and3A_2802, %broadcast_in_dim3A_2804, %select_n3A_2680 : vector<16xi1>, vector<16xf32>
    %max3A_2806 = arith.maximumf %select_n3A_2781, %select_n3A_2789 : vector<16xf32>
    %max3A_2807 = arith.maximumf %select_n3A_2797, %select_n3A_2805 : vector<16xf32>
    %max3A_2808 = arith.maximumf %max3A_2806, %max3A_2807 : vector<16xf32>
    %xor3A_2809 = arith.constant 1 : i32
    %xor3A_2810 = vector.broadcast %xor3A_2809 : i32 to vector<16xi32>
    %xor3A_2811 = arith.xori %iota3A, %xor3A_2810 : vector<16xi32>
    %broadcast_in_dim3A_2812 = vector.shape_cast %xor3A_2811 : vector<16xi32> to vector<16x1xi32>
    %gather3A_2813 = vector.shape_cast %broadcast_in_dim3A_2812 : vector<16x1xi32> to vector<16xi32>
    %gather3A_2814 = tpu.dynamic_gather %max3A_2808[%gather3A_2813] in [0] : vector<16xf32>, vector<16xi32> -> vector<16xf32>
    %max3A_2815 = arith.maximumf %max3A_2808, %gather3A_2814 : vector<16xf32>
    %xor3A_2816 = arith.constant 2 : i32
    %xor3A_2817 = vector.broadcast %xor3A_2816 : i32 to vector<16xi32>
    %xor3A_2818 = arith.xori %iota3A, %xor3A_2817 : vector<16xi32>
    %broadcast_in_dim3A_2819 = vector.shape_cast %xor3A_2818 : vector<16xi32> to vector<16x1xi32>
    %gather3A_2820 = vector.shape_cast %broadcast_in_dim3A_2819 : vector<16x1xi32> to vector<16xi32>
    %gather3A_2821 = tpu.dynamic_gather %max3A_2815[%gather3A_2820] in [0] : vector<16xf32>, vector<16xi32> -> vector<16xf32>
    %max3A_2822 = arith.maximumf %max3A_2815, %gather3A_2821 : vector<16xf32>
    %xor3A_2823 = arith.constant 4 : i32
    %xor3A_2824 = vector.broadcast %xor3A_2823 : i32 to vector<16xi32>
    %xor3A_2825 = arith.xori %iota3A, %xor3A_2824 : vector<16xi32>
    %broadcast_in_dim3A_2826 = vector.shape_cast %xor3A_2825 : vector<16xi32> to vector<16x1xi32>
    %gather3A_2827 = vector.shape_cast %broadcast_in_dim3A_2826 : vector<16x1xi32> to vector<16xi32>
    %gather3A_2828 = tpu.dynamic_gather %max3A_2822[%gather3A_2827] in [0] : vector<16xf32>, vector<16xi32> -> vector<16xf32>
    %max3A_2829 = arith.maximumf %max3A_2822, %gather3A_2828 : vector<16xf32>
    %xor3A_2830 = arith.constant 8 : i32
    %xor3A_2831 = vector.broadcast %xor3A_2830 : i32 to vector<16xi32>
    %xor3A_2832 = arith.xori %iota3A, %xor3A_2831 : vector<16xi32>
    %broadcast_in_dim3A_2833 = vector.shape_cast %xor3A_2832 : vector<16xi32> to vector<16x1xi32>
    %gather3A_2834 = vector.shape_cast %broadcast_in_dim3A_2833 : vector<16x1xi32> to vector<16xi32>
    %gather3A_2835 = tpu.dynamic_gather %max3A_2829[%gather3A_2834] in [0] : vector<16xf32>, vector<16xi32> -> vector<16xf32>
    %max3A_2836 = arith.maximumf %max3A_2829, %gather3A_2835 : vector<16xf32>
    %eq3A_2837 = arith.cmpf oeq, %select_n3A_2781, %max3A_2836 : vector<16xf32>
    %jit3A_2838 = arith.constant 64 : i32
    %broadcast_in_dim3A_2839 = vector.broadcast %jit3A_2838 : i32 to vector<16xi32>
    %select_n3A_2840 = arith.select %eq3A_2837, %iota3A, %broadcast_in_dim3A_2839 : vector<16xi1>, vector<16xi32>
    %eq3A_2841 = arith.cmpf oeq, %select_n3A_2789, %max3A_2836 : vector<16xf32>
    %add3A_2842 = arith.constant 16 : i32
    %add3A_2843 = vector.broadcast %add3A_2842 : i32 to vector<16xi32>
    %add3A_2844 = arith.addi %iota3A, %add3A_2843 : vector<16xi32>
    %jit3A_2845 = arith.constant 64 : i32
    %broadcast_in_dim3A_2846 = vector.broadcast %jit3A_2845 : i32 to vector<16xi32>
    %select_n3A_2847 = arith.select %eq3A_2841, %add3A_2844, %broadcast_in_dim3A_2846 : vector<16xi1>, vector<16xi32>
    %min3A_2848 = arith.minsi %select_n3A_2840, %select_n3A_2847 : vector<16xi32>
    %eq3A_2849 = arith.cmpf oeq, %select_n3A_2797, %max3A_2836 : vector<16xf32>
    %add3A_2850 = arith.constant 32 : i32
    %add3A_2851 = vector.broadcast %add3A_2850 : i32 to vector<16xi32>
    %add3A_2852 = arith.addi %iota3A, %add3A_2851 : vector<16xi32>
    %jit3A_2853 = arith.constant 64 : i32
    %broadcast_in_dim3A_2854 = vector.broadcast %jit3A_2853 : i32 to vector<16xi32>
    %select_n3A_2855 = arith.select %eq3A_2849, %add3A_2852, %broadcast_in_dim3A_2854 : vector<16xi1>, vector<16xi32>
    %min3A_2856 = arith.minsi %min3A_2848, %select_n3A_2855 : vector<16xi32>
    %eq3A_2857 = arith.cmpf oeq, %select_n3A_2805, %max3A_2836 : vector<16xf32>
    %add3A_2858 = arith.constant 48 : i32
    %add3A_2859 = vector.broadcast %add3A_2858 : i32 to vector<16xi32>
    %add3A_2860 = arith.addi %iota3A, %add3A_2859 : vector<16xi32>
    %jit3A_2861 = arith.constant 64 : i32
    %broadcast_in_dim3A_2862 = vector.broadcast %jit3A_2861 : i32 to vector<16xi32>
    %select_n3A_2863 = arith.select %eq3A_2857, %add3A_2860, %broadcast_in_dim3A_2862 : vector<16xi1>, vector<16xi32>
    %min3A_2864 = arith.minsi %min3A_2856, %select_n3A_2863 : vector<16xi32>
    %xor3A_2865 = arith.constant 1 : i32
    %xor3A_2866 = vector.broadcast %xor3A_2865 : i32 to vector<16xi32>
    %xor3A_2867 = arith.xori %iota3A, %xor3A_2866 : vector<16xi32>
    %broadcast_in_dim3A_2868 = vector.shape_cast %xor3A_2867 : vector<16xi32> to vector<16x1xi32>
    %gather3A_2869 = vector.shape_cast %broadcast_in_dim3A_2868 : vector<16x1xi32> to vector<16xi32>
    %gather3A_2870 = tpu.dynamic_gather %min3A_2864[%gather3A_2869] in [0] : vector<16xi32>, vector<16xi32> -> vector<16xi32>
    %min3A_2871 = arith.minsi %min3A_2864, %gather3A_2870 : vector<16xi32>
    %xor3A_2872 = arith.constant 2 : i32
    %xor3A_2873 = vector.broadcast %xor3A_2872 : i32 to vector<16xi32>
    %xor3A_2874 = arith.xori %iota3A, %xor3A_2873 : vector<16xi32>
    %broadcast_in_dim3A_2875 = vector.shape_cast %xor3A_2874 : vector<16xi32> to vector<16x1xi32>
    %gather3A_2876 = vector.shape_cast %broadcast_in_dim3A_2875 : vector<16x1xi32> to vector<16xi32>
    %gather3A_2877 = tpu.dynamic_gather %min3A_2871[%gather3A_2876] in [0] : vector<16xi32>, vector<16xi32> -> vector<16xi32>
    %min3A_2878 = arith.minsi %min3A_2871, %gather3A_2877 : vector<16xi32>
    %xor3A_2879 = arith.constant 4 : i32
    %xor3A_2880 = vector.broadcast %xor3A_2879 : i32 to vector<16xi32>
    %xor3A_2881 = arith.xori %iota3A, %xor3A_2880 : vector<16xi32>
    %broadcast_in_dim3A_2882 = vector.shape_cast %xor3A_2881 : vector<16xi32> to vector<16x1xi32>
    %gather3A_2883 = vector.shape_cast %broadcast_in_dim3A_2882 : vector<16x1xi32> to vector<16xi32>
    %gather3A_2884 = tpu.dynamic_gather %min3A_2878[%gather3A_2883] in [0] : vector<16xi32>, vector<16xi32> -> vector<16xi32>
    %min3A_2885 = arith.minsi %min3A_2878, %gather3A_2884 : vector<16xi32>
    %xor3A_2886 = arith.constant 8 : i32
    %xor3A_2887 = vector.broadcast %xor3A_2886 : i32 to vector<16xi32>
    %xor3A_2888 = arith.xori %iota3A, %xor3A_2887 : vector<16xi32>
    %broadcast_in_dim3A_2889 = vector.shape_cast %xor3A_2888 : vector<16xi32> to vector<16x1xi32>
    %gather3A_2890 = vector.shape_cast %broadcast_in_dim3A_2889 : vector<16x1xi32> to vector<16xi32>
    %gather3A_2891 = tpu.dynamic_gather %min3A_2885[%gather3A_2890] in [0] : vector<16xi32>, vector<16xi32> -> vector<16xi32>
    %min3A_2892 = arith.minsi %min3A_2885, %gather3A_2891 : vector<16xi32>
    %shift_right_logical3A_2893 = arith.constant 4 : i32
    %shift_right_logical3A_2894 = vector.broadcast %shift_right_logical3A_2893 : i32 to vector<16xi32>
    %shift_right_logical3A_2895 = arith.shrui %min3A_2892, %shift_right_logical3A_2894 : vector<16xi32>
    %and3A_2896 = arith.constant 15 : i32
    %and3A_2897 = vector.broadcast %and3A_2896 : i32 to vector<16xi32>
    %and3A_2898 = arith.andi %min3A_2892, %and3A_2897 : vector<16xi32>
    %eq3A_2899 = arith.cmpi eq, %iota3A, %and3A_2898 : vector<16xi32>
    %eq3A_2900 = arith.constant 0 : i32
    %eq3A_2901 = vector.broadcast %eq3A_2900 : i32 to vector<16xi32>
    %eq3A_2902 = arith.cmpi eq, %shift_right_logical3A_2895, %eq3A_2901 : vector<16xi32>
    %and3A_2903 = arith.andi %eq3A_2899, %eq3A_2902 : vector<16xi1>
    %jit3A_2904 = arith.constant -3.000000e+38 : f32
    %broadcast_in_dim3A_2905 = vector.broadcast %jit3A_2904 : f32 to vector<16xf32>
    %select_n3A_2906 = arith.select %and3A_2903, %broadcast_in_dim3A_2905, %select_n3A_2781 : vector<16xi1>, vector<16xf32>
    %eq3A_2907 = arith.cmpi eq, %iota3A, %and3A_2898 : vector<16xi32>
    %eq3A_2908 = arith.constant 1 : i32
    %eq3A_2909 = vector.broadcast %eq3A_2908 : i32 to vector<16xi32>
    %eq3A_2910 = arith.cmpi eq, %shift_right_logical3A_2895, %eq3A_2909 : vector<16xi32>
    %and3A_2911 = arith.andi %eq3A_2907, %eq3A_2910 : vector<16xi1>
    %jit3A_2912 = arith.constant -3.000000e+38 : f32
    %broadcast_in_dim3A_2913 = vector.broadcast %jit3A_2912 : f32 to vector<16xf32>
    %select_n3A_2914 = arith.select %and3A_2911, %broadcast_in_dim3A_2913, %select_n3A_2789 : vector<16xi1>, vector<16xf32>
    %eq3A_2915 = arith.cmpi eq, %iota3A, %and3A_2898 : vector<16xi32>
    %eq3A_2916 = arith.constant 2 : i32
    %eq3A_2917 = vector.broadcast %eq3A_2916 : i32 to vector<16xi32>
    %eq3A_2918 = arith.cmpi eq, %shift_right_logical3A_2895, %eq3A_2917 : vector<16xi32>
    %and3A_2919 = arith.andi %eq3A_2915, %eq3A_2918 : vector<16xi1>
    %jit3A_2920 = arith.constant -3.000000e+38 : f32
    %broadcast_in_dim3A_2921 = vector.broadcast %jit3A_2920 : f32 to vector<16xf32>
    %select_n3A_2922 = arith.select %and3A_2919, %broadcast_in_dim3A_2921, %select_n3A_2797 : vector<16xi1>, vector<16xf32>
    %eq3A_2923 = arith.cmpi eq, %iota3A, %and3A_2898 : vector<16xi32>
    %eq3A_2924 = arith.constant 3 : i32
    %eq3A_2925 = vector.broadcast %eq3A_2924 : i32 to vector<16xi32>
    %eq3A_2926 = arith.cmpi eq, %shift_right_logical3A_2895, %eq3A_2925 : vector<16xi32>
    %and3A_2927 = arith.andi %eq3A_2923, %eq3A_2926 : vector<16xi1>
    %jit3A_2928 = arith.constant -3.000000e+38 : f32
    %broadcast_in_dim3A_2929 = vector.broadcast %jit3A_2928 : f32 to vector<16xf32>
    %select_n3A_2930 = arith.select %and3A_2927, %broadcast_in_dim3A_2929, %select_n3A_2805 : vector<16xi1>, vector<16xf32>
    %max3A_2931 = arith.maximumf %select_n3A_2906, %select_n3A_2914 : vector<16xf32>
    %max3A_2932 = arith.maximumf %select_n3A_2922, %select_n3A_2930 : vector<16xf32>
    %max3A_2933 = arith.maximumf %max3A_2931, %max3A_2932 : vector<16xf32>
    %xor3A_2934 = arith.constant 1 : i32
    %xor3A_2935 = vector.broadcast %xor3A_2934 : i32 to vector<16xi32>
    %xor3A_2936 = arith.xori %iota3A, %xor3A_2935 : vector<16xi32>
    %broadcast_in_dim3A_2937 = vector.shape_cast %xor3A_2936 : vector<16xi32> to vector<16x1xi32>
    %gather3A_2938 = vector.shape_cast %broadcast_in_dim3A_2937 : vector<16x1xi32> to vector<16xi32>
    %gather3A_2939 = tpu.dynamic_gather %max3A_2933[%gather3A_2938] in [0] : vector<16xf32>, vector<16xi32> -> vector<16xf32>
    %max3A_2940 = arith.maximumf %max3A_2933, %gather3A_2939 : vector<16xf32>
    %xor3A_2941 = arith.constant 2 : i32
    %xor3A_2942 = vector.broadcast %xor3A_2941 : i32 to vector<16xi32>
    %xor3A_2943 = arith.xori %iota3A, %xor3A_2942 : vector<16xi32>
    %broadcast_in_dim3A_2944 = vector.shape_cast %xor3A_2943 : vector<16xi32> to vector<16x1xi32>
    %gather3A_2945 = vector.shape_cast %broadcast_in_dim3A_2944 : vector<16x1xi32> to vector<16xi32>
    %gather3A_2946 = tpu.dynamic_gather %max3A_2940[%gather3A_2945] in [0] : vector<16xf32>, vector<16xi32> -> vector<16xf32>
    %max3A_2947 = arith.maximumf %max3A_2940, %gather3A_2946 : vector<16xf32>
    %xor3A_2948 = arith.constant 4 : i32
    %xor3A_2949 = vector.broadcast %xor3A_2948 : i32 to vector<16xi32>
    %xor3A_2950 = arith.xori %iota3A, %xor3A_2949 : vector<16xi32>
    %broadcast_in_dim3A_2951 = vector.shape_cast %xor3A_2950 : vector<16xi32> to vector<16x1xi32>
    %gather3A_2952 = vector.shape_cast %broadcast_in_dim3A_2951 : vector<16x1xi32> to vector<16xi32>
    %gather3A_2953 = tpu.dynamic_gather %max3A_2947[%gather3A_2952] in [0] : vector<16xf32>, vector<16xi32> -> vector<16xf32>
    %max3A_2954 = arith.maximumf %max3A_2947, %gather3A_2953 : vector<16xf32>
    %xor3A_2955 = arith.constant 8 : i32
    %xor3A_2956 = vector.broadcast %xor3A_2955 : i32 to vector<16xi32>
    %xor3A_2957 = arith.xori %iota3A, %xor3A_2956 : vector<16xi32>
    %broadcast_in_dim3A_2958 = vector.shape_cast %xor3A_2957 : vector<16xi32> to vector<16x1xi32>
    %gather3A_2959 = vector.shape_cast %broadcast_in_dim3A_2958 : vector<16x1xi32> to vector<16xi32>
    %gather3A_2960 = tpu.dynamic_gather %max3A_2954[%gather3A_2959] in [0] : vector<16xf32>, vector<16xi32> -> vector<16xf32>
    %max3A_2961 = arith.maximumf %max3A_2954, %gather3A_2960 : vector<16xf32>
    %eq3A_2962 = arith.cmpf oeq, %select_n3A_2906, %max3A_2961 : vector<16xf32>
    %jit3A_2963 = arith.constant 64 : i32
    %broadcast_in_dim3A_2964 = vector.broadcast %jit3A_2963 : i32 to vector<16xi32>
    %select_n3A_2965 = arith.select %eq3A_2962, %iota3A, %broadcast_in_dim3A_2964 : vector<16xi1>, vector<16xi32>
    %eq3A_2966 = arith.cmpf oeq, %select_n3A_2914, %max3A_2961 : vector<16xf32>
    %add3A_2967 = arith.constant 16 : i32
    %add3A_2968 = vector.broadcast %add3A_2967 : i32 to vector<16xi32>
    %add3A_2969 = arith.addi %iota3A, %add3A_2968 : vector<16xi32>
    %jit3A_2970 = arith.constant 64 : i32
    %broadcast_in_dim3A_2971 = vector.broadcast %jit3A_2970 : i32 to vector<16xi32>
    %select_n3A_2972 = arith.select %eq3A_2966, %add3A_2969, %broadcast_in_dim3A_2971 : vector<16xi1>, vector<16xi32>
    %min3A_2973 = arith.minsi %select_n3A_2965, %select_n3A_2972 : vector<16xi32>
    %eq3A_2974 = arith.cmpf oeq, %select_n3A_2922, %max3A_2961 : vector<16xf32>
    %add3A_2975 = arith.constant 32 : i32
    %add3A_2976 = vector.broadcast %add3A_2975 : i32 to vector<16xi32>
    %add3A_2977 = arith.addi %iota3A, %add3A_2976 : vector<16xi32>
    %jit3A_2978 = arith.constant 64 : i32
    %broadcast_in_dim3A_2979 = vector.broadcast %jit3A_2978 : i32 to vector<16xi32>
    %select_n3A_2980 = arith.select %eq3A_2974, %add3A_2977, %broadcast_in_dim3A_2979 : vector<16xi1>, vector<16xi32>
    %min3A_2981 = arith.minsi %min3A_2973, %select_n3A_2980 : vector<16xi32>
    %eq3A_2982 = arith.cmpf oeq, %select_n3A_2930, %max3A_2961 : vector<16xf32>
    %add3A_2983 = arith.constant 48 : i32
    %add3A_2984 = vector.broadcast %add3A_2983 : i32 to vector<16xi32>
    %add3A_2985 = arith.addi %iota3A, %add3A_2984 : vector<16xi32>
    %jit3A_2986 = arith.constant 64 : i32
    %broadcast_in_dim3A_2987 = vector.broadcast %jit3A_2986 : i32 to vector<16xi32>
    %select_n3A_2988 = arith.select %eq3A_2982, %add3A_2985, %broadcast_in_dim3A_2987 : vector<16xi1>, vector<16xi32>
    %min3A_2989 = arith.minsi %min3A_2981, %select_n3A_2988 : vector<16xi32>
    %xor3A_2990 = arith.constant 1 : i32
    %xor3A_2991 = vector.broadcast %xor3A_2990 : i32 to vector<16xi32>
    %xor3A_2992 = arith.xori %iota3A, %xor3A_2991 : vector<16xi32>
    %broadcast_in_dim3A_2993 = vector.shape_cast %xor3A_2992 : vector<16xi32> to vector<16x1xi32>
    %gather3A_2994 = vector.shape_cast %broadcast_in_dim3A_2993 : vector<16x1xi32> to vector<16xi32>
    %gather3A_2995 = tpu.dynamic_gather %min3A_2989[%gather3A_2994] in [0] : vector<16xi32>, vector<16xi32> -> vector<16xi32>
    %min3A_2996 = arith.minsi %min3A_2989, %gather3A_2995 : vector<16xi32>
    %xor3A_2997 = arith.constant 2 : i32
    %xor3A_2998 = vector.broadcast %xor3A_2997 : i32 to vector<16xi32>
    %xor3A_2999 = arith.xori %iota3A, %xor3A_2998 : vector<16xi32>
    %broadcast_in_dim3A_3000 = vector.shape_cast %xor3A_2999 : vector<16xi32> to vector<16x1xi32>
    %gather3A_3001 = vector.shape_cast %broadcast_in_dim3A_3000 : vector<16x1xi32> to vector<16xi32>
    %gather3A_3002 = tpu.dynamic_gather %min3A_2996[%gather3A_3001] in [0] : vector<16xi32>, vector<16xi32> -> vector<16xi32>
    %min3A_3003 = arith.minsi %min3A_2996, %gather3A_3002 : vector<16xi32>
    %xor3A_3004 = arith.constant 4 : i32
    %xor3A_3005 = vector.broadcast %xor3A_3004 : i32 to vector<16xi32>
    %xor3A_3006 = arith.xori %iota3A, %xor3A_3005 : vector<16xi32>
    %broadcast_in_dim3A_3007 = vector.shape_cast %xor3A_3006 : vector<16xi32> to vector<16x1xi32>
    %gather3A_3008 = vector.shape_cast %broadcast_in_dim3A_3007 : vector<16x1xi32> to vector<16xi32>
    %gather3A_3009 = tpu.dynamic_gather %min3A_3003[%gather3A_3008] in [0] : vector<16xi32>, vector<16xi32> -> vector<16xi32>
    %min3A_3010 = arith.minsi %min3A_3003, %gather3A_3009 : vector<16xi32>
    %xor3A_3011 = arith.constant 8 : i32
    %xor3A_3012 = vector.broadcast %xor3A_3011 : i32 to vector<16xi32>
    %xor3A_3013 = arith.xori %iota3A, %xor3A_3012 : vector<16xi32>
    %broadcast_in_dim3A_3014 = vector.shape_cast %xor3A_3013 : vector<16xi32> to vector<16x1xi32>
    %gather3A_3015 = vector.shape_cast %broadcast_in_dim3A_3014 : vector<16x1xi32> to vector<16xi32>
    %gather3A_3016 = tpu.dynamic_gather %min3A_3010[%gather3A_3015] in [0] : vector<16xi32>, vector<16xi32> -> vector<16xi32>
    %min3A_3017 = arith.minsi %min3A_3010, %gather3A_3016 : vector<16xi32>
    %shift_right_logical3A_3018 = arith.constant 4 : i32
    %shift_right_logical3A_3019 = vector.broadcast %shift_right_logical3A_3018 : i32 to vector<16xi32>
    %shift_right_logical3A_3020 = arith.shrui %min3A_3017, %shift_right_logical3A_3019 : vector<16xi32>
    %and3A_3021 = arith.constant 15 : i32
    %and3A_3022 = vector.broadcast %and3A_3021 : i32 to vector<16xi32>
    %and3A_3023 = arith.andi %min3A_3017, %and3A_3022 : vector<16xi32>
    %eq3A_3024 = arith.cmpi eq, %iota3A, %and3A_3023 : vector<16xi32>
    %eq3A_3025 = arith.constant 0 : i32
    %eq3A_3026 = vector.broadcast %eq3A_3025 : i32 to vector<16xi32>
    %eq3A_3027 = arith.cmpi eq, %shift_right_logical3A_3020, %eq3A_3026 : vector<16xi32>
    %and3A_3028 = arith.andi %eq3A_3024, %eq3A_3027 : vector<16xi1>
    %jit3A_3029 = arith.constant -3.000000e+38 : f32
    %broadcast_in_dim3A_3030 = vector.broadcast %jit3A_3029 : f32 to vector<16xf32>
    %select_n3A_3031 = arith.select %and3A_3028, %broadcast_in_dim3A_3030, %select_n3A_2906 : vector<16xi1>, vector<16xf32>
    %eq3A_3032 = arith.cmpi eq, %iota3A, %and3A_3023 : vector<16xi32>
    %eq3A_3033 = arith.constant 1 : i32
    %eq3A_3034 = vector.broadcast %eq3A_3033 : i32 to vector<16xi32>
    %eq3A_3035 = arith.cmpi eq, %shift_right_logical3A_3020, %eq3A_3034 : vector<16xi32>
    %and3A_3036 = arith.andi %eq3A_3032, %eq3A_3035 : vector<16xi1>
    %jit3A_3037 = arith.constant -3.000000e+38 : f32
    %broadcast_in_dim3A_3038 = vector.broadcast %jit3A_3037 : f32 to vector<16xf32>
    %select_n3A_3039 = arith.select %and3A_3036, %broadcast_in_dim3A_3038, %select_n3A_2914 : vector<16xi1>, vector<16xf32>
    %eq3A_3040 = arith.cmpi eq, %iota3A, %and3A_3023 : vector<16xi32>
    %eq3A_3041 = arith.constant 2 : i32
    %eq3A_3042 = vector.broadcast %eq3A_3041 : i32 to vector<16xi32>
    %eq3A_3043 = arith.cmpi eq, %shift_right_logical3A_3020, %eq3A_3042 : vector<16xi32>
    %and3A_3044 = arith.andi %eq3A_3040, %eq3A_3043 : vector<16xi1>
    %jit3A_3045 = arith.constant -3.000000e+38 : f32
    %broadcast_in_dim3A_3046 = vector.broadcast %jit3A_3045 : f32 to vector<16xf32>
    %select_n3A_3047 = arith.select %and3A_3044, %broadcast_in_dim3A_3046, %select_n3A_2922 : vector<16xi1>, vector<16xf32>
    %eq3A_3048 = arith.cmpi eq, %iota3A, %and3A_3023 : vector<16xi32>
    %eq3A_3049 = arith.constant 3 : i32
    %eq3A_3050 = vector.broadcast %eq3A_3049 : i32 to vector<16xi32>
    %eq3A_3051 = arith.cmpi eq, %shift_right_logical3A_3020, %eq3A_3050 : vector<16xi32>
    %and3A_3052 = arith.andi %eq3A_3048, %eq3A_3051 : vector<16xi1>
    %jit3A_3053 = arith.constant -3.000000e+38 : f32
    %broadcast_in_dim3A_3054 = vector.broadcast %jit3A_3053 : f32 to vector<16xf32>
    %select_n3A_3055 = arith.select %and3A_3052, %broadcast_in_dim3A_3054, %select_n3A_2930 : vector<16xi1>, vector<16xf32>
    %max3A_3056 = arith.maximumf %select_n3A_3031, %select_n3A_3039 : vector<16xf32>
    %max3A_3057 = arith.maximumf %select_n3A_3047, %select_n3A_3055 : vector<16xf32>
    %max3A_3058 = arith.maximumf %max3A_3056, %max3A_3057 : vector<16xf32>
    %xor3A_3059 = arith.constant 1 : i32
    %xor3A_3060 = vector.broadcast %xor3A_3059 : i32 to vector<16xi32>
    %xor3A_3061 = arith.xori %iota3A, %xor3A_3060 : vector<16xi32>
    %broadcast_in_dim3A_3062 = vector.shape_cast %xor3A_3061 : vector<16xi32> to vector<16x1xi32>
    %gather3A_3063 = vector.shape_cast %broadcast_in_dim3A_3062 : vector<16x1xi32> to vector<16xi32>
    %gather3A_3064 = tpu.dynamic_gather %max3A_3058[%gather3A_3063] in [0] : vector<16xf32>, vector<16xi32> -> vector<16xf32>
    %max3A_3065 = arith.maximumf %max3A_3058, %gather3A_3064 : vector<16xf32>
    %xor3A_3066 = arith.constant 2 : i32
    %xor3A_3067 = vector.broadcast %xor3A_3066 : i32 to vector<16xi32>
    %xor3A_3068 = arith.xori %iota3A, %xor3A_3067 : vector<16xi32>
    %broadcast_in_dim3A_3069 = vector.shape_cast %xor3A_3068 : vector<16xi32> to vector<16x1xi32>
    %gather3A_3070 = vector.shape_cast %broadcast_in_dim3A_3069 : vector<16x1xi32> to vector<16xi32>
    %gather3A_3071 = tpu.dynamic_gather %max3A_3065[%gather3A_3070] in [0] : vector<16xf32>, vector<16xi32> -> vector<16xf32>
    %max3A_3072 = arith.maximumf %max3A_3065, %gather3A_3071 : vector<16xf32>
    %xor3A_3073 = arith.constant 4 : i32
    %xor3A_3074 = vector.broadcast %xor3A_3073 : i32 to vector<16xi32>
    %xor3A_3075 = arith.xori %iota3A, %xor3A_3074 : vector<16xi32>
    %broadcast_in_dim3A_3076 = vector.shape_cast %xor3A_3075 : vector<16xi32> to vector<16x1xi32>
    %gather3A_3077 = vector.shape_cast %broadcast_in_dim3A_3076 : vector<16x1xi32> to vector<16xi32>
    %gather3A_3078 = tpu.dynamic_gather %max3A_3072[%gather3A_3077] in [0] : vector<16xf32>, vector<16xi32> -> vector<16xf32>
    %max3A_3079 = arith.maximumf %max3A_3072, %gather3A_3078 : vector<16xf32>
    %xor3A_3080 = arith.constant 8 : i32
    %xor3A_3081 = vector.broadcast %xor3A_3080 : i32 to vector<16xi32>
    %xor3A_3082 = arith.xori %iota3A, %xor3A_3081 : vector<16xi32>
    %broadcast_in_dim3A_3083 = vector.shape_cast %xor3A_3082 : vector<16xi32> to vector<16x1xi32>
    %gather3A_3084 = vector.shape_cast %broadcast_in_dim3A_3083 : vector<16x1xi32> to vector<16xi32>
    %gather3A_3085 = tpu.dynamic_gather %max3A_3079[%gather3A_3084] in [0] : vector<16xf32>, vector<16xi32> -> vector<16xf32>
    %max3A_3086 = arith.maximumf %max3A_3079, %gather3A_3085 : vector<16xf32>
    %eq3A_3087 = arith.cmpf oeq, %select_n3A_3031, %max3A_3086 : vector<16xf32>
    %jit3A_3088 = arith.constant 64 : i32
    %broadcast_in_dim3A_3089 = vector.broadcast %jit3A_3088 : i32 to vector<16xi32>
    %select_n3A_3090 = arith.select %eq3A_3087, %iota3A, %broadcast_in_dim3A_3089 : vector<16xi1>, vector<16xi32>
    %eq3A_3091 = arith.cmpf oeq, %select_n3A_3039, %max3A_3086 : vector<16xf32>
    %add3A_3092 = arith.constant 16 : i32
    %add3A_3093 = vector.broadcast %add3A_3092 : i32 to vector<16xi32>
    %add3A_3094 = arith.addi %iota3A, %add3A_3093 : vector<16xi32>
    %jit3A_3095 = arith.constant 64 : i32
    %broadcast_in_dim3A_3096 = vector.broadcast %jit3A_3095 : i32 to vector<16xi32>
    %select_n3A_3097 = arith.select %eq3A_3091, %add3A_3094, %broadcast_in_dim3A_3096 : vector<16xi1>, vector<16xi32>
    %min3A_3098 = arith.minsi %select_n3A_3090, %select_n3A_3097 : vector<16xi32>
    %eq3A_3099 = arith.cmpf oeq, %select_n3A_3047, %max3A_3086 : vector<16xf32>
    %add3A_3100 = arith.constant 32 : i32
    %add3A_3101 = vector.broadcast %add3A_3100 : i32 to vector<16xi32>
    %add3A_3102 = arith.addi %iota3A, %add3A_3101 : vector<16xi32>
    %jit3A_3103 = arith.constant 64 : i32
    %broadcast_in_dim3A_3104 = vector.broadcast %jit3A_3103 : i32 to vector<16xi32>
    %select_n3A_3105 = arith.select %eq3A_3099, %add3A_3102, %broadcast_in_dim3A_3104 : vector<16xi1>, vector<16xi32>
    %min3A_3106 = arith.minsi %min3A_3098, %select_n3A_3105 : vector<16xi32>
    %eq3A_3107 = arith.cmpf oeq, %select_n3A_3055, %max3A_3086 : vector<16xf32>
    %add3A_3108 = arith.constant 48 : i32
    %add3A_3109 = vector.broadcast %add3A_3108 : i32 to vector<16xi32>
    %add3A_3110 = arith.addi %iota3A, %add3A_3109 : vector<16xi32>
    %jit3A_3111 = arith.constant 64 : i32
    %broadcast_in_dim3A_3112 = vector.broadcast %jit3A_3111 : i32 to vector<16xi32>
    %select_n3A_3113 = arith.select %eq3A_3107, %add3A_3110, %broadcast_in_dim3A_3112 : vector<16xi1>, vector<16xi32>
    %min3A_3114 = arith.minsi %min3A_3106, %select_n3A_3113 : vector<16xi32>
    %xor3A_3115 = arith.constant 1 : i32
    %xor3A_3116 = vector.broadcast %xor3A_3115 : i32 to vector<16xi32>
    %xor3A_3117 = arith.xori %iota3A, %xor3A_3116 : vector<16xi32>
    %broadcast_in_dim3A_3118 = vector.shape_cast %xor3A_3117 : vector<16xi32> to vector<16x1xi32>
    %gather3A_3119 = vector.shape_cast %broadcast_in_dim3A_3118 : vector<16x1xi32> to vector<16xi32>
    %gather3A_3120 = tpu.dynamic_gather %min3A_3114[%gather3A_3119] in [0] : vector<16xi32>, vector<16xi32> -> vector<16xi32>
    %min3A_3121 = arith.minsi %min3A_3114, %gather3A_3120 : vector<16xi32>
    %xor3A_3122 = arith.constant 2 : i32
    %xor3A_3123 = vector.broadcast %xor3A_3122 : i32 to vector<16xi32>
    %xor3A_3124 = arith.xori %iota3A, %xor3A_3123 : vector<16xi32>
    %broadcast_in_dim3A_3125 = vector.shape_cast %xor3A_3124 : vector<16xi32> to vector<16x1xi32>
    %gather3A_3126 = vector.shape_cast %broadcast_in_dim3A_3125 : vector<16x1xi32> to vector<16xi32>
    %gather3A_3127 = tpu.dynamic_gather %min3A_3121[%gather3A_3126] in [0] : vector<16xi32>, vector<16xi32> -> vector<16xi32>
    %min3A_3128 = arith.minsi %min3A_3121, %gather3A_3127 : vector<16xi32>
    %xor3A_3129 = arith.constant 4 : i32
    %xor3A_3130 = vector.broadcast %xor3A_3129 : i32 to vector<16xi32>
    %xor3A_3131 = arith.xori %iota3A, %xor3A_3130 : vector<16xi32>
    %broadcast_in_dim3A_3132 = vector.shape_cast %xor3A_3131 : vector<16xi32> to vector<16x1xi32>
    %gather3A_3133 = vector.shape_cast %broadcast_in_dim3A_3132 : vector<16x1xi32> to vector<16xi32>
    %gather3A_3134 = tpu.dynamic_gather %min3A_3128[%gather3A_3133] in [0] : vector<16xi32>, vector<16xi32> -> vector<16xi32>
    %min3A_3135 = arith.minsi %min3A_3128, %gather3A_3134 : vector<16xi32>
    %xor3A_3136 = arith.constant 8 : i32
    %xor3A_3137 = vector.broadcast %xor3A_3136 : i32 to vector<16xi32>
    %xor3A_3138 = arith.xori %iota3A, %xor3A_3137 : vector<16xi32>
    %broadcast_in_dim3A_3139 = vector.shape_cast %xor3A_3138 : vector<16xi32> to vector<16x1xi32>
    %gather3A_3140 = vector.shape_cast %broadcast_in_dim3A_3139 : vector<16x1xi32> to vector<16xi32>
    %gather3A_3141 = tpu.dynamic_gather %min3A_3135[%gather3A_3140] in [0] : vector<16xi32>, vector<16xi32> -> vector<16xi32>
    %min3A_3142 = arith.minsi %min3A_3135, %gather3A_3141 : vector<16xi32>
    %shift_right_logical3A_3143 = arith.constant 4 : i32
    %shift_right_logical3A_3144 = vector.broadcast %shift_right_logical3A_3143 : i32 to vector<16xi32>
    %shift_right_logical3A_3145 = arith.shrui %min3A_3142, %shift_right_logical3A_3144 : vector<16xi32>
    %and3A_3146 = arith.constant 15 : i32
    %and3A_3147 = vector.broadcast %and3A_3146 : i32 to vector<16xi32>
    %and3A_3148 = arith.andi %min3A_3142, %and3A_3147 : vector<16xi32>
    %eq3A_3149 = arith.cmpi eq, %iota3A, %and3A_3148 : vector<16xi32>
    %eq3A_3150 = arith.constant 0 : i32
    %eq3A_3151 = vector.broadcast %eq3A_3150 : i32 to vector<16xi32>
    %eq3A_3152 = arith.cmpi eq, %shift_right_logical3A_3145, %eq3A_3151 : vector<16xi32>
    %and3A_3153 = arith.andi %eq3A_3149, %eq3A_3152 : vector<16xi1>
    %jit3A_3154 = arith.constant -3.000000e+38 : f32
    %broadcast_in_dim3A_3155 = vector.broadcast %jit3A_3154 : f32 to vector<16xf32>
    %select_n3A_3156 = arith.select %and3A_3153, %broadcast_in_dim3A_3155, %select_n3A_3031 : vector<16xi1>, vector<16xf32>
    %eq3A_3157 = arith.cmpi eq, %iota3A, %and3A_3148 : vector<16xi32>
    %eq3A_3158 = arith.constant 1 : i32
    %eq3A_3159 = vector.broadcast %eq3A_3158 : i32 to vector<16xi32>
    %eq3A_3160 = arith.cmpi eq, %shift_right_logical3A_3145, %eq3A_3159 : vector<16xi32>
    %and3A_3161 = arith.andi %eq3A_3157, %eq3A_3160 : vector<16xi1>
    %jit3A_3162 = arith.constant -3.000000e+38 : f32
    %broadcast_in_dim3A_3163 = vector.broadcast %jit3A_3162 : f32 to vector<16xf32>
    %select_n3A_3164 = arith.select %and3A_3161, %broadcast_in_dim3A_3163, %select_n3A_3039 : vector<16xi1>, vector<16xf32>
    %eq3A_3165 = arith.cmpi eq, %iota3A, %and3A_3148 : vector<16xi32>
    %eq3A_3166 = arith.constant 2 : i32
    %eq3A_3167 = vector.broadcast %eq3A_3166 : i32 to vector<16xi32>
    %eq3A_3168 = arith.cmpi eq, %shift_right_logical3A_3145, %eq3A_3167 : vector<16xi32>
    %and3A_3169 = arith.andi %eq3A_3165, %eq3A_3168 : vector<16xi1>
    %jit3A_3170 = arith.constant -3.000000e+38 : f32
    %broadcast_in_dim3A_3171 = vector.broadcast %jit3A_3170 : f32 to vector<16xf32>
    %select_n3A_3172 = arith.select %and3A_3169, %broadcast_in_dim3A_3171, %select_n3A_3047 : vector<16xi1>, vector<16xf32>
    %eq3A_3173 = arith.cmpi eq, %iota3A, %and3A_3148 : vector<16xi32>
    %eq3A_3174 = arith.constant 3 : i32
    %eq3A_3175 = vector.broadcast %eq3A_3174 : i32 to vector<16xi32>
    %eq3A_3176 = arith.cmpi eq, %shift_right_logical3A_3145, %eq3A_3175 : vector<16xi32>
    %and3A_3177 = arith.andi %eq3A_3173, %eq3A_3176 : vector<16xi1>
    %jit3A_3178 = arith.constant -3.000000e+38 : f32
    %broadcast_in_dim3A_3179 = vector.broadcast %jit3A_3178 : f32 to vector<16xf32>
    %select_n3A_3180 = arith.select %and3A_3177, %broadcast_in_dim3A_3179, %select_n3A_3055 : vector<16xi1>, vector<16xf32>
    %max3A_3181 = arith.maximumf %select_n3A_3156, %select_n3A_3164 : vector<16xf32>
    %max3A_3182 = arith.maximumf %select_n3A_3172, %select_n3A_3180 : vector<16xf32>
    %max3A_3183 = arith.maximumf %max3A_3181, %max3A_3182 : vector<16xf32>
    %xor3A_3184 = arith.constant 1 : i32
    %xor3A_3185 = vector.broadcast %xor3A_3184 : i32 to vector<16xi32>
    %xor3A_3186 = arith.xori %iota3A, %xor3A_3185 : vector<16xi32>
    %broadcast_in_dim3A_3187 = vector.shape_cast %xor3A_3186 : vector<16xi32> to vector<16x1xi32>
    %gather3A_3188 = vector.shape_cast %broadcast_in_dim3A_3187 : vector<16x1xi32> to vector<16xi32>
    %gather3A_3189 = tpu.dynamic_gather %max3A_3183[%gather3A_3188] in [0] : vector<16xf32>, vector<16xi32> -> vector<16xf32>
    %max3A_3190 = arith.maximumf %max3A_3183, %gather3A_3189 : vector<16xf32>
    %xor3A_3191 = arith.constant 2 : i32
    %xor3A_3192 = vector.broadcast %xor3A_3191 : i32 to vector<16xi32>
    %xor3A_3193 = arith.xori %iota3A, %xor3A_3192 : vector<16xi32>
    %broadcast_in_dim3A_3194 = vector.shape_cast %xor3A_3193 : vector<16xi32> to vector<16x1xi32>
    %gather3A_3195 = vector.shape_cast %broadcast_in_dim3A_3194 : vector<16x1xi32> to vector<16xi32>
    %gather3A_3196 = tpu.dynamic_gather %max3A_3190[%gather3A_3195] in [0] : vector<16xf32>, vector<16xi32> -> vector<16xf32>
    %max3A_3197 = arith.maximumf %max3A_3190, %gather3A_3196 : vector<16xf32>
    %xor3A_3198 = arith.constant 4 : i32
    %xor3A_3199 = vector.broadcast %xor3A_3198 : i32 to vector<16xi32>
    %xor3A_3200 = arith.xori %iota3A, %xor3A_3199 : vector<16xi32>
    %broadcast_in_dim3A_3201 = vector.shape_cast %xor3A_3200 : vector<16xi32> to vector<16x1xi32>
    %gather3A_3202 = vector.shape_cast %broadcast_in_dim3A_3201 : vector<16x1xi32> to vector<16xi32>
    %gather3A_3203 = tpu.dynamic_gather %max3A_3197[%gather3A_3202] in [0] : vector<16xf32>, vector<16xi32> -> vector<16xf32>
    %max3A_3204 = arith.maximumf %max3A_3197, %gather3A_3203 : vector<16xf32>
    %xor3A_3205 = arith.constant 8 : i32
    %xor3A_3206 = vector.broadcast %xor3A_3205 : i32 to vector<16xi32>
    %xor3A_3207 = arith.xori %iota3A, %xor3A_3206 : vector<16xi32>
    %broadcast_in_dim3A_3208 = vector.shape_cast %xor3A_3207 : vector<16xi32> to vector<16x1xi32>
    %gather3A_3209 = vector.shape_cast %broadcast_in_dim3A_3208 : vector<16x1xi32> to vector<16xi32>
    %gather3A_3210 = tpu.dynamic_gather %max3A_3204[%gather3A_3209] in [0] : vector<16xf32>, vector<16xi32> -> vector<16xf32>
    %max3A_3211 = arith.maximumf %max3A_3204, %gather3A_3210 : vector<16xf32>
    %eq3A_3212 = arith.cmpf oeq, %select_n3A_3156, %max3A_3211 : vector<16xf32>
    %jit3A_3213 = arith.constant 64 : i32
    %broadcast_in_dim3A_3214 = vector.broadcast %jit3A_3213 : i32 to vector<16xi32>
    %select_n3A_3215 = arith.select %eq3A_3212, %iota3A, %broadcast_in_dim3A_3214 : vector<16xi1>, vector<16xi32>
    %eq3A_3216 = arith.cmpf oeq, %select_n3A_3164, %max3A_3211 : vector<16xf32>
    %add3A_3217 = arith.constant 16 : i32
    %add3A_3218 = vector.broadcast %add3A_3217 : i32 to vector<16xi32>
    %add3A_3219 = arith.addi %iota3A, %add3A_3218 : vector<16xi32>
    %jit3A_3220 = arith.constant 64 : i32
    %broadcast_in_dim3A_3221 = vector.broadcast %jit3A_3220 : i32 to vector<16xi32>
    %select_n3A_3222 = arith.select %eq3A_3216, %add3A_3219, %broadcast_in_dim3A_3221 : vector<16xi1>, vector<16xi32>
    %min3A_3223 = arith.minsi %select_n3A_3215, %select_n3A_3222 : vector<16xi32>
    %eq3A_3224 = arith.cmpf oeq, %select_n3A_3172, %max3A_3211 : vector<16xf32>
    %add3A_3225 = arith.constant 32 : i32
    %add3A_3226 = vector.broadcast %add3A_3225 : i32 to vector<16xi32>
    %add3A_3227 = arith.addi %iota3A, %add3A_3226 : vector<16xi32>
    %jit3A_3228 = arith.constant 64 : i32
    %broadcast_in_dim3A_3229 = vector.broadcast %jit3A_3228 : i32 to vector<16xi32>
    %select_n3A_3230 = arith.select %eq3A_3224, %add3A_3227, %broadcast_in_dim3A_3229 : vector<16xi1>, vector<16xi32>
    %min3A_3231 = arith.minsi %min3A_3223, %select_n3A_3230 : vector<16xi32>
    %eq3A_3232 = arith.cmpf oeq, %select_n3A_3180, %max3A_3211 : vector<16xf32>
    %add3A_3233 = arith.constant 48 : i32
    %add3A_3234 = vector.broadcast %add3A_3233 : i32 to vector<16xi32>
    %add3A_3235 = arith.addi %iota3A, %add3A_3234 : vector<16xi32>
    %jit3A_3236 = arith.constant 64 : i32
    %broadcast_in_dim3A_3237 = vector.broadcast %jit3A_3236 : i32 to vector<16xi32>
    %select_n3A_3238 = arith.select %eq3A_3232, %add3A_3235, %broadcast_in_dim3A_3237 : vector<16xi1>, vector<16xi32>
    %min3A_3239 = arith.minsi %min3A_3231, %select_n3A_3238 : vector<16xi32>
    %xor3A_3240 = arith.constant 1 : i32
    %xor3A_3241 = vector.broadcast %xor3A_3240 : i32 to vector<16xi32>
    %xor3A_3242 = arith.xori %iota3A, %xor3A_3241 : vector<16xi32>
    %broadcast_in_dim3A_3243 = vector.shape_cast %xor3A_3242 : vector<16xi32> to vector<16x1xi32>
    %gather3A_3244 = vector.shape_cast %broadcast_in_dim3A_3243 : vector<16x1xi32> to vector<16xi32>
    %gather3A_3245 = tpu.dynamic_gather %min3A_3239[%gather3A_3244] in [0] : vector<16xi32>, vector<16xi32> -> vector<16xi32>
    %min3A_3246 = arith.minsi %min3A_3239, %gather3A_3245 : vector<16xi32>
    %xor3A_3247 = arith.constant 2 : i32
    %xor3A_3248 = vector.broadcast %xor3A_3247 : i32 to vector<16xi32>
    %xor3A_3249 = arith.xori %iota3A, %xor3A_3248 : vector<16xi32>
    %broadcast_in_dim3A_3250 = vector.shape_cast %xor3A_3249 : vector<16xi32> to vector<16x1xi32>
    %gather3A_3251 = vector.shape_cast %broadcast_in_dim3A_3250 : vector<16x1xi32> to vector<16xi32>
    %gather3A_3252 = tpu.dynamic_gather %min3A_3246[%gather3A_3251] in [0] : vector<16xi32>, vector<16xi32> -> vector<16xi32>
    %min3A_3253 = arith.minsi %min3A_3246, %gather3A_3252 : vector<16xi32>
    %xor3A_3254 = arith.constant 4 : i32
    %xor3A_3255 = vector.broadcast %xor3A_3254 : i32 to vector<16xi32>
    %xor3A_3256 = arith.xori %iota3A, %xor3A_3255 : vector<16xi32>
    %broadcast_in_dim3A_3257 = vector.shape_cast %xor3A_3256 : vector<16xi32> to vector<16x1xi32>
    %gather3A_3258 = vector.shape_cast %broadcast_in_dim3A_3257 : vector<16x1xi32> to vector<16xi32>
    %gather3A_3259 = tpu.dynamic_gather %min3A_3253[%gather3A_3258] in [0] : vector<16xi32>, vector<16xi32> -> vector<16xi32>
    %min3A_3260 = arith.minsi %min3A_3253, %gather3A_3259 : vector<16xi32>
    %xor3A_3261 = arith.constant 8 : i32
    %xor3A_3262 = vector.broadcast %xor3A_3261 : i32 to vector<16xi32>
    %xor3A_3263 = arith.xori %iota3A, %xor3A_3262 : vector<16xi32>
    %broadcast_in_dim3A_3264 = vector.shape_cast %xor3A_3263 : vector<16xi32> to vector<16x1xi32>
    %gather3A_3265 = vector.shape_cast %broadcast_in_dim3A_3264 : vector<16x1xi32> to vector<16xi32>
    %gather3A_3266 = tpu.dynamic_gather %min3A_3260[%gather3A_3265] in [0] : vector<16xi32>, vector<16xi32> -> vector<16xi32>
    %min3A_3267 = arith.minsi %min3A_3260, %gather3A_3266 : vector<16xi32>
    %shift_right_logical3A_3268 = arith.constant 4 : i32
    %shift_right_logical3A_3269 = vector.broadcast %shift_right_logical3A_3268 : i32 to vector<16xi32>
    %shift_right_logical3A_3270 = arith.shrui %min3A_3267, %shift_right_logical3A_3269 : vector<16xi32>
    %and3A_3271 = arith.constant 15 : i32
    %and3A_3272 = vector.broadcast %and3A_3271 : i32 to vector<16xi32>
    %and3A_3273 = arith.andi %min3A_3267, %and3A_3272 : vector<16xi32>
    %eq3A_3274 = arith.cmpi eq, %iota3A, %and3A_3273 : vector<16xi32>
    %eq3A_3275 = arith.constant 0 : i32
    %eq3A_3276 = vector.broadcast %eq3A_3275 : i32 to vector<16xi32>
    %eq3A_3277 = arith.cmpi eq, %shift_right_logical3A_3270, %eq3A_3276 : vector<16xi32>
    %and3A_3278 = arith.andi %eq3A_3274, %eq3A_3277 : vector<16xi1>
    %jit3A_3279 = arith.constant -3.000000e+38 : f32
    %broadcast_in_dim3A_3280 = vector.broadcast %jit3A_3279 : f32 to vector<16xf32>
    %select_n3A_3281 = arith.select %and3A_3278, %broadcast_in_dim3A_3280, %select_n3A_3156 : vector<16xi1>, vector<16xf32>
    %eq3A_3282 = arith.cmpi eq, %iota3A, %and3A_3273 : vector<16xi32>
    %eq3A_3283 = arith.constant 1 : i32
    %eq3A_3284 = vector.broadcast %eq3A_3283 : i32 to vector<16xi32>
    %eq3A_3285 = arith.cmpi eq, %shift_right_logical3A_3270, %eq3A_3284 : vector<16xi32>
    %and3A_3286 = arith.andi %eq3A_3282, %eq3A_3285 : vector<16xi1>
    %jit3A_3287 = arith.constant -3.000000e+38 : f32
    %broadcast_in_dim3A_3288 = vector.broadcast %jit3A_3287 : f32 to vector<16xf32>
    %select_n3A_3289 = arith.select %and3A_3286, %broadcast_in_dim3A_3288, %select_n3A_3164 : vector<16xi1>, vector<16xf32>
    %eq3A_3290 = arith.cmpi eq, %iota3A, %and3A_3273 : vector<16xi32>
    %eq3A_3291 = arith.constant 2 : i32
    %eq3A_3292 = vector.broadcast %eq3A_3291 : i32 to vector<16xi32>
    %eq3A_3293 = arith.cmpi eq, %shift_right_logical3A_3270, %eq3A_3292 : vector<16xi32>
    %and3A_3294 = arith.andi %eq3A_3290, %eq3A_3293 : vector<16xi1>
    %jit3A_3295 = arith.constant -3.000000e+38 : f32
    %broadcast_in_dim3A_3296 = vector.broadcast %jit3A_3295 : f32 to vector<16xf32>
    %select_n3A_3297 = arith.select %and3A_3294, %broadcast_in_dim3A_3296, %select_n3A_3172 : vector<16xi1>, vector<16xf32>
    %eq3A_3298 = arith.cmpi eq, %iota3A, %and3A_3273 : vector<16xi32>
    %eq3A_3299 = arith.constant 3 : i32
    %eq3A_3300 = vector.broadcast %eq3A_3299 : i32 to vector<16xi32>
    %eq3A_3301 = arith.cmpi eq, %shift_right_logical3A_3270, %eq3A_3300 : vector<16xi32>
    %and3A_3302 = arith.andi %eq3A_3298, %eq3A_3301 : vector<16xi1>
    %jit3A_3303 = arith.constant -3.000000e+38 : f32
    %broadcast_in_dim3A_3304 = vector.broadcast %jit3A_3303 : f32 to vector<16xf32>
    %select_n3A_3305 = arith.select %and3A_3302, %broadcast_in_dim3A_3304, %select_n3A_3180 : vector<16xi1>, vector<16xf32>
    %max3A_3306 = arith.maximumf %select_n3A_3281, %select_n3A_3289 : vector<16xf32>
    %max3A_3307 = arith.maximumf %select_n3A_3297, %select_n3A_3305 : vector<16xf32>
    %max3A_3308 = arith.maximumf %max3A_3306, %max3A_3307 : vector<16xf32>
    %xor3A_3309 = arith.constant 1 : i32
    %xor3A_3310 = vector.broadcast %xor3A_3309 : i32 to vector<16xi32>
    %xor3A_3311 = arith.xori %iota3A, %xor3A_3310 : vector<16xi32>
    %broadcast_in_dim3A_3312 = vector.shape_cast %xor3A_3311 : vector<16xi32> to vector<16x1xi32>
    %gather3A_3313 = vector.shape_cast %broadcast_in_dim3A_3312 : vector<16x1xi32> to vector<16xi32>
    %gather3A_3314 = tpu.dynamic_gather %max3A_3308[%gather3A_3313] in [0] : vector<16xf32>, vector<16xi32> -> vector<16xf32>
    %max3A_3315 = arith.maximumf %max3A_3308, %gather3A_3314 : vector<16xf32>
    %xor3A_3316 = arith.constant 2 : i32
    %xor3A_3317 = vector.broadcast %xor3A_3316 : i32 to vector<16xi32>
    %xor3A_3318 = arith.xori %iota3A, %xor3A_3317 : vector<16xi32>
    %broadcast_in_dim3A_3319 = vector.shape_cast %xor3A_3318 : vector<16xi32> to vector<16x1xi32>
    %gather3A_3320 = vector.shape_cast %broadcast_in_dim3A_3319 : vector<16x1xi32> to vector<16xi32>
    %gather3A_3321 = tpu.dynamic_gather %max3A_3315[%gather3A_3320] in [0] : vector<16xf32>, vector<16xi32> -> vector<16xf32>
    %max3A_3322 = arith.maximumf %max3A_3315, %gather3A_3321 : vector<16xf32>
    %xor3A_3323 = arith.constant 4 : i32
    %xor3A_3324 = vector.broadcast %xor3A_3323 : i32 to vector<16xi32>
    %xor3A_3325 = arith.xori %iota3A, %xor3A_3324 : vector<16xi32>
    %broadcast_in_dim3A_3326 = vector.shape_cast %xor3A_3325 : vector<16xi32> to vector<16x1xi32>
    %gather3A_3327 = vector.shape_cast %broadcast_in_dim3A_3326 : vector<16x1xi32> to vector<16xi32>
    %gather3A_3328 = tpu.dynamic_gather %max3A_3322[%gather3A_3327] in [0] : vector<16xf32>, vector<16xi32> -> vector<16xf32>
    %max3A_3329 = arith.maximumf %max3A_3322, %gather3A_3328 : vector<16xf32>
    %xor3A_3330 = arith.constant 8 : i32
    %xor3A_3331 = vector.broadcast %xor3A_3330 : i32 to vector<16xi32>
    %xor3A_3332 = arith.xori %iota3A, %xor3A_3331 : vector<16xi32>
    %broadcast_in_dim3A_3333 = vector.shape_cast %xor3A_3332 : vector<16xi32> to vector<16x1xi32>
    %gather3A_3334 = vector.shape_cast %broadcast_in_dim3A_3333 : vector<16x1xi32> to vector<16xi32>
    %gather3A_3335 = tpu.dynamic_gather %max3A_3329[%gather3A_3334] in [0] : vector<16xf32>, vector<16xi32> -> vector<16xf32>
    %max3A_3336 = arith.maximumf %max3A_3329, %gather3A_3335 : vector<16xf32>
    %eq3A_3337 = arith.cmpf oeq, %select_n3A_3281, %max3A_3336 : vector<16xf32>
    %jit3A_3338 = arith.constant 64 : i32
    %broadcast_in_dim3A_3339 = vector.broadcast %jit3A_3338 : i32 to vector<16xi32>
    %select_n3A_3340 = arith.select %eq3A_3337, %iota3A, %broadcast_in_dim3A_3339 : vector<16xi1>, vector<16xi32>
    %eq3A_3341 = arith.cmpf oeq, %select_n3A_3289, %max3A_3336 : vector<16xf32>
    %add3A_3342 = arith.constant 16 : i32
    %add3A_3343 = vector.broadcast %add3A_3342 : i32 to vector<16xi32>
    %add3A_3344 = arith.addi %iota3A, %add3A_3343 : vector<16xi32>
    %jit3A_3345 = arith.constant 64 : i32
    %broadcast_in_dim3A_3346 = vector.broadcast %jit3A_3345 : i32 to vector<16xi32>
    %select_n3A_3347 = arith.select %eq3A_3341, %add3A_3344, %broadcast_in_dim3A_3346 : vector<16xi1>, vector<16xi32>
    %min3A_3348 = arith.minsi %select_n3A_3340, %select_n3A_3347 : vector<16xi32>
    %eq3A_3349 = arith.cmpf oeq, %select_n3A_3297, %max3A_3336 : vector<16xf32>
    %add3A_3350 = arith.constant 32 : i32
    %add3A_3351 = vector.broadcast %add3A_3350 : i32 to vector<16xi32>
    %add3A_3352 = arith.addi %iota3A, %add3A_3351 : vector<16xi32>
    %jit3A_3353 = arith.constant 64 : i32
    %broadcast_in_dim3A_3354 = vector.broadcast %jit3A_3353 : i32 to vector<16xi32>
    %select_n3A_3355 = arith.select %eq3A_3349, %add3A_3352, %broadcast_in_dim3A_3354 : vector<16xi1>, vector<16xi32>
    %min3A_3356 = arith.minsi %min3A_3348, %select_n3A_3355 : vector<16xi32>
    %eq3A_3357 = arith.cmpf oeq, %select_n3A_3305, %max3A_3336 : vector<16xf32>
    %add3A_3358 = arith.constant 48 : i32
    %add3A_3359 = vector.broadcast %add3A_3358 : i32 to vector<16xi32>
    %add3A_3360 = arith.addi %iota3A, %add3A_3359 : vector<16xi32>
    %jit3A_3361 = arith.constant 64 : i32
    %broadcast_in_dim3A_3362 = vector.broadcast %jit3A_3361 : i32 to vector<16xi32>
    %select_n3A_3363 = arith.select %eq3A_3357, %add3A_3360, %broadcast_in_dim3A_3362 : vector<16xi1>, vector<16xi32>
    %min3A_3364 = arith.minsi %min3A_3356, %select_n3A_3363 : vector<16xi32>
    %xor3A_3365 = arith.constant 1 : i32
    %xor3A_3366 = vector.broadcast %xor3A_3365 : i32 to vector<16xi32>
    %xor3A_3367 = arith.xori %iota3A, %xor3A_3366 : vector<16xi32>
    %broadcast_in_dim3A_3368 = vector.shape_cast %xor3A_3367 : vector<16xi32> to vector<16x1xi32>
    %gather3A_3369 = vector.shape_cast %broadcast_in_dim3A_3368 : vector<16x1xi32> to vector<16xi32>
    %gather3A_3370 = tpu.dynamic_gather %min3A_3364[%gather3A_3369] in [0] : vector<16xi32>, vector<16xi32> -> vector<16xi32>
    %min3A_3371 = arith.minsi %min3A_3364, %gather3A_3370 : vector<16xi32>
    %xor3A_3372 = arith.constant 2 : i32
    %xor3A_3373 = vector.broadcast %xor3A_3372 : i32 to vector<16xi32>
    %xor3A_3374 = arith.xori %iota3A, %xor3A_3373 : vector<16xi32>
    %broadcast_in_dim3A_3375 = vector.shape_cast %xor3A_3374 : vector<16xi32> to vector<16x1xi32>
    %gather3A_3376 = vector.shape_cast %broadcast_in_dim3A_3375 : vector<16x1xi32> to vector<16xi32>
    %gather3A_3377 = tpu.dynamic_gather %min3A_3371[%gather3A_3376] in [0] : vector<16xi32>, vector<16xi32> -> vector<16xi32>
    %min3A_3378 = arith.minsi %min3A_3371, %gather3A_3377 : vector<16xi32>
    %xor3A_3379 = arith.constant 4 : i32
    %xor3A_3380 = vector.broadcast %xor3A_3379 : i32 to vector<16xi32>
    %xor3A_3381 = arith.xori %iota3A, %xor3A_3380 : vector<16xi32>
    %broadcast_in_dim3A_3382 = vector.shape_cast %xor3A_3381 : vector<16xi32> to vector<16x1xi32>
    %gather3A_3383 = vector.shape_cast %broadcast_in_dim3A_3382 : vector<16x1xi32> to vector<16xi32>
    %gather3A_3384 = tpu.dynamic_gather %min3A_3378[%gather3A_3383] in [0] : vector<16xi32>, vector<16xi32> -> vector<16xi32>
    %min3A_3385 = arith.minsi %min3A_3378, %gather3A_3384 : vector<16xi32>
    %xor3A_3386 = arith.constant 8 : i32
    %xor3A_3387 = vector.broadcast %xor3A_3386 : i32 to vector<16xi32>
    %xor3A_3388 = arith.xori %iota3A, %xor3A_3387 : vector<16xi32>
    %broadcast_in_dim3A_3389 = vector.shape_cast %xor3A_3388 : vector<16xi32> to vector<16x1xi32>
    %gather3A_3390 = vector.shape_cast %broadcast_in_dim3A_3389 : vector<16x1xi32> to vector<16xi32>
    %gather3A_3391 = tpu.dynamic_gather %min3A_3385[%gather3A_3390] in [0] : vector<16xi32>, vector<16xi32> -> vector<16xi32>
    %min3A_3392 = arith.minsi %min3A_3385, %gather3A_3391 : vector<16xi32>
    %shift_right_logical3A_3393 = arith.constant 4 : i32
    %shift_right_logical3A_3394 = vector.broadcast %shift_right_logical3A_3393 : i32 to vector<16xi32>
    %shift_right_logical3A_3395 = arith.shrui %min3A_3392, %shift_right_logical3A_3394 : vector<16xi32>
    %and3A_3396 = arith.constant 15 : i32
    %and3A_3397 = vector.broadcast %and3A_3396 : i32 to vector<16xi32>
    %and3A_3398 = arith.andi %min3A_3392, %and3A_3397 : vector<16xi32>
    %eq3A_3399 = arith.cmpi eq, %iota3A, %and3A_3398 : vector<16xi32>
    %eq3A_3400 = arith.constant 0 : i32
    %eq3A_3401 = vector.broadcast %eq3A_3400 : i32 to vector<16xi32>
    %eq3A_3402 = arith.cmpi eq, %shift_right_logical3A_3395, %eq3A_3401 : vector<16xi32>
    %and3A_3403 = arith.andi %eq3A_3399, %eq3A_3402 : vector<16xi1>
    %jit3A_3404 = arith.constant -3.000000e+38 : f32
    %broadcast_in_dim3A_3405 = vector.broadcast %jit3A_3404 : f32 to vector<16xf32>
    %select_n3A_3406 = arith.select %and3A_3403, %broadcast_in_dim3A_3405, %select_n3A_3281 : vector<16xi1>, vector<16xf32>
    %eq3A_3407 = arith.cmpi eq, %iota3A, %and3A_3398 : vector<16xi32>
    %eq3A_3408 = arith.constant 1 : i32
    %eq3A_3409 = vector.broadcast %eq3A_3408 : i32 to vector<16xi32>
    %eq3A_3410 = arith.cmpi eq, %shift_right_logical3A_3395, %eq3A_3409 : vector<16xi32>
    %and3A_3411 = arith.andi %eq3A_3407, %eq3A_3410 : vector<16xi1>
    %jit3A_3412 = arith.constant -3.000000e+38 : f32
    %broadcast_in_dim3A_3413 = vector.broadcast %jit3A_3412 : f32 to vector<16xf32>
    %select_n3A_3414 = arith.select %and3A_3411, %broadcast_in_dim3A_3413, %select_n3A_3289 : vector<16xi1>, vector<16xf32>
    %eq3A_3415 = arith.cmpi eq, %iota3A, %and3A_3398 : vector<16xi32>
    %eq3A_3416 = arith.constant 2 : i32
    %eq3A_3417 = vector.broadcast %eq3A_3416 : i32 to vector<16xi32>
    %eq3A_3418 = arith.cmpi eq, %shift_right_logical3A_3395, %eq3A_3417 : vector<16xi32>
    %and3A_3419 = arith.andi %eq3A_3415, %eq3A_3418 : vector<16xi1>
    %jit3A_3420 = arith.constant -3.000000e+38 : f32
    %broadcast_in_dim3A_3421 = vector.broadcast %jit3A_3420 : f32 to vector<16xf32>
    %select_n3A_3422 = arith.select %and3A_3419, %broadcast_in_dim3A_3421, %select_n3A_3297 : vector<16xi1>, vector<16xf32>
    %eq3A_3423 = arith.cmpi eq, %iota3A, %and3A_3398 : vector<16xi32>
    %eq3A_3424 = arith.constant 3 : i32
    %eq3A_3425 = vector.broadcast %eq3A_3424 : i32 to vector<16xi32>
    %eq3A_3426 = arith.cmpi eq, %shift_right_logical3A_3395, %eq3A_3425 : vector<16xi32>
    %and3A_3427 = arith.andi %eq3A_3423, %eq3A_3426 : vector<16xi1>
    %jit3A_3428 = arith.constant -3.000000e+38 : f32
    %broadcast_in_dim3A_3429 = vector.broadcast %jit3A_3428 : f32 to vector<16xf32>
    %select_n3A_3430 = arith.select %and3A_3427, %broadcast_in_dim3A_3429, %select_n3A_3305 : vector<16xi1>, vector<16xf32>
    %max3A_3431 = arith.maximumf %select_n3A_3406, %select_n3A_3414 : vector<16xf32>
    %max3A_3432 = arith.maximumf %select_n3A_3422, %select_n3A_3430 : vector<16xf32>
    %max3A_3433 = arith.maximumf %max3A_3431, %max3A_3432 : vector<16xf32>
    %xor3A_3434 = arith.constant 1 : i32
    %xor3A_3435 = vector.broadcast %xor3A_3434 : i32 to vector<16xi32>
    %xor3A_3436 = arith.xori %iota3A, %xor3A_3435 : vector<16xi32>
    %broadcast_in_dim3A_3437 = vector.shape_cast %xor3A_3436 : vector<16xi32> to vector<16x1xi32>
    %gather3A_3438 = vector.shape_cast %broadcast_in_dim3A_3437 : vector<16x1xi32> to vector<16xi32>
    %gather3A_3439 = tpu.dynamic_gather %max3A_3433[%gather3A_3438] in [0] : vector<16xf32>, vector<16xi32> -> vector<16xf32>
    %max3A_3440 = arith.maximumf %max3A_3433, %gather3A_3439 : vector<16xf32>
    %xor3A_3441 = arith.constant 2 : i32
    %xor3A_3442 = vector.broadcast %xor3A_3441 : i32 to vector<16xi32>
    %xor3A_3443 = arith.xori %iota3A, %xor3A_3442 : vector<16xi32>
    %broadcast_in_dim3A_3444 = vector.shape_cast %xor3A_3443 : vector<16xi32> to vector<16x1xi32>
    %gather3A_3445 = vector.shape_cast %broadcast_in_dim3A_3444 : vector<16x1xi32> to vector<16xi32>
    %gather3A_3446 = tpu.dynamic_gather %max3A_3440[%gather3A_3445] in [0] : vector<16xf32>, vector<16xi32> -> vector<16xf32>
    %max3A_3447 = arith.maximumf %max3A_3440, %gather3A_3446 : vector<16xf32>
    %xor3A_3448 = arith.constant 4 : i32
    %xor3A_3449 = vector.broadcast %xor3A_3448 : i32 to vector<16xi32>
    %xor3A_3450 = arith.xori %iota3A, %xor3A_3449 : vector<16xi32>
    %broadcast_in_dim3A_3451 = vector.shape_cast %xor3A_3450 : vector<16xi32> to vector<16x1xi32>
    %gather3A_3452 = vector.shape_cast %broadcast_in_dim3A_3451 : vector<16x1xi32> to vector<16xi32>
    %gather3A_3453 = tpu.dynamic_gather %max3A_3447[%gather3A_3452] in [0] : vector<16xf32>, vector<16xi32> -> vector<16xf32>
    %max3A_3454 = arith.maximumf %max3A_3447, %gather3A_3453 : vector<16xf32>
    %xor3A_3455 = arith.constant 8 : i32
    %xor3A_3456 = vector.broadcast %xor3A_3455 : i32 to vector<16xi32>
    %xor3A_3457 = arith.xori %iota3A, %xor3A_3456 : vector<16xi32>
    %broadcast_in_dim3A_3458 = vector.shape_cast %xor3A_3457 : vector<16xi32> to vector<16x1xi32>
    %gather3A_3459 = vector.shape_cast %broadcast_in_dim3A_3458 : vector<16x1xi32> to vector<16xi32>
    %gather3A_3460 = tpu.dynamic_gather %max3A_3454[%gather3A_3459] in [0] : vector<16xf32>, vector<16xi32> -> vector<16xf32>
    %max3A_3461 = arith.maximumf %max3A_3454, %gather3A_3460 : vector<16xf32>
    %eq3A_3462 = arith.cmpf oeq, %select_n3A_3406, %max3A_3461 : vector<16xf32>
    %jit3A_3463 = arith.constant 64 : i32
    %broadcast_in_dim3A_3464 = vector.broadcast %jit3A_3463 : i32 to vector<16xi32>
    %select_n3A_3465 = arith.select %eq3A_3462, %iota3A, %broadcast_in_dim3A_3464 : vector<16xi1>, vector<16xi32>
    %eq3A_3466 = arith.cmpf oeq, %select_n3A_3414, %max3A_3461 : vector<16xf32>
    %add3A_3467 = arith.constant 16 : i32
    %add3A_3468 = vector.broadcast %add3A_3467 : i32 to vector<16xi32>
    %add3A_3469 = arith.addi %iota3A, %add3A_3468 : vector<16xi32>
    %jit3A_3470 = arith.constant 64 : i32
    %broadcast_in_dim3A_3471 = vector.broadcast %jit3A_3470 : i32 to vector<16xi32>
    %select_n3A_3472 = arith.select %eq3A_3466, %add3A_3469, %broadcast_in_dim3A_3471 : vector<16xi1>, vector<16xi32>
    %min3A_3473 = arith.minsi %select_n3A_3465, %select_n3A_3472 : vector<16xi32>
    %eq3A_3474 = arith.cmpf oeq, %select_n3A_3422, %max3A_3461 : vector<16xf32>
    %add3A_3475 = arith.constant 32 : i32
    %add3A_3476 = vector.broadcast %add3A_3475 : i32 to vector<16xi32>
    %add3A_3477 = arith.addi %iota3A, %add3A_3476 : vector<16xi32>
    %jit3A_3478 = arith.constant 64 : i32
    %broadcast_in_dim3A_3479 = vector.broadcast %jit3A_3478 : i32 to vector<16xi32>
    %select_n3A_3480 = arith.select %eq3A_3474, %add3A_3477, %broadcast_in_dim3A_3479 : vector<16xi1>, vector<16xi32>
    %min3A_3481 = arith.minsi %min3A_3473, %select_n3A_3480 : vector<16xi32>
    %eq3A_3482 = arith.cmpf oeq, %select_n3A_3430, %max3A_3461 : vector<16xf32>
    %add3A_3483 = arith.constant 48 : i32
    %add3A_3484 = vector.broadcast %add3A_3483 : i32 to vector<16xi32>
    %add3A_3485 = arith.addi %iota3A, %add3A_3484 : vector<16xi32>
    %jit3A_3486 = arith.constant 64 : i32
    %broadcast_in_dim3A_3487 = vector.broadcast %jit3A_3486 : i32 to vector<16xi32>
    %select_n3A_3488 = arith.select %eq3A_3482, %add3A_3485, %broadcast_in_dim3A_3487 : vector<16xi1>, vector<16xi32>
    %min3A_3489 = arith.minsi %min3A_3481, %select_n3A_3488 : vector<16xi32>
    %xor3A_3490 = arith.constant 1 : i32
    %xor3A_3491 = vector.broadcast %xor3A_3490 : i32 to vector<16xi32>
    %xor3A_3492 = arith.xori %iota3A, %xor3A_3491 : vector<16xi32>
    %broadcast_in_dim3A_3493 = vector.shape_cast %xor3A_3492 : vector<16xi32> to vector<16x1xi32>
    %gather3A_3494 = vector.shape_cast %broadcast_in_dim3A_3493 : vector<16x1xi32> to vector<16xi32>
    %gather3A_3495 = tpu.dynamic_gather %min3A_3489[%gather3A_3494] in [0] : vector<16xi32>, vector<16xi32> -> vector<16xi32>
    %min3A_3496 = arith.minsi %min3A_3489, %gather3A_3495 : vector<16xi32>
    %xor3A_3497 = arith.constant 2 : i32
    %xor3A_3498 = vector.broadcast %xor3A_3497 : i32 to vector<16xi32>
    %xor3A_3499 = arith.xori %iota3A, %xor3A_3498 : vector<16xi32>
    %broadcast_in_dim3A_3500 = vector.shape_cast %xor3A_3499 : vector<16xi32> to vector<16x1xi32>
    %gather3A_3501 = vector.shape_cast %broadcast_in_dim3A_3500 : vector<16x1xi32> to vector<16xi32>
    %gather3A_3502 = tpu.dynamic_gather %min3A_3496[%gather3A_3501] in [0] : vector<16xi32>, vector<16xi32> -> vector<16xi32>
    %min3A_3503 = arith.minsi %min3A_3496, %gather3A_3502 : vector<16xi32>
    %xor3A_3504 = arith.constant 4 : i32
    %xor3A_3505 = vector.broadcast %xor3A_3504 : i32 to vector<16xi32>
    %xor3A_3506 = arith.xori %iota3A, %xor3A_3505 : vector<16xi32>
    %broadcast_in_dim3A_3507 = vector.shape_cast %xor3A_3506 : vector<16xi32> to vector<16x1xi32>
    %gather3A_3508 = vector.shape_cast %broadcast_in_dim3A_3507 : vector<16x1xi32> to vector<16xi32>
    %gather3A_3509 = tpu.dynamic_gather %min3A_3503[%gather3A_3508] in [0] : vector<16xi32>, vector<16xi32> -> vector<16xi32>
    %min3A_3510 = arith.minsi %min3A_3503, %gather3A_3509 : vector<16xi32>
    %xor3A_3511 = arith.constant 8 : i32
    %xor3A_3512 = vector.broadcast %xor3A_3511 : i32 to vector<16xi32>
    %xor3A_3513 = arith.xori %iota3A, %xor3A_3512 : vector<16xi32>
    %broadcast_in_dim3A_3514 = vector.shape_cast %xor3A_3513 : vector<16xi32> to vector<16x1xi32>
    %gather3A_3515 = vector.shape_cast %broadcast_in_dim3A_3514 : vector<16x1xi32> to vector<16xi32>
    %gather3A_3516 = tpu.dynamic_gather %min3A_3510[%gather3A_3515] in [0] : vector<16xi32>, vector<16xi32> -> vector<16xi32>
    %min3A_3517 = arith.minsi %min3A_3510, %gather3A_3516 : vector<16xi32>
    %shift_right_logical3A_3518 = arith.constant 4 : i32
    %shift_right_logical3A_3519 = vector.broadcast %shift_right_logical3A_3518 : i32 to vector<16xi32>
    %shift_right_logical3A_3520 = arith.shrui %min3A_3517, %shift_right_logical3A_3519 : vector<16xi32>
    %and3A_3521 = arith.constant 15 : i32
    %and3A_3522 = vector.broadcast %and3A_3521 : i32 to vector<16xi32>
    %and3A_3523 = arith.andi %min3A_3517, %and3A_3522 : vector<16xi32>
    %eq3A_3524 = arith.cmpi eq, %iota3A, %and3A_3523 : vector<16xi32>
    %eq3A_3525 = arith.constant 0 : i32
    %eq3A_3526 = vector.broadcast %eq3A_3525 : i32 to vector<16xi32>
    %eq3A_3527 = arith.cmpi eq, %shift_right_logical3A_3520, %eq3A_3526 : vector<16xi32>
    %and3A_3528 = arith.andi %eq3A_3524, %eq3A_3527 : vector<16xi1>
    %jit3A_3529 = arith.constant -3.000000e+38 : f32
    %broadcast_in_dim3A_3530 = vector.broadcast %jit3A_3529 : f32 to vector<16xf32>
    %select_n3A_3531 = arith.select %and3A_3528, %broadcast_in_dim3A_3530, %select_n3A_3406 : vector<16xi1>, vector<16xf32>
    %eq3A_3532 = arith.cmpi eq, %iota3A, %and3A_3523 : vector<16xi32>
    %eq3A_3533 = arith.constant 1 : i32
    %eq3A_3534 = vector.broadcast %eq3A_3533 : i32 to vector<16xi32>
    %eq3A_3535 = arith.cmpi eq, %shift_right_logical3A_3520, %eq3A_3534 : vector<16xi32>
    %and3A_3536 = arith.andi %eq3A_3532, %eq3A_3535 : vector<16xi1>
    %jit3A_3537 = arith.constant -3.000000e+38 : f32
    %broadcast_in_dim3A_3538 = vector.broadcast %jit3A_3537 : f32 to vector<16xf32>
    %select_n3A_3539 = arith.select %and3A_3536, %broadcast_in_dim3A_3538, %select_n3A_3414 : vector<16xi1>, vector<16xf32>
    %eq3A_3540 = arith.cmpi eq, %iota3A, %and3A_3523 : vector<16xi32>
    %eq3A_3541 = arith.constant 2 : i32
    %eq3A_3542 = vector.broadcast %eq3A_3541 : i32 to vector<16xi32>
    %eq3A_3543 = arith.cmpi eq, %shift_right_logical3A_3520, %eq3A_3542 : vector<16xi32>
    %and3A_3544 = arith.andi %eq3A_3540, %eq3A_3543 : vector<16xi1>
    %jit3A_3545 = arith.constant -3.000000e+38 : f32
    %broadcast_in_dim3A_3546 = vector.broadcast %jit3A_3545 : f32 to vector<16xf32>
    %select_n3A_3547 = arith.select %and3A_3544, %broadcast_in_dim3A_3546, %select_n3A_3422 : vector<16xi1>, vector<16xf32>
    %eq3A_3548 = arith.cmpi eq, %iota3A, %and3A_3523 : vector<16xi32>
    %eq3A_3549 = arith.constant 3 : i32
    %eq3A_3550 = vector.broadcast %eq3A_3549 : i32 to vector<16xi32>
    %eq3A_3551 = arith.cmpi eq, %shift_right_logical3A_3520, %eq3A_3550 : vector<16xi32>
    %and3A_3552 = arith.andi %eq3A_3548, %eq3A_3551 : vector<16xi1>
    %jit3A_3553 = arith.constant -3.000000e+38 : f32
    %broadcast_in_dim3A_3554 = vector.broadcast %jit3A_3553 : f32 to vector<16xf32>
    %select_n3A_3555 = arith.select %and3A_3552, %broadcast_in_dim3A_3554, %select_n3A_3430 : vector<16xi1>, vector<16xf32>
    %sub3A_3556 = arith.subf %max3A_2586, %max3A_2586 : vector<16xf32>
    %exp3A_3557 = math.exp %sub3A_3556 : vector<16xf32>
    %sub3A_3558 = arith.subf %max3A_2711, %max3A_2586 : vector<16xf32>
    %exp3A_3559 = math.exp %sub3A_3558 : vector<16xf32>
    %sub3A_3560 = arith.subf %max3A_2836, %max3A_2586 : vector<16xf32>
    %exp3A_3561 = math.exp %sub3A_3560 : vector<16xf32>
    %sub3A_3562 = arith.subf %max3A_2961, %max3A_2586 : vector<16xf32>
    %exp3A_3563 = math.exp %sub3A_3562 : vector<16xf32>
    %sub3A_3564 = arith.subf %max3A_3086, %max3A_2586 : vector<16xf32>
    %exp3A_3565 = math.exp %sub3A_3564 : vector<16xf32>
    %sub3A_3566 = arith.subf %max3A_3211, %max3A_2586 : vector<16xf32>
    %exp3A_3567 = math.exp %sub3A_3566 : vector<16xf32>
    %sub3A_3568 = arith.subf %max3A_3336, %max3A_2586 : vector<16xf32>
    %exp3A_3569 = math.exp %sub3A_3568 : vector<16xf32>
    %sub3A_3570 = arith.subf %max3A_3461, %max3A_2586 : vector<16xf32>
    %exp3A_3571 = math.exp %sub3A_3570 : vector<16xf32>
    %add3A_3572 = arith.addf %exp3A_3557, %exp3A_3559 : vector<16xf32>
    %add3A_3573 = arith.addf %add3A_3572, %exp3A_3561 : vector<16xf32>
    %add3A_3574 = arith.addf %add3A_3573, %exp3A_3563 : vector<16xf32>
    %add3A_3575 = arith.addf %add3A_3574, %exp3A_3565 : vector<16xf32>
    %add3A_3576 = arith.addf %add3A_3575, %exp3A_3567 : vector<16xf32>
    %add3A_3577 = arith.addf %add3A_3576, %exp3A_3569 : vector<16xf32>
    %add3A_3578 = arith.addf %add3A_3577, %exp3A_3571 : vector<16xf32>
    %div3A_3579 = arith.constant 1.000000e+00 : f32
    %div3A_3580 = vector.broadcast %div3A_3579 : f32 to vector<16xf32>
    %div3A_3581 = arith.divf %div3A_3580, %add3A_3578 : vector<16xf32>
    %broadcast_in_dim3A_3582 = arith.constant 0.000000e+00 : f32
    %broadcast_in_dim3A_3583 = vector.broadcast %broadcast_in_dim3A_3582 : f32 to vector<16xf32>
    %add3A_3584 = arith.constant 0 : i32
    %add3A_3585 = vector.broadcast %add3A_3584 : i32 to vector<16xi32>
    %add3A_3586 = arith.addi %iota3A, %add3A_3585 : vector<16xi32>
    %eq3A_3587 = arith.cmpi eq, %add3A_3586, %min3A_2642 : vector<16xi32>
    %mul3A_3588 = arith.mulf %exp3A_3557, %div3A_3581 : vector<16xf32>
    %jit3A_3589 = arith.constant 0.000000e+00 : f32
    %broadcast_in_dim3A_3590 = vector.broadcast %jit3A_3589 : f32 to vector<16xf32>
    %select_n3A_3591 = arith.select %eq3A_3587, %mul3A_3588, %broadcast_in_dim3A_3590 : vector<16xi1>, vector<16xf32>
    %add3A_3592 = arith.addf %broadcast_in_dim3A_3583, %select_n3A_3591 : vector<16xf32>
    %eq3A_3593 = arith.cmpi eq, %add3A_3586, %min3A_2767 : vector<16xi32>
    %mul3A_3594 = arith.mulf %exp3A_3559, %div3A_3581 : vector<16xf32>
    %jit3A_3595 = arith.constant 0.000000e+00 : f32
    %broadcast_in_dim3A_3596 = vector.broadcast %jit3A_3595 : f32 to vector<16xf32>
    %select_n3A_3597 = arith.select %eq3A_3593, %mul3A_3594, %broadcast_in_dim3A_3596 : vector<16xi1>, vector<16xf32>
    %add3A_3598 = arith.addf %add3A_3592, %select_n3A_3597 : vector<16xf32>
    %eq3A_3599 = arith.cmpi eq, %add3A_3586, %min3A_2892 : vector<16xi32>
    %mul3A_3600 = arith.mulf %exp3A_3561, %div3A_3581 : vector<16xf32>
    %jit3A_3601 = arith.constant 0.000000e+00 : f32
    %broadcast_in_dim3A_3602 = vector.broadcast %jit3A_3601 : f32 to vector<16xf32>
    %select_n3A_3603 = arith.select %eq3A_3599, %mul3A_3600, %broadcast_in_dim3A_3602 : vector<16xi1>, vector<16xf32>
    %add3A_3604 = arith.addf %add3A_3598, %select_n3A_3603 : vector<16xf32>
    %eq3A_3605 = arith.cmpi eq, %add3A_3586, %min3A_3017 : vector<16xi32>
    %mul3A_3606 = arith.mulf %exp3A_3563, %div3A_3581 : vector<16xf32>
    %jit3A_3607 = arith.constant 0.000000e+00 : f32
    %broadcast_in_dim3A_3608 = vector.broadcast %jit3A_3607 : f32 to vector<16xf32>
    %select_n3A_3609 = arith.select %eq3A_3605, %mul3A_3606, %broadcast_in_dim3A_3608 : vector<16xi1>, vector<16xf32>
    %add3A_3610 = arith.addf %add3A_3604, %select_n3A_3609 : vector<16xf32>
    %eq3A_3611 = arith.cmpi eq, %add3A_3586, %min3A_3142 : vector<16xi32>
    %mul3A_3612 = arith.mulf %exp3A_3565, %div3A_3581 : vector<16xf32>
    %jit3A_3613 = arith.constant 0.000000e+00 : f32
    %broadcast_in_dim3A_3614 = vector.broadcast %jit3A_3613 : f32 to vector<16xf32>
    %select_n3A_3615 = arith.select %eq3A_3611, %mul3A_3612, %broadcast_in_dim3A_3614 : vector<16xi1>, vector<16xf32>
    %add3A_3616 = arith.addf %add3A_3610, %select_n3A_3615 : vector<16xf32>
    %eq3A_3617 = arith.cmpi eq, %add3A_3586, %min3A_3267 : vector<16xi32>
    %mul3A_3618 = arith.mulf %exp3A_3567, %div3A_3581 : vector<16xf32>
    %jit3A_3619 = arith.constant 0.000000e+00 : f32
    %broadcast_in_dim3A_3620 = vector.broadcast %jit3A_3619 : f32 to vector<16xf32>
    %select_n3A_3621 = arith.select %eq3A_3617, %mul3A_3618, %broadcast_in_dim3A_3620 : vector<16xi1>, vector<16xf32>
    %add3A_3622 = arith.addf %add3A_3616, %select_n3A_3621 : vector<16xf32>
    %eq3A_3623 = arith.cmpi eq, %add3A_3586, %min3A_3392 : vector<16xi32>
    %mul3A_3624 = arith.mulf %exp3A_3569, %div3A_3581 : vector<16xf32>
    %jit3A_3625 = arith.constant 0.000000e+00 : f32
    %broadcast_in_dim3A_3626 = vector.broadcast %jit3A_3625 : f32 to vector<16xf32>
    %select_n3A_3627 = arith.select %eq3A_3623, %mul3A_3624, %broadcast_in_dim3A_3626 : vector<16xi1>, vector<16xf32>
    %add3A_3628 = arith.addf %add3A_3622, %select_n3A_3627 : vector<16xf32>
    %eq3A_3629 = arith.cmpi eq, %add3A_3586, %min3A_3517 : vector<16xi32>
    %mul3A_3630 = arith.mulf %exp3A_3571, %div3A_3581 : vector<16xf32>
    %jit3A_3631 = arith.constant 0.000000e+00 : f32
    %broadcast_in_dim3A_3632 = vector.broadcast %jit3A_3631 : f32 to vector<16xf32>
    %select_n3A_3633 = arith.select %eq3A_3629, %mul3A_3630, %broadcast_in_dim3A_3632 : vector<16xi1>, vector<16xf32>
    %add3A_3634 = arith.addf %add3A_3628, %select_n3A_3633 : vector<16xf32>
    %swap3A_3635 = arith.constant 128 : index
    %swap3A_3636 = tpu.vector_load %arg5[%swap3A_3635] {strides = array<i32>} : memref<256xf32, #tpu.memory_space<vmem>>, vector<16xf32>,
    %swap3A_3637 = vector.shape_cast %swap3A_3636 : vector<16xf32> to vector<16xf32>
    %swap3A_3638 = vector.shape_cast %add3A_3634 : vector<16xf32> to vector<16xf32>
    tpu.vector_store %arg5[%swap3A_3635], %swap3A_3638 {strides = array<i32>} : memref<256xf32, #tpu.memory_space<vmem>>, vector<16xf32>,
    %broadcast_in_dim3A_3639 = arith.constant 0.000000e+00 : f32
    %broadcast_in_dim3A_3640 = vector.broadcast %broadcast_in_dim3A_3639 : f32 to vector<16xf32>
    %add3A_3641 = arith.constant 16 : i32
    %add3A_3642 = vector.broadcast %add3A_3641 : i32 to vector<16xi32>
    %add3A_3643 = arith.addi %iota3A, %add3A_3642 : vector<16xi32>
    %eq3A_3644 = arith.cmpi eq, %add3A_3643, %min3A_2642 : vector<16xi32>
    %mul3A_3645 = arith.mulf %exp3A_3557, %div3A_3581 : vector<16xf32>
    %jit3A_3646 = arith.constant 0.000000e+00 : f32
    %broadcast_in_dim3A_3647 = vector.broadcast %jit3A_3646 : f32 to vector<16xf32>
    %select_n3A_3648 = arith.select %eq3A_3644, %mul3A_3645, %broadcast_in_dim3A_3647 : vector<16xi1>, vector<16xf32>
    %add3A_3649 = arith.addf %broadcast_in_dim3A_3640, %select_n3A_3648 : vector<16xf32>
    %eq3A_3650 = arith.cmpi eq, %add3A_3643, %min3A_2767 : vector<16xi32>
    %mul3A_3651 = arith.mulf %exp3A_3559, %div3A_3581 : vector<16xf32>
    %jit3A_3652 = arith.constant 0.000000e+00 : f32
    %broadcast_in_dim3A_3653 = vector.broadcast %jit3A_3652 : f32 to vector<16xf32>
    %select_n3A_3654 = arith.select %eq3A_3650, %mul3A_3651, %broadcast_in_dim3A_3653 : vector<16xi1>, vector<16xf32>
    %add3A_3655 = arith.addf %add3A_3649, %select_n3A_3654 : vector<16xf32>
    %eq3A_3656 = arith.cmpi eq, %add3A_3643, %min3A_2892 : vector<16xi32>
    %mul3A_3657 = arith.mulf %exp3A_3561, %div3A_3581 : vector<16xf32>
    %jit3A_3658 = arith.constant 0.000000e+00 : f32
    %broadcast_in_dim3A_3659 = vector.broadcast %jit3A_3658 : f32 to vector<16xf32>
    %select_n3A_3660 = arith.select %eq3A_3656, %mul3A_3657, %broadcast_in_dim3A_3659 : vector<16xi1>, vector<16xf32>
    %add3A_3661 = arith.addf %add3A_3655, %select_n3A_3660 : vector<16xf32>
    %eq3A_3662 = arith.cmpi eq, %add3A_3643, %min3A_3017 : vector<16xi32>
    %mul3A_3663 = arith.mulf %exp3A_3563, %div3A_3581 : vector<16xf32>
    %jit3A_3664 = arith.constant 0.000000e+00 : f32
    %broadcast_in_dim3A_3665 = vector.broadcast %jit3A_3664 : f32 to vector<16xf32>
    %select_n3A_3666 = arith.select %eq3A_3662, %mul3A_3663, %broadcast_in_dim3A_3665 : vector<16xi1>, vector<16xf32>
    %add3A_3667 = arith.addf %add3A_3661, %select_n3A_3666 : vector<16xf32>
    %eq3A_3668 = arith.cmpi eq, %add3A_3643, %min3A_3142 : vector<16xi32>
    %mul3A_3669 = arith.mulf %exp3A_3565, %div3A_3581 : vector<16xf32>
    %jit3A_3670 = arith.constant 0.000000e+00 : f32
    %broadcast_in_dim3A_3671 = vector.broadcast %jit3A_3670 : f32 to vector<16xf32>
    %select_n3A_3672 = arith.select %eq3A_3668, %mul3A_3669, %broadcast_in_dim3A_3671 : vector<16xi1>, vector<16xf32>
    %add3A_3673 = arith.addf %add3A_3667, %select_n3A_3672 : vector<16xf32>
    %eq3A_3674 = arith.cmpi eq, %add3A_3643, %min3A_3267 : vector<16xi32>
    %mul3A_3675 = arith.mulf %exp3A_3567, %div3A_3581 : vector<16xf32>
    %jit3A_3676 = arith.constant 0.000000e+00 : f32
    %broadcast_in_dim3A_3677 = vector.broadcast %jit3A_3676 : f32 to vector<16xf32>
    %select_n3A_3678 = arith.select %eq3A_3674, %mul3A_3675, %broadcast_in_dim3A_3677 : vector<16xi1>, vector<16xf32>
    %add3A_3679 = arith.addf %add3A_3673, %select_n3A_3678 : vector<16xf32>
    %eq3A_3680 = arith.cmpi eq, %add3A_3643, %min3A_3392 : vector<16xi32>
    %mul3A_3681 = arith.mulf %exp3A_3569, %div3A_3581 : vector<16xf32>
    %jit3A_3682 = arith.constant 0.000000e+00 : f32
    %broadcast_in_dim3A_3683 = vector.broadcast %jit3A_3682 : f32 to vector<16xf32>
    %select_n3A_3684 = arith.select %eq3A_3680, %mul3A_3681, %broadcast_in_dim3A_3683 : vector<16xi1>, vector<16xf32>
    %add3A_3685 = arith.addf %add3A_3679, %select_n3A_3684 : vector<16xf32>
    %eq3A_3686 = arith.cmpi eq, %add3A_3643, %min3A_3517 : vector<16xi32>
    %mul3A_3687 = arith.mulf %exp3A_3571, %div3A_3581 : vector<16xf32>
    %jit3A_3688 = arith.constant 0.000000e+00 : f32
    %broadcast_in_dim3A_3689 = vector.broadcast %jit3A_3688 : f32 to vector<16xf32>
    %select_n3A_3690 = arith.select %eq3A_3686, %mul3A_3687, %broadcast_in_dim3A_3689 : vector<16xi1>, vector<16xf32>
    %add3A_3691 = arith.addf %add3A_3685, %select_n3A_3690 : vector<16xf32>
    %swap3A_3692 = arith.constant 144 : index
    %swap3A_3693 = tpu.vector_load %arg5[%swap3A_3692] {strides = array<i32>} : memref<256xf32, #tpu.memory_space<vmem>>, vector<16xf32>,
    %swap3A_3694 = vector.shape_cast %swap3A_3693 : vector<16xf32> to vector<16xf32>
    %swap3A_3695 = vector.shape_cast %add3A_3691 : vector<16xf32> to vector<16xf32>
    tpu.vector_store %arg5[%swap3A_3692], %swap3A_3695 {strides = array<i32>} : memref<256xf32, #tpu.memory_space<vmem>>, vector<16xf32>,
    %broadcast_in_dim3A_3696 = arith.constant 0.000000e+00 : f32
    %broadcast_in_dim3A_3697 = vector.broadcast %broadcast_in_dim3A_3696 : f32 to vector<16xf32>
    %add3A_3698 = arith.constant 32 : i32
    %add3A_3699 = vector.broadcast %add3A_3698 : i32 to vector<16xi32>
    %add3A_3700 = arith.addi %iota3A, %add3A_3699 : vector<16xi32>
    %eq3A_3701 = arith.cmpi eq, %add3A_3700, %min3A_2642 : vector<16xi32>
    %mul3A_3702 = arith.mulf %exp3A_3557, %div3A_3581 : vector<16xf32>
    %jit3A_3703 = arith.constant 0.000000e+00 : f32
    %broadcast_in_dim3A_3704 = vector.broadcast %jit3A_3703 : f32 to vector<16xf32>
    %select_n3A_3705 = arith.select %eq3A_3701, %mul3A_3702, %broadcast_in_dim3A_3704 : vector<16xi1>, vector<16xf32>
    %add3A_3706 = arith.addf %broadcast_in_dim3A_3697, %select_n3A_3705 : vector<16xf32>
    %eq3A_3707 = arith.cmpi eq, %add3A_3700, %min3A_2767 : vector<16xi32>
    %mul3A_3708 = arith.mulf %exp3A_3559, %div3A_3581 : vector<16xf32>
    %jit3A_3709 = arith.constant 0.000000e+00 : f32
    %broadcast_in_dim3A_3710 = vector.broadcast %jit3A_3709 : f32 to vector<16xf32>
    %select_n3A_3711 = arith.select %eq3A_3707, %mul3A_3708, %broadcast_in_dim3A_3710 : vector<16xi1>, vector<16xf32>
    %add3A_3712 = arith.addf %add3A_3706, %select_n3A_3711 : vector<16xf32>
    %eq3A_3713 = arith.cmpi eq, %add3A_3700, %min3A_2892 : vector<16xi32>
    %mul3A_3714 = arith.mulf %exp3A_3561, %div3A_3581 : vector<16xf32>
    %jit3A_3715 = arith.constant 0.000000e+00 : f32
    %broadcast_in_dim3A_3716 = vector.broadcast %jit3A_3715 : f32 to vector<16xf32>
    %select_n3A_3717 = arith.select %eq3A_3713, %mul3A_3714, %broadcast_in_dim3A_3716 : vector<16xi1>, vector<16xf32>
    %add3A_3718 = arith.addf %add3A_3712, %select_n3A_3717 : vector<16xf32>
    %eq3A_3719 = arith.cmpi eq, %add3A_3700, %min3A_3017 : vector<16xi32>
    %mul3A_3720 = arith.mulf %exp3A_3563, %div3A_3581 : vector<16xf32>
    %jit3A_3721 = arith.constant 0.000000e+00 : f32
    %broadcast_in_dim3A_3722 = vector.broadcast %jit3A_3721 : f32 to vector<16xf32>
    %select_n3A_3723 = arith.select %eq3A_3719, %mul3A_3720, %broadcast_in_dim3A_3722 : vector<16xi1>, vector<16xf32>
    %add3A_3724 = arith.addf %add3A_3718, %select_n3A_3723 : vector<16xf32>
    %eq3A_3725 = arith.cmpi eq, %add3A_3700, %min3A_3142 : vector<16xi32>
    %mul3A_3726 = arith.mulf %exp3A_3565, %div3A_3581 : vector<16xf32>
    %jit3A_3727 = arith.constant 0.000000e+00 : f32
    %broadcast_in_dim3A_3728 = vector.broadcast %jit3A_3727 : f32 to vector<16xf32>
    %select_n3A_3729 = arith.select %eq3A_3725, %mul3A_3726, %broadcast_in_dim3A_3728 : vector<16xi1>, vector<16xf32>
    %add3A_3730 = arith.addf %add3A_3724, %select_n3A_3729 : vector<16xf32>
    %eq3A_3731 = arith.cmpi eq, %add3A_3700, %min3A_3267 : vector<16xi32>
    %mul3A_3732 = arith.mulf %exp3A_3567, %div3A_3581 : vector<16xf32>
    %jit3A_3733 = arith.constant 0.000000e+00 : f32
    %broadcast_in_dim3A_3734 = vector.broadcast %jit3A_3733 : f32 to vector<16xf32>
    %select_n3A_3735 = arith.select %eq3A_3731, %mul3A_3732, %broadcast_in_dim3A_3734 : vector<16xi1>, vector<16xf32>
    %add3A_3736 = arith.addf %add3A_3730, %select_n3A_3735 : vector<16xf32>
    %eq3A_3737 = arith.cmpi eq, %add3A_3700, %min3A_3392 : vector<16xi32>
    %mul3A_3738 = arith.mulf %exp3A_3569, %div3A_3581 : vector<16xf32>
    %jit3A_3739 = arith.constant 0.000000e+00 : f32
    %broadcast_in_dim3A_3740 = vector.broadcast %jit3A_3739 : f32 to vector<16xf32>
    %select_n3A_3741 = arith.select %eq3A_3737, %mul3A_3738, %broadcast_in_dim3A_3740 : vector<16xi1>, vector<16xf32>
    %add3A_3742 = arith.addf %add3A_3736, %select_n3A_3741 : vector<16xf32>
    %eq3A_3743 = arith.cmpi eq, %add3A_3700, %min3A_3517 : vector<16xi32>
    %mul3A_3744 = arith.mulf %exp3A_3571, %div3A_3581 : vector<16xf32>
    %jit3A_3745 = arith.constant 0.000000e+00 : f32
    %broadcast_in_dim3A_3746 = vector.broadcast %jit3A_3745 : f32 to vector<16xf32>
    %select_n3A_3747 = arith.select %eq3A_3743, %mul3A_3744, %broadcast_in_dim3A_3746 : vector<16xi1>, vector<16xf32>
    %add3A_3748 = arith.addf %add3A_3742, %select_n3A_3747 : vector<16xf32>
    %swap3A_3749 = arith.constant 160 : index
    %swap3A_3750 = tpu.vector_load %arg5[%swap3A_3749] {strides = array<i32>} : memref<256xf32, #tpu.memory_space<vmem>>, vector<16xf32>,
    %swap3A_3751 = vector.shape_cast %swap3A_3750 : vector<16xf32> to vector<16xf32>
    %swap3A_3752 = vector.shape_cast %add3A_3748 : vector<16xf32> to vector<16xf32>
    tpu.vector_store %arg5[%swap3A_3749], %swap3A_3752 {strides = array<i32>} : memref<256xf32, #tpu.memory_space<vmem>>, vector<16xf32>,
    %broadcast_in_dim3A_3753 = arith.constant 0.000000e+00 : f32
    %broadcast_in_dim3A_3754 = vector.broadcast %broadcast_in_dim3A_3753 : f32 to vector<16xf32>
    %add3A_3755 = arith.constant 48 : i32
    %add3A_3756 = vector.broadcast %add3A_3755 : i32 to vector<16xi32>
    %add3A_3757 = arith.addi %iota3A, %add3A_3756 : vector<16xi32>
    %eq3A_3758 = arith.cmpi eq, %add3A_3757, %min3A_2642 : vector<16xi32>
    %mul3A_3759 = arith.mulf %exp3A_3557, %div3A_3581 : vector<16xf32>
    %jit3A_3760 = arith.constant 0.000000e+00 : f32
    %broadcast_in_dim3A_3761 = vector.broadcast %jit3A_3760 : f32 to vector<16xf32>
    %select_n3A_3762 = arith.select %eq3A_3758, %mul3A_3759, %broadcast_in_dim3A_3761 : vector<16xi1>, vector<16xf32>
    %add3A_3763 = arith.addf %broadcast_in_dim3A_3754, %select_n3A_3762 : vector<16xf32>
    %eq3A_3764 = arith.cmpi eq, %add3A_3757, %min3A_2767 : vector<16xi32>
    %mul3A_3765 = arith.mulf %exp3A_3559, %div3A_3581 : vector<16xf32>
    %jit3A_3766 = arith.constant 0.000000e+00 : f32
    %broadcast_in_dim3A_3767 = vector.broadcast %jit3A_3766 : f32 to vector<16xf32>
    %select_n3A_3768 = arith.select %eq3A_3764, %mul3A_3765, %broadcast_in_dim3A_3767 : vector<16xi1>, vector<16xf32>
    %add3A_3769 = arith.addf %add3A_3763, %select_n3A_3768 : vector<16xf32>
    %eq3A_3770 = arith.cmpi eq, %add3A_3757, %min3A_2892 : vector<16xi32>
    %mul3A_3771 = arith.mulf %exp3A_3561, %div3A_3581 : vector<16xf32>
    %jit3A_3772 = arith.constant 0.000000e+00 : f32
    %broadcast_in_dim3A_3773 = vector.broadcast %jit3A_3772 : f32 to vector<16xf32>
    %select_n3A_3774 = arith.select %eq3A_3770, %mul3A_3771, %broadcast_in_dim3A_3773 : vector<16xi1>, vector<16xf32>
    %add3A_3775 = arith.addf %add3A_3769, %select_n3A_3774 : vector<16xf32>
    %eq3A_3776 = arith.cmpi eq, %add3A_3757, %min3A_3017 : vector<16xi32>
    %mul3A_3777 = arith.mulf %exp3A_3563, %div3A_3581 : vector<16xf32>
    %jit3A_3778 = arith.constant 0.000000e+00 : f32
    %broadcast_in_dim3A_3779 = vector.broadcast %jit3A_3778 : f32 to vector<16xf32>
    %select_n3A_3780 = arith.select %eq3A_3776, %mul3A_3777, %broadcast_in_dim3A_3779 : vector<16xi1>, vector<16xf32>
    %add3A_3781 = arith.addf %add3A_3775, %select_n3A_3780 : vector<16xf32>
    %eq3A_3782 = arith.cmpi eq, %add3A_3757, %min3A_3142 : vector<16xi32>
    %mul3A_3783 = arith.mulf %exp3A_3565, %div3A_3581 : vector<16xf32>
    %jit3A_3784 = arith.constant 0.000000e+00 : f32
    %broadcast_in_dim3A_3785 = vector.broadcast %jit3A_3784 : f32 to vector<16xf32>
    %select_n3A_3786 = arith.select %eq3A_3782, %mul3A_3783, %broadcast_in_dim3A_3785 : vector<16xi1>, vector<16xf32>
    %add3A_3787 = arith.addf %add3A_3781, %select_n3A_3786 : vector<16xf32>
    %eq3A_3788 = arith.cmpi eq, %add3A_3757, %min3A_3267 : vector<16xi32>
    %mul3A_3789 = arith.mulf %exp3A_3567, %div3A_3581 : vector<16xf32>
    %jit3A_3790 = arith.constant 0.000000e+00 : f32
    %broadcast_in_dim3A_3791 = vector.broadcast %jit3A_3790 : f32 to vector<16xf32>
    %select_n3A_3792 = arith.select %eq3A_3788, %mul3A_3789, %broadcast_in_dim3A_3791 : vector<16xi1>, vector<16xf32>
    %add3A_3793 = arith.addf %add3A_3787, %select_n3A_3792 : vector<16xf32>
    %eq3A_3794 = arith.cmpi eq, %add3A_3757, %min3A_3392 : vector<16xi32>
    %mul3A_3795 = arith.mulf %exp3A_3569, %div3A_3581 : vector<16xf32>
    %jit3A_3796 = arith.constant 0.000000e+00 : f32
    %broadcast_in_dim3A_3797 = vector.broadcast %jit3A_3796 : f32 to vector<16xf32>
    %select_n3A_3798 = arith.select %eq3A_3794, %mul3A_3795, %broadcast_in_dim3A_3797 : vector<16xi1>, vector<16xf32>
    %add3A_3799 = arith.addf %add3A_3793, %select_n3A_3798 : vector<16xf32>
    %eq3A_3800 = arith.cmpi eq, %add3A_3757, %min3A_3517 : vector<16xi32>
    %mul3A_3801 = arith.mulf %exp3A_3571, %div3A_3581 : vector<16xf32>
    %jit3A_3802 = arith.constant 0.000000e+00 : f32
    %broadcast_in_dim3A_3803 = vector.broadcast %jit3A_3802 : f32 to vector<16xf32>
    %select_n3A_3804 = arith.select %eq3A_3800, %mul3A_3801, %broadcast_in_dim3A_3803 : vector<16xi1>, vector<16xf32>
    %add3A_3805 = arith.addf %add3A_3799, %select_n3A_3804 : vector<16xf32>
    %swap3A_3806 = arith.constant 176 : index
    %swap3A_3807 = tpu.vector_load %arg5[%swap3A_3806] {strides = array<i32>} : memref<256xf32, #tpu.memory_space<vmem>>, vector<16xf32>,
    %swap3A_3808 = vector.shape_cast %swap3A_3807 : vector<16xf32> to vector<16xf32>
    %swap3A_3809 = vector.shape_cast %add3A_3805 : vector<16xf32> to vector<16xf32>
    tpu.vector_store %arg5[%swap3A_3806], %swap3A_3809 {strides = array<i32>} : memref<256xf32, #tpu.memory_space<vmem>>, vector<16xf32>,
    %get3A_3810 = arith.constant 3 : i32
    %get3A_3811 = arith.index_cast %get3A_3810 : i32 to index
    %get3A_3812 = arith.constant 0 : index
    %get3A_3813 = tpu.vector_load %arg4[%get3A_3811, %get3A_3812] {strides = array<i32>} : memref<4x64xf32, #tpu.memory_space<vmem>>, vector<1x16xf32>,
    %get3A_3814 = vector.shape_cast %get3A_3813 : vector<1x16xf32> to vector<16xf32>
    %get3A_3815 = arith.constant 3 : i32
    %get3A_3816 = arith.index_cast %get3A_3815 : i32 to index
    %get3A_3817 = arith.constant 16 : index
    %get3A_3818 = tpu.vector_load %arg4[%get3A_3816, %get3A_3817] {strides = array<i32>} : memref<4x64xf32, #tpu.memory_space<vmem>>, vector<1x16xf32>,
    %get3A_3819 = vector.shape_cast %get3A_3818 : vector<1x16xf32> to vector<16xf32>
    %get3A_3820 = arith.constant 3 : i32
    %get3A_3821 = arith.index_cast %get3A_3820 : i32 to index
    %get3A_3822 = arith.constant 32 : index
    %get3A_3823 = tpu.vector_load %arg4[%get3A_3821, %get3A_3822] {strides = array<i32>} : memref<4x64xf32, #tpu.memory_space<vmem>>, vector<1x16xf32>,
    %get3A_3824 = vector.shape_cast %get3A_3823 : vector<1x16xf32> to vector<16xf32>
    %get3A_3825 = arith.constant 3 : i32
    %get3A_3826 = arith.index_cast %get3A_3825 : i32 to index
    %get3A_3827 = arith.constant 48 : index
    %get3A_3828 = tpu.vector_load %arg4[%get3A_3826, %get3A_3827] {strides = array<i32>} : memref<4x64xf32, #tpu.memory_space<vmem>>, vector<1x16xf32>,
    %get3A_3829 = vector.shape_cast %get3A_3828 : vector<1x16xf32> to vector<16xf32>
    %max3A_3830 = arith.maximumf %get3A_3814, %get3A_3819 : vector<16xf32>
    %max3A_3831 = arith.maximumf %get3A_3824, %get3A_3829 : vector<16xf32>
    %max3A_3832 = arith.maximumf %max3A_3830, %max3A_3831 : vector<16xf32>
    %xor3A_3833 = arith.constant 1 : i32
    %xor3A_3834 = vector.broadcast %xor3A_3833 : i32 to vector<16xi32>
    %xor3A_3835 = arith.xori %iota3A, %xor3A_3834 : vector<16xi32>
    %broadcast_in_dim3A_3836 = vector.shape_cast %xor3A_3835 : vector<16xi32> to vector<16x1xi32>
    %gather3A_3837 = vector.shape_cast %broadcast_in_dim3A_3836 : vector<16x1xi32> to vector<16xi32>
    %gather3A_3838 = tpu.dynamic_gather %max3A_3832[%gather3A_3837] in [0] : vector<16xf32>, vector<16xi32> -> vector<16xf32>
    %max3A_3839 = arith.maximumf %max3A_3832, %gather3A_3838 : vector<16xf32>
    %xor3A_3840 = arith.constant 2 : i32
    %xor3A_3841 = vector.broadcast %xor3A_3840 : i32 to vector<16xi32>
    %xor3A_3842 = arith.xori %iota3A, %xor3A_3841 : vector<16xi32>
    %broadcast_in_dim3A_3843 = vector.shape_cast %xor3A_3842 : vector<16xi32> to vector<16x1xi32>
    %gather3A_3844 = vector.shape_cast %broadcast_in_dim3A_3843 : vector<16x1xi32> to vector<16xi32>
    %gather3A_3845 = tpu.dynamic_gather %max3A_3839[%gather3A_3844] in [0] : vector<16xf32>, vector<16xi32> -> vector<16xf32>
    %max3A_3846 = arith.maximumf %max3A_3839, %gather3A_3845 : vector<16xf32>
    %xor3A_3847 = arith.constant 4 : i32
    %xor3A_3848 = vector.broadcast %xor3A_3847 : i32 to vector<16xi32>
    %xor3A_3849 = arith.xori %iota3A, %xor3A_3848 : vector<16xi32>
    %broadcast_in_dim3A_3850 = vector.shape_cast %xor3A_3849 : vector<16xi32> to vector<16x1xi32>
    %gather3A_3851 = vector.shape_cast %broadcast_in_dim3A_3850 : vector<16x1xi32> to vector<16xi32>
    %gather3A_3852 = tpu.dynamic_gather %max3A_3846[%gather3A_3851] in [0] : vector<16xf32>, vector<16xi32> -> vector<16xf32>
    %max3A_3853 = arith.maximumf %max3A_3846, %gather3A_3852 : vector<16xf32>
    %xor3A_3854 = arith.constant 8 : i32
    %xor3A_3855 = vector.broadcast %xor3A_3854 : i32 to vector<16xi32>
    %xor3A_3856 = arith.xori %iota3A, %xor3A_3855 : vector<16xi32>
    %broadcast_in_dim3A_3857 = vector.shape_cast %xor3A_3856 : vector<16xi32> to vector<16x1xi32>
    %gather3A_3858 = vector.shape_cast %broadcast_in_dim3A_3857 : vector<16x1xi32> to vector<16xi32>
    %gather3A_3859 = tpu.dynamic_gather %max3A_3853[%gather3A_3858] in [0] : vector<16xf32>, vector<16xi32> -> vector<16xf32>
    %max3A_3860 = arith.maximumf %max3A_3853, %gather3A_3859 : vector<16xf32>
    %eq3A_3861 = arith.cmpf oeq, %get3A_3814, %max3A_3860 : vector<16xf32>
    %jit3A_3862 = arith.constant 64 : i32
    %broadcast_in_dim3A_3863 = vector.broadcast %jit3A_3862 : i32 to vector<16xi32>
    %select_n3A_3864 = arith.select %eq3A_3861, %iota3A, %broadcast_in_dim3A_3863 : vector<16xi1>, vector<16xi32>
    %eq3A_3865 = arith.cmpf oeq, %get3A_3819, %max3A_3860 : vector<16xf32>
    %add3A_3866 = arith.constant 16 : i32
    %add3A_3867 = vector.broadcast %add3A_3866 : i32 to vector<16xi32>
    %add3A_3868 = arith.addi %iota3A, %add3A_3867 : vector<16xi32>
    %jit3A_3869 = arith.constant 64 : i32
    %broadcast_in_dim3A_3870 = vector.broadcast %jit3A_3869 : i32 to vector<16xi32>
    %select_n3A_3871 = arith.select %eq3A_3865, %add3A_3868, %broadcast_in_dim3A_3870 : vector<16xi1>, vector<16xi32>
    %min3A_3872 = arith.minsi %select_n3A_3864, %select_n3A_3871 : vector<16xi32>
    %eq3A_3873 = arith.cmpf oeq, %get3A_3824, %max3A_3860 : vector<16xf32>
    %add3A_3874 = arith.constant 32 : i32
    %add3A_3875 = vector.broadcast %add3A_3874 : i32 to vector<16xi32>
    %add3A_3876 = arith.addi %iota3A, %add3A_3875 : vector<16xi32>
    %jit3A_3877 = arith.constant 64 : i32
    %broadcast_in_dim3A_3878 = vector.broadcast %jit3A_3877 : i32 to vector<16xi32>
    %select_n3A_3879 = arith.select %eq3A_3873, %add3A_3876, %broadcast_in_dim3A_3878 : vector<16xi1>, vector<16xi32>
    %min3A_3880 = arith.minsi %min3A_3872, %select_n3A_3879 : vector<16xi32>
    %eq3A_3881 = arith.cmpf oeq, %get3A_3829, %max3A_3860 : vector<16xf32>
    %add3A_3882 = arith.constant 48 : i32
    %add3A_3883 = vector.broadcast %add3A_3882 : i32 to vector<16xi32>
    %add3A_3884 = arith.addi %iota3A, %add3A_3883 : vector<16xi32>
    %jit3A_3885 = arith.constant 64 : i32
    %broadcast_in_dim3A_3886 = vector.broadcast %jit3A_3885 : i32 to vector<16xi32>
    %select_n3A_3887 = arith.select %eq3A_3881, %add3A_3884, %broadcast_in_dim3A_3886 : vector<16xi1>, vector<16xi32>
    %min3A_3888 = arith.minsi %min3A_3880, %select_n3A_3887 : vector<16xi32>
    %xor3A_3889 = arith.constant 1 : i32
    %xor3A_3890 = vector.broadcast %xor3A_3889 : i32 to vector<16xi32>
    %xor3A_3891 = arith.xori %iota3A, %xor3A_3890 : vector<16xi32>
    %broadcast_in_dim3A_3892 = vector.shape_cast %xor3A_3891 : vector<16xi32> to vector<16x1xi32>
    %gather3A_3893 = vector.shape_cast %broadcast_in_dim3A_3892 : vector<16x1xi32> to vector<16xi32>
    %gather3A_3894 = tpu.dynamic_gather %min3A_3888[%gather3A_3893] in [0] : vector<16xi32>, vector<16xi32> -> vector<16xi32>
    %min3A_3895 = arith.minsi %min3A_3888, %gather3A_3894 : vector<16xi32>
    %xor3A_3896 = arith.constant 2 : i32
    %xor3A_3897 = vector.broadcast %xor3A_3896 : i32 to vector<16xi32>
    %xor3A_3898 = arith.xori %iota3A, %xor3A_3897 : vector<16xi32>
    %broadcast_in_dim3A_3899 = vector.shape_cast %xor3A_3898 : vector<16xi32> to vector<16x1xi32>
    %gather3A_3900 = vector.shape_cast %broadcast_in_dim3A_3899 : vector<16x1xi32> to vector<16xi32>
    %gather3A_3901 = tpu.dynamic_gather %min3A_3895[%gather3A_3900] in [0] : vector<16xi32>, vector<16xi32> -> vector<16xi32>
    %min3A_3902 = arith.minsi %min3A_3895, %gather3A_3901 : vector<16xi32>
    %xor3A_3903 = arith.constant 4 : i32
    %xor3A_3904 = vector.broadcast %xor3A_3903 : i32 to vector<16xi32>
    %xor3A_3905 = arith.xori %iota3A, %xor3A_3904 : vector<16xi32>
    %broadcast_in_dim3A_3906 = vector.shape_cast %xor3A_3905 : vector<16xi32> to vector<16x1xi32>
    %gather3A_3907 = vector.shape_cast %broadcast_in_dim3A_3906 : vector<16x1xi32> to vector<16xi32>
    %gather3A_3908 = tpu.dynamic_gather %min3A_3902[%gather3A_3907] in [0] : vector<16xi32>, vector<16xi32> -> vector<16xi32>
    %min3A_3909 = arith.minsi %min3A_3902, %gather3A_3908 : vector<16xi32>
    %xor3A_3910 = arith.constant 8 : i32
    %xor3A_3911 = vector.broadcast %xor3A_3910 : i32 to vector<16xi32>
    %xor3A_3912 = arith.xori %iota3A, %xor3A_3911 : vector<16xi32>
    %broadcast_in_dim3A_3913 = vector.shape_cast %xor3A_3912 : vector<16xi32> to vector<16x1xi32>
    %gather3A_3914 = vector.shape_cast %broadcast_in_dim3A_3913 : vector<16x1xi32> to vector<16xi32>
    %gather3A_3915 = tpu.dynamic_gather %min3A_3909[%gather3A_3914] in [0] : vector<16xi32>, vector<16xi32> -> vector<16xi32>
    %min3A_3916 = arith.minsi %min3A_3909, %gather3A_3915 : vector<16xi32>
    %shift_right_logical3A_3917 = arith.constant 4 : i32
    %shift_right_logical3A_3918 = vector.broadcast %shift_right_logical3A_3917 : i32 to vector<16xi32>
    %shift_right_logical3A_3919 = arith.shrui %min3A_3916, %shift_right_logical3A_3918 : vector<16xi32>
    %and3A_3920 = arith.constant 15 : i32
    %and3A_3921 = vector.broadcast %and3A_3920 : i32 to vector<16xi32>
    %and3A_3922 = arith.andi %min3A_3916, %and3A_3921 : vector<16xi32>
    %eq3A_3923 = arith.cmpi eq, %iota3A, %and3A_3922 : vector<16xi32>
    %eq3A_3924 = arith.constant 0 : i32
    %eq3A_3925 = vector.broadcast %eq3A_3924 : i32 to vector<16xi32>
    %eq3A_3926 = arith.cmpi eq, %shift_right_logical3A_3919, %eq3A_3925 : vector<16xi32>
    %and3A_3927 = arith.andi %eq3A_3923, %eq3A_3926 : vector<16xi1>
    %jit3A_3928 = arith.constant -3.000000e+38 : f32
    %broadcast_in_dim3A_3929 = vector.broadcast %jit3A_3928 : f32 to vector<16xf32>
    %select_n3A_3930 = arith.select %and3A_3927, %broadcast_in_dim3A_3929, %get3A_3814 : vector<16xi1>, vector<16xf32>
    %eq3A_3931 = arith.cmpi eq, %iota3A, %and3A_3922 : vector<16xi32>
    %eq3A_3932 = arith.constant 1 : i32
    %eq3A_3933 = vector.broadcast %eq3A_3932 : i32 to vector<16xi32>
    %eq3A_3934 = arith.cmpi eq, %shift_right_logical3A_3919, %eq3A_3933 : vector<16xi32>
    %and3A_3935 = arith.andi %eq3A_3931, %eq3A_3934 : vector<16xi1>
    %jit3A_3936 = arith.constant -3.000000e+38 : f32
    %broadcast_in_dim3A_3937 = vector.broadcast %jit3A_3936 : f32 to vector<16xf32>
    %select_n3A_3938 = arith.select %and3A_3935, %broadcast_in_dim3A_3937, %get3A_3819 : vector<16xi1>, vector<16xf32>
    %eq3A_3939 = arith.cmpi eq, %iota3A, %and3A_3922 : vector<16xi32>
    %eq3A_3940 = arith.constant 2 : i32
    %eq3A_3941 = vector.broadcast %eq3A_3940 : i32 to vector<16xi32>
    %eq3A_3942 = arith.cmpi eq, %shift_right_logical3A_3919, %eq3A_3941 : vector<16xi32>
    %and3A_3943 = arith.andi %eq3A_3939, %eq3A_3942 : vector<16xi1>
    %jit3A_3944 = arith.constant -3.000000e+38 : f32
    %broadcast_in_dim3A_3945 = vector.broadcast %jit3A_3944 : f32 to vector<16xf32>
    %select_n3A_3946 = arith.select %and3A_3943, %broadcast_in_dim3A_3945, %get3A_3824 : vector<16xi1>, vector<16xf32>
    %eq3A_3947 = arith.cmpi eq, %iota3A, %and3A_3922 : vector<16xi32>
    %eq3A_3948 = arith.constant 3 : i32
    %eq3A_3949 = vector.broadcast %eq3A_3948 : i32 to vector<16xi32>
    %eq3A_3950 = arith.cmpi eq, %shift_right_logical3A_3919, %eq3A_3949 : vector<16xi32>
    %and3A_3951 = arith.andi %eq3A_3947, %eq3A_3950 : vector<16xi1>
    %jit3A_3952 = arith.constant -3.000000e+38 : f32
    %broadcast_in_dim3A_3953 = vector.broadcast %jit3A_3952 : f32 to vector<16xf32>
    %select_n3A_3954 = arith.select %and3A_3951, %broadcast_in_dim3A_3953, %get3A_3829 : vector<16xi1>, vector<16xf32>
    %max3A_3955 = arith.maximumf %select_n3A_3930, %select_n3A_3938 : vector<16xf32>
    %max3A_3956 = arith.maximumf %select_n3A_3946, %select_n3A_3954 : vector<16xf32>
    %max3A_3957 = arith.maximumf %max3A_3955, %max3A_3956 : vector<16xf32>
    %xor3A_3958 = arith.constant 1 : i32
    %xor3A_3959 = vector.broadcast %xor3A_3958 : i32 to vector<16xi32>
    %xor3A_3960 = arith.xori %iota3A, %xor3A_3959 : vector<16xi32>
    %broadcast_in_dim3A_3961 = vector.shape_cast %xor3A_3960 : vector<16xi32> to vector<16x1xi32>
    %gather3A_3962 = vector.shape_cast %broadcast_in_dim3A_3961 : vector<16x1xi32> to vector<16xi32>
    %gather3A_3963 = tpu.dynamic_gather %max3A_3957[%gather3A_3962] in [0] : vector<16xf32>, vector<16xi32> -> vector<16xf32>
    %max3A_3964 = arith.maximumf %max3A_3957, %gather3A_3963 : vector<16xf32>
    %xor3A_3965 = arith.constant 2 : i32
    %xor3A_3966 = vector.broadcast %xor3A_3965 : i32 to vector<16xi32>
    %xor3A_3967 = arith.xori %iota3A, %xor3A_3966 : vector<16xi32>
    %broadcast_in_dim3A_3968 = vector.shape_cast %xor3A_3967 : vector<16xi32> to vector<16x1xi32>
    %gather3A_3969 = vector.shape_cast %broadcast_in_dim3A_3968 : vector<16x1xi32> to vector<16xi32>
    %gather3A_3970 = tpu.dynamic_gather %max3A_3964[%gather3A_3969] in [0] : vector<16xf32>, vector<16xi32> -> vector<16xf32>
    %max3A_3971 = arith.maximumf %max3A_3964, %gather3A_3970 : vector<16xf32>
    %xor3A_3972 = arith.constant 4 : i32
    %xor3A_3973 = vector.broadcast %xor3A_3972 : i32 to vector<16xi32>
    %xor3A_3974 = arith.xori %iota3A, %xor3A_3973 : vector<16xi32>
    %broadcast_in_dim3A_3975 = vector.shape_cast %xor3A_3974 : vector<16xi32> to vector<16x1xi32>
    %gather3A_3976 = vector.shape_cast %broadcast_in_dim3A_3975 : vector<16x1xi32> to vector<16xi32>
    %gather3A_3977 = tpu.dynamic_gather %max3A_3971[%gather3A_3976] in [0] : vector<16xf32>, vector<16xi32> -> vector<16xf32>
    %max3A_3978 = arith.maximumf %max3A_3971, %gather3A_3977 : vector<16xf32>
    %xor3A_3979 = arith.constant 8 : i32
    %xor3A_3980 = vector.broadcast %xor3A_3979 : i32 to vector<16xi32>
    %xor3A_3981 = arith.xori %iota3A, %xor3A_3980 : vector<16xi32>
    %broadcast_in_dim3A_3982 = vector.shape_cast %xor3A_3981 : vector<16xi32> to vector<16x1xi32>
    %gather3A_3983 = vector.shape_cast %broadcast_in_dim3A_3982 : vector<16x1xi32> to vector<16xi32>
    %gather3A_3984 = tpu.dynamic_gather %max3A_3978[%gather3A_3983] in [0] : vector<16xf32>, vector<16xi32> -> vector<16xf32>
    %max3A_3985 = arith.maximumf %max3A_3978, %gather3A_3984 : vector<16xf32>
    %eq3A_3986 = arith.cmpf oeq, %select_n3A_3930, %max3A_3985 : vector<16xf32>
    %jit3A_3987 = arith.constant 64 : i32
    %broadcast_in_dim3A_3988 = vector.broadcast %jit3A_3987 : i32 to vector<16xi32>
    %select_n3A_3989 = arith.select %eq3A_3986, %iota3A, %broadcast_in_dim3A_3988 : vector<16xi1>, vector<16xi32>
    %eq3A_3990 = arith.cmpf oeq, %select_n3A_3938, %max3A_3985 : vector<16xf32>
    %add3A_3991 = arith.constant 16 : i32
    %add3A_3992 = vector.broadcast %add3A_3991 : i32 to vector<16xi32>
    %add3A_3993 = arith.addi %iota3A, %add3A_3992 : vector<16xi32>
    %jit3A_3994 = arith.constant 64 : i32
    %broadcast_in_dim3A_3995 = vector.broadcast %jit3A_3994 : i32 to vector<16xi32>
    %select_n3A_3996 = arith.select %eq3A_3990, %add3A_3993, %broadcast_in_dim3A_3995 : vector<16xi1>, vector<16xi32>
    %min3A_3997 = arith.minsi %select_n3A_3989, %select_n3A_3996 : vector<16xi32>
    %eq3A_3998 = arith.cmpf oeq, %select_n3A_3946, %max3A_3985 : vector<16xf32>
    %add3A_3999 = arith.constant 32 : i32
    %add3A_4000 = vector.broadcast %add3A_3999 : i32 to vector<16xi32>
    %add3A_4001 = arith.addi %iota3A, %add3A_4000 : vector<16xi32>
    %jit3A_4002 = arith.constant 64 : i32
    %broadcast_in_dim3A_4003 = vector.broadcast %jit3A_4002 : i32 to vector<16xi32>
    %select_n3A_4004 = arith.select %eq3A_3998, %add3A_4001, %broadcast_in_dim3A_4003 : vector<16xi1>, vector<16xi32>
    %min3A_4005 = arith.minsi %min3A_3997, %select_n3A_4004 : vector<16xi32>
    %eq3A_4006 = arith.cmpf oeq, %select_n3A_3954, %max3A_3985 : vector<16xf32>
    %add3A_4007 = arith.constant 48 : i32
    %add3A_4008 = vector.broadcast %add3A_4007 : i32 to vector<16xi32>
    %add3A_4009 = arith.addi %iota3A, %add3A_4008 : vector<16xi32>
    %jit3A_4010 = arith.constant 64 : i32
    %broadcast_in_dim3A_4011 = vector.broadcast %jit3A_4010 : i32 to vector<16xi32>
    %select_n3A_4012 = arith.select %eq3A_4006, %add3A_4009, %broadcast_in_dim3A_4011 : vector<16xi1>, vector<16xi32>
    %min3A_4013 = arith.minsi %min3A_4005, %select_n3A_4012 : vector<16xi32>
    %xor3A_4014 = arith.constant 1 : i32
    %xor3A_4015 = vector.broadcast %xor3A_4014 : i32 to vector<16xi32>
    %xor3A_4016 = arith.xori %iota3A, %xor3A_4015 : vector<16xi32>
    %broadcast_in_dim3A_4017 = vector.shape_cast %xor3A_4016 : vector<16xi32> to vector<16x1xi32>
    %gather3A_4018 = vector.shape_cast %broadcast_in_dim3A_4017 : vector<16x1xi32> to vector<16xi32>
    %gather3A_4019 = tpu.dynamic_gather %min3A_4013[%gather3A_4018] in [0] : vector<16xi32>, vector<16xi32> -> vector<16xi32>
    %min3A_4020 = arith.minsi %min3A_4013, %gather3A_4019 : vector<16xi32>
    %xor3A_4021 = arith.constant 2 : i32
    %xor3A_4022 = vector.broadcast %xor3A_4021 : i32 to vector<16xi32>
    %xor3A_4023 = arith.xori %iota3A, %xor3A_4022 : vector<16xi32>
    %broadcast_in_dim3A_4024 = vector.shape_cast %xor3A_4023 : vector<16xi32> to vector<16x1xi32>
    %gather3A_4025 = vector.shape_cast %broadcast_in_dim3A_4024 : vector<16x1xi32> to vector<16xi32>
    %gather3A_4026 = tpu.dynamic_gather %min3A_4020[%gather3A_4025] in [0] : vector<16xi32>, vector<16xi32> -> vector<16xi32>
    %min3A_4027 = arith.minsi %min3A_4020, %gather3A_4026 : vector<16xi32>
    %xor3A_4028 = arith.constant 4 : i32
    %xor3A_4029 = vector.broadcast %xor3A_4028 : i32 to vector<16xi32>
    %xor3A_4030 = arith.xori %iota3A, %xor3A_4029 : vector<16xi32>
    %broadcast_in_dim3A_4031 = vector.shape_cast %xor3A_4030 : vector<16xi32> to vector<16x1xi32>
    %gather3A_4032 = vector.shape_cast %broadcast_in_dim3A_4031 : vector<16x1xi32> to vector<16xi32>
    %gather3A_4033 = tpu.dynamic_gather %min3A_4027[%gather3A_4032] in [0] : vector<16xi32>, vector<16xi32> -> vector<16xi32>
    %min3A_4034 = arith.minsi %min3A_4027, %gather3A_4033 : vector<16xi32>
    %xor3A_4035 = arith.constant 8 : i32
    %xor3A_4036 = vector.broadcast %xor3A_4035 : i32 to vector<16xi32>
    %xor3A_4037 = arith.xori %iota3A, %xor3A_4036 : vector<16xi32>
    %broadcast_in_dim3A_4038 = vector.shape_cast %xor3A_4037 : vector<16xi32> to vector<16x1xi32>
    %gather3A_4039 = vector.shape_cast %broadcast_in_dim3A_4038 : vector<16x1xi32> to vector<16xi32>
    %gather3A_4040 = tpu.dynamic_gather %min3A_4034[%gather3A_4039] in [0] : vector<16xi32>, vector<16xi32> -> vector<16xi32>
    %min3A_4041 = arith.minsi %min3A_4034, %gather3A_4040 : vector<16xi32>
    %shift_right_logical3A_4042 = arith.constant 4 : i32
    %shift_right_logical3A_4043 = vector.broadcast %shift_right_logical3A_4042 : i32 to vector<16xi32>
    %shift_right_logical3A_4044 = arith.shrui %min3A_4041, %shift_right_logical3A_4043 : vector<16xi32>
    %and3A_4045 = arith.constant 15 : i32
    %and3A_4046 = vector.broadcast %and3A_4045 : i32 to vector<16xi32>
    %and3A_4047 = arith.andi %min3A_4041, %and3A_4046 : vector<16xi32>
    %eq3A_4048 = arith.cmpi eq, %iota3A, %and3A_4047 : vector<16xi32>
    %eq3A_4049 = arith.constant 0 : i32
    %eq3A_4050 = vector.broadcast %eq3A_4049 : i32 to vector<16xi32>
    %eq3A_4051 = arith.cmpi eq, %shift_right_logical3A_4044, %eq3A_4050 : vector<16xi32>
    %and3A_4052 = arith.andi %eq3A_4048, %eq3A_4051 : vector<16xi1>
    %jit3A_4053 = arith.constant -3.000000e+38 : f32
    %broadcast_in_dim3A_4054 = vector.broadcast %jit3A_4053 : f32 to vector<16xf32>
    %select_n3A_4055 = arith.select %and3A_4052, %broadcast_in_dim3A_4054, %select_n3A_3930 : vector<16xi1>, vector<16xf32>
    %eq3A_4056 = arith.cmpi eq, %iota3A, %and3A_4047 : vector<16xi32>
    %eq3A_4057 = arith.constant 1 : i32
    %eq3A_4058 = vector.broadcast %eq3A_4057 : i32 to vector<16xi32>
    %eq3A_4059 = arith.cmpi eq, %shift_right_logical3A_4044, %eq3A_4058 : vector<16xi32>
    %and3A_4060 = arith.andi %eq3A_4056, %eq3A_4059 : vector<16xi1>
    %jit3A_4061 = arith.constant -3.000000e+38 : f32
    %broadcast_in_dim3A_4062 = vector.broadcast %jit3A_4061 : f32 to vector<16xf32>
    %select_n3A_4063 = arith.select %and3A_4060, %broadcast_in_dim3A_4062, %select_n3A_3938 : vector<16xi1>, vector<16xf32>
    %eq3A_4064 = arith.cmpi eq, %iota3A, %and3A_4047 : vector<16xi32>
    %eq3A_4065 = arith.constant 2 : i32
    %eq3A_4066 = vector.broadcast %eq3A_4065 : i32 to vector<16xi32>
    %eq3A_4067 = arith.cmpi eq, %shift_right_logical3A_4044, %eq3A_4066 : vector<16xi32>
    %and3A_4068 = arith.andi %eq3A_4064, %eq3A_4067 : vector<16xi1>
    %jit3A_4069 = arith.constant -3.000000e+38 : f32
    %broadcast_in_dim3A_4070 = vector.broadcast %jit3A_4069 : f32 to vector<16xf32>
    %select_n3A_4071 = arith.select %and3A_4068, %broadcast_in_dim3A_4070, %select_n3A_3946 : vector<16xi1>, vector<16xf32>
    %eq3A_4072 = arith.cmpi eq, %iota3A, %and3A_4047 : vector<16xi32>
    %eq3A_4073 = arith.constant 3 : i32
    %eq3A_4074 = vector.broadcast %eq3A_4073 : i32 to vector<16xi32>
    %eq3A_4075 = arith.cmpi eq, %shift_right_logical3A_4044, %eq3A_4074 : vector<16xi32>
    %and3A_4076 = arith.andi %eq3A_4072, %eq3A_4075 : vector<16xi1>
    %jit3A_4077 = arith.constant -3.000000e+38 : f32
    %broadcast_in_dim3A_4078 = vector.broadcast %jit3A_4077 : f32 to vector<16xf32>
    %select_n3A_4079 = arith.select %and3A_4076, %broadcast_in_dim3A_4078, %select_n3A_3954 : vector<16xi1>, vector<16xf32>
    %max3A_4080 = arith.maximumf %select_n3A_4055, %select_n3A_4063 : vector<16xf32>
    %max3A_4081 = arith.maximumf %select_n3A_4071, %select_n3A_4079 : vector<16xf32>
    %max3A_4082 = arith.maximumf %max3A_4080, %max3A_4081 : vector<16xf32>
    %xor3A_4083 = arith.constant 1 : i32
    %xor3A_4084 = vector.broadcast %xor3A_4083 : i32 to vector<16xi32>
    %xor3A_4085 = arith.xori %iota3A, %xor3A_4084 : vector<16xi32>
    %broadcast_in_dim3A_4086 = vector.shape_cast %xor3A_4085 : vector<16xi32> to vector<16x1xi32>
    %gather3A_4087 = vector.shape_cast %broadcast_in_dim3A_4086 : vector<16x1xi32> to vector<16xi32>
    %gather3A_4088 = tpu.dynamic_gather %max3A_4082[%gather3A_4087] in [0] : vector<16xf32>, vector<16xi32> -> vector<16xf32>
    %max3A_4089 = arith.maximumf %max3A_4082, %gather3A_4088 : vector<16xf32>
    %xor3A_4090 = arith.constant 2 : i32
    %xor3A_4091 = vector.broadcast %xor3A_4090 : i32 to vector<16xi32>
    %xor3A_4092 = arith.xori %iota3A, %xor3A_4091 : vector<16xi32>
    %broadcast_in_dim3A_4093 = vector.shape_cast %xor3A_4092 : vector<16xi32> to vector<16x1xi32>
    %gather3A_4094 = vector.shape_cast %broadcast_in_dim3A_4093 : vector<16x1xi32> to vector<16xi32>
    %gather3A_4095 = tpu.dynamic_gather %max3A_4089[%gather3A_4094] in [0] : vector<16xf32>, vector<16xi32> -> vector<16xf32>
    %max3A_4096 = arith.maximumf %max3A_4089, %gather3A_4095 : vector<16xf32>
    %xor3A_4097 = arith.constant 4 : i32
    %xor3A_4098 = vector.broadcast %xor3A_4097 : i32 to vector<16xi32>
    %xor3A_4099 = arith.xori %iota3A, %xor3A_4098 : vector<16xi32>
    %broadcast_in_dim3A_4100 = vector.shape_cast %xor3A_4099 : vector<16xi32> to vector<16x1xi32>
    %gather3A_4101 = vector.shape_cast %broadcast_in_dim3A_4100 : vector<16x1xi32> to vector<16xi32>
    %gather3A_4102 = tpu.dynamic_gather %max3A_4096[%gather3A_4101] in [0] : vector<16xf32>, vector<16xi32> -> vector<16xf32>
    %max3A_4103 = arith.maximumf %max3A_4096, %gather3A_4102 : vector<16xf32>
    %xor3A_4104 = arith.constant 8 : i32
    %xor3A_4105 = vector.broadcast %xor3A_4104 : i32 to vector<16xi32>
    %xor3A_4106 = arith.xori %iota3A, %xor3A_4105 : vector<16xi32>
    %broadcast_in_dim3A_4107 = vector.shape_cast %xor3A_4106 : vector<16xi32> to vector<16x1xi32>
    %gather3A_4108 = vector.shape_cast %broadcast_in_dim3A_4107 : vector<16x1xi32> to vector<16xi32>
    %gather3A_4109 = tpu.dynamic_gather %max3A_4103[%gather3A_4108] in [0] : vector<16xf32>, vector<16xi32> -> vector<16xf32>
    %max3A_4110 = arith.maximumf %max3A_4103, %gather3A_4109 : vector<16xf32>
    %eq3A_4111 = arith.cmpf oeq, %select_n3A_4055, %max3A_4110 : vector<16xf32>
    %jit3A_4112 = arith.constant 64 : i32
    %broadcast_in_dim3A_4113 = vector.broadcast %jit3A_4112 : i32 to vector<16xi32>
    %select_n3A_4114 = arith.select %eq3A_4111, %iota3A, %broadcast_in_dim3A_4113 : vector<16xi1>, vector<16xi32>
    %eq3A_4115 = arith.cmpf oeq, %select_n3A_4063, %max3A_4110 : vector<16xf32>
    %add3A_4116 = arith.constant 16 : i32
    %add3A_4117 = vector.broadcast %add3A_4116 : i32 to vector<16xi32>
    %add3A_4118 = arith.addi %iota3A, %add3A_4117 : vector<16xi32>
    %jit3A_4119 = arith.constant 64 : i32
    %broadcast_in_dim3A_4120 = vector.broadcast %jit3A_4119 : i32 to vector<16xi32>
    %select_n3A_4121 = arith.select %eq3A_4115, %add3A_4118, %broadcast_in_dim3A_4120 : vector<16xi1>, vector<16xi32>
    %min3A_4122 = arith.minsi %select_n3A_4114, %select_n3A_4121 : vector<16xi32>
    %eq3A_4123 = arith.cmpf oeq, %select_n3A_4071, %max3A_4110 : vector<16xf32>
    %add3A_4124 = arith.constant 32 : i32
    %add3A_4125 = vector.broadcast %add3A_4124 : i32 to vector<16xi32>
    %add3A_4126 = arith.addi %iota3A, %add3A_4125 : vector<16xi32>
    %jit3A_4127 = arith.constant 64 : i32
    %broadcast_in_dim3A_4128 = vector.broadcast %jit3A_4127 : i32 to vector<16xi32>
    %select_n3A_4129 = arith.select %eq3A_4123, %add3A_4126, %broadcast_in_dim3A_4128 : vector<16xi1>, vector<16xi32>
    %min3A_4130 = arith.minsi %min3A_4122, %select_n3A_4129 : vector<16xi32>
    %eq3A_4131 = arith.cmpf oeq, %select_n3A_4079, %max3A_4110 : vector<16xf32>
    %add3A_4132 = arith.constant 48 : i32
    %add3A_4133 = vector.broadcast %add3A_4132 : i32 to vector<16xi32>
    %add3A_4134 = arith.addi %iota3A, %add3A_4133 : vector<16xi32>
    %jit3A_4135 = arith.constant 64 : i32
    %broadcast_in_dim3A_4136 = vector.broadcast %jit3A_4135 : i32 to vector<16xi32>
    %select_n3A_4137 = arith.select %eq3A_4131, %add3A_4134, %broadcast_in_dim3A_4136 : vector<16xi1>, vector<16xi32>
    %min3A_4138 = arith.minsi %min3A_4130, %select_n3A_4137 : vector<16xi32>
    %xor3A_4139 = arith.constant 1 : i32
    %xor3A_4140 = vector.broadcast %xor3A_4139 : i32 to vector<16xi32>
    %xor3A_4141 = arith.xori %iota3A, %xor3A_4140 : vector<16xi32>
    %broadcast_in_dim3A_4142 = vector.shape_cast %xor3A_4141 : vector<16xi32> to vector<16x1xi32>
    %gather3A_4143 = vector.shape_cast %broadcast_in_dim3A_4142 : vector<16x1xi32> to vector<16xi32>
    %gather3A_4144 = tpu.dynamic_gather %min3A_4138[%gather3A_4143] in [0] : vector<16xi32>, vector<16xi32> -> vector<16xi32>
    %min3A_4145 = arith.minsi %min3A_4138, %gather3A_4144 : vector<16xi32>
    %xor3A_4146 = arith.constant 2 : i32
    %xor3A_4147 = vector.broadcast %xor3A_4146 : i32 to vector<16xi32>
    %xor3A_4148 = arith.xori %iota3A, %xor3A_4147 : vector<16xi32>
    %broadcast_in_dim3A_4149 = vector.shape_cast %xor3A_4148 : vector<16xi32> to vector<16x1xi32>
    %gather3A_4150 = vector.shape_cast %broadcast_in_dim3A_4149 : vector<16x1xi32> to vector<16xi32>
    %gather3A_4151 = tpu.dynamic_gather %min3A_4145[%gather3A_4150] in [0] : vector<16xi32>, vector<16xi32> -> vector<16xi32>
    %min3A_4152 = arith.minsi %min3A_4145, %gather3A_4151 : vector<16xi32>
    %xor3A_4153 = arith.constant 4 : i32
    %xor3A_4154 = vector.broadcast %xor3A_4153 : i32 to vector<16xi32>
    %xor3A_4155 = arith.xori %iota3A, %xor3A_4154 : vector<16xi32>
    %broadcast_in_dim3A_4156 = vector.shape_cast %xor3A_4155 : vector<16xi32> to vector<16x1xi32>
    %gather3A_4157 = vector.shape_cast %broadcast_in_dim3A_4156 : vector<16x1xi32> to vector<16xi32>
    %gather3A_4158 = tpu.dynamic_gather %min3A_4152[%gather3A_4157] in [0] : vector<16xi32>, vector<16xi32> -> vector<16xi32>
    %min3A_4159 = arith.minsi %min3A_4152, %gather3A_4158 : vector<16xi32>
    %xor3A_4160 = arith.constant 8 : i32
    %xor3A_4161 = vector.broadcast %xor3A_4160 : i32 to vector<16xi32>
    %xor3A_4162 = arith.xori %iota3A, %xor3A_4161 : vector<16xi32>
    %broadcast_in_dim3A_4163 = vector.shape_cast %xor3A_4162 : vector<16xi32> to vector<16x1xi32>
    %gather3A_4164 = vector.shape_cast %broadcast_in_dim3A_4163 : vector<16x1xi32> to vector<16xi32>
    %gather3A_4165 = tpu.dynamic_gather %min3A_4159[%gather3A_4164] in [0] : vector<16xi32>, vector<16xi32> -> vector<16xi32>
    %min3A_4166 = arith.minsi %min3A_4159, %gather3A_4165 : vector<16xi32>
    %shift_right_logical3A_4167 = arith.constant 4 : i32
    %shift_right_logical3A_4168 = vector.broadcast %shift_right_logical3A_4167 : i32 to vector<16xi32>
    %shift_right_logical3A_4169 = arith.shrui %min3A_4166, %shift_right_logical3A_4168 : vector<16xi32>
    %and3A_4170 = arith.constant 15 : i32
    %and3A_4171 = vector.broadcast %and3A_4170 : i32 to vector<16xi32>
    %and3A_4172 = arith.andi %min3A_4166, %and3A_4171 : vector<16xi32>
    %eq3A_4173 = arith.cmpi eq, %iota3A, %and3A_4172 : vector<16xi32>
    %eq3A_4174 = arith.constant 0 : i32
    %eq3A_4175 = vector.broadcast %eq3A_4174 : i32 to vector<16xi32>
    %eq3A_4176 = arith.cmpi eq, %shift_right_logical3A_4169, %eq3A_4175 : vector<16xi32>
    %and3A_4177 = arith.andi %eq3A_4173, %eq3A_4176 : vector<16xi1>
    %jit3A_4178 = arith.constant -3.000000e+38 : f32
    %broadcast_in_dim3A_4179 = vector.broadcast %jit3A_4178 : f32 to vector<16xf32>
    %select_n3A_4180 = arith.select %and3A_4177, %broadcast_in_dim3A_4179, %select_n3A_4055 : vector<16xi1>, vector<16xf32>
    %eq3A_4181 = arith.cmpi eq, %iota3A, %and3A_4172 : vector<16xi32>
    %eq3A_4182 = arith.constant 1 : i32
    %eq3A_4183 = vector.broadcast %eq3A_4182 : i32 to vector<16xi32>
    %eq3A_4184 = arith.cmpi eq, %shift_right_logical3A_4169, %eq3A_4183 : vector<16xi32>
    %and3A_4185 = arith.andi %eq3A_4181, %eq3A_4184 : vector<16xi1>
    %jit3A_4186 = arith.constant -3.000000e+38 : f32
    %broadcast_in_dim3A_4187 = vector.broadcast %jit3A_4186 : f32 to vector<16xf32>
    %select_n3A_4188 = arith.select %and3A_4185, %broadcast_in_dim3A_4187, %select_n3A_4063 : vector<16xi1>, vector<16xf32>
    %eq3A_4189 = arith.cmpi eq, %iota3A, %and3A_4172 : vector<16xi32>
    %eq3A_4190 = arith.constant 2 : i32
    %eq3A_4191 = vector.broadcast %eq3A_4190 : i32 to vector<16xi32>
    %eq3A_4192 = arith.cmpi eq, %shift_right_logical3A_4169, %eq3A_4191 : vector<16xi32>
    %and3A_4193 = arith.andi %eq3A_4189, %eq3A_4192 : vector<16xi1>
    %jit3A_4194 = arith.constant -3.000000e+38 : f32
    %broadcast_in_dim3A_4195 = vector.broadcast %jit3A_4194 : f32 to vector<16xf32>
    %select_n3A_4196 = arith.select %and3A_4193, %broadcast_in_dim3A_4195, %select_n3A_4071 : vector<16xi1>, vector<16xf32>
    %eq3A_4197 = arith.cmpi eq, %iota3A, %and3A_4172 : vector<16xi32>
    %eq3A_4198 = arith.constant 3 : i32
    %eq3A_4199 = vector.broadcast %eq3A_4198 : i32 to vector<16xi32>
    %eq3A_4200 = arith.cmpi eq, %shift_right_logical3A_4169, %eq3A_4199 : vector<16xi32>
    %and3A_4201 = arith.andi %eq3A_4197, %eq3A_4200 : vector<16xi1>
    %jit3A_4202 = arith.constant -3.000000e+38 : f32
    %broadcast_in_dim3A_4203 = vector.broadcast %jit3A_4202 : f32 to vector<16xf32>
    %select_n3A_4204 = arith.select %and3A_4201, %broadcast_in_dim3A_4203, %select_n3A_4079 : vector<16xi1>, vector<16xf32>
    %max3A_4205 = arith.maximumf %select_n3A_4180, %select_n3A_4188 : vector<16xf32>
    %max3A_4206 = arith.maximumf %select_n3A_4196, %select_n3A_4204 : vector<16xf32>
    %max3A_4207 = arith.maximumf %max3A_4205, %max3A_4206 : vector<16xf32>
    %xor3A_4208 = arith.constant 1 : i32
    %xor3A_4209 = vector.broadcast %xor3A_4208 : i32 to vector<16xi32>
    %xor3A_4210 = arith.xori %iota3A, %xor3A_4209 : vector<16xi32>
    %broadcast_in_dim3A_4211 = vector.shape_cast %xor3A_4210 : vector<16xi32> to vector<16x1xi32>
    %gather3A_4212 = vector.shape_cast %broadcast_in_dim3A_4211 : vector<16x1xi32> to vector<16xi32>
    %gather3A_4213 = tpu.dynamic_gather %max3A_4207[%gather3A_4212] in [0] : vector<16xf32>, vector<16xi32> -> vector<16xf32>
    %max3A_4214 = arith.maximumf %max3A_4207, %gather3A_4213 : vector<16xf32>
    %xor3A_4215 = arith.constant 2 : i32
    %xor3A_4216 = vector.broadcast %xor3A_4215 : i32 to vector<16xi32>
    %xor3A_4217 = arith.xori %iota3A, %xor3A_4216 : vector<16xi32>
    %broadcast_in_dim3A_4218 = vector.shape_cast %xor3A_4217 : vector<16xi32> to vector<16x1xi32>
    %gather3A_4219 = vector.shape_cast %broadcast_in_dim3A_4218 : vector<16x1xi32> to vector<16xi32>
    %gather3A_4220 = tpu.dynamic_gather %max3A_4214[%gather3A_4219] in [0] : vector<16xf32>, vector<16xi32> -> vector<16xf32>
    %max3A_4221 = arith.maximumf %max3A_4214, %gather3A_4220 : vector<16xf32>
    %xor3A_4222 = arith.constant 4 : i32
    %xor3A_4223 = vector.broadcast %xor3A_4222 : i32 to vector<16xi32>
    %xor3A_4224 = arith.xori %iota3A, %xor3A_4223 : vector<16xi32>
    %broadcast_in_dim3A_4225 = vector.shape_cast %xor3A_4224 : vector<16xi32> to vector<16x1xi32>
    %gather3A_4226 = vector.shape_cast %broadcast_in_dim3A_4225 : vector<16x1xi32> to vector<16xi32>
    %gather3A_4227 = tpu.dynamic_gather %max3A_4221[%gather3A_4226] in [0] : vector<16xf32>, vector<16xi32> -> vector<16xf32>
    %max3A_4228 = arith.maximumf %max3A_4221, %gather3A_4227 : vector<16xf32>
    %xor3A_4229 = arith.constant 8 : i32
    %xor3A_4230 = vector.broadcast %xor3A_4229 : i32 to vector<16xi32>
    %xor3A_4231 = arith.xori %iota3A, %xor3A_4230 : vector<16xi32>
    %broadcast_in_dim3A_4232 = vector.shape_cast %xor3A_4231 : vector<16xi32> to vector<16x1xi32>
    %gather3A_4233 = vector.shape_cast %broadcast_in_dim3A_4232 : vector<16x1xi32> to vector<16xi32>
    %gather3A_4234 = tpu.dynamic_gather %max3A_4228[%gather3A_4233] in [0] : vector<16xf32>, vector<16xi32> -> vector<16xf32>
    %max3A_4235 = arith.maximumf %max3A_4228, %gather3A_4234 : vector<16xf32>
    %eq3A_4236 = arith.cmpf oeq, %select_n3A_4180, %max3A_4235 : vector<16xf32>
    %jit3A_4237 = arith.constant 64 : i32
    %broadcast_in_dim3A_4238 = vector.broadcast %jit3A_4237 : i32 to vector<16xi32>
    %select_n3A_4239 = arith.select %eq3A_4236, %iota3A, %broadcast_in_dim3A_4238 : vector<16xi1>, vector<16xi32>
    %eq3A_4240 = arith.cmpf oeq, %select_n3A_4188, %max3A_4235 : vector<16xf32>
    %add3A_4241 = arith.constant 16 : i32
    %add3A_4242 = vector.broadcast %add3A_4241 : i32 to vector<16xi32>
    %add3A_4243 = arith.addi %iota3A, %add3A_4242 : vector<16xi32>
    %jit3A_4244 = arith.constant 64 : i32
    %broadcast_in_dim3A_4245 = vector.broadcast %jit3A_4244 : i32 to vector<16xi32>
    %select_n3A_4246 = arith.select %eq3A_4240, %add3A_4243, %broadcast_in_dim3A_4245 : vector<16xi1>, vector<16xi32>
    %min3A_4247 = arith.minsi %select_n3A_4239, %select_n3A_4246 : vector<16xi32>
    %eq3A_4248 = arith.cmpf oeq, %select_n3A_4196, %max3A_4235 : vector<16xf32>
    %add3A_4249 = arith.constant 32 : i32
    %add3A_4250 = vector.broadcast %add3A_4249 : i32 to vector<16xi32>
    %add3A_4251 = arith.addi %iota3A, %add3A_4250 : vector<16xi32>
    %jit3A_4252 = arith.constant 64 : i32
    %broadcast_in_dim3A_4253 = vector.broadcast %jit3A_4252 : i32 to vector<16xi32>
    %select_n3A_4254 = arith.select %eq3A_4248, %add3A_4251, %broadcast_in_dim3A_4253 : vector<16xi1>, vector<16xi32>
    %min3A_4255 = arith.minsi %min3A_4247, %select_n3A_4254 : vector<16xi32>
    %eq3A_4256 = arith.cmpf oeq, %select_n3A_4204, %max3A_4235 : vector<16xf32>
    %add3A_4257 = arith.constant 48 : i32
    %add3A_4258 = vector.broadcast %add3A_4257 : i32 to vector<16xi32>
    %add3A_4259 = arith.addi %iota3A, %add3A_4258 : vector<16xi32>
    %jit3A_4260 = arith.constant 64 : i32
    %broadcast_in_dim3A_4261 = vector.broadcast %jit3A_4260 : i32 to vector<16xi32>
    %select_n3A_4262 = arith.select %eq3A_4256, %add3A_4259, %broadcast_in_dim3A_4261 : vector<16xi1>, vector<16xi32>
    %min3A_4263 = arith.minsi %min3A_4255, %select_n3A_4262 : vector<16xi32>
    %xor3A_4264 = arith.constant 1 : i32
    %xor3A_4265 = vector.broadcast %xor3A_4264 : i32 to vector<16xi32>
    %xor3A_4266 = arith.xori %iota3A, %xor3A_4265 : vector<16xi32>
    %broadcast_in_dim3A_4267 = vector.shape_cast %xor3A_4266 : vector<16xi32> to vector<16x1xi32>
    %gather3A_4268 = vector.shape_cast %broadcast_in_dim3A_4267 : vector<16x1xi32> to vector<16xi32>
    %gather3A_4269 = tpu.dynamic_gather %min3A_4263[%gather3A_4268] in [0] : vector<16xi32>, vector<16xi32> -> vector<16xi32>
    %min3A_4270 = arith.minsi %min3A_4263, %gather3A_4269 : vector<16xi32>
    %xor3A_4271 = arith.constant 2 : i32
    %xor3A_4272 = vector.broadcast %xor3A_4271 : i32 to vector<16xi32>
    %xor3A_4273 = arith.xori %iota3A, %xor3A_4272 : vector<16xi32>
    %broadcast_in_dim3A_4274 = vector.shape_cast %xor3A_4273 : vector<16xi32> to vector<16x1xi32>
    %gather3A_4275 = vector.shape_cast %broadcast_in_dim3A_4274 : vector<16x1xi32> to vector<16xi32>
    %gather3A_4276 = tpu.dynamic_gather %min3A_4270[%gather3A_4275] in [0] : vector<16xi32>, vector<16xi32> -> vector<16xi32>
    %min3A_4277 = arith.minsi %min3A_4270, %gather3A_4276 : vector<16xi32>
    %xor3A_4278 = arith.constant 4 : i32
    %xor3A_4279 = vector.broadcast %xor3A_4278 : i32 to vector<16xi32>
    %xor3A_4280 = arith.xori %iota3A, %xor3A_4279 : vector<16xi32>
    %broadcast_in_dim3A_4281 = vector.shape_cast %xor3A_4280 : vector<16xi32> to vector<16x1xi32>
    %gather3A_4282 = vector.shape_cast %broadcast_in_dim3A_4281 : vector<16x1xi32> to vector<16xi32>
    %gather3A_4283 = tpu.dynamic_gather %min3A_4277[%gather3A_4282] in [0] : vector<16xi32>, vector<16xi32> -> vector<16xi32>
    %min3A_4284 = arith.minsi %min3A_4277, %gather3A_4283 : vector<16xi32>
    %xor3A_4285 = arith.constant 8 : i32
    %xor3A_4286 = vector.broadcast %xor3A_4285 : i32 to vector<16xi32>
    %xor3A_4287 = arith.xori %iota3A, %xor3A_4286 : vector<16xi32>
    %broadcast_in_dim3A_4288 = vector.shape_cast %xor3A_4287 : vector<16xi32> to vector<16x1xi32>
    %gather3A_4289 = vector.shape_cast %broadcast_in_dim3A_4288 : vector<16x1xi32> to vector<16xi32>
    %gather3A_4290 = tpu.dynamic_gather %min3A_4284[%gather3A_4289] in [0] : vector<16xi32>, vector<16xi32> -> vector<16xi32>
    %min3A_4291 = arith.minsi %min3A_4284, %gather3A_4290 : vector<16xi32>
    %shift_right_logical3A_4292 = arith.constant 4 : i32
    %shift_right_logical3A_4293 = vector.broadcast %shift_right_logical3A_4292 : i32 to vector<16xi32>
    %shift_right_logical3A_4294 = arith.shrui %min3A_4291, %shift_right_logical3A_4293 : vector<16xi32>
    %and3A_4295 = arith.constant 15 : i32
    %and3A_4296 = vector.broadcast %and3A_4295 : i32 to vector<16xi32>
    %and3A_4297 = arith.andi %min3A_4291, %and3A_4296 : vector<16xi32>
    %eq3A_4298 = arith.cmpi eq, %iota3A, %and3A_4297 : vector<16xi32>
    %eq3A_4299 = arith.constant 0 : i32
    %eq3A_4300 = vector.broadcast %eq3A_4299 : i32 to vector<16xi32>
    %eq3A_4301 = arith.cmpi eq, %shift_right_logical3A_4294, %eq3A_4300 : vector<16xi32>
    %and3A_4302 = arith.andi %eq3A_4298, %eq3A_4301 : vector<16xi1>
    %jit3A_4303 = arith.constant -3.000000e+38 : f32
    %broadcast_in_dim3A_4304 = vector.broadcast %jit3A_4303 : f32 to vector<16xf32>
    %select_n3A_4305 = arith.select %and3A_4302, %broadcast_in_dim3A_4304, %select_n3A_4180 : vector<16xi1>, vector<16xf32>
    %eq3A_4306 = arith.cmpi eq, %iota3A, %and3A_4297 : vector<16xi32>
    %eq3A_4307 = arith.constant 1 : i32
    %eq3A_4308 = vector.broadcast %eq3A_4307 : i32 to vector<16xi32>
    %eq3A_4309 = arith.cmpi eq, %shift_right_logical3A_4294, %eq3A_4308 : vector<16xi32>
    %and3A_4310 = arith.andi %eq3A_4306, %eq3A_4309 : vector<16xi1>
    %jit3A_4311 = arith.constant -3.000000e+38 : f32
    %broadcast_in_dim3A_4312 = vector.broadcast %jit3A_4311 : f32 to vector<16xf32>
    %select_n3A_4313 = arith.select %and3A_4310, %broadcast_in_dim3A_4312, %select_n3A_4188 : vector<16xi1>, vector<16xf32>
    %eq3A_4314 = arith.cmpi eq, %iota3A, %and3A_4297 : vector<16xi32>
    %eq3A_4315 = arith.constant 2 : i32
    %eq3A_4316 = vector.broadcast %eq3A_4315 : i32 to vector<16xi32>
    %eq3A_4317 = arith.cmpi eq, %shift_right_logical3A_4294, %eq3A_4316 : vector<16xi32>
    %and3A_4318 = arith.andi %eq3A_4314, %eq3A_4317 : vector<16xi1>
    %jit3A_4319 = arith.constant -3.000000e+38 : f32
    %broadcast_in_dim3A_4320 = vector.broadcast %jit3A_4319 : f32 to vector<16xf32>
    %select_n3A_4321 = arith.select %and3A_4318, %broadcast_in_dim3A_4320, %select_n3A_4196 : vector<16xi1>, vector<16xf32>
    %eq3A_4322 = arith.cmpi eq, %iota3A, %and3A_4297 : vector<16xi32>
    %eq3A_4323 = arith.constant 3 : i32
    %eq3A_4324 = vector.broadcast %eq3A_4323 : i32 to vector<16xi32>
    %eq3A_4325 = arith.cmpi eq, %shift_right_logical3A_4294, %eq3A_4324 : vector<16xi32>
    %and3A_4326 = arith.andi %eq3A_4322, %eq3A_4325 : vector<16xi1>
    %jit3A_4327 = arith.constant -3.000000e+38 : f32
    %broadcast_in_dim3A_4328 = vector.broadcast %jit3A_4327 : f32 to vector<16xf32>
    %select_n3A_4329 = arith.select %and3A_4326, %broadcast_in_dim3A_4328, %select_n3A_4204 : vector<16xi1>, vector<16xf32>
    %max3A_4330 = arith.maximumf %select_n3A_4305, %select_n3A_4313 : vector<16xf32>
    %max3A_4331 = arith.maximumf %select_n3A_4321, %select_n3A_4329 : vector<16xf32>
    %max3A_4332 = arith.maximumf %max3A_4330, %max3A_4331 : vector<16xf32>
    %xor3A_4333 = arith.constant 1 : i32
    %xor3A_4334 = vector.broadcast %xor3A_4333 : i32 to vector<16xi32>
    %xor3A_4335 = arith.xori %iota3A, %xor3A_4334 : vector<16xi32>
    %broadcast_in_dim3A_4336 = vector.shape_cast %xor3A_4335 : vector<16xi32> to vector<16x1xi32>
    %gather3A_4337 = vector.shape_cast %broadcast_in_dim3A_4336 : vector<16x1xi32> to vector<16xi32>
    %gather3A_4338 = tpu.dynamic_gather %max3A_4332[%gather3A_4337] in [0] : vector<16xf32>, vector<16xi32> -> vector<16xf32>
    %max3A_4339 = arith.maximumf %max3A_4332, %gather3A_4338 : vector<16xf32>
    %xor3A_4340 = arith.constant 2 : i32
    %xor3A_4341 = vector.broadcast %xor3A_4340 : i32 to vector<16xi32>
    %xor3A_4342 = arith.xori %iota3A, %xor3A_4341 : vector<16xi32>
    %broadcast_in_dim3A_4343 = vector.shape_cast %xor3A_4342 : vector<16xi32> to vector<16x1xi32>
    %gather3A_4344 = vector.shape_cast %broadcast_in_dim3A_4343 : vector<16x1xi32> to vector<16xi32>
    %gather3A_4345 = tpu.dynamic_gather %max3A_4339[%gather3A_4344] in [0] : vector<16xf32>, vector<16xi32> -> vector<16xf32>
    %max3A_4346 = arith.maximumf %max3A_4339, %gather3A_4345 : vector<16xf32>
    %xor3A_4347 = arith.constant 4 : i32
    %xor3A_4348 = vector.broadcast %xor3A_4347 : i32 to vector<16xi32>
    %xor3A_4349 = arith.xori %iota3A, %xor3A_4348 : vector<16xi32>
    %broadcast_in_dim3A_4350 = vector.shape_cast %xor3A_4349 : vector<16xi32> to vector<16x1xi32>
    %gather3A_4351 = vector.shape_cast %broadcast_in_dim3A_4350 : vector<16x1xi32> to vector<16xi32>
    %gather3A_4352 = tpu.dynamic_gather %max3A_4346[%gather3A_4351] in [0] : vector<16xf32>, vector<16xi32> -> vector<16xf32>
    %max3A_4353 = arith.maximumf %max3A_4346, %gather3A_4352 : vector<16xf32>
    %xor3A_4354 = arith.constant 8 : i32
    %xor3A_4355 = vector.broadcast %xor3A_4354 : i32 to vector<16xi32>
    %xor3A_4356 = arith.xori %iota3A, %xor3A_4355 : vector<16xi32>
    %broadcast_in_dim3A_4357 = vector.shape_cast %xor3A_4356 : vector<16xi32> to vector<16x1xi32>
    %gather3A_4358 = vector.shape_cast %broadcast_in_dim3A_4357 : vector<16x1xi32> to vector<16xi32>
    %gather3A_4359 = tpu.dynamic_gather %max3A_4353[%gather3A_4358] in [0] : vector<16xf32>, vector<16xi32> -> vector<16xf32>
    %max3A_4360 = arith.maximumf %max3A_4353, %gather3A_4359 : vector<16xf32>
    %eq3A_4361 = arith.cmpf oeq, %select_n3A_4305, %max3A_4360 : vector<16xf32>
    %jit3A_4362 = arith.constant 64 : i32
    %broadcast_in_dim3A_4363 = vector.broadcast %jit3A_4362 : i32 to vector<16xi32>
    %select_n3A_4364 = arith.select %eq3A_4361, %iota3A, %broadcast_in_dim3A_4363 : vector<16xi1>, vector<16xi32>
    %eq3A_4365 = arith.cmpf oeq, %select_n3A_4313, %max3A_4360 : vector<16xf32>
    %add3A_4366 = arith.constant 16 : i32
    %add3A_4367 = vector.broadcast %add3A_4366 : i32 to vector<16xi32>
    %add3A_4368 = arith.addi %iota3A, %add3A_4367 : vector<16xi32>
    %jit3A_4369 = arith.constant 64 : i32
    %broadcast_in_dim3A_4370 = vector.broadcast %jit3A_4369 : i32 to vector<16xi32>
    %select_n3A_4371 = arith.select %eq3A_4365, %add3A_4368, %broadcast_in_dim3A_4370 : vector<16xi1>, vector<16xi32>
    %min3A_4372 = arith.minsi %select_n3A_4364, %select_n3A_4371 : vector<16xi32>
    %eq3A_4373 = arith.cmpf oeq, %select_n3A_4321, %max3A_4360 : vector<16xf32>
    %add3A_4374 = arith.constant 32 : i32
    %add3A_4375 = vector.broadcast %add3A_4374 : i32 to vector<16xi32>
    %add3A_4376 = arith.addi %iota3A, %add3A_4375 : vector<16xi32>
    %jit3A_4377 = arith.constant 64 : i32
    %broadcast_in_dim3A_4378 = vector.broadcast %jit3A_4377 : i32 to vector<16xi32>
    %select_n3A_4379 = arith.select %eq3A_4373, %add3A_4376, %broadcast_in_dim3A_4378 : vector<16xi1>, vector<16xi32>
    %min3A_4380 = arith.minsi %min3A_4372, %select_n3A_4379 : vector<16xi32>
    %eq3A_4381 = arith.cmpf oeq, %select_n3A_4329, %max3A_4360 : vector<16xf32>
    %add3A_4382 = arith.constant 48 : i32
    %add3A_4383 = vector.broadcast %add3A_4382 : i32 to vector<16xi32>
    %add3A_4384 = arith.addi %iota3A, %add3A_4383 : vector<16xi32>
    %jit3A_4385 = arith.constant 64 : i32
    %broadcast_in_dim3A_4386 = vector.broadcast %jit3A_4385 : i32 to vector<16xi32>
    %select_n3A_4387 = arith.select %eq3A_4381, %add3A_4384, %broadcast_in_dim3A_4386 : vector<16xi1>, vector<16xi32>
    %min3A_4388 = arith.minsi %min3A_4380, %select_n3A_4387 : vector<16xi32>
    %xor3A_4389 = arith.constant 1 : i32
    %xor3A_4390 = vector.broadcast %xor3A_4389 : i32 to vector<16xi32>
    %xor3A_4391 = arith.xori %iota3A, %xor3A_4390 : vector<16xi32>
    %broadcast_in_dim3A_4392 = vector.shape_cast %xor3A_4391 : vector<16xi32> to vector<16x1xi32>
    %gather3A_4393 = vector.shape_cast %broadcast_in_dim3A_4392 : vector<16x1xi32> to vector<16xi32>
    %gather3A_4394 = tpu.dynamic_gather %min3A_4388[%gather3A_4393] in [0] : vector<16xi32>, vector<16xi32> -> vector<16xi32>
    %min3A_4395 = arith.minsi %min3A_4388, %gather3A_4394 : vector<16xi32>
    %xor3A_4396 = arith.constant 2 : i32
    %xor3A_4397 = vector.broadcast %xor3A_4396 : i32 to vector<16xi32>
    %xor3A_4398 = arith.xori %iota3A, %xor3A_4397 : vector<16xi32>
    %broadcast_in_dim3A_4399 = vector.shape_cast %xor3A_4398 : vector<16xi32> to vector<16x1xi32>
    %gather3A_4400 = vector.shape_cast %broadcast_in_dim3A_4399 : vector<16x1xi32> to vector<16xi32>
    %gather3A_4401 = tpu.dynamic_gather %min3A_4395[%gather3A_4400] in [0] : vector<16xi32>, vector<16xi32> -> vector<16xi32>
    %min3A_4402 = arith.minsi %min3A_4395, %gather3A_4401 : vector<16xi32>
    %xor3A_4403 = arith.constant 4 : i32
    %xor3A_4404 = vector.broadcast %xor3A_4403 : i32 to vector<16xi32>
    %xor3A_4405 = arith.xori %iota3A, %xor3A_4404 : vector<16xi32>
    %broadcast_in_dim3A_4406 = vector.shape_cast %xor3A_4405 : vector<16xi32> to vector<16x1xi32>
    %gather3A_4407 = vector.shape_cast %broadcast_in_dim3A_4406 : vector<16x1xi32> to vector<16xi32>
    %gather3A_4408 = tpu.dynamic_gather %min3A_4402[%gather3A_4407] in [0] : vector<16xi32>, vector<16xi32> -> vector<16xi32>
    %min3A_4409 = arith.minsi %min3A_4402, %gather3A_4408 : vector<16xi32>
    %xor3A_4410 = arith.constant 8 : i32
    %xor3A_4411 = vector.broadcast %xor3A_4410 : i32 to vector<16xi32>
    %xor3A_4412 = arith.xori %iota3A, %xor3A_4411 : vector<16xi32>
    %broadcast_in_dim3A_4413 = vector.shape_cast %xor3A_4412 : vector<16xi32> to vector<16x1xi32>
    %gather3A_4414 = vector.shape_cast %broadcast_in_dim3A_4413 : vector<16x1xi32> to vector<16xi32>
    %gather3A_4415 = tpu.dynamic_gather %min3A_4409[%gather3A_4414] in [0] : vector<16xi32>, vector<16xi32> -> vector<16xi32>
    %min3A_4416 = arith.minsi %min3A_4409, %gather3A_4415 : vector<16xi32>
    %shift_right_logical3A_4417 = arith.constant 4 : i32
    %shift_right_logical3A_4418 = vector.broadcast %shift_right_logical3A_4417 : i32 to vector<16xi32>
    %shift_right_logical3A_4419 = arith.shrui %min3A_4416, %shift_right_logical3A_4418 : vector<16xi32>
    %and3A_4420 = arith.constant 15 : i32
    %and3A_4421 = vector.broadcast %and3A_4420 : i32 to vector<16xi32>
    %and3A_4422 = arith.andi %min3A_4416, %and3A_4421 : vector<16xi32>
    %eq3A_4423 = arith.cmpi eq, %iota3A, %and3A_4422 : vector<16xi32>
    %eq3A_4424 = arith.constant 0 : i32
    %eq3A_4425 = vector.broadcast %eq3A_4424 : i32 to vector<16xi32>
    %eq3A_4426 = arith.cmpi eq, %shift_right_logical3A_4419, %eq3A_4425 : vector<16xi32>
    %and3A_4427 = arith.andi %eq3A_4423, %eq3A_4426 : vector<16xi1>
    %jit3A_4428 = arith.constant -3.000000e+38 : f32
    %broadcast_in_dim3A_4429 = vector.broadcast %jit3A_4428 : f32 to vector<16xf32>
    %select_n3A_4430 = arith.select %and3A_4427, %broadcast_in_dim3A_4429, %select_n3A_4305 : vector<16xi1>, vector<16xf32>
    %eq3A_4431 = arith.cmpi eq, %iota3A, %and3A_4422 : vector<16xi32>
    %eq3A_4432 = arith.constant 1 : i32
    %eq3A_4433 = vector.broadcast %eq3A_4432 : i32 to vector<16xi32>
    %eq3A_4434 = arith.cmpi eq, %shift_right_logical3A_4419, %eq3A_4433 : vector<16xi32>
    %and3A_4435 = arith.andi %eq3A_4431, %eq3A_4434 : vector<16xi1>
    %jit3A_4436 = arith.constant -3.000000e+38 : f32
    %broadcast_in_dim3A_4437 = vector.broadcast %jit3A_4436 : f32 to vector<16xf32>
    %select_n3A_4438 = arith.select %and3A_4435, %broadcast_in_dim3A_4437, %select_n3A_4313 : vector<16xi1>, vector<16xf32>
    %eq3A_4439 = arith.cmpi eq, %iota3A, %and3A_4422 : vector<16xi32>
    %eq3A_4440 = arith.constant 2 : i32
    %eq3A_4441 = vector.broadcast %eq3A_4440 : i32 to vector<16xi32>
    %eq3A_4442 = arith.cmpi eq, %shift_right_logical3A_4419, %eq3A_4441 : vector<16xi32>
    %and3A_4443 = arith.andi %eq3A_4439, %eq3A_4442 : vector<16xi1>
    %jit3A_4444 = arith.constant -3.000000e+38 : f32
    %broadcast_in_dim3A_4445 = vector.broadcast %jit3A_4444 : f32 to vector<16xf32>
    %select_n3A_4446 = arith.select %and3A_4443, %broadcast_in_dim3A_4445, %select_n3A_4321 : vector<16xi1>, vector<16xf32>
    %eq3A_4447 = arith.cmpi eq, %iota3A, %and3A_4422 : vector<16xi32>
    %eq3A_4448 = arith.constant 3 : i32
    %eq3A_4449 = vector.broadcast %eq3A_4448 : i32 to vector<16xi32>
    %eq3A_4450 = arith.cmpi eq, %shift_right_logical3A_4419, %eq3A_4449 : vector<16xi32>
    %and3A_4451 = arith.andi %eq3A_4447, %eq3A_4450 : vector<16xi1>
    %jit3A_4452 = arith.constant -3.000000e+38 : f32
    %broadcast_in_dim3A_4453 = vector.broadcast %jit3A_4452 : f32 to vector<16xf32>
    %select_n3A_4454 = arith.select %and3A_4451, %broadcast_in_dim3A_4453, %select_n3A_4329 : vector<16xi1>, vector<16xf32>
    %max3A_4455 = arith.maximumf %select_n3A_4430, %select_n3A_4438 : vector<16xf32>
    %max3A_4456 = arith.maximumf %select_n3A_4446, %select_n3A_4454 : vector<16xf32>
    %max3A_4457 = arith.maximumf %max3A_4455, %max3A_4456 : vector<16xf32>
    %xor3A_4458 = arith.constant 1 : i32
    %xor3A_4459 = vector.broadcast %xor3A_4458 : i32 to vector<16xi32>
    %xor3A_4460 = arith.xori %iota3A, %xor3A_4459 : vector<16xi32>
    %broadcast_in_dim3A_4461 = vector.shape_cast %xor3A_4460 : vector<16xi32> to vector<16x1xi32>
    %gather3A_4462 = vector.shape_cast %broadcast_in_dim3A_4461 : vector<16x1xi32> to vector<16xi32>
    %gather3A_4463 = tpu.dynamic_gather %max3A_4457[%gather3A_4462] in [0] : vector<16xf32>, vector<16xi32> -> vector<16xf32>
    %max3A_4464 = arith.maximumf %max3A_4457, %gather3A_4463 : vector<16xf32>
    %xor3A_4465 = arith.constant 2 : i32
    %xor3A_4466 = vector.broadcast %xor3A_4465 : i32 to vector<16xi32>
    %xor3A_4467 = arith.xori %iota3A, %xor3A_4466 : vector<16xi32>
    %broadcast_in_dim3A_4468 = vector.shape_cast %xor3A_4467 : vector<16xi32> to vector<16x1xi32>
    %gather3A_4469 = vector.shape_cast %broadcast_in_dim3A_4468 : vector<16x1xi32> to vector<16xi32>
    %gather3A_4470 = tpu.dynamic_gather %max3A_4464[%gather3A_4469] in [0] : vector<16xf32>, vector<16xi32> -> vector<16xf32>
    %max3A_4471 = arith.maximumf %max3A_4464, %gather3A_4470 : vector<16xf32>
    %xor3A_4472 = arith.constant 4 : i32
    %xor3A_4473 = vector.broadcast %xor3A_4472 : i32 to vector<16xi32>
    %xor3A_4474 = arith.xori %iota3A, %xor3A_4473 : vector<16xi32>
    %broadcast_in_dim3A_4475 = vector.shape_cast %xor3A_4474 : vector<16xi32> to vector<16x1xi32>
    %gather3A_4476 = vector.shape_cast %broadcast_in_dim3A_4475 : vector<16x1xi32> to vector<16xi32>
    %gather3A_4477 = tpu.dynamic_gather %max3A_4471[%gather3A_4476] in [0] : vector<16xf32>, vector<16xi32> -> vector<16xf32>
    %max3A_4478 = arith.maximumf %max3A_4471, %gather3A_4477 : vector<16xf32>
    %xor3A_4479 = arith.constant 8 : i32
    %xor3A_4480 = vector.broadcast %xor3A_4479 : i32 to vector<16xi32>
    %xor3A_4481 = arith.xori %iota3A, %xor3A_4480 : vector<16xi32>
    %broadcast_in_dim3A_4482 = vector.shape_cast %xor3A_4481 : vector<16xi32> to vector<16x1xi32>
    %gather3A_4483 = vector.shape_cast %broadcast_in_dim3A_4482 : vector<16x1xi32> to vector<16xi32>
    %gather3A_4484 = tpu.dynamic_gather %max3A_4478[%gather3A_4483] in [0] : vector<16xf32>, vector<16xi32> -> vector<16xf32>
    %max3A_4485 = arith.maximumf %max3A_4478, %gather3A_4484 : vector<16xf32>
    %eq3A_4486 = arith.cmpf oeq, %select_n3A_4430, %max3A_4485 : vector<16xf32>
    %jit3A_4487 = arith.constant 64 : i32
    %broadcast_in_dim3A_4488 = vector.broadcast %jit3A_4487 : i32 to vector<16xi32>
    %select_n3A_4489 = arith.select %eq3A_4486, %iota3A, %broadcast_in_dim3A_4488 : vector<16xi1>, vector<16xi32>
    %eq3A_4490 = arith.cmpf oeq, %select_n3A_4438, %max3A_4485 : vector<16xf32>
    %add3A_4491 = arith.constant 16 : i32
    %add3A_4492 = vector.broadcast %add3A_4491 : i32 to vector<16xi32>
    %add3A_4493 = arith.addi %iota3A, %add3A_4492 : vector<16xi32>
    %jit3A_4494 = arith.constant 64 : i32
    %broadcast_in_dim3A_4495 = vector.broadcast %jit3A_4494 : i32 to vector<16xi32>
    %select_n3A_4496 = arith.select %eq3A_4490, %add3A_4493, %broadcast_in_dim3A_4495 : vector<16xi1>, vector<16xi32>
    %min3A_4497 = arith.minsi %select_n3A_4489, %select_n3A_4496 : vector<16xi32>
    %eq3A_4498 = arith.cmpf oeq, %select_n3A_4446, %max3A_4485 : vector<16xf32>
    %add3A_4499 = arith.constant 32 : i32
    %add3A_4500 = vector.broadcast %add3A_4499 : i32 to vector<16xi32>
    %add3A_4501 = arith.addi %iota3A, %add3A_4500 : vector<16xi32>
    %jit3A_4502 = arith.constant 64 : i32
    %broadcast_in_dim3A_4503 = vector.broadcast %jit3A_4502 : i32 to vector<16xi32>
    %select_n3A_4504 = arith.select %eq3A_4498, %add3A_4501, %broadcast_in_dim3A_4503 : vector<16xi1>, vector<16xi32>
    %min3A_4505 = arith.minsi %min3A_4497, %select_n3A_4504 : vector<16xi32>
    %eq3A_4506 = arith.cmpf oeq, %select_n3A_4454, %max3A_4485 : vector<16xf32>
    %add3A_4507 = arith.constant 48 : i32
    %add3A_4508 = vector.broadcast %add3A_4507 : i32 to vector<16xi32>
    %add3A_4509 = arith.addi %iota3A, %add3A_4508 : vector<16xi32>
    %jit3A_4510 = arith.constant 64 : i32
    %broadcast_in_dim3A_4511 = vector.broadcast %jit3A_4510 : i32 to vector<16xi32>
    %select_n3A_4512 = arith.select %eq3A_4506, %add3A_4509, %broadcast_in_dim3A_4511 : vector<16xi1>, vector<16xi32>
    %min3A_4513 = arith.minsi %min3A_4505, %select_n3A_4512 : vector<16xi32>
    %xor3A_4514 = arith.constant 1 : i32
    %xor3A_4515 = vector.broadcast %xor3A_4514 : i32 to vector<16xi32>
    %xor3A_4516 = arith.xori %iota3A, %xor3A_4515 : vector<16xi32>
    %broadcast_in_dim3A_4517 = vector.shape_cast %xor3A_4516 : vector<16xi32> to vector<16x1xi32>
    %gather3A_4518 = vector.shape_cast %broadcast_in_dim3A_4517 : vector<16x1xi32> to vector<16xi32>
    %gather3A_4519 = tpu.dynamic_gather %min3A_4513[%gather3A_4518] in [0] : vector<16xi32>, vector<16xi32> -> vector<16xi32>
    %min3A_4520 = arith.minsi %min3A_4513, %gather3A_4519 : vector<16xi32>
    %xor3A_4521 = arith.constant 2 : i32
    %xor3A_4522 = vector.broadcast %xor3A_4521 : i32 to vector<16xi32>
    %xor3A_4523 = arith.xori %iota3A, %xor3A_4522 : vector<16xi32>
    %broadcast_in_dim3A_4524 = vector.shape_cast %xor3A_4523 : vector<16xi32> to vector<16x1xi32>
    %gather3A_4525 = vector.shape_cast %broadcast_in_dim3A_4524 : vector<16x1xi32> to vector<16xi32>
    %gather3A_4526 = tpu.dynamic_gather %min3A_4520[%gather3A_4525] in [0] : vector<16xi32>, vector<16xi32> -> vector<16xi32>
    %min3A_4527 = arith.minsi %min3A_4520, %gather3A_4526 : vector<16xi32>
    %xor3A_4528 = arith.constant 4 : i32
    %xor3A_4529 = vector.broadcast %xor3A_4528 : i32 to vector<16xi32>
    %xor3A_4530 = arith.xori %iota3A, %xor3A_4529 : vector<16xi32>
    %broadcast_in_dim3A_4531 = vector.shape_cast %xor3A_4530 : vector<16xi32> to vector<16x1xi32>
    %gather3A_4532 = vector.shape_cast %broadcast_in_dim3A_4531 : vector<16x1xi32> to vector<16xi32>
    %gather3A_4533 = tpu.dynamic_gather %min3A_4527[%gather3A_4532] in [0] : vector<16xi32>, vector<16xi32> -> vector<16xi32>
    %min3A_4534 = arith.minsi %min3A_4527, %gather3A_4533 : vector<16xi32>
    %xor3A_4535 = arith.constant 8 : i32
    %xor3A_4536 = vector.broadcast %xor3A_4535 : i32 to vector<16xi32>
    %xor3A_4537 = arith.xori %iota3A, %xor3A_4536 : vector<16xi32>
    %broadcast_in_dim3A_4538 = vector.shape_cast %xor3A_4537 : vector<16xi32> to vector<16x1xi32>
    %gather3A_4539 = vector.shape_cast %broadcast_in_dim3A_4538 : vector<16x1xi32> to vector<16xi32>
    %gather3A_4540 = tpu.dynamic_gather %min3A_4534[%gather3A_4539] in [0] : vector<16xi32>, vector<16xi32> -> vector<16xi32>
    %min3A_4541 = arith.minsi %min3A_4534, %gather3A_4540 : vector<16xi32>
    %shift_right_logical3A_4542 = arith.constant 4 : i32
    %shift_right_logical3A_4543 = vector.broadcast %shift_right_logical3A_4542 : i32 to vector<16xi32>
    %shift_right_logical3A_4544 = arith.shrui %min3A_4541, %shift_right_logical3A_4543 : vector<16xi32>
    %and3A_4545 = arith.constant 15 : i32
    %and3A_4546 = vector.broadcast %and3A_4545 : i32 to vector<16xi32>
    %and3A_4547 = arith.andi %min3A_4541, %and3A_4546 : vector<16xi32>
    %eq3A_4548 = arith.cmpi eq, %iota3A, %and3A_4547 : vector<16xi32>
    %eq3A_4549 = arith.constant 0 : i32
    %eq3A_4550 = vector.broadcast %eq3A_4549 : i32 to vector<16xi32>
    %eq3A_4551 = arith.cmpi eq, %shift_right_logical3A_4544, %eq3A_4550 : vector<16xi32>
    %and3A_4552 = arith.andi %eq3A_4548, %eq3A_4551 : vector<16xi1>
    %jit3A_4553 = arith.constant -3.000000e+38 : f32
    %broadcast_in_dim3A_4554 = vector.broadcast %jit3A_4553 : f32 to vector<16xf32>
    %select_n3A_4555 = arith.select %and3A_4552, %broadcast_in_dim3A_4554, %select_n3A_4430 : vector<16xi1>, vector<16xf32>
    %eq3A_4556 = arith.cmpi eq, %iota3A, %and3A_4547 : vector<16xi32>
    %eq3A_4557 = arith.constant 1 : i32
    %eq3A_4558 = vector.broadcast %eq3A_4557 : i32 to vector<16xi32>
    %eq3A_4559 = arith.cmpi eq, %shift_right_logical3A_4544, %eq3A_4558 : vector<16xi32>
    %and3A_4560 = arith.andi %eq3A_4556, %eq3A_4559 : vector<16xi1>
    %jit3A_4561 = arith.constant -3.000000e+38 : f32
    %broadcast_in_dim3A_4562 = vector.broadcast %jit3A_4561 : f32 to vector<16xf32>
    %select_n3A_4563 = arith.select %and3A_4560, %broadcast_in_dim3A_4562, %select_n3A_4438 : vector<16xi1>, vector<16xf32>
    %eq3A_4564 = arith.cmpi eq, %iota3A, %and3A_4547 : vector<16xi32>
    %eq3A_4565 = arith.constant 2 : i32
    %eq3A_4566 = vector.broadcast %eq3A_4565 : i32 to vector<16xi32>
    %eq3A_4567 = arith.cmpi eq, %shift_right_logical3A_4544, %eq3A_4566 : vector<16xi32>
    %and3A_4568 = arith.andi %eq3A_4564, %eq3A_4567 : vector<16xi1>
    %jit3A_4569 = arith.constant -3.000000e+38 : f32
    %broadcast_in_dim3A_4570 = vector.broadcast %jit3A_4569 : f32 to vector<16xf32>
    %select_n3A_4571 = arith.select %and3A_4568, %broadcast_in_dim3A_4570, %select_n3A_4446 : vector<16xi1>, vector<16xf32>
    %eq3A_4572 = arith.cmpi eq, %iota3A, %and3A_4547 : vector<16xi32>
    %eq3A_4573 = arith.constant 3 : i32
    %eq3A_4574 = vector.broadcast %eq3A_4573 : i32 to vector<16xi32>
    %eq3A_4575 = arith.cmpi eq, %shift_right_logical3A_4544, %eq3A_4574 : vector<16xi32>
    %and3A_4576 = arith.andi %eq3A_4572, %eq3A_4575 : vector<16xi1>
    %jit3A_4577 = arith.constant -3.000000e+38 : f32
    %broadcast_in_dim3A_4578 = vector.broadcast %jit3A_4577 : f32 to vector<16xf32>
    %select_n3A_4579 = arith.select %and3A_4576, %broadcast_in_dim3A_4578, %select_n3A_4454 : vector<16xi1>, vector<16xf32>
    %max3A_4580 = arith.maximumf %select_n3A_4555, %select_n3A_4563 : vector<16xf32>
    %max3A_4581 = arith.maximumf %select_n3A_4571, %select_n3A_4579 : vector<16xf32>
    %max3A_4582 = arith.maximumf %max3A_4580, %max3A_4581 : vector<16xf32>
    %xor3A_4583 = arith.constant 1 : i32
    %xor3A_4584 = vector.broadcast %xor3A_4583 : i32 to vector<16xi32>
    %xor3A_4585 = arith.xori %iota3A, %xor3A_4584 : vector<16xi32>
    %broadcast_in_dim3A_4586 = vector.shape_cast %xor3A_4585 : vector<16xi32> to vector<16x1xi32>
    %gather3A_4587 = vector.shape_cast %broadcast_in_dim3A_4586 : vector<16x1xi32> to vector<16xi32>
    %gather3A_4588 = tpu.dynamic_gather %max3A_4582[%gather3A_4587] in [0] : vector<16xf32>, vector<16xi32> -> vector<16xf32>
    %max3A_4589 = arith.maximumf %max3A_4582, %gather3A_4588 : vector<16xf32>
    %xor3A_4590 = arith.constant 2 : i32
    %xor3A_4591 = vector.broadcast %xor3A_4590 : i32 to vector<16xi32>
    %xor3A_4592 = arith.xori %iota3A, %xor3A_4591 : vector<16xi32>
    %broadcast_in_dim3A_4593 = vector.shape_cast %xor3A_4592 : vector<16xi32> to vector<16x1xi32>
    %gather3A_4594 = vector.shape_cast %broadcast_in_dim3A_4593 : vector<16x1xi32> to vector<16xi32>
    %gather3A_4595 = tpu.dynamic_gather %max3A_4589[%gather3A_4594] in [0] : vector<16xf32>, vector<16xi32> -> vector<16xf32>
    %max3A_4596 = arith.maximumf %max3A_4589, %gather3A_4595 : vector<16xf32>
    %xor3A_4597 = arith.constant 4 : i32
    %xor3A_4598 = vector.broadcast %xor3A_4597 : i32 to vector<16xi32>
    %xor3A_4599 = arith.xori %iota3A, %xor3A_4598 : vector<16xi32>
    %broadcast_in_dim3A_4600 = vector.shape_cast %xor3A_4599 : vector<16xi32> to vector<16x1xi32>
    %gather3A_4601 = vector.shape_cast %broadcast_in_dim3A_4600 : vector<16x1xi32> to vector<16xi32>
    %gather3A_4602 = tpu.dynamic_gather %max3A_4596[%gather3A_4601] in [0] : vector<16xf32>, vector<16xi32> -> vector<16xf32>
    %max3A_4603 = arith.maximumf %max3A_4596, %gather3A_4602 : vector<16xf32>
    %xor3A_4604 = arith.constant 8 : i32
    %xor3A_4605 = vector.broadcast %xor3A_4604 : i32 to vector<16xi32>
    %xor3A_4606 = arith.xori %iota3A, %xor3A_4605 : vector<16xi32>
    %broadcast_in_dim3A_4607 = vector.shape_cast %xor3A_4606 : vector<16xi32> to vector<16x1xi32>
    %gather3A_4608 = vector.shape_cast %broadcast_in_dim3A_4607 : vector<16x1xi32> to vector<16xi32>
    %gather3A_4609 = tpu.dynamic_gather %max3A_4603[%gather3A_4608] in [0] : vector<16xf32>, vector<16xi32> -> vector<16xf32>
    %max3A_4610 = arith.maximumf %max3A_4603, %gather3A_4609 : vector<16xf32>
    %eq3A_4611 = arith.cmpf oeq, %select_n3A_4555, %max3A_4610 : vector<16xf32>
    %jit3A_4612 = arith.constant 64 : i32
    %broadcast_in_dim3A_4613 = vector.broadcast %jit3A_4612 : i32 to vector<16xi32>
    %select_n3A_4614 = arith.select %eq3A_4611, %iota3A, %broadcast_in_dim3A_4613 : vector<16xi1>, vector<16xi32>
    %eq3A_4615 = arith.cmpf oeq, %select_n3A_4563, %max3A_4610 : vector<16xf32>
    %add3A_4616 = arith.constant 16 : i32
    %add3A_4617 = vector.broadcast %add3A_4616 : i32 to vector<16xi32>
    %add3A_4618 = arith.addi %iota3A, %add3A_4617 : vector<16xi32>
    %jit3A_4619 = arith.constant 64 : i32
    %broadcast_in_dim3A_4620 = vector.broadcast %jit3A_4619 : i32 to vector<16xi32>
    %select_n3A_4621 = arith.select %eq3A_4615, %add3A_4618, %broadcast_in_dim3A_4620 : vector<16xi1>, vector<16xi32>
    %min3A_4622 = arith.minsi %select_n3A_4614, %select_n3A_4621 : vector<16xi32>
    %eq3A_4623 = arith.cmpf oeq, %select_n3A_4571, %max3A_4610 : vector<16xf32>
    %add3A_4624 = arith.constant 32 : i32
    %add3A_4625 = vector.broadcast %add3A_4624 : i32 to vector<16xi32>
    %add3A_4626 = arith.addi %iota3A, %add3A_4625 : vector<16xi32>
    %jit3A_4627 = arith.constant 64 : i32
    %broadcast_in_dim3A_4628 = vector.broadcast %jit3A_4627 : i32 to vector<16xi32>
    %select_n3A_4629 = arith.select %eq3A_4623, %add3A_4626, %broadcast_in_dim3A_4628 : vector<16xi1>, vector<16xi32>
    %min3A_4630 = arith.minsi %min3A_4622, %select_n3A_4629 : vector<16xi32>
    %eq3A_4631 = arith.cmpf oeq, %select_n3A_4579, %max3A_4610 : vector<16xf32>
    %add3A_4632 = arith.constant 48 : i32
    %add3A_4633 = vector.broadcast %add3A_4632 : i32 to vector<16xi32>
    %add3A_4634 = arith.addi %iota3A, %add3A_4633 : vector<16xi32>
    %jit3A_4635 = arith.constant 64 : i32
    %broadcast_in_dim3A_4636 = vector.broadcast %jit3A_4635 : i32 to vector<16xi32>
    %select_n3A_4637 = arith.select %eq3A_4631, %add3A_4634, %broadcast_in_dim3A_4636 : vector<16xi1>, vector<16xi32>
    %min3A_4638 = arith.minsi %min3A_4630, %select_n3A_4637 : vector<16xi32>
    %xor3A_4639 = arith.constant 1 : i32
    %xor3A_4640 = vector.broadcast %xor3A_4639 : i32 to vector<16xi32>
    %xor3A_4641 = arith.xori %iota3A, %xor3A_4640 : vector<16xi32>
    %broadcast_in_dim3A_4642 = vector.shape_cast %xor3A_4641 : vector<16xi32> to vector<16x1xi32>
    %gather3A_4643 = vector.shape_cast %broadcast_in_dim3A_4642 : vector<16x1xi32> to vector<16xi32>
    %gather3A_4644 = tpu.dynamic_gather %min3A_4638[%gather3A_4643] in [0] : vector<16xi32>, vector<16xi32> -> vector<16xi32>
    %min3A_4645 = arith.minsi %min3A_4638, %gather3A_4644 : vector<16xi32>
    %xor3A_4646 = arith.constant 2 : i32
    %xor3A_4647 = vector.broadcast %xor3A_4646 : i32 to vector<16xi32>
    %xor3A_4648 = arith.xori %iota3A, %xor3A_4647 : vector<16xi32>
    %broadcast_in_dim3A_4649 = vector.shape_cast %xor3A_4648 : vector<16xi32> to vector<16x1xi32>
    %gather3A_4650 = vector.shape_cast %broadcast_in_dim3A_4649 : vector<16x1xi32> to vector<16xi32>
    %gather3A_4651 = tpu.dynamic_gather %min3A_4645[%gather3A_4650] in [0] : vector<16xi32>, vector<16xi32> -> vector<16xi32>
    %min3A_4652 = arith.minsi %min3A_4645, %gather3A_4651 : vector<16xi32>
    %xor3A_4653 = arith.constant 4 : i32
    %xor3A_4654 = vector.broadcast %xor3A_4653 : i32 to vector<16xi32>
    %xor3A_4655 = arith.xori %iota3A, %xor3A_4654 : vector<16xi32>
    %broadcast_in_dim3A_4656 = vector.shape_cast %xor3A_4655 : vector<16xi32> to vector<16x1xi32>
    %gather3A_4657 = vector.shape_cast %broadcast_in_dim3A_4656 : vector<16x1xi32> to vector<16xi32>
    %gather3A_4658 = tpu.dynamic_gather %min3A_4652[%gather3A_4657] in [0] : vector<16xi32>, vector<16xi32> -> vector<16xi32>
    %min3A_4659 = arith.minsi %min3A_4652, %gather3A_4658 : vector<16xi32>
    %xor3A_4660 = arith.constant 8 : i32
    %xor3A_4661 = vector.broadcast %xor3A_4660 : i32 to vector<16xi32>
    %xor3A_4662 = arith.xori %iota3A, %xor3A_4661 : vector<16xi32>
    %broadcast_in_dim3A_4663 = vector.shape_cast %xor3A_4662 : vector<16xi32> to vector<16x1xi32>
    %gather3A_4664 = vector.shape_cast %broadcast_in_dim3A_4663 : vector<16x1xi32> to vector<16xi32>
    %gather3A_4665 = tpu.dynamic_gather %min3A_4659[%gather3A_4664] in [0] : vector<16xi32>, vector<16xi32> -> vector<16xi32>
    %min3A_4666 = arith.minsi %min3A_4659, %gather3A_4665 : vector<16xi32>
    %shift_right_logical3A_4667 = arith.constant 4 : i32
    %shift_right_logical3A_4668 = vector.broadcast %shift_right_logical3A_4667 : i32 to vector<16xi32>
    %shift_right_logical3A_4669 = arith.shrui %min3A_4666, %shift_right_logical3A_4668 : vector<16xi32>
    %and3A_4670 = arith.constant 15 : i32
    %and3A_4671 = vector.broadcast %and3A_4670 : i32 to vector<16xi32>
    %and3A_4672 = arith.andi %min3A_4666, %and3A_4671 : vector<16xi32>
    %eq3A_4673 = arith.cmpi eq, %iota3A, %and3A_4672 : vector<16xi32>
    %eq3A_4674 = arith.constant 0 : i32
    %eq3A_4675 = vector.broadcast %eq3A_4674 : i32 to vector<16xi32>
    %eq3A_4676 = arith.cmpi eq, %shift_right_logical3A_4669, %eq3A_4675 : vector<16xi32>
    %and3A_4677 = arith.andi %eq3A_4673, %eq3A_4676 : vector<16xi1>
    %jit3A_4678 = arith.constant -3.000000e+38 : f32
    %broadcast_in_dim3A_4679 = vector.broadcast %jit3A_4678 : f32 to vector<16xf32>
    %select_n3A_4680 = arith.select %and3A_4677, %broadcast_in_dim3A_4679, %select_n3A_4555 : vector<16xi1>, vector<16xf32>
    %eq3A_4681 = arith.cmpi eq, %iota3A, %and3A_4672 : vector<16xi32>
    %eq3A_4682 = arith.constant 1 : i32
    %eq3A_4683 = vector.broadcast %eq3A_4682 : i32 to vector<16xi32>
    %eq3A_4684 = arith.cmpi eq, %shift_right_logical3A_4669, %eq3A_4683 : vector<16xi32>
    %and3A_4685 = arith.andi %eq3A_4681, %eq3A_4684 : vector<16xi1>
    %jit3A_4686 = arith.constant -3.000000e+38 : f32
    %broadcast_in_dim3A_4687 = vector.broadcast %jit3A_4686 : f32 to vector<16xf32>
    %select_n3A_4688 = arith.select %and3A_4685, %broadcast_in_dim3A_4687, %select_n3A_4563 : vector<16xi1>, vector<16xf32>
    %eq3A_4689 = arith.cmpi eq, %iota3A, %and3A_4672 : vector<16xi32>
    %eq3A_4690 = arith.constant 2 : i32
    %eq3A_4691 = vector.broadcast %eq3A_4690 : i32 to vector<16xi32>
    %eq3A_4692 = arith.cmpi eq, %shift_right_logical3A_4669, %eq3A_4691 : vector<16xi32>
    %and3A_4693 = arith.andi %eq3A_4689, %eq3A_4692 : vector<16xi1>
    %jit3A_4694 = arith.constant -3.000000e+38 : f32
    %broadcast_in_dim3A_4695 = vector.broadcast %jit3A_4694 : f32 to vector<16xf32>
    %select_n3A_4696 = arith.select %and3A_4693, %broadcast_in_dim3A_4695, %select_n3A_4571 : vector<16xi1>, vector<16xf32>
    %eq3A_4697 = arith.cmpi eq, %iota3A, %and3A_4672 : vector<16xi32>
    %eq3A_4698 = arith.constant 3 : i32
    %eq3A_4699 = vector.broadcast %eq3A_4698 : i32 to vector<16xi32>
    %eq3A_4700 = arith.cmpi eq, %shift_right_logical3A_4669, %eq3A_4699 : vector<16xi32>
    %and3A_4701 = arith.andi %eq3A_4697, %eq3A_4700 : vector<16xi1>
    %jit3A_4702 = arith.constant -3.000000e+38 : f32
    %broadcast_in_dim3A_4703 = vector.broadcast %jit3A_4702 : f32 to vector<16xf32>
    %select_n3A_4704 = arith.select %and3A_4701, %broadcast_in_dim3A_4703, %select_n3A_4579 : vector<16xi1>, vector<16xf32>
    %max3A_4705 = arith.maximumf %select_n3A_4680, %select_n3A_4688 : vector<16xf32>
    %max3A_4706 = arith.maximumf %select_n3A_4696, %select_n3A_4704 : vector<16xf32>
    %max3A_4707 = arith.maximumf %max3A_4705, %max3A_4706 : vector<16xf32>
    %xor3A_4708 = arith.constant 1 : i32
    %xor3A_4709 = vector.broadcast %xor3A_4708 : i32 to vector<16xi32>
    %xor3A_4710 = arith.xori %iota3A, %xor3A_4709 : vector<16xi32>
    %broadcast_in_dim3A_4711 = vector.shape_cast %xor3A_4710 : vector<16xi32> to vector<16x1xi32>
    %gather3A_4712 = vector.shape_cast %broadcast_in_dim3A_4711 : vector<16x1xi32> to vector<16xi32>
    %gather3A_4713 = tpu.dynamic_gather %max3A_4707[%gather3A_4712] in [0] : vector<16xf32>, vector<16xi32> -> vector<16xf32>
    %max3A_4714 = arith.maximumf %max3A_4707, %gather3A_4713 : vector<16xf32>
    %xor3A_4715 = arith.constant 2 : i32
    %xor3A_4716 = vector.broadcast %xor3A_4715 : i32 to vector<16xi32>
    %xor3A_4717 = arith.xori %iota3A, %xor3A_4716 : vector<16xi32>
    %broadcast_in_dim3A_4718 = vector.shape_cast %xor3A_4717 : vector<16xi32> to vector<16x1xi32>
    %gather3A_4719 = vector.shape_cast %broadcast_in_dim3A_4718 : vector<16x1xi32> to vector<16xi32>
    %gather3A_4720 = tpu.dynamic_gather %max3A_4714[%gather3A_4719] in [0] : vector<16xf32>, vector<16xi32> -> vector<16xf32>
    %max3A_4721 = arith.maximumf %max3A_4714, %gather3A_4720 : vector<16xf32>
    %xor3A_4722 = arith.constant 4 : i32
    %xor3A_4723 = vector.broadcast %xor3A_4722 : i32 to vector<16xi32>
    %xor3A_4724 = arith.xori %iota3A, %xor3A_4723 : vector<16xi32>
    %broadcast_in_dim3A_4725 = vector.shape_cast %xor3A_4724 : vector<16xi32> to vector<16x1xi32>
    %gather3A_4726 = vector.shape_cast %broadcast_in_dim3A_4725 : vector<16x1xi32> to vector<16xi32>
    %gather3A_4727 = tpu.dynamic_gather %max3A_4721[%gather3A_4726] in [0] : vector<16xf32>, vector<16xi32> -> vector<16xf32>
    %max3A_4728 = arith.maximumf %max3A_4721, %gather3A_4727 : vector<16xf32>
    %xor3A_4729 = arith.constant 8 : i32
    %xor3A_4730 = vector.broadcast %xor3A_4729 : i32 to vector<16xi32>
    %xor3A_4731 = arith.xori %iota3A, %xor3A_4730 : vector<16xi32>
    %broadcast_in_dim3A_4732 = vector.shape_cast %xor3A_4731 : vector<16xi32> to vector<16x1xi32>
    %gather3A_4733 = vector.shape_cast %broadcast_in_dim3A_4732 : vector<16x1xi32> to vector<16xi32>
    %gather3A_4734 = tpu.dynamic_gather %max3A_4728[%gather3A_4733] in [0] : vector<16xf32>, vector<16xi32> -> vector<16xf32>
    %max3A_4735 = arith.maximumf %max3A_4728, %gather3A_4734 : vector<16xf32>
    %eq3A_4736 = arith.cmpf oeq, %select_n3A_4680, %max3A_4735 : vector<16xf32>
    %jit3A_4737 = arith.constant 64 : i32
    %broadcast_in_dim3A_4738 = vector.broadcast %jit3A_4737 : i32 to vector<16xi32>
    %select_n3A_4739 = arith.select %eq3A_4736, %iota3A, %broadcast_in_dim3A_4738 : vector<16xi1>, vector<16xi32>
    %eq3A_4740 = arith.cmpf oeq, %select_n3A_4688, %max3A_4735 : vector<16xf32>
    %add3A_4741 = arith.constant 16 : i32
    %add3A_4742 = vector.broadcast %add3A_4741 : i32 to vector<16xi32>
    %add3A_4743 = arith.addi %iota3A, %add3A_4742 : vector<16xi32>
    %jit3A_4744 = arith.constant 64 : i32
    %broadcast_in_dim3A_4745 = vector.broadcast %jit3A_4744 : i32 to vector<16xi32>
    %select_n3A_4746 = arith.select %eq3A_4740, %add3A_4743, %broadcast_in_dim3A_4745 : vector<16xi1>, vector<16xi32>
    %min3A_4747 = arith.minsi %select_n3A_4739, %select_n3A_4746 : vector<16xi32>
    %eq3A_4748 = arith.cmpf oeq, %select_n3A_4696, %max3A_4735 : vector<16xf32>
    %add3A_4749 = arith.constant 32 : i32
    %add3A_4750 = vector.broadcast %add3A_4749 : i32 to vector<16xi32>
    %add3A_4751 = arith.addi %iota3A, %add3A_4750 : vector<16xi32>
    %jit3A_4752 = arith.constant 64 : i32
    %broadcast_in_dim3A_4753 = vector.broadcast %jit3A_4752 : i32 to vector<16xi32>
    %select_n3A_4754 = arith.select %eq3A_4748, %add3A_4751, %broadcast_in_dim3A_4753 : vector<16xi1>, vector<16xi32>
    %min3A_4755 = arith.minsi %min3A_4747, %select_n3A_4754 : vector<16xi32>
    %eq3A_4756 = arith.cmpf oeq, %select_n3A_4704, %max3A_4735 : vector<16xf32>
    %add3A_4757 = arith.constant 48 : i32
    %add3A_4758 = vector.broadcast %add3A_4757 : i32 to vector<16xi32>
    %add3A_4759 = arith.addi %iota3A, %add3A_4758 : vector<16xi32>
    %jit3A_4760 = arith.constant 64 : i32
    %broadcast_in_dim3A_4761 = vector.broadcast %jit3A_4760 : i32 to vector<16xi32>
    %select_n3A_4762 = arith.select %eq3A_4756, %add3A_4759, %broadcast_in_dim3A_4761 : vector<16xi1>, vector<16xi32>
    %min3A_4763 = arith.minsi %min3A_4755, %select_n3A_4762 : vector<16xi32>
    %xor3A_4764 = arith.constant 1 : i32
    %xor3A_4765 = vector.broadcast %xor3A_4764 : i32 to vector<16xi32>
    %xor3A_4766 = arith.xori %iota3A, %xor3A_4765 : vector<16xi32>
    %broadcast_in_dim3A_4767 = vector.shape_cast %xor3A_4766 : vector<16xi32> to vector<16x1xi32>
    %gather3A_4768 = vector.shape_cast %broadcast_in_dim3A_4767 : vector<16x1xi32> to vector<16xi32>
    %gather3A_4769 = tpu.dynamic_gather %min3A_4763[%gather3A_4768] in [0] : vector<16xi32>, vector<16xi32> -> vector<16xi32>
    %min3A_4770 = arith.minsi %min3A_4763, %gather3A_4769 : vector<16xi32>
    %xor3A_4771 = arith.constant 2 : i32
    %xor3A_4772 = vector.broadcast %xor3A_4771 : i32 to vector<16xi32>
    %xor3A_4773 = arith.xori %iota3A, %xor3A_4772 : vector<16xi32>
    %broadcast_in_dim3A_4774 = vector.shape_cast %xor3A_4773 : vector<16xi32> to vector<16x1xi32>
    %gather3A_4775 = vector.shape_cast %broadcast_in_dim3A_4774 : vector<16x1xi32> to vector<16xi32>
    %gather3A_4776 = tpu.dynamic_gather %min3A_4770[%gather3A_4775] in [0] : vector<16xi32>, vector<16xi32> -> vector<16xi32>
    %min3A_4777 = arith.minsi %min3A_4770, %gather3A_4776 : vector<16xi32>
    %xor3A_4778 = arith.constant 4 : i32
    %xor3A_4779 = vector.broadcast %xor3A_4778 : i32 to vector<16xi32>
    %xor3A_4780 = arith.xori %iota3A, %xor3A_4779 : vector<16xi32>
    %broadcast_in_dim3A_4781 = vector.shape_cast %xor3A_4780 : vector<16xi32> to vector<16x1xi32>
    %gather3A_4782 = vector.shape_cast %broadcast_in_dim3A_4781 : vector<16x1xi32> to vector<16xi32>
    %gather3A_4783 = tpu.dynamic_gather %min3A_4777[%gather3A_4782] in [0] : vector<16xi32>, vector<16xi32> -> vector<16xi32>
    %min3A_4784 = arith.minsi %min3A_4777, %gather3A_4783 : vector<16xi32>
    %xor3A_4785 = arith.constant 8 : i32
    %xor3A_4786 = vector.broadcast %xor3A_4785 : i32 to vector<16xi32>
    %xor3A_4787 = arith.xori %iota3A, %xor3A_4786 : vector<16xi32>
    %broadcast_in_dim3A_4788 = vector.shape_cast %xor3A_4787 : vector<16xi32> to vector<16x1xi32>
    %gather3A_4789 = vector.shape_cast %broadcast_in_dim3A_4788 : vector<16x1xi32> to vector<16xi32>
    %gather3A_4790 = tpu.dynamic_gather %min3A_4784[%gather3A_4789] in [0] : vector<16xi32>, vector<16xi32> -> vector<16xi32>
    %min3A_4791 = arith.minsi %min3A_4784, %gather3A_4790 : vector<16xi32>
    %shift_right_logical3A_4792 = arith.constant 4 : i32
    %shift_right_logical3A_4793 = vector.broadcast %shift_right_logical3A_4792 : i32 to vector<16xi32>
    %shift_right_logical3A_4794 = arith.shrui %min3A_4791, %shift_right_logical3A_4793 : vector<16xi32>
    %and3A_4795 = arith.constant 15 : i32
    %and3A_4796 = vector.broadcast %and3A_4795 : i32 to vector<16xi32>
    %and3A_4797 = arith.andi %min3A_4791, %and3A_4796 : vector<16xi32>
    %eq3A_4798 = arith.cmpi eq, %iota3A, %and3A_4797 : vector<16xi32>
    %eq3A_4799 = arith.constant 0 : i32
    %eq3A_4800 = vector.broadcast %eq3A_4799 : i32 to vector<16xi32>
    %eq3A_4801 = arith.cmpi eq, %shift_right_logical3A_4794, %eq3A_4800 : vector<16xi32>
    %and3A_4802 = arith.andi %eq3A_4798, %eq3A_4801 : vector<16xi1>
    %jit3A_4803 = arith.constant -3.000000e+38 : f32
    %broadcast_in_dim3A_4804 = vector.broadcast %jit3A_4803 : f32 to vector<16xf32>
    %select_n3A_4805 = arith.select %and3A_4802, %broadcast_in_dim3A_4804, %select_n3A_4680 : vector<16xi1>, vector<16xf32>
    %eq3A_4806 = arith.cmpi eq, %iota3A, %and3A_4797 : vector<16xi32>
    %eq3A_4807 = arith.constant 1 : i32
    %eq3A_4808 = vector.broadcast %eq3A_4807 : i32 to vector<16xi32>
    %eq3A_4809 = arith.cmpi eq, %shift_right_logical3A_4794, %eq3A_4808 : vector<16xi32>
    %and3A_4810 = arith.andi %eq3A_4806, %eq3A_4809 : vector<16xi1>
    %jit3A_4811 = arith.constant -3.000000e+38 : f32
    %broadcast_in_dim3A_4812 = vector.broadcast %jit3A_4811 : f32 to vector<16xf32>
    %select_n3A_4813 = arith.select %and3A_4810, %broadcast_in_dim3A_4812, %select_n3A_4688 : vector<16xi1>, vector<16xf32>
    %eq3A_4814 = arith.cmpi eq, %iota3A, %and3A_4797 : vector<16xi32>
    %eq3A_4815 = arith.constant 2 : i32
    %eq3A_4816 = vector.broadcast %eq3A_4815 : i32 to vector<16xi32>
    %eq3A_4817 = arith.cmpi eq, %shift_right_logical3A_4794, %eq3A_4816 : vector<16xi32>
    %and3A_4818 = arith.andi %eq3A_4814, %eq3A_4817 : vector<16xi1>
    %jit3A_4819 = arith.constant -3.000000e+38 : f32
    %broadcast_in_dim3A_4820 = vector.broadcast %jit3A_4819 : f32 to vector<16xf32>
    %select_n3A_4821 = arith.select %and3A_4818, %broadcast_in_dim3A_4820, %select_n3A_4696 : vector<16xi1>, vector<16xf32>
    %eq3A_4822 = arith.cmpi eq, %iota3A, %and3A_4797 : vector<16xi32>
    %eq3A_4823 = arith.constant 3 : i32
    %eq3A_4824 = vector.broadcast %eq3A_4823 : i32 to vector<16xi32>
    %eq3A_4825 = arith.cmpi eq, %shift_right_logical3A_4794, %eq3A_4824 : vector<16xi32>
    %and3A_4826 = arith.andi %eq3A_4822, %eq3A_4825 : vector<16xi1>
    %jit3A_4827 = arith.constant -3.000000e+38 : f32
    %broadcast_in_dim3A_4828 = vector.broadcast %jit3A_4827 : f32 to vector<16xf32>
    %select_n3A_4829 = arith.select %and3A_4826, %broadcast_in_dim3A_4828, %select_n3A_4704 : vector<16xi1>, vector<16xf32>
    %sub3A_4830 = arith.subf %max3A_3860, %max3A_3860 : vector<16xf32>
    %exp3A_4831 = math.exp %sub3A_4830 : vector<16xf32>
    %sub3A_4832 = arith.subf %max3A_3985, %max3A_3860 : vector<16xf32>
    %exp3A_4833 = math.exp %sub3A_4832 : vector<16xf32>
    %sub3A_4834 = arith.subf %max3A_4110, %max3A_3860 : vector<16xf32>
    %exp3A_4835 = math.exp %sub3A_4834 : vector<16xf32>
    %sub3A_4836 = arith.subf %max3A_4235, %max3A_3860 : vector<16xf32>
    %exp3A_4837 = math.exp %sub3A_4836 : vector<16xf32>
    %sub3A_4838 = arith.subf %max3A_4360, %max3A_3860 : vector<16xf32>
    %exp3A_4839 = math.exp %sub3A_4838 : vector<16xf32>
    %sub3A_4840 = arith.subf %max3A_4485, %max3A_3860 : vector<16xf32>
    %exp3A_4841 = math.exp %sub3A_4840 : vector<16xf32>
    %sub3A_4842 = arith.subf %max3A_4610, %max3A_3860 : vector<16xf32>
    %exp3A_4843 = math.exp %sub3A_4842 : vector<16xf32>
    %sub3A_4844 = arith.subf %max3A_4735, %max3A_3860 : vector<16xf32>
    %exp3A_4845 = math.exp %sub3A_4844 : vector<16xf32>
    %add3A_4846 = arith.addf %exp3A_4831, %exp3A_4833 : vector<16xf32>
    %add3A_4847 = arith.addf %add3A_4846, %exp3A_4835 : vector<16xf32>
    %add3A_4848 = arith.addf %add3A_4847, %exp3A_4837 : vector<16xf32>
    %add3A_4849 = arith.addf %add3A_4848, %exp3A_4839 : vector<16xf32>
    %add3A_4850 = arith.addf %add3A_4849, %exp3A_4841 : vector<16xf32>
    %add3A_4851 = arith.addf %add3A_4850, %exp3A_4843 : vector<16xf32>
    %add3A_4852 = arith.addf %add3A_4851, %exp3A_4845 : vector<16xf32>
    %div3A_4853 = arith.constant 1.000000e+00 : f32
    %div3A_4854 = vector.broadcast %div3A_4853 : f32 to vector<16xf32>
    %div3A_4855 = arith.divf %div3A_4854, %add3A_4852 : vector<16xf32>
    %broadcast_in_dim3A_4856 = arith.constant 0.000000e+00 : f32
    %broadcast_in_dim3A_4857 = vector.broadcast %broadcast_in_dim3A_4856 : f32 to vector<16xf32>
    %add3A_4858 = arith.constant 0 : i32
    %add3A_4859 = vector.broadcast %add3A_4858 : i32 to vector<16xi32>
    %add3A_4860 = arith.addi %iota3A, %add3A_4859 : vector<16xi32>
    %eq3A_4861 = arith.cmpi eq, %add3A_4860, %min3A_3916 : vector<16xi32>
    %mul3A_4862 = arith.mulf %exp3A_4831, %div3A_4855 : vector<16xf32>
    %jit3A_4863 = arith.constant 0.000000e+00 : f32
    %broadcast_in_dim3A_4864 = vector.broadcast %jit3A_4863 : f32 to vector<16xf32>
    %select_n3A_4865 = arith.select %eq3A_4861, %mul3A_4862, %broadcast_in_dim3A_4864 : vector<16xi1>, vector<16xf32>
    %add3A_4866 = arith.addf %broadcast_in_dim3A_4857, %select_n3A_4865 : vector<16xf32>
    %eq3A_4867 = arith.cmpi eq, %add3A_4860, %min3A_4041 : vector<16xi32>
    %mul3A_4868 = arith.mulf %exp3A_4833, %div3A_4855 : vector<16xf32>
    %jit3A_4869 = arith.constant 0.000000e+00 : f32
    %broadcast_in_dim3A_4870 = vector.broadcast %jit3A_4869 : f32 to vector<16xf32>
    %select_n3A_4871 = arith.select %eq3A_4867, %mul3A_4868, %broadcast_in_dim3A_4870 : vector<16xi1>, vector<16xf32>
    %add3A_4872 = arith.addf %add3A_4866, %select_n3A_4871 : vector<16xf32>
    %eq3A_4873 = arith.cmpi eq, %add3A_4860, %min3A_4166 : vector<16xi32>
    %mul3A_4874 = arith.mulf %exp3A_4835, %div3A_4855 : vector<16xf32>
    %jit3A_4875 = arith.constant 0.000000e+00 : f32
    %broadcast_in_dim3A_4876 = vector.broadcast %jit3A_4875 : f32 to vector<16xf32>
    %select_n3A_4877 = arith.select %eq3A_4873, %mul3A_4874, %broadcast_in_dim3A_4876 : vector<16xi1>, vector<16xf32>
    %add3A_4878 = arith.addf %add3A_4872, %select_n3A_4877 : vector<16xf32>
    %eq3A_4879 = arith.cmpi eq, %add3A_4860, %min3A_4291 : vector<16xi32>
    %mul3A_4880 = arith.mulf %exp3A_4837, %div3A_4855 : vector<16xf32>
    %jit3A_4881 = arith.constant 0.000000e+00 : f32
    %broadcast_in_dim3A_4882 = vector.broadcast %jit3A_4881 : f32 to vector<16xf32>
    %select_n3A_4883 = arith.select %eq3A_4879, %mul3A_4880, %broadcast_in_dim3A_4882 : vector<16xi1>, vector<16xf32>
    %add3A_4884 = arith.addf %add3A_4878, %select_n3A_4883 : vector<16xf32>
    %eq3A_4885 = arith.cmpi eq, %add3A_4860, %min3A_4416 : vector<16xi32>
    %mul3A_4886 = arith.mulf %exp3A_4839, %div3A_4855 : vector<16xf32>
    %jit3A_4887 = arith.constant 0.000000e+00 : f32
    %broadcast_in_dim3A_4888 = vector.broadcast %jit3A_4887 : f32 to vector<16xf32>
    %select_n3A_4889 = arith.select %eq3A_4885, %mul3A_4886, %broadcast_in_dim3A_4888 : vector<16xi1>, vector<16xf32>
    %add3A_4890 = arith.addf %add3A_4884, %select_n3A_4889 : vector<16xf32>
    %eq3A_4891 = arith.cmpi eq, %add3A_4860, %min3A_4541 : vector<16xi32>
    %mul3A_4892 = arith.mulf %exp3A_4841, %div3A_4855 : vector<16xf32>
    %jit3A_4893 = arith.constant 0.000000e+00 : f32
    %broadcast_in_dim3A_4894 = vector.broadcast %jit3A_4893 : f32 to vector<16xf32>
    %select_n3A_4895 = arith.select %eq3A_4891, %mul3A_4892, %broadcast_in_dim3A_4894 : vector<16xi1>, vector<16xf32>
    %add3A_4896 = arith.addf %add3A_4890, %select_n3A_4895 : vector<16xf32>
    %eq3A_4897 = arith.cmpi eq, %add3A_4860, %min3A_4666 : vector<16xi32>
    %mul3A_4898 = arith.mulf %exp3A_4843, %div3A_4855 : vector<16xf32>
    %jit3A_4899 = arith.constant 0.000000e+00 : f32
    %broadcast_in_dim3A_4900 = vector.broadcast %jit3A_4899 : f32 to vector<16xf32>
    %select_n3A_4901 = arith.select %eq3A_4897, %mul3A_4898, %broadcast_in_dim3A_4900 : vector<16xi1>, vector<16xf32>
    %add3A_4902 = arith.addf %add3A_4896, %select_n3A_4901 : vector<16xf32>
    %eq3A_4903 = arith.cmpi eq, %add3A_4860, %min3A_4791 : vector<16xi32>
    %mul3A_4904 = arith.mulf %exp3A_4845, %div3A_4855 : vector<16xf32>
    %jit3A_4905 = arith.constant 0.000000e+00 : f32
    %broadcast_in_dim3A_4906 = vector.broadcast %jit3A_4905 : f32 to vector<16xf32>
    %select_n3A_4907 = arith.select %eq3A_4903, %mul3A_4904, %broadcast_in_dim3A_4906 : vector<16xi1>, vector<16xf32>
    %add3A_4908 = arith.addf %add3A_4902, %select_n3A_4907 : vector<16xf32>
    %swap3A_4909 = arith.constant 192 : index
    %swap3A_4910 = tpu.vector_load %arg5[%swap3A_4909] {strides = array<i32>} : memref<256xf32, #tpu.memory_space<vmem>>, vector<16xf32>,
    %swap3A_4911 = vector.shape_cast %swap3A_4910 : vector<16xf32> to vector<16xf32>
    %swap3A_4912 = vector.shape_cast %add3A_4908 : vector<16xf32> to vector<16xf32>
    tpu.vector_store %arg5[%swap3A_4909], %swap3A_4912 {strides = array<i32>} : memref<256xf32, #tpu.memory_space<vmem>>, vector<16xf32>,
    %broadcast_in_dim3A_4913 = arith.constant 0.000000e+00 : f32
    %broadcast_in_dim3A_4914 = vector.broadcast %broadcast_in_dim3A_4913 : f32 to vector<16xf32>
    %add3A_4915 = arith.constant 16 : i32
    %add3A_4916 = vector.broadcast %add3A_4915 : i32 to vector<16xi32>
    %add3A_4917 = arith.addi %iota3A, %add3A_4916 : vector<16xi32>
    %eq3A_4918 = arith.cmpi eq, %add3A_4917, %min3A_3916 : vector<16xi32>
    %mul3A_4919 = arith.mulf %exp3A_4831, %div3A_4855 : vector<16xf32>
    %jit3A_4920 = arith.constant 0.000000e+00 : f32
    %broadcast_in_dim3A_4921 = vector.broadcast %jit3A_4920 : f32 to vector<16xf32>
    %select_n3A_4922 = arith.select %eq3A_4918, %mul3A_4919, %broadcast_in_dim3A_4921 : vector<16xi1>, vector<16xf32>
    %add3A_4923 = arith.addf %broadcast_in_dim3A_4914, %select_n3A_4922 : vector<16xf32>
    %eq3A_4924 = arith.cmpi eq, %add3A_4917, %min3A_4041 : vector<16xi32>
    %mul3A_4925 = arith.mulf %exp3A_4833, %div3A_4855 : vector<16xf32>
    %jit3A_4926 = arith.constant 0.000000e+00 : f32
    %broadcast_in_dim3A_4927 = vector.broadcast %jit3A_4926 : f32 to vector<16xf32>
    %select_n3A_4928 = arith.select %eq3A_4924, %mul3A_4925, %broadcast_in_dim3A_4927 : vector<16xi1>, vector<16xf32>
    %add3A_4929 = arith.addf %add3A_4923, %select_n3A_4928 : vector<16xf32>
    %eq3A_4930 = arith.cmpi eq, %add3A_4917, %min3A_4166 : vector<16xi32>
    %mul3A_4931 = arith.mulf %exp3A_4835, %div3A_4855 : vector<16xf32>
    %jit3A_4932 = arith.constant 0.000000e+00 : f32
    %broadcast_in_dim3A_4933 = vector.broadcast %jit3A_4932 : f32 to vector<16xf32>
    %select_n3A_4934 = arith.select %eq3A_4930, %mul3A_4931, %broadcast_in_dim3A_4933 : vector<16xi1>, vector<16xf32>
    %add3A_4935 = arith.addf %add3A_4929, %select_n3A_4934 : vector<16xf32>
    %eq3A_4936 = arith.cmpi eq, %add3A_4917, %min3A_4291 : vector<16xi32>
    %mul3A_4937 = arith.mulf %exp3A_4837, %div3A_4855 : vector<16xf32>
    %jit3A_4938 = arith.constant 0.000000e+00 : f32
    %broadcast_in_dim3A_4939 = vector.broadcast %jit3A_4938 : f32 to vector<16xf32>
    %select_n3A_4940 = arith.select %eq3A_4936, %mul3A_4937, %broadcast_in_dim3A_4939 : vector<16xi1>, vector<16xf32>
    %add3A_4941 = arith.addf %add3A_4935, %select_n3A_4940 : vector<16xf32>
    %eq3A_4942 = arith.cmpi eq, %add3A_4917, %min3A_4416 : vector<16xi32>
    %mul3A_4943 = arith.mulf %exp3A_4839, %div3A_4855 : vector<16xf32>
    %jit3A_4944 = arith.constant 0.000000e+00 : f32
    %broadcast_in_dim3A_4945 = vector.broadcast %jit3A_4944 : f32 to vector<16xf32>
    %select_n3A_4946 = arith.select %eq3A_4942, %mul3A_4943, %broadcast_in_dim3A_4945 : vector<16xi1>, vector<16xf32>
    %add3A_4947 = arith.addf %add3A_4941, %select_n3A_4946 : vector<16xf32>
    %eq3A_4948 = arith.cmpi eq, %add3A_4917, %min3A_4541 : vector<16xi32>
    %mul3A_4949 = arith.mulf %exp3A_4841, %div3A_4855 : vector<16xf32>
    %jit3A_4950 = arith.constant 0.000000e+00 : f32
    %broadcast_in_dim3A_4951 = vector.broadcast %jit3A_4950 : f32 to vector<16xf32>
    %select_n3A_4952 = arith.select %eq3A_4948, %mul3A_4949, %broadcast_in_dim3A_4951 : vector<16xi1>, vector<16xf32>
    %add3A_4953 = arith.addf %add3A_4947, %select_n3A_4952 : vector<16xf32>
    %eq3A_4954 = arith.cmpi eq, %add3A_4917, %min3A_4666 : vector<16xi32>
    %mul3A_4955 = arith.mulf %exp3A_4843, %div3A_4855 : vector<16xf32>
    %jit3A_4956 = arith.constant 0.000000e+00 : f32
    %broadcast_in_dim3A_4957 = vector.broadcast %jit3A_4956 : f32 to vector<16xf32>
    %select_n3A_4958 = arith.select %eq3A_4954, %mul3A_4955, %broadcast_in_dim3A_4957 : vector<16xi1>, vector<16xf32>
    %add3A_4959 = arith.addf %add3A_4953, %select_n3A_4958 : vector<16xf32>
    %eq3A_4960 = arith.cmpi eq, %add3A_4917, %min3A_4791 : vector<16xi32>
    %mul3A_4961 = arith.mulf %exp3A_4845, %div3A_4855 : vector<16xf32>
    %jit3A_4962 = arith.constant 0.000000e+00 : f32
    %broadcast_in_dim3A_4963 = vector.broadcast %jit3A_4962 : f32 to vector<16xf32>
    %select_n3A_4964 = arith.select %eq3A_4960, %mul3A_4961, %broadcast_in_dim3A_4963 : vector<16xi1>, vector<16xf32>
    %add3A_4965 = arith.addf %add3A_4959, %select_n3A_4964 : vector<16xf32>
    %swap3A_4966 = arith.constant 208 : index
    %swap3A_4967 = tpu.vector_load %arg5[%swap3A_4966] {strides = array<i32>} : memref<256xf32, #tpu.memory_space<vmem>>, vector<16xf32>,
    %swap3A_4968 = vector.shape_cast %swap3A_4967 : vector<16xf32> to vector<16xf32>
    %swap3A_4969 = vector.shape_cast %add3A_4965 : vector<16xf32> to vector<16xf32>
    tpu.vector_store %arg5[%swap3A_4966], %swap3A_4969 {strides = array<i32>} : memref<256xf32, #tpu.memory_space<vmem>>, vector<16xf32>,
    %broadcast_in_dim3A_4970 = arith.constant 0.000000e+00 : f32
    %broadcast_in_dim3A_4971 = vector.broadcast %broadcast_in_dim3A_4970 : f32 to vector<16xf32>
    %add3A_4972 = arith.constant 32 : i32
    %add3A_4973 = vector.broadcast %add3A_4972 : i32 to vector<16xi32>
    %add3A_4974 = arith.addi %iota3A, %add3A_4973 : vector<16xi32>
    %eq3A_4975 = arith.cmpi eq, %add3A_4974, %min3A_3916 : vector<16xi32>
    %mul3A_4976 = arith.mulf %exp3A_4831, %div3A_4855 : vector<16xf32>
    %jit3A_4977 = arith.constant 0.000000e+00 : f32
    %broadcast_in_dim3A_4978 = vector.broadcast %jit3A_4977 : f32 to vector<16xf32>
    %select_n3A_4979 = arith.select %eq3A_4975, %mul3A_4976, %broadcast_in_dim3A_4978 : vector<16xi1>, vector<16xf32>
    %add3A_4980 = arith.addf %broadcast_in_dim3A_4971, %select_n3A_4979 : vector<16xf32>
    %eq3A_4981 = arith.cmpi eq, %add3A_4974, %min3A_4041 : vector<16xi32>
    %mul3A_4982 = arith.mulf %exp3A_4833, %div3A_4855 : vector<16xf32>
    %jit3A_4983 = arith.constant 0.000000e+00 : f32
    %broadcast_in_dim3A_4984 = vector.broadcast %jit3A_4983 : f32 to vector<16xf32>
    %select_n3A_4985 = arith.select %eq3A_4981, %mul3A_4982, %broadcast_in_dim3A_4984 : vector<16xi1>, vector<16xf32>
    %add3A_4986 = arith.addf %add3A_4980, %select_n3A_4985 : vector<16xf32>
    %eq3A_4987 = arith.cmpi eq, %add3A_4974, %min3A_4166 : vector<16xi32>
    %mul3A_4988 = arith.mulf %exp3A_4835, %div3A_4855 : vector<16xf32>
    %jit3A_4989 = arith.constant 0.000000e+00 : f32
    %broadcast_in_dim3A_4990 = vector.broadcast %jit3A_4989 : f32 to vector<16xf32>
    %select_n3A_4991 = arith.select %eq3A_4987, %mul3A_4988, %broadcast_in_dim3A_4990 : vector<16xi1>, vector<16xf32>
    %add3A_4992 = arith.addf %add3A_4986, %select_n3A_4991 : vector<16xf32>
    %eq3A_4993 = arith.cmpi eq, %add3A_4974, %min3A_4291 : vector<16xi32>
    %mul3A_4994 = arith.mulf %exp3A_4837, %div3A_4855 : vector<16xf32>
    %jit3A_4995 = arith.constant 0.000000e+00 : f32
    %broadcast_in_dim3A_4996 = vector.broadcast %jit3A_4995 : f32 to vector<16xf32>
    %select_n3A_4997 = arith.select %eq3A_4993, %mul3A_4994, %broadcast_in_dim3A_4996 : vector<16xi1>, vector<16xf32>
    %add3A_4998 = arith.addf %add3A_4992, %select_n3A_4997 : vector<16xf32>
    %eq3A_4999 = arith.cmpi eq, %add3A_4974, %min3A_4416 : vector<16xi32>
    %mul3A_5000 = arith.mulf %exp3A_4839, %div3A_4855 : vector<16xf32>
    %jit3A_5001 = arith.constant 0.000000e+00 : f32
    %broadcast_in_dim3A_5002 = vector.broadcast %jit3A_5001 : f32 to vector<16xf32>
    %select_n3A_5003 = arith.select %eq3A_4999, %mul3A_5000, %broadcast_in_dim3A_5002 : vector<16xi1>, vector<16xf32>
    %add3A_5004 = arith.addf %add3A_4998, %select_n3A_5003 : vector<16xf32>
    %eq3A_5005 = arith.cmpi eq, %add3A_4974, %min3A_4541 : vector<16xi32>
    %mul3A_5006 = arith.mulf %exp3A_4841, %div3A_4855 : vector<16xf32>
    %jit3A_5007 = arith.constant 0.000000e+00 : f32
    %broadcast_in_dim3A_5008 = vector.broadcast %jit3A_5007 : f32 to vector<16xf32>
    %select_n3A_5009 = arith.select %eq3A_5005, %mul3A_5006, %broadcast_in_dim3A_5008 : vector<16xi1>, vector<16xf32>
    %add3A_5010 = arith.addf %add3A_5004, %select_n3A_5009 : vector<16xf32>
    %eq3A_5011 = arith.cmpi eq, %add3A_4974, %min3A_4666 : vector<16xi32>
    %mul3A_5012 = arith.mulf %exp3A_4843, %div3A_4855 : vector<16xf32>
    %jit3A_5013 = arith.constant 0.000000e+00 : f32
    %broadcast_in_dim3A_5014 = vector.broadcast %jit3A_5013 : f32 to vector<16xf32>
    %select_n3A_5015 = arith.select %eq3A_5011, %mul3A_5012, %broadcast_in_dim3A_5014 : vector<16xi1>, vector<16xf32>
    %add3A_5016 = arith.addf %add3A_5010, %select_n3A_5015 : vector<16xf32>
    %eq3A_5017 = arith.cmpi eq, %add3A_4974, %min3A_4791 : vector<16xi32>
    %mul3A_5018 = arith.mulf %exp3A_4845, %div3A_4855 : vector<16xf32>
    %jit3A_5019 = arith.constant 0.000000e+00 : f32
    %broadcast_in_dim3A_5020 = vector.broadcast %jit3A_5019 : f32 to vector<16xf32>
    %select_n3A_5021 = arith.select %eq3A_5017, %mul3A_5018, %broadcast_in_dim3A_5020 : vector<16xi1>, vector<16xf32>
    %add3A_5022 = arith.addf %add3A_5016, %select_n3A_5021 : vector<16xf32>
    %swap3A_5023 = arith.constant 224 : index
    %swap3A_5024 = tpu.vector_load %arg5[%swap3A_5023] {strides = array<i32>} : memref<256xf32, #tpu.memory_space<vmem>>, vector<16xf32>,
    %swap3A_5025 = vector.shape_cast %swap3A_5024 : vector<16xf32> to vector<16xf32>
    %swap3A_5026 = vector.shape_cast %add3A_5022 : vector<16xf32> to vector<16xf32>
    tpu.vector_store %arg5[%swap3A_5023], %swap3A_5026 {strides = array<i32>} : memref<256xf32, #tpu.memory_space<vmem>>, vector<16xf32>,
    %broadcast_in_dim3A_5027 = arith.constant 0.000000e+00 : f32
    %broadcast_in_dim3A_5028 = vector.broadcast %broadcast_in_dim3A_5027 : f32 to vector<16xf32>
    %add3A_5029 = arith.constant 48 : i32
    %add3A_5030 = vector.broadcast %add3A_5029 : i32 to vector<16xi32>
    %add3A_5031 = arith.addi %iota3A, %add3A_5030 : vector<16xi32>
    %eq3A_5032 = arith.cmpi eq, %add3A_5031, %min3A_3916 : vector<16xi32>
    %mul3A_5033 = arith.mulf %exp3A_4831, %div3A_4855 : vector<16xf32>
    %jit3A_5034 = arith.constant 0.000000e+00 : f32
    %broadcast_in_dim3A_5035 = vector.broadcast %jit3A_5034 : f32 to vector<16xf32>
    %select_n3A_5036 = arith.select %eq3A_5032, %mul3A_5033, %broadcast_in_dim3A_5035 : vector<16xi1>, vector<16xf32>
    %add3A_5037 = arith.addf %broadcast_in_dim3A_5028, %select_n3A_5036 : vector<16xf32>
    %eq3A_5038 = arith.cmpi eq, %add3A_5031, %min3A_4041 : vector<16xi32>
    %mul3A_5039 = arith.mulf %exp3A_4833, %div3A_4855 : vector<16xf32>
    %jit3A_5040 = arith.constant 0.000000e+00 : f32
    %broadcast_in_dim3A_5041 = vector.broadcast %jit3A_5040 : f32 to vector<16xf32>
    %select_n3A_5042 = arith.select %eq3A_5038, %mul3A_5039, %broadcast_in_dim3A_5041 : vector<16xi1>, vector<16xf32>
    %add3A_5043 = arith.addf %add3A_5037, %select_n3A_5042 : vector<16xf32>
    %eq3A_5044 = arith.cmpi eq, %add3A_5031, %min3A_4166 : vector<16xi32>
    %mul3A_5045 = arith.mulf %exp3A_4835, %div3A_4855 : vector<16xf32>
    %jit3A_5046 = arith.constant 0.000000e+00 : f32
    %broadcast_in_dim3A_5047 = vector.broadcast %jit3A_5046 : f32 to vector<16xf32>
    %select_n3A_5048 = arith.select %eq3A_5044, %mul3A_5045, %broadcast_in_dim3A_5047 : vector<16xi1>, vector<16xf32>
    %add3A_5049 = arith.addf %add3A_5043, %select_n3A_5048 : vector<16xf32>
    %eq3A_5050 = arith.cmpi eq, %add3A_5031, %min3A_4291 : vector<16xi32>
    %mul3A_5051 = arith.mulf %exp3A_4837, %div3A_4855 : vector<16xf32>
    %jit3A_5052 = arith.constant 0.000000e+00 : f32
    %broadcast_in_dim3A_5053 = vector.broadcast %jit3A_5052 : f32 to vector<16xf32>
    %select_n3A_5054 = arith.select %eq3A_5050, %mul3A_5051, %broadcast_in_dim3A_5053 : vector<16xi1>, vector<16xf32>
    %add3A_5055 = arith.addf %add3A_5049, %select_n3A_5054 : vector<16xf32>
    %eq3A_5056 = arith.cmpi eq, %add3A_5031, %min3A_4416 : vector<16xi32>
    %mul3A_5057 = arith.mulf %exp3A_4839, %div3A_4855 : vector<16xf32>
    %jit3A_5058 = arith.constant 0.000000e+00 : f32
    %broadcast_in_dim3A_5059 = vector.broadcast %jit3A_5058 : f32 to vector<16xf32>
    %select_n3A_5060 = arith.select %eq3A_5056, %mul3A_5057, %broadcast_in_dim3A_5059 : vector<16xi1>, vector<16xf32>
    %add3A_5061 = arith.addf %add3A_5055, %select_n3A_5060 : vector<16xf32>
    %eq3A_5062 = arith.cmpi eq, %add3A_5031, %min3A_4541 : vector<16xi32>
    %mul3A_5063 = arith.mulf %exp3A_4841, %div3A_4855 : vector<16xf32>
    %jit3A_5064 = arith.constant 0.000000e+00 : f32
    %broadcast_in_dim3A_5065 = vector.broadcast %jit3A_5064 : f32 to vector<16xf32>
    %select_n3A_5066 = arith.select %eq3A_5062, %mul3A_5063, %broadcast_in_dim3A_5065 : vector<16xi1>, vector<16xf32>
    %add3A_5067 = arith.addf %add3A_5061, %select_n3A_5066 : vector<16xf32>
    %eq3A_5068 = arith.cmpi eq, %add3A_5031, %min3A_4666 : vector<16xi32>
    %mul3A_5069 = arith.mulf %exp3A_4843, %div3A_4855 : vector<16xf32>
    %jit3A_5070 = arith.constant 0.000000e+00 : f32
    %broadcast_in_dim3A_5071 = vector.broadcast %jit3A_5070 : f32 to vector<16xf32>
    %select_n3A_5072 = arith.select %eq3A_5068, %mul3A_5069, %broadcast_in_dim3A_5071 : vector<16xi1>, vector<16xf32>
    %add3A_5073 = arith.addf %add3A_5067, %select_n3A_5072 : vector<16xf32>
    %eq3A_5074 = arith.cmpi eq, %add3A_5031, %min3A_4791 : vector<16xi32>
    %mul3A_5075 = arith.mulf %exp3A_4845, %div3A_4855 : vector<16xf32>
    %jit3A_5076 = arith.constant 0.000000e+00 : f32
    %broadcast_in_dim3A_5077 = vector.broadcast %jit3A_5076 : f32 to vector<16xf32>
    %select_n3A_5078 = arith.select %eq3A_5074, %mul3A_5075, %broadcast_in_dim3A_5077 : vector<16xi1>, vector<16xf32>
    %add3A_5079 = arith.addf %add3A_5073, %select_n3A_5078 : vector<16xf32>
    %swap3A_5080 = arith.constant 240 : index
    %swap3A_5081 = tpu.vector_load %arg5[%swap3A_5080] {strides = array<i32>} : memref<256xf32, #tpu.memory_space<vmem>>, vector<16xf32>,
    %swap3A_5082 = vector.shape_cast %swap3A_5081 : vector<16xf32> to vector<16xf32>
    %swap3A_5083 = vector.shape_cast %add3A_5079 : vector<16xf32> to vector<16xf32>
    tpu.vector_store %arg5[%swap3A_5080], %swap3A_5083 {strides = array<i32>} : memref<256xf32, #tpu.memory_space<vmem>>, vector<16xf32>,
    %mul3A_5084 = arith.constant 64 : i32
    %mul3A_5085 = arith.muli %mul3A_2, %mul3A_5084 : i32
    "tpu.region"() ({
      %run_scoped3A = tpu.sem_alloc : memref<!tpu.dma_semaphore, #tpu.memory_space<semaphore_mem>>
      %dma_start3A = tpu.memref_slice %arg3[%mul3A_5085] : memref<8192xf32, #tpu.memory_space<hbm>> -> memref<256xf32, #tpu.memory_space<hbm>>
      %dma_start3A_5086 = tpu.memref_slice %arg3[%mul3A_5085] : memref<8192xf32, #tpu.memory_space<hbm>> -> memref<256xf32, #tpu.memory_space<hbm>>
      tpu.enqueue_dma source(%arg5 : memref<256xf32, #tpu.memory_space<vmem>>) target(%dma_start3A_5086 : memref<256xf32, #tpu.memory_space<hbm>>) target_semaphore(%run_scoped3A : memref<!tpu.dma_semaphore, #tpu.memory_space<semaphore_mem>>)
      %dma_wait3A = tpu.memref_slice %arg3[%mul3A_5085] : memref<8192xf32, #tpu.memory_space<hbm>> -> memref<256xf32, #tpu.memory_space<hbm>>
      %dma_wait3A_5087 = tpu.memref_slice %arg3[%mul3A_5085] : memref<8192xf32, #tpu.memory_space<hbm>> -> memref<256xf32, #tpu.memory_space<hbm>>
      tpu.wait_dma2 semaphore(%run_scoped3A : memref<!tpu.dma_semaphore, #tpu.memory_space<semaphore_mem>>) src(%arg5 : memref<256xf32, #tpu.memory_space<vmem>>) dst(%dma_wait3A_5087 : memref<256xf32, #tpu.memory_space<hbm>>)
      tpu.yield
    }) : () -> ()
    return
  }
}

module attributes {stable_mosaic.version = 14 : i64} {
  func.func @_pre_body(%arg0: i32, %arg1: memref<1024x128xf32, #tpu.memory_space<vmem>>, %arg2: memref<1x512x1024xf32, #tpu.memory_space<vmem>>, %arg3: memref<1x512x1024xf32, #tpu.memory_space<vmem>>, %arg4: memref<1x1024x512xf32, #tpu.memory_space<vmem>>, %arg5: memref<1x1024x128xbf16, #tpu.memory_space<vmem>>) attributes {dimension_semantics = [#tpu.dimension_semantics<arbitrary>], iteration_bounds = array<i64: 8>, scalar_prefetch = 0 : i64, scratch_operands = 0 : i64, tpu.core_type = #tpu.core_type<tc>, window_params = [{pipeline_mode = #tpu.pipeline_mode<synchronous>, transform_indices = @transform_0, window_bounds = array<i64: 1024, 128>}, {transform_indices = @transform_1, window_bounds = array<i64: 1, 512, 1024>}, {transform_indices = @transform_2, window_bounds = array<i64: 1, 512, 1024>}, {transform_indices = @transform_3, window_bounds = array<i64: 1, 1024, 512>}, {transform_indices = @transform_4, window_bounds = array<i64: 1, 1024, 128>}]} {
    %get3A = arith.constant 0 : index
    %get3A_0 = arith.constant 0 : index
    %get3A_1 = vector.load %arg1[%get3A, %get3A_0] : memref<1024x128xf32, #tpu.memory_space<vmem>>, vector<1024x128xf32>
    %get3A_2 = arith.constant 0 : index
    %get3A_3 = arith.constant 0 : index
    %get3A_4 = arith.constant 0 : index
    %get3A_5 = vector.load %arg2[%get3A_2, %get3A_3, %get3A_4] : memref<1x512x1024xf32, #tpu.memory_space<vmem>>, vector<1x512x1024xf32>
    %get3A_6 = vector.shape_cast %get3A_5 : vector<1x512x1024xf32> to vector<512x1024xf32>
    %dot_general3A = arith.constant dense<0.000000e+00> : vector<512x128xf32>
    %dot_general3A_7 = tpu.matmul %get3A_6, %get3A_1, %dot_general3A {dimension_numbers = #tpu.dot_dimension_numbers<[1], [0], [0], [1], [0, 0, 1, 1], [], []>, transpose_lhs_hint = false} : vector<512x1024xf32>, vector<1024x128xf32>, vector<512x128xf32> -> vector<512x128xf32>
    %get3A_8 = arith.constant 0 : index
    %get3A_9 = arith.constant 0 : index
    %get3A_10 = arith.constant 0 : index
    %get3A_11 = vector.load %arg3[%get3A_8, %get3A_9, %get3A_10] : memref<1x512x1024xf32, #tpu.memory_space<vmem>>, vector<1x512x1024xf32>
    %get3A_12 = vector.shape_cast %get3A_11 : vector<1x512x1024xf32> to vector<512x1024xf32>
    %dot_general3A_13 = arith.constant dense<0.000000e+00> : vector<512x128xf32>
    %dot_general3A_14 = tpu.matmul %get3A_12, %get3A_1, %dot_general3A_13 {dimension_numbers = #tpu.dot_dimension_numbers<[1], [0], [0], [1], [0, 0, 1, 1], [], []>, transpose_lhs_hint = false} : vector<512x1024xf32>, vector<1024x128xf32>, vector<512x128xf32> -> vector<512x128xf32>
    %logistic3A = arith.negf %dot_general3A_7 : vector<512x128xf32>
    %logistic3A_15 = math.exp %logistic3A : vector<512x128xf32>
    %logistic3A_16 = arith.constant 1.000000e+00 : f32
    %logistic3A_17 = vector.broadcast %logistic3A_16 : f32 to vector<512x128xf32>
    %logistic3A_18 = arith.addf %logistic3A_17, %logistic3A_15 : vector<512x128xf32>
    %logistic3A_19 = arith.divf %logistic3A_17, %logistic3A_18 : vector<512x128xf32>
    %mul3A = arith.mulf %dot_general3A_7, %logistic3A_19 : vector<512x128xf32>
    %mul3A_20 = arith.mulf %mul3A, %dot_general3A_14 : vector<512x128xf32>
    %get3A_21 = arith.constant 0 : index
    %get3A_22 = arith.constant 0 : index
    %get3A_23 = arith.constant 0 : index
    %get3A_24 = vector.load %arg4[%get3A_21, %get3A_22, %get3A_23] : memref<1x1024x512xf32, #tpu.memory_space<vmem>>, vector<1x1024x512xf32>
    %get3A_25 = vector.shape_cast %get3A_24 : vector<1x1024x512xf32> to vector<1024x512xf32>
    %dot_general3A_26 = arith.constant dense<0.000000e+00> : vector<1024x128xf32>
    %dot_general3A_27 = tpu.matmul %get3A_25, %mul3A_20, %dot_general3A_26 {dimension_numbers = #tpu.dot_dimension_numbers<[1], [0], [0], [1], [0, 0, 1, 1], [], []>, transpose_lhs_hint = false} : vector<1024x512xf32>, vector<512x128xf32>, vector<1024x128xf32> -> vector<1024x128xf32>
    %convert_element_type3A = arith.truncf %dot_general3A_27 : vector<1024x128xf32> to vector<1024x128xbf16>
    %swap3A = arith.constant 0 : index
    %swap3A_28 = arith.constant 0 : index
    %swap3A_29 = arith.constant 0 : index
    %swap3A_30 = vector.load %arg5[%swap3A, %swap3A_28, %swap3A_29] : memref<1x1024x128xbf16, #tpu.memory_space<vmem>>, vector<1x1024x128xbf16>
    %swap3A_31 = vector.shape_cast %swap3A_30 : vector<1x1024x128xbf16> to vector<1024x128xbf16>
    %swap3A_32 = vector.shape_cast %convert_element_type3A : vector<1024x128xbf16> to vector<1x1024x128xbf16>
    tpu.vector_store %arg5[%swap3A, %swap3A_28, %swap3A_29], %swap3A_32 {strides = array<i32>} : memref<1x1024x128xbf16, #tpu.memory_space<vmem>>, vector<1x1024x128xbf16>,
    return
  }
  func.func @transform_0(%arg0: i32) -> (i32, i32) {
    %c0_i32 = arith.constant 0 : i32
    %c0_i32_0 = arith.constant 0 : i32
    %c0_i32_1 = arith.constant 0 : i32
    return %c0_i32, %c0_i32_0 : i32, i32
  }
  func.func @transform_1(%arg0: i32) -> (i32, i32, i32) {
    %c0_i32 = arith.constant 0 : i32
    %c0_i32_0 = arith.constant 0 : i32
    %c0_i32_1 = arith.constant 0 : i32
    return %arg0, %c0_i32, %c0_i32_0 : i32, i32, i32
  }
  func.func @transform_2(%arg0: i32) -> (i32, i32, i32) {
    %c0_i32 = arith.constant 0 : i32
    %c0_i32_0 = arith.constant 0 : i32
    %c0_i32_1 = arith.constant 0 : i32
    return %arg0, %c0_i32, %c0_i32_0 : i32, i32, i32
  }
  func.func @transform_3(%arg0: i32) -> (i32, i32, i32) {
    %c0_i32 = arith.constant 0 : i32
    %c0_i32_0 = arith.constant 0 : i32
    %c0_i32_1 = arith.constant 0 : i32
    return %arg0, %c0_i32, %c0_i32_0 : i32, i32, i32
  }
  func.func @transform_4(%arg0: i32) -> (i32, i32, i32) {
    %c0_i32 = arith.constant 0 : i32
    %c0_i32_0 = arith.constant 0 : i32
    %c0_i32_1 = arith.constant 0 : i32
    return %arg0, %c0_i32, %c0_i32_0 : i32, i32, i32
  }
}

module attributes {stable_mosaic.version = 14 : i64} {
  func.func @_moe_body(%arg0: i32, %arg1: memref<128x64xf32, #tpu.memory_space<vmem>>, %arg2: memref<1024x128xf32, #tpu.memory_space<vmem>>, %arg3: memref<1x1024x128xbf16, #tpu.memory_space<vmem>>, %arg4: memref<1x512x1024xf32, #tpu.memory_space<vmem>>, %arg5: memref<1x512x1024xf32, #tpu.memory_space<vmem>>, %arg6: memref<1x1024x512xf32, #tpu.memory_space<vmem>>, %arg7: memref<1024x128xf32, #tpu.memory_space<vmem>>, %arg8: memref<64x128xf32, #tpu.memory_space<vmem>>) attributes {dimension_semantics = [#tpu.dimension_semantics<arbitrary>], iteration_bounds = array<i64: 64>, scalar_prefetch = 0 : i64, scratch_operands = 1 : i64, tpu.core_type = #tpu.core_type<tc>, window_params = [{pipeline_mode = #tpu.pipeline_mode<synchronous>, transform_indices = @transform_0, window_bounds = array<i64: 128, 64>}, {pipeline_mode = #tpu.pipeline_mode<synchronous>, transform_indices = @transform_1, window_bounds = array<i64: 1024, 128>}, {transform_indices = @transform_2, window_bounds = array<i64: 1, 1024, 128>}, {transform_indices = @transform_3, window_bounds = array<i64: 1, 512, 1024>}, {transform_indices = @transform_4, window_bounds = array<i64: 1, 512, 1024>}, {transform_indices = @transform_5, window_bounds = array<i64: 1, 1024, 512>}, {pipeline_mode = #tpu.pipeline_mode<synchronous>, transform_indices = @transform_6, window_bounds = array<i64: 1024, 128>}]} {
    %eq3A = arith.constant 0 : i32
    %eq3A_0 = arith.cmpi eq, %arg0, %eq3A : i32
    %convert_element_type3A = arith.extui %eq3A_0 : i1 to i32
    %cond3A = arith.constant 0 : i32
    %cond3A_1 = arith.cmpi ne, %convert_element_type3A, %cond3A : i32
    scf.if %cond3A_1 {
      %get3A = arith.constant 0 : index
      %get3A_10 = arith.constant 0 : index
      %get3A_11 = vector.load %arg1[%get3A, %get3A_10] : memref<128x64xf32, #tpu.memory_space<vmem>>, vector<128x64xf32>
      %transpose3A = tpu.transpose %get3A_11, [1, 0] : vector<128x64xf32> -> vector<64x128xf32>
      %swap3A = arith.constant 0 : index
      %swap3A_12 = arith.constant 0 : index
      %swap3A_13 = vector.load %arg8[%swap3A, %swap3A_12] : memref<64x128xf32, #tpu.memory_space<vmem>>, vector<64x128xf32>
      tpu.vector_store %arg8[%swap3A, %swap3A_12], %transpose3A {strides = array<i32>} : memref<64x128xf32, #tpu.memory_space<vmem>>, vector<64x128xf32>,
    } else {
    }
    %lt3A = arith.constant 8 : i32
    %lt3A_2 = arith.cmpi slt, %arg0, %lt3A : i32
    %convert_element_type3A_3 = arith.extui %lt3A_2 : i1 to i32
    %cond3A_4 = arith.constant 0 : i32
    %cond3A_5 = arith.cmpi ne, %convert_element_type3A_3, %cond3A_4 : i32
    scf.if %cond3A_5 {
      %get3A = arith.constant 0 : index
      %get3A_10 = arith.constant 0 : index
      %get3A_11 = arith.constant 0 : index
      %get3A_12 = vector.load %arg3[%get3A, %get3A_10, %get3A_11] : memref<1x1024x128xbf16, #tpu.memory_space<vmem>>, vector<1x1024x128xbf16>
      %get3A_13 = vector.shape_cast %get3A_12 : vector<1x1024x128xbf16> to vector<1024x128xbf16>
      %convert_element_type3A_14 = arith.extf %get3A_13 : vector<1024x128xbf16> to vector<1024x128xf32>
      %get3A_15 = arith.index_cast %arg0 : i32 to index
      %get3A_16 = arith.constant 0 : index
      %get3A_17 = vector.load %arg8[%get3A_15, %get3A_16] : memref<64x128xf32, #tpu.memory_space<vmem>>, vector<1x128xf32>
      %eq3A_18 = arith.constant 0 : i32
      %eq3A_19 = arith.cmpi eq, %arg0, %eq3A_18 : i32
      %convert_element_type3A_20 = arith.extui %eq3A_19 : i1 to i32
      %cond3A_21 = arith.constant 0 : i32
      %cond3A_22 = arith.cmpi ne, %convert_element_type3A_20, %cond3A_21 : i32
      scf.if %cond3A_22 {
        %mul3A = vector.broadcast %get3A_17 : vector<1x128xf32> to vector<1024x128xf32>
        %mul3A_27 = arith.mulf %convert_element_type3A_14, %mul3A : vector<1024x128xf32>
        %swap3A = arith.constant 0 : index
        %swap3A_28 = arith.constant 0 : index
        %swap3A_29 = vector.load %arg7[%swap3A, %swap3A_28] : memref<1024x128xf32, #tpu.memory_space<vmem>>, vector<1024x128xf32>
        tpu.vector_store %arg7[%swap3A, %swap3A_28], %mul3A_27 {strides = array<i32>} : memref<1024x128xf32, #tpu.memory_space<vmem>>, vector<1024x128xf32>,
      } else {
      }
      %gt3A = arith.constant 0 : i32
      %gt3A_23 = arith.cmpi sgt, %arg0, %gt3A : i32
      %convert_element_type3A_24 = arith.extui %gt3A_23 : i1 to i32
      %cond3A_25 = arith.constant 0 : i32
      %cond3A_26 = arith.cmpi ne, %convert_element_type3A_24, %cond3A_25 : i32
      scf.if %cond3A_26 {
        %get3A_27 = arith.constant 0 : index
        %get3A_28 = arith.constant 0 : index
        %get3A_29 = vector.load %arg7[%get3A_27, %get3A_28] : memref<1024x128xf32, #tpu.memory_space<vmem>>, vector<1024x128xf32>
        %mul3A = vector.broadcast %get3A_17 : vector<1x128xf32> to vector<1024x128xf32>
        %mul3A_30 = arith.mulf %convert_element_type3A_14, %mul3A : vector<1024x128xf32>
        %add3A = arith.addf %get3A_29, %mul3A_30 : vector<1024x128xf32>
        %swap3A = arith.constant 0 : index
        %swap3A_31 = arith.constant 0 : index
        %swap3A_32 = vector.load %arg7[%swap3A, %swap3A_31] : memref<1024x128xf32, #tpu.memory_space<vmem>>, vector<1024x128xf32>
        tpu.vector_store %arg7[%swap3A, %swap3A_31], %add3A {strides = array<i32>} : memref<1024x128xf32, #tpu.memory_space<vmem>>, vector<1024x128xf32>,
      } else {
      }
    } else {
    }
    %ge3A = arith.constant 8 : i32
    %ge3A_6 = arith.cmpi sge, %arg0, %ge3A : i32
    %convert_element_type3A_7 = arith.extui %ge3A_6 : i1 to i32
    %cond3A_8 = arith.constant 0 : i32
    %cond3A_9 = arith.cmpi ne, %convert_element_type3A_7, %cond3A_8 : i32
    scf.if %cond3A_9 {
      %get3A = arith.constant 0 : index
      %get3A_10 = arith.constant 0 : index
      %get3A_11 = vector.load %arg2[%get3A, %get3A_10] : memref<1024x128xf32, #tpu.memory_space<vmem>>, vector<1024x128xf32>
      %get3A_12 = arith.constant 0 : index
      %get3A_13 = arith.constant 0 : index
      %get3A_14 = arith.constant 0 : index
      %get3A_15 = vector.load %arg4[%get3A_12, %get3A_13, %get3A_14] : memref<1x512x1024xf32, #tpu.memory_space<vmem>>, vector<1x512x1024xf32>
      %get3A_16 = vector.shape_cast %get3A_15 : vector<1x512x1024xf32> to vector<512x1024xf32>
      %dot_general3A = arith.constant dense<0.000000e+00> : vector<512x128xf32>
      %dot_general3A_17 = tpu.matmul %get3A_16, %get3A_11, %dot_general3A {dimension_numbers = #tpu.dot_dimension_numbers<[1], [0], [0], [1], [0, 0, 1, 1], [], []>, transpose_lhs_hint = false} : vector<512x1024xf32>, vector<1024x128xf32>, vector<512x128xf32> -> vector<512x128xf32>
      %get3A_18 = arith.constant 0 : index
      %get3A_19 = arith.constant 0 : index
      %get3A_20 = arith.constant 0 : index
      %get3A_21 = vector.load %arg5[%get3A_18, %get3A_19, %get3A_20] : memref<1x512x1024xf32, #tpu.memory_space<vmem>>, vector<1x512x1024xf32>
      %get3A_22 = vector.shape_cast %get3A_21 : vector<1x512x1024xf32> to vector<512x1024xf32>
      %dot_general3A_23 = arith.constant dense<0.000000e+00> : vector<512x128xf32>
      %dot_general3A_24 = tpu.matmul %get3A_22, %get3A_11, %dot_general3A_23 {dimension_numbers = #tpu.dot_dimension_numbers<[1], [0], [0], [1], [0, 0, 1, 1], [], []>, transpose_lhs_hint = false} : vector<512x1024xf32>, vector<1024x128xf32>, vector<512x128xf32> -> vector<512x128xf32>
      %logistic3A = arith.negf %dot_general3A_17 : vector<512x128xf32>
      %logistic3A_25 = math.exp %logistic3A : vector<512x128xf32>
      %logistic3A_26 = arith.constant 1.000000e+00 : f32
      %logistic3A_27 = vector.broadcast %logistic3A_26 : f32 to vector<512x128xf32>
      %logistic3A_28 = arith.addf %logistic3A_27, %logistic3A_25 : vector<512x128xf32>
      %logistic3A_29 = arith.divf %logistic3A_27, %logistic3A_28 : vector<512x128xf32>
      %mul3A = arith.mulf %dot_general3A_17, %logistic3A_29 : vector<512x128xf32>
      %mul3A_30 = arith.mulf %mul3A, %dot_general3A_24 : vector<512x128xf32>
      %get3A_31 = arith.constant 0 : index
      %get3A_32 = arith.constant 0 : index
      %get3A_33 = arith.constant 0 : index
      %get3A_34 = vector.load %arg6[%get3A_31, %get3A_32, %get3A_33] : memref<1x1024x512xf32, #tpu.memory_space<vmem>>, vector<1x1024x512xf32>
      %get3A_35 = vector.shape_cast %get3A_34 : vector<1x1024x512xf32> to vector<1024x512xf32>
      %dot_general3A_36 = arith.constant dense<0.000000e+00> : vector<1024x128xf32>
      %dot_general3A_37 = tpu.matmul %get3A_35, %mul3A_30, %dot_general3A_36 {dimension_numbers = #tpu.dot_dimension_numbers<[1], [0], [0], [1], [0, 0, 1, 1], [], []>, transpose_lhs_hint = false} : vector<1024x512xf32>, vector<512x128xf32>, vector<1024x128xf32> -> vector<1024x128xf32>
      %get3A_38 = arith.index_cast %arg0 : i32 to index
      %get3A_39 = arith.constant 0 : index
      %get3A_40 = vector.load %arg8[%get3A_38, %get3A_39] : memref<64x128xf32, #tpu.memory_space<vmem>>, vector<1x128xf32>
      %eq3A_41 = arith.constant 0 : i32
      %eq3A_42 = arith.cmpi eq, %arg0, %eq3A_41 : i32
      %convert_element_type3A_43 = arith.extui %eq3A_42 : i1 to i32
      %cond3A_44 = arith.constant 0 : i32
      %cond3A_45 = arith.cmpi ne, %convert_element_type3A_43, %cond3A_44 : i32
      scf.if %cond3A_45 {
        %mul3A_50 = vector.broadcast %get3A_40 : vector<1x128xf32> to vector<1024x128xf32>
        %mul3A_51 = arith.mulf %dot_general3A_37, %mul3A_50 : vector<1024x128xf32>
        %swap3A = arith.constant 0 : index
        %swap3A_52 = arith.constant 0 : index
        %swap3A_53 = vector.load %arg7[%swap3A, %swap3A_52] : memref<1024x128xf32, #tpu.memory_space<vmem>>, vector<1024x128xf32>
        tpu.vector_store %arg7[%swap3A, %swap3A_52], %mul3A_51 {strides = array<i32>} : memref<1024x128xf32, #tpu.memory_space<vmem>>, vector<1024x128xf32>,
      } else {
      }
      %gt3A = arith.constant 0 : i32
      %gt3A_46 = arith.cmpi sgt, %arg0, %gt3A : i32
      %convert_element_type3A_47 = arith.extui %gt3A_46 : i1 to i32
      %cond3A_48 = arith.constant 0 : i32
      %cond3A_49 = arith.cmpi ne, %convert_element_type3A_47, %cond3A_48 : i32
      scf.if %cond3A_49 {
        %get3A_50 = arith.constant 0 : index
        %get3A_51 = arith.constant 0 : index
        %get3A_52 = vector.load %arg7[%get3A_50, %get3A_51] : memref<1024x128xf32, #tpu.memory_space<vmem>>, vector<1024x128xf32>
        %mul3A_53 = vector.broadcast %get3A_40 : vector<1x128xf32> to vector<1024x128xf32>
        %mul3A_54 = arith.mulf %dot_general3A_37, %mul3A_53 : vector<1024x128xf32>
        %add3A = arith.addf %get3A_52, %mul3A_54 : vector<1024x128xf32>
        %swap3A = arith.constant 0 : index
        %swap3A_55 = arith.constant 0 : index
        %swap3A_56 = vector.load %arg7[%swap3A, %swap3A_55] : memref<1024x128xf32, #tpu.memory_space<vmem>>, vector<1024x128xf32>
        tpu.vector_store %arg7[%swap3A, %swap3A_55], %add3A {strides = array<i32>} : memref<1024x128xf32, #tpu.memory_space<vmem>>, vector<1024x128xf32>,
      } else {
      }
    } else {
    }
    return
  }
  func.func @transform_0(%arg0: i32) -> (i32, i32) {
    %c0_i32 = arith.constant 0 : i32
    %c0_i32_0 = arith.constant 0 : i32
    %c0_i32_1 = arith.constant 0 : i32
    return %c0_i32, %c0_i32_0 : i32, i32
  }
  func.func @transform_1(%arg0: i32) -> (i32, i32) {
    %c0_i32 = arith.constant 0 : i32
    %c0_i32_0 = arith.constant 0 : i32
    %c0_i32_1 = arith.constant 0 : i32
    return %c0_i32, %c0_i32_0 : i32, i32
  }
  func.func @transform_2(%arg0: i32) -> (i32, i32, i32) {
    %min3A = arith.constant 7 : i32
    %min3A_0 = arith.minsi %arg0, %min3A : i32
    %c0_i32 = arith.constant 0 : i32
    %c0_i32_1 = arith.constant 0 : i32
    %c0_i32_2 = arith.constant 0 : i32
    return %min3A_0, %c0_i32, %c0_i32_1 : i32, i32, i32
  }
  func.func @transform_3(%arg0: i32) -> (i32, i32, i32) {
    %max3A = arith.constant 8 : i32
    %max3A_0 = arith.maxsi %arg0, %max3A : i32
    %c0_i32 = arith.constant 0 : i32
    %c0_i32_1 = arith.constant 0 : i32
    %c0_i32_2 = arith.constant 0 : i32
    return %max3A_0, %c0_i32, %c0_i32_1 : i32, i32, i32
  }
  func.func @transform_4(%arg0: i32) -> (i32, i32, i32) {
    %max3A = arith.constant 8 : i32
    %max3A_0 = arith.maxsi %arg0, %max3A : i32
    %c0_i32 = arith.constant 0 : i32
    %c0_i32_1 = arith.constant 0 : i32
    %c0_i32_2 = arith.constant 0 : i32
    return %max3A_0, %c0_i32, %c0_i32_1 : i32, i32, i32
  }
  func.func @transform_5(%arg0: i32) -> (i32, i32, i32) {
    %max3A = arith.constant 8 : i32
    %max3A_0 = arith.maxsi %arg0, %max3A : i32
    %c0_i32 = arith.constant 0 : i32
    %c0_i32_1 = arith.constant 0 : i32
    %c0_i32_2 = arith.constant 0 : i32
    return %max3A_0, %c0_i32, %c0_i32_1 : i32, i32, i32
  }
  func.func @transform_6(%arg0: i32) -> (i32, i32) {
    %c0_i32 = arith.constant 0 : i32
    %c0_i32_0 = arith.constant 0 : i32
    %c0_i32_1 = arith.constant 0 : i32
    return %c0_i32, %c0_i32_0 : i32, i32
  }
}

</mosaic_0001>

<sc_bundles>
// kernel: kernel.5.cloned.1.call-start
scs
__scs_entry_jumppad:
0x0: {  	(pc) =	sbr.rel $0x88, $3  }
0x1: {  	(tag) =	ssettag $0x0;
	lr =	simm.s32 $0x1  }
0x2: {  	[smem:$0x3F9C] =	sst lr;
	_ =	strace $0xD0000000  }
0x3: {  	_ = 	snop  }
0x4: {  	_ = 	snop  }
0x5: {  	_ = 	snop  }
0x6: {  	_ = 	snop  }
0x7: {  	_ = 	snop  }
__scs_overlays_trampoline_lowered:
0x8: {  	[smem:$0x3FAB] =	sst s0  }
0x9: {  	[smem:$0x3FAC] =	sst s1  }
0xa: {  	[smem:$0x3FAD] =	sst s2  }
0xb: {  	[smem:$0x3FAE] =	sst s3  }
0xc: {  	[smem:$0x3FAF] =	sst s4  }
0xd: {  	[smem:$0x3FB0] =	sst s5  }
0xe: {  	[smem:$0x3FB1] =	sst s6  }
0xf: {  	[smem:$0x3FB2] =	sst s7  }
0x10: {  	[smem:$0x3FB3] =	sst s8  }
0x11: {  	[smem:$0x3FB4] =	sst s9;
	s0 =	simm.s32 @!p0 $0x0  }
0x12: {  	s1 =	sld [smem:$0x3F9A];
	s0 =	simm.s32 @p0 $0x1  }
0x13: {  	[smem:$0x3FB5] =	sst s0;
	s0 =	simm.s32 @!p1 $0x0  }
0x14: {  	s2 =	sld [smem:$0x3F99];
	s0 =	simm.s32 @p1 $0x1  }
0x15: {  	[smem:$0x3FB6] =	sst s0;
	s0 =	simm.s32 @!p2 $0x0  }
0x16: {  	s3 =	sld [smem:$0x3FDB];
	s0 =	simm.s32 @p2 $0x1  }
0x17: {  	s4 =	simm.s32 $0x1BF5;
	[smem:$0x3FB8] =	sst s0  }
0x18: {  	s0 =	sld [smem:$0x3F9B];
	_ =	swait.ge [sflag:s4], $0x0  }
0x19: {  	s7 =	sld [smem:$0x3F9C]  }
0x1a: {  	s8 =	sadd.s32 $0xFFFFE003, lr  }
0x1b: {  	s9 =	sadd.s32 $0xFFFFFEF7, lr;
	s5 =	simm.s32 $0xFFFFFFFF;
	p2 =	slt.u32 s8, $0xFFFFF086  }
0x1c: {  	p1 =	slt.u32 s9, $0xF7A;
	s5 =	simm.s32 @!p2 $0x0  }
0x1d: {  	s5 =	simm.s32 @p1 $0x1;
	p0 =	seq.s32 s7, s2  }
0x1e: {  	s7 =	smul.u32 @!p0 $0xF7A, s2;
	p2 =	seq.s32 @!p0 s5, $0x0  }
0x1f: {  	s9 =	smul.u32 $0xF7A, s1;
	s8 =	simm.s32 @!p0 $0x1BF5;
	p2 =	por !p2, p0  }
0x20: {  	[sflag:s8] =	ssyncset.s32 @!p0 $0xFFFFF086;
	s6 =	sadd.s32 @!p0 s3, s7;
	s7 =	simm.s32 @!p0 $0x108  }
0x21: {  	s3 =	sadd.s32 s3, s9;
	s6 =	sadd.s32 @!p0 $0x88, s6;
	s7 =	simm.s32 @p2 $0x1082  }
0x22: {  	[simem:s7], [sflag:s8] =	dma.local @!p0 [hbm:s6], $0xF7A  }
0x23: {  	s9 =	sor.u32 $0xD0000000, s2;
	s6 =	simm.s32 $0x108;
	_ =	swait.ge @!p0 [sflag:s8], $0x0  }
0x24: {  	s3 =	sadd.s32 $0x88, s3;
	s6 =	simm.s32 @!p1 $0x1082;
	[sflag:s4] =	ssyncset.s32 $0xFFFFF086  }
0x25: {  	[simem:s6], [sflag:s4] =	dma.local [hbm:s3], $0xF7A  }
0x26: {  	[smem:$0x3F9C] =	sst s1;
	(tag) =	ssettag s2;
	_ =	strace s9  }
0x27: {  	s1 =	sld [smem:$0x3FAC]  }
0x28: {  	s2 =	sld [smem:$0x3FAD]  }
0x29: {  	s4 =	sld [smem:$0x3FAF]  }
0x2a: {  	p0 =	seq.s32 s5, $0x0;
	s5 =	sld [smem:$0x3FB0]  }
0x2b: {  	s6 =	sld [smem:$0x3FB1]  }
0x2c: {  	s7 =	sld [smem:$0x3FB2]  }
0x2d: {  	s3 =	simm.s32 $0x108;
	s8 =	sld [smem:$0x3FB3]  }
0x2e: {  	s3 =	simm.s32 @!p0 $0x1082;
	s9 =	sld [smem:$0x3FB4]  }
0x2f: {  	lr =	sadd.s32 s0, s3;
	s0 =	sld [smem:$0x3FAB]  }
0x30: {  	s3 =	sld [smem:$0x3FAE]  }
0x31: {  	[smem:$0x3FB7] =	sst s10  }
0x32: {  	s10 =	sld [smem:$0x3FB5];
	_ =	sdelay $0x3  }
0x33: {  	p0 =	seq.s32 s10, $0x1;
	s10 =	sld [smem:$0x3FB7];
	_ =	sdelay $0x3  }
0x34: {  	[smem:$0x3FB7] =	sst s10  }
0x35: {  	s10 =	sld [smem:$0x3FB6];
	_ =	sdelay $0x3  }
0x36: {  	p1 =	seq.s32 s10, $0x1;
	s10 =	sld [smem:$0x3FB7];
	_ =	sdelay $0x3  }
0x37: {  	[smem:$0x3FB7] =	sst s10  }
0x38: {  	s10 =	sld [smem:$0x3FB8]  }
0x39: {  	_ = 	snop;
	(pc) =	sbr.ind lr, $3  }
0x3a: {  	_ = 	snop  }
0x3b: {  	_ = 	snop  }
0x3c: {  	p2 =	seq.s32 s10, $0x1;
	s10 =	sld [smem:$0x3FB7]  }
0x3d: {  	_ =	shalt  }
0x3e: {  	_ =	shalt  }
0x3f: {  	_ =	shalt  }
0x40: {  	_ =	shalt  }
0x41: {  	_ =	shalt  }
0x42: {  	_ =	shalt  }
0x43: {  	_ =	shalt  }
0x44: {  	_ =	shalt  }
0x45: {  	_ =	shalt  }
0x46: {  	_ =	shalt  }
0x47: {  	_ =	shalt  }
0x48: {  	_ =	shalt  }
0x49: {  	_ =	shalt  }
0x4a: {  	_ =	shalt  }
0x4b: {  	_ =	shalt  }
0x4c: {  	_ =	shalt  }
0x4d: {  	_ =	shalt  }
0x4e: {  	_ =	shalt  }
0x4f: {  	_ =	shalt  }
0x50: {  	_ =	shalt  }
0x51: {  	_ =	shalt  }
0x52: {  	_ =	shalt  }
0x53: {  	_ =	shalt  }
0x54: {  	_ =	shalt  }
0x55: {  	_ =	shalt  }
0x56: {  	_ =	shalt  }
0x57: {  	_ =	shalt  }
0x58: {  	_ =	shalt  }
0x59: {  	_ =	shalt  }
0x5a: {  	_ =	shalt  }
0x5b: {  	_ =	shalt  }
0x5c: {  	_ =	shalt  }
0x5d: {  	_ =	shalt  }
0x5e: {  	_ =	shalt  }
0x5f: {  	_ =	shalt  }
0x60: {  	_ =	shalt  }
0x61: {  	_ =	shalt  }
0x62: {  	_ =	shalt  }
0x63: {  	_ =	shalt  }
0x64: {  	_ =	shalt  }
0x65: {  	_ =	shalt  }
0x66: {  	_ =	shalt  }
0x67: {  	_ =	shalt  }
0x68: {  	_ =	shalt  }
0x69: {  	_ =	shalt  }
0x6a: {  	_ =	shalt  }
0x6b: {  	_ =	shalt  }
0x6c: {  	_ =	shalt  }
0x6d: {  	_ =	shalt  }
0x6e: {  	_ =	shalt  }
0x6f: {  	_ =	shalt  }
0x70: {  	_ =	shalt  }
0x71: {  	_ =	shalt  }
0x72: {  	_ =	shalt  }
0x73: {  	_ =	shalt  }
0x74: {  	_ =	shalt  }
0x75: {  	_ =	shalt  }
0x76: {  	_ =	shalt  }
0x77: {  	_ =	shalt  }
0x78: {  	_ =	shalt  }
0x79: {  	_ =	shalt  }
0x7a: {  	_ =	shalt  }
0x7b: {  	_ =	shalt  }
0x7c: {  	_ =	shalt  }
0x7d: {  	_ =	shalt  }
0x7e: {  	_ =	shalt  }
0x7f: {  	_ =	shalt  }
0x80: {  	_ =	shalt  }
0x81: {  	_ =	shalt  }
0x82: {  	_ =	shalt  }
0x83: {  	_ =	shalt  }
0x84: {  	_ =	shalt  }
0x85: {  	_ =	shalt  }
0x86: {  	_ =	shalt  }
0x87: {  	_ =	shalt  }
.Lfunc_end0:
.L_simem_size_0:
called_computation_lowered:
.L_overlay_start_0:
0x88: {  	s2 =	sld [smem:$0x3FD9]  }
0x89: {  	s3 =	sld [smem:$0x3FFE];
	_ =	sdelay $0x1  }
0x8a: {  	s1 =	srdreg.scid  }
0x8b: {  	s0 =	sand.u32 $0x1, s1  }
0x8c: {  	s17 =	sshll.u32 s0, $0xA;
	s2 =	sadd.s32 s3, s2  }
0x8d: {  	s2 =	sadd.s32 s2, s17  }
0x8e: {  	[smem:$0x3FC3] =	sst s2  }
0x8f: {  	_ = 	snop  }
0x90: {  	s2 =	sld [smem:$0x3FD0];
	(tm) =	ssettm $0x1  }
0x91: {  	s18 =	sld [smem:$0x3FFB];
	_ =	sdelay $0x3  }
0x92: {  	_ =	strace s18  }
0x93: {  	s3 =	sld [smem:$0x3FFC];
	_ =	sdelay $0x3  }
0x94: {  	_ =	strace s3  }
0x95: {  	s3 =	sld [smem:$0x3FFD];
	_ =	sdelay $0x3  }
0x96: {  	_ =	strace s3  }
0x97: {  	_ =	strace $0x8FFFFFFF  }
0x98: {  	s19 =	sld [smem:$0x3FDB];
	_ =	sdelay $0x1  }
0x99: {  	s4 =	simm.s32 $_scs_section_size  }
0x9a: {  	s5 =	simm.s32 $_size__tile_overlayer_lowered;
	s6 =	simm.s32 $_tile_overlayer_lowered  }
0x9b: {  	s22 =	simm.s32 $0x1BFF;
	s21 =	sshll.u32 s6, $0x1;
	s3 =	sadd.s32 s4, s19  }
0x9c: {  	s7 =	simm.s32 $0x0;
	s20 =	sshll.u32 s5, $0x1;
	s5 =	sadd.s32 s21, s3  }
0x9d: {  	[timem:s7], [sflag:s22] =	dma.local [hbm:s5], s20  }
0x9e: {  	_ =	swait.ge [sflag:s22], s20  }
0x9f: {  	s4 =	ssub.s32 $0x0, s20;
	[sflag:s22] =	ssyncset.done $0x0  }
0xa0: {  	[sflag:s22] =	ssyncadd.s32 s4;
	_ =	sdelay $0x1  }
0xa1: {  	s23 =	simm.s32 $0x1B8B  }
0xa2: {  	_ =	swait.ge [sflag:s23], $0x1  }
0xa3: {  	[sflag:s23] =	ssyncset.done $0x0  }
0xa4: {  	s25 =	simm.s32 $0x1B8E;
	s24 =	sld [smem:$0x3FFE];
	[sflag:s23] =	ssyncadd.s32 $0xFFFFFFFF  }
0xa5: {  	s26 =	simm.s32 $execute0_lowered;
	[smem:$0x3FD2] =	sst s25  }
0xa6: {  	s5 =	sshll.u32 s26, $0x1;
	_ =	strace $0x80000046;
	[dreg:$0x1] =	wrdreg $0xFFFFFFFF  }
0xa7: {  	s28 =	simm.s32 $_size_execute0_lowered;
	s3 =	sadd.s32 s3, s5;
	[dreg:$0x0] =	wrdreg $0x0  }
0xa8: {  	s5 =	sshll.u32 s28, $0x1;
	[dreg:$0x2] =	wrdreg s3  }
0xa9: {  	[dreg:$0x3] =	wrdreg s5  }
0xaa: {  	[dreg:$0x4] =	wrdreg $0xC0  }
0xab: {  	_ =	task [dreg:s7], $0x5FFFF  }
0xac: {  	[dreg:$0x1] =	wrdreg $0xFFFFFFFF  }
0xad: {  	[dreg:$0x0] =	wrdreg $0x60  }
0xae: {  	[dreg:$0x2] =	wrdreg s2  }
0xaf: {  	[dreg:$0x3] =	wrdreg s24  }
0xb0: {  	[dreg:$0x4] =	wrdreg $0x9  }
0xb1: {  	_ =	task.clear_ibuf [dreg:s7], $0x5FFFF;
	_ =	strace $0x90000046  }
0xb2: {  	s29 =	simm.s32 $0x9;
	_ =	strace $0x80000048  }
0xb3: {  	_ =	swait.ge [sflag:s29], $0x1  }
0xb4: {  	[sflag:s29] =	ssyncadd.s32 $0xFFFFFFFF  }
0xb5: {  	_ =	strace $0x90000048  }
0xb6: {  	_ =	sfence  }
0xb7: {  	s30 =	sld [smem:$0x0];
	_ =	sdelay $0x2  }
0xb8: {  	s31 =	sshll.u32 s1, $0xD;
	s1 =	sshrl.u32 s1, $0x2  }
0xb9: {  	s3 =	sand.u32 $0x4000, s31;
	s1 =	sadd.s32 s1, s30  }
0xba: {  	s0 =	sor.u32 s3, s0;
	s1 =	sshll.u32 s1, $0x11  }
0xbb: {  	s0 =	sor.u32 s1, s0  }
0xbc: {  	s0 =	sadd.s32 $0x8F2B, s0  }
0xbd: {  	[sflag:s0] =	ssyncadd.remote.s32 $0x1  }
0xbe: {  	_ =	sfence.sel $0xFFFF  }
0xbf: {  	[dreg:$0x0] =	wrdreg $0xFFFFFFFF;
	(pc) =	sbr.abs _section_cstart, $3  }
0xc0: {  	[dreg:$0x1] =	wrdreg $0xFFFFFFFF  }
0xc1: {  	_ =	task.clear_ibuf [dreg:s7], $0x2FFFF;
	_ =	strace $0x9FFFFFFF  }
0xc2: {  	(tm) =	ssettm $0x7FFFFFFF  }
0xc3: {  	_ =	shalt  }
tec
execute0_lowered:
.L_overlay_start_1:
0x0: {  	(tag) =	ssettag $0x1  }
0x1: {  	v0 =	vimm.s32 $0xEFCDAB89  }
0x2: {  	v1 =	vimm.s32 $0x67452301;
	v2 =	vimm.s32 $0xDCFE98BA;
	v3 =	vimm.s32 $0x54761032  }
0x3: {  	v4 =	vimm.s32 $0xBA98FEDC;
	v5 =	vimm.s32 $0x32107654;
	v6 =	vimm.s32 $0xFEDCBA98  }
0x4: {  	v7 =	vimm.s32 $0x76543210;
	v61 =	vlaneseq.u32;
	v0 =	vunpack.c.l.s4.s8 v0  }
0x5: {  	v1 =	vunpack.c.l.s4.s8 v1;
	v2 =	vunpack.c.l.s4.s8 v2;
	v3 =	vunpack.c.l.s4.s8 v3  }
0x6: {  	v4 =	vunpack.c.l.s4.s8 v4;
	v5 =	vunpack.c.l.s4.s8 v5;
	v6 =	vunpack.c.l.s4.s8 v6  }
0x7: {  	s3 =	rddreg [dreg:$0x0];
	v7 =	vunpack.c.l.s4.s8 v7;
	v0 =	vunpack.c.0.s8.s32 v0;
	v1 =	vunpack.c.0.s8.s32 v1  }
0x8: {  	s2 =	rddreg [dreg:$0x1];
	s1 =	simm.s32 $0x0;
	v62 =	vor.u32 $0x30, v61;
	v2 =	vunpack.c.0.s8.s32 v2;
	v3 =	vunpack.c.0.s8.s32 v3  }
0x9: {  	s4 =	srdreg.scid;
	[smem:$0x7FF] =	sst s1;
	v4 =	vunpack.c.0.s8.s32 v4;
	v5 =	vunpack.c.0.s8.s32 v5;
	v0 =	vcombine.low v1, v0  }
0xa: {  	s0 =	rddreg [dreg:$0x2];
	s4 =	sand.u32 $0x1, s4;
	v63 =	vor.u32 $0x20, v61;
	_ =	strace $0x80000047;
	[tilespmem:$0x1FFD0] =	vst v62;
	v54 =	vunpack.c.0.s8.s32 v6;
	v53 =	vcombine.low v3, v2  }
0xb: {  	s5 =	sshll.u32 s4, $0x5;
	[tilespmem:$0x1FFE0] =	vst v63;
	v56 =	vunpack.c.0.s8.s32 v7;
	v55 =	vcombine.low v5, v4;
	v0 =	vand.u32 $0xF, v0  }
0xc: {  	s6 =	sshll.u32 s4, $0x6;
	s4 =	ssub.s32 $0x2, s4;
	s5 =	sadd.s32 s5, s2;
	v58 =	vand.u32 $0xF, v54;
	v57 =	vand.u32 $0xF, v53;
	[tilespmem:$0x1FF90] =	vst v0  }
0xd: {  	s2 =	stileid.u32;
	s3 =	sadd.s32 s3, s6;
	s7 =	sshrl.u32 s4, $0x1;
	v60 =	vcombine.low v58, v56;
	v59 =	vand.u32 $0xF, v55;
	[tilespmem:$0x1FFA0] =	vst v57  }
0xe: {  	s6 =	simm.s32 $0x1;
	s30 =	sshll.u32 s2, $0x6;
	s31 =	sshll.u32 s2, $0x7;
	[tilespmem:$0x1FFB0] =	vst v59  }
0xf: {  	s7 =	ssub.s32 s4, s7;
	s5 =	sadd.s32 s30, s5;
	s3 =	sadd.s32 s31, s3;
	[tilespmem:$0x1FFC0] =	vst v60;
	v0 =	vor.u32 $0x10, v61  }
0x10: {  	s4 =	sadd.s32 $0x400, s5;
	s5 =	smax.u32 s7, $0x1;
	s7 =	simm.s32 $0x200;
	[tilespmem:$0x1FFF0] =	vst v0  }
.LBB2_1:
0x11: {  	[tilespmem:s1], [sflag:$0x1] =	stream.linear.gather [hbm4b:s3+s1], $0x200, $0x38;
	[tilespmem:$0x300] =	vst v63  }
0x12: {  	_ =	swait.ge [sflag:s6], $0x200  }
0x13: {  	[sflag:s6] =	ssyncset.done $0x0  }
0x14: {  	[sflag:s6] =	ssyncadd.s32 $0xFFFFFE00  }
0x15: {  	v8 =	vld [tilespmem:$0x0]  }
0x16: {  	v9 =	vld [tilespmem:$0x10]  }
0x17: {  	v11 =	vld [tilespmem:$0x20]  }
0x18: {  	v12 =	vld [tilespmem:$0x30];
	_ =	sdelay $0x1  }
0x19: {  	v1 =	vld [tilespmem:$0x1FF90];
	_ =	sdelay $0x2  }
0x1a: {  	v2 =	vld [tilespmem:$0x1FFA0];
	v10 =	vmax.f32 v8, v9;
	v13 =	vmax.f32 v11, v12  }
0x1b: {  	v10 =	vmax.f32 v10, v13  }
0x1c: {  	v13 =	vperm.xlane v10, v1  }
0x1d: {  	v3 =	vld [tilespmem:$0x1FFB0]  }
0x1e: {  	v10 =	vmax.f32 v10, v13  }
0x1f: {  	v13 =	vperm.xlane v10, v2  }
0x20: {  	v5 =	vld [tilespmem:$0x1FFC0]  }
0x21: {  	v10 =	vmax.f32 v10, v13  }
0x22: {  	v13 =	vperm.xlane v10, v3;
	_ =	sdelay $0x1  }
0x23: {  	v27 =	vld [tilespmem:$0x1FFD0];
	v10 =	vmax.f32 v10, v13  }
0x24: {  	v7 =	vld [tilespmem:$0x1FFE0];
	v13 =	vperm.xlane v10, v5  }
0x25: {  	v6 =	vld [tilespmem:$0x1FFF0]  }
0x26: {  	v10 =	vmax.f32 v10, v13  }
0x27: {  	vm0 =	veq.f32 v12, v10  }
0x28: {  	vm1 =	veq.f32 v11, v10;
	v46 =	vnsel vm0, $0x40, v27  }
0x29: {  	vm10 =	veq.f32 v9, v10;
	v13 =	vsel vm1, v7, v46  }
0x2a: {  	v0 =	vlaneseq.u32;
	vm11 =	veq.f32 v8, v10;
	v13 =	vsel vm10, v6, v13  }
0x2b: {  	v13 =	vsel vm11, v0, v13  }
0x2c: {  	v14 =	vperm.xlane v13, v1;
	_ =	sdelay $0x1  }
0x2d: {  	vm12 =	vlt.s32 v13, v14  }
0x2e: {  	v13 =	vsel vm12, v13, v14  }
0x2f: {  	v14 =	vperm.xlane v13, v2;
	_ =	sdelay $0x1  }
0x30: {  	vm0 =	vlt.s32 v13, v14  }
0x31: {  	v13 =	vsel vm0, v13, v14  }
0x32: {  	v14 =	vperm.xlane v13, v3;
	_ =	sdelay $0x1  }
0x33: {  	vm0 =	vlt.s32 v13, v14  }
0x34: {  	v13 =	vsel vm0, v13, v14  }
0x35: {  	v14 =	vperm.xlane v13, v5;
	_ =	sdelay $0x1  }
0x36: {  	vm0 =	vlt.s32 v13, v14  }
0x37: {  	v42 =	vsel vm0, v13, v14  }
0x38: {  	v14 =	vand.u32 $0xF, v42  }
0x39: {  	v13 =	vshrl.u32 v42, $0x4;
	vm13 =	veq.s32 v14, v0  }
0x3a: {  	vm14 =	veq.s32 v13, $0x0;
	vm15 =	veq.s32 v13, $0x1;
	vm2 =	veq.s32 v13, $0x2  }
0x3b: {  	vm3 =	veq.s32 v13, $0x3;
	vm1 =	vmand vm13, vm14;
	vm2 =	vmand vm13, vm2  }
0x3c: {  	vm0 =	vmand vm13, vm3;
	v8 =	vsel vm1, $0xFF61B1E6, v8;
	vm1 =	vmand vm13, vm15  }
0x3d: {  	v11 =	vsel vm2, $0xFF61B1E6, v11;
	v47 =	vsel vm0, $0xFF61B1E6, v12;
	v9 =	vsel vm1, $0xFF61B1E6, v9  }
0x3e: {  	v49 =	vmax.f32 v11, v47;
	v48 =	vmax.f32 v8, v9  }
0x3f: {  	v12 =	vmax.f32 v48, v49  }
0x40: {  	v14 =	vperm.xlane v12, v1;
	_ =	sdelay $0x1  }
0x41: {  	v12 =	vmax.f32 v12, v14  }
0x42: {  	v14 =	vperm.xlane v12, v2;
	_ =	sdelay $0x1  }
0x43: {  	v12 =	vmax.f32 v12, v14  }
0x44: {  	v14 =	vperm.xlane v12, v3;
	_ =	sdelay $0x1  }
0x45: {  	v12 =	vmax.f32 v12, v14  }
0x46: {  	v14 =	vperm.xlane v12, v5;
	_ =	sdelay $0x1  }
0x47: {  	v12 =	vmax.f32 v12, v14  }
0x48: {  	vm0 =	veq.f32 v47, v12  }
0x49: {  	vm5 =	veq.f32 v11, v12;
	v50 =	vnsel vm0, $0x40, v27  }
0x4a: {  	vm6 =	veq.f32 v9, v12;
	v14 =	vsel vm5, v7, v50  }
0x4b: {  	vm7 =	veq.f32 v8, v12;
	v14 =	vsel vm6, v6, v14  }
0x4c: {  	v14 =	vsel vm7, v0, v14  }
0x4d: {  	v15 =	vperm.xlane v14, v1;
	_ =	sdelay $0x1  }
0x4e: {  	vm8 =	vlt.s32 v14, v15  }
0x4f: {  	v14 =	vsel vm8, v14, v15  }
0x50: {  	v15 =	vperm.xlane v14, v2;
	_ =	sdelay $0x1  }
0x51: {  	vm0 =	vlt.s32 v14, v15  }
0x52: {  	v14 =	vsel vm0, v14, v15  }
0x53: {  	v15 =	vperm.xlane v14, v3;
	_ =	sdelay $0x1  }
0x54: {  	vm0 =	vlt.s32 v14, v15  }
0x55: {  	v14 =	vsel vm0, v14, v15  }
0x56: {  	v15 =	vperm.xlane v14, v5;
	_ =	sdelay $0x1  }
0x57: {  	vm0 =	vlt.s32 v14, v15  }
0x58: {  	v57 =	vsel vm0, v14, v15  }
0x59: {  	v15 =	vand.u32 $0xF, v57  }
0x5a: {  	v14 =	vshrl.u32 v57, $0x4;
	vm9 =	veq.s32 v15, v0  }
0x5b: {  	vm10 =	veq.s32 v14, $0x0;
	vm11 =	veq.s32 v14, $0x1;
	vm12 =	veq.s32 v14, $0x2  }
0x5c: {  	vm13 =	veq.s32 v14, $0x3;
	vm1 =	vmand vm9, vm10;
	vm2 =	vmand vm9, vm12  }
0x5d: {  	vm0 =	vmand vm9, vm13;
	v8 =	vsel vm1, $0xFF61B1E6, v8;
	vm1 =	vmand vm9, vm11  }
0x5e: {  	v11 =	vsel vm2, $0xFF61B1E6, v11;
	v51 =	vsel vm0, $0xFF61B1E6, v47;
	v9 =	vsel vm1, $0xFF61B1E6, v9  }
0x5f: {  	v53 =	vmax.f32 v11, v51;
	v52 =	vmax.f32 v8, v9  }
0x60: {  	v13 =	vmax.f32 v52, v53  }
0x61: {  	v15 =	vperm.xlane v13, v1;
	_ =	sdelay $0x1  }
0x62: {  	v13 =	vmax.f32 v13, v15  }
0x63: {  	v15 =	vperm.xlane v13, v2;
	_ =	sdelay $0x1  }
0x64: {  	v13 =	vmax.f32 v13, v15  }
0x65: {  	v15 =	vperm.xlane v13, v3;
	_ =	sdelay $0x1  }
0x66: {  	v13 =	vmax.f32 v13, v15  }
0x67: {  	v15 =	vperm.xlane v13, v5;
	_ =	sdelay $0x1  }
0x68: {  	v13 =	vmax.f32 v13, v15  }
0x69: {  	vm0 =	veq.f32 v51, v13  }
0x6a: {  	vm14 =	veq.f32 v11, v13;
	v54 =	vnsel vm0, $0x40, v27  }
0x6b: {  	vm15 =	veq.f32 v9, v13;
	v15 =	vsel vm14, v7, v54  }
0x6c: {  	vm4 =	veq.f32 v8, v13;
	v15 =	vsel vm15, v6, v15  }
0x6d: {  	v15 =	vsel vm4, v0, v15  }
0x6e: {  	v16 =	vperm.xlane v15, v1;
	_ =	sdelay $0x1  }
0x6f: {  	vm5 =	vlt.s32 v15, v16  }
0x70: {  	v15 =	vsel vm5, v15, v16  }
0x71: {  	v16 =	vperm.xlane v15, v2;
	_ =	sdelay $0x1  }
0x72: {  	vm0 =	vlt.s32 v15, v16  }
0x73: {  	v15 =	vsel vm0, v15, v16  }
0x74: {  	v16 =	vperm.xlane v15, v3;
	_ =	sdelay $0x1  }
0x75: {  	vm0 =	vlt.s32 v15, v16  }
0x76: {  	v15 =	vsel vm0, v15, v16  }
0x77: {  	v16 =	vperm.xlane v15, v5;
	_ =	sdelay $0x1  }
0x78: {  	vm0 =	vlt.s32 v15, v16  }
0x79: {  	v25 =	vsel vm0, v15, v16  }
0x7a: {  	v16 =	vand.u32 $0xF, v25  }
0x7b: {  	v15 =	vshrl.u32 v25, $0x4;
	vm6 =	veq.s32 v16, v0  }
0x7c: {  	vm7 =	veq.s32 v15, $0x0;
	vm8 =	veq.s32 v15, $0x1;
	vm9 =	veq.s32 v15, $0x2  }
0x7d: {  	vm10 =	veq.s32 v15, $0x3;
	vm1 =	vmand vm6, vm7;
	vm2 =	vmand vm6, vm9  }
0x7e: {  	vm0 =	vmand vm6, vm10;
	v8 =	vsel vm1, $0xFF61B1E6, v8;
	vm1 =	vmand vm6, vm8  }
0x7f: {  	v11 =	vsel vm2, $0xFF61B1E6, v11;
	v55 =	vsel vm0, $0xFF61B1E6, v51;
	v9 =	vsel vm1, $0xFF61B1E6, v9  }
0x80: {  	v58 =	vmax.f32 v11, v55;
	v56 =	vmax.f32 v8, v9  }
0x81: {  	v14 =	vmax.f32 v56, v58  }
0x82: {  	v16 =	vperm.xlane v14, v1;
	_ =	sdelay $0x1  }
0x83: {  	v14 =	vmax.f32 v14, v16  }
0x84: {  	v16 =	vperm.xlane v14, v2;
	_ =	sdelay $0x1  }
0x85: {  	v14 =	vmax.f32 v14, v16  }
0x86: {  	v16 =	vperm.xlane v14, v3;
	_ =	sdelay $0x1  }
0x87: {  	v14 =	vmax.f32 v14, v16  }
0x88: {  	v16 =	vperm.xlane v14, v5;
	_ =	sdelay $0x1  }
0x89: {  	v14 =	vmax.f32 v14, v16  }
0x8a: {  	vm0 =	veq.f32 v55, v14  }
0x8b: {  	vm11 =	veq.f32 v11, v14;
	v59 =	vnsel vm0, $0x40, v27  }
0x8c: {  	vm12 =	veq.f32 v9, v14;
	v16 =	vsel vm11, v7, v59  }
0x8d: {  	vm13 =	veq.f32 v8, v14;
	v16 =	vsel vm12, v6, v16  }
0x8e: {  	v16 =	vsel vm13, v0, v16  }
0x8f: {  	v17 =	vperm.xlane v16, v1;
	_ =	sdelay $0x1  }
0x90: {  	vm14 =	vlt.s32 v16, v17  }
0x91: {  	v16 =	vsel vm14, v16, v17  }
0x92: {  	v17 =	vperm.xlane v16, v2;
	_ =	sdelay $0x1  }
0x93: {  	vm0 =	vlt.s32 v16, v17  }
0x94: {  	v16 =	vsel vm0, v16, v17  }
0x95: {  	v17 =	vperm.xlane v16, v3;
	_ =	sdelay $0x1  }
0x96: {  	vm0 =	vlt.s32 v16, v17  }
0x97: {  	v16 =	vsel vm0, v16, v17  }
0x98: {  	v17 =	vperm.xlane v16, v5;
	_ =	sdelay $0x1  }
0x99: {  	vm0 =	vlt.s32 v16, v17  }
0x9a: {  	v20 =	vsel vm0, v16, v17  }
0x9b: {  	v17 =	vand.u32 $0xF, v20  }
0x9c: {  	v16 =	vshrl.u32 v20, $0x4;
	vm15 =	veq.s32 v17, v0  }
0x9d: {  	vm5 =	veq.s32 v16, $0x0;
	vm6 =	veq.s32 v16, $0x1;
	vm7 =	veq.s32 v16, $0x2  }
0x9e: {  	vm8 =	veq.s32 v16, $0x3;
	vm1 =	vmand vm15, vm5;
	vm2 =	vmand vm15, vm7  }
0x9f: {  	vm0 =	vmand vm15, vm8;
	v8 =	vsel vm1, $0xFF61B1E6, v8;
	vm1 =	vmand vm15, vm6  }
0xa0: {  	v63 =	vld [tilespmem:$0x80];
	v11 =	vsel vm2, $0xFF61B1E6, v11;
	v60 =	vsel vm0, $0xFF61B1E6, v55;
	v9 =	vsel vm1, $0xFF61B1E6, v9  }
0xa1: {  	v19 =	vld [tilespmem:$0x90];
	v62 =	vmax.f32 v11, v60;
	v61 =	vmax.f32 v8, v9  }
0xa2: {  	v21 =	vld [tilespmem:$0xA0];
	v15 =	vmax.f32 v61, v62  }
0xa3: {  	v22 =	vld [tilespmem:$0xB0];
	v18 =	vperm.xlane v15, v1;
	_ =	sdelay $0x1  }
0xa4: {  	v15 =	vmax.f32 v15, v18  }
0xa5: {  	v18 =	vperm.xlane v15, v2;
	_ =	sdelay $0x1  }
0xa6: {  	v24 =	vmax.f32 v63, v19;
	v26 =	vmax.f32 v21, v22;
	v15 =	vmax.f32 v15, v18  }
0xa7: {  	v33 =	vmax.f32 v24, v26;
	v18 =	vperm.xlane v15, v3  }
0xa8: {  	v26 =	vperm.xlane v33, v1  }
0xa9: {  	v15 =	vmax.f32 v15, v18  }
0xaa: {  	v18 =	vmax.f32 v33, v26;
	v34 =	vperm.xlane v15, v5  }
0xab: {  	v35 =	vperm.xlane v18, v2  }
0xac: {  	v15 =	vmax.f32 v15, v34  }
0xad: {  	v18 =	vmax.f32 v18, v35;
	vm0 =	veq.f32 v60, v15  }
0xae: {  	vm9 =	veq.f32 v11, v15;
	v38 =	vperm.xlane v18, v3;
	v36 =	vnsel vm0, $0x40, v27  }
0xaf: {  	vm10 =	veq.f32 v9, v15;
	v26 =	vsel vm9, v7, v36  }
0xb0: {  	vm11 =	veq.f32 v8, v15;
	v18 =	vmax.f32 v18, v38;
	v37 =	vsel vm10, v6, v26  }
0xb1: {  	v26 =	vperm.xlane v18, v5;
	v24 =	vsel vm11, v0, v37  }
0xb2: {  	v28 =	vperm.xlane v24, v1  }
0xb3: {  	v18 =	vmax.f32 v18, v26  }
0xb4: {  	vm13 =	veq.f32 v22, v18;
	vm12 =	vlt.s32 v24, v28  }
0xb5: {  	vm14 =	veq.f32 v21, v18;
	v40 =	vnsel vm13, $0x40, v27;
	v24 =	vsel vm12, v24, v28  }
0xb6: {  	vm4 =	veq.f32 v19, v18;
	v28 =	vsel vm14, v7, v40;
	v39 =	vperm.xlane v24, v2  }
0xb7: {  	vm5 =	veq.f32 v63, v18;
	v41 =	vsel vm4, v6, v28  }
0xb8: {  	v26 =	vsel vm5, v0, v41;
	vm15 =	vlt.s32 v24, v39  }
0xb9: {  	v29 =	vperm.xlane v26, v1;
	v24 =	vsel vm15, v24, v39  }
0xba: {  	v43 =	vperm.xlane v24, v3  }
0xbb: {  	vm7 =	vlt.s32 v26, v29  }
0xbc: {  	v26 =	vsel vm7, v26, v29;
	vm6 =	vlt.s32 v24, v43  }
0xbd: {  	v29 =	vperm.xlane v26, v2;
	v24 =	vsel vm6, v24, v43  }
0xbe: {  	v28 =	vperm.xlane v24, v5  }
0xbf: {  	vm9 =	vlt.s32 v26, v29  }
0xc0: {  	v26 =	vsel vm9, v26, v29;
	vm8 =	vlt.s32 v24, v28  }
0xc1: {  	v29 =	vperm.xlane v26, v3;
	v24 =	vsel vm8, v24, v28  }
0xc2: {  	v30 =	vand.u32 $0xF, v24  }
0xc3: {  	v28 =	vshrl.u32 v24, $0x4;
	vm14 =	vlt.s32 v26, v29;
	vm10 =	veq.s32 v30, v0  }
0xc4: {  	vm11 =	veq.s32 v28, $0x0;
	vm12 =	veq.s32 v28, $0x1;
	vm15 =	veq.s32 v28, $0x2  }
0xc5: {  	vm4 =	veq.s32 v28, $0x3;
	v45 =	vsel vm14, v26, v29;
	vm1 =	vmand vm10, vm11  }
0xc6: {  	vm13 =	vmand vm10, vm12;
	vm8 =	vmand vm10, vm15;
	v26 =	vperm.xlane v45, v5  }
0xc7: {  	vm0 =	vmand vm10, vm4;
	v44 =	vsel vm1, $0xFF61B1E6, v8;
	v9 =	vsel vm13, $0xFF61B1E6, v9  }
0xc8: {  	v11 =	vsel vm8, $0xFF61B1E6, v11;
	v46 =	vsel vm0, $0xFF61B1E6, v60;
	vm9 =	vlt.s32 v45, v26  }
0xc9: {  	v47 =	vmax.f32 v44, v9;
	v48 =	vmax.f32 v11, v46;
	v4 =	vsel vm9, v45, v26  }
0xca: {  	v16 =	vmax.f32 v47, v48;
	v31 =	vand.u32 $0xF, v4  }
0xcb: {  	v49 =	vperm.xlane v16, v1;
	v50 =	vshrl.u32 v4, $0x4;
	vm10 =	veq.s32 v31, v0  }
0xcc: {  	vm11 =	veq.s32 v50, $0x0;
	vm12 =	veq.s32 v50, $0x1;
	vm13 =	veq.s32 v50, $0x2  }
0xcd: {  	vm14 =	veq.s32 v50, $0x3;
	v16 =	vmax.f32 v16, v49;
	vm1 =	vmand vm10, vm11  }
0xce: {  	vm2 =	vmand vm10, vm13;
	vm0 =	vmand vm10, vm14;
	v26 =	vperm.xlane v16, v2  }
0xcf: {  	v17 =	vsel vm1, $0xFF61B1E6, v63;
	vm1 =	vmand vm10, vm12;
	v21 =	vsel vm2, $0xFF61B1E6, v21  }
0xd0: {  	v22 =	vsel vm0, $0xFF61B1E6, v22;
	v19 =	vsel vm1, $0xFF61B1E6, v19;
	v16 =	vmax.f32 v16, v26  }
0xd1: {  	v52 =	vmax.f32 v21, v22;
	v51 =	vmax.f32 v17, v19;
	v53 =	vperm.xlane v16, v3  }
0xd2: {  	v26 =	vmax.f32 v51, v52  }
0xd3: {  	v28 =	vperm.xlane v26, v1;
	v16 =	vmax.f32 v16, v53  }
0xd4: {  	v31 =	vperm.xlane v16, v5  }
0xd5: {  	v26 =	vmax.f32 v26, v28  }
0xd6: {  	v28 =	vperm.xlane v26, v2;
	v16 =	vmax.f32 v16, v31  }
0xd7: {  	vm15 =	veq.f32 v46, v16  }
0xd8: {  	v26 =	vmax.f32 v26, v28;
	vm4 =	veq.f32 v11, v16;
	v54 =	vnsel vm15, $0x40, v27  }
0xd9: {  	vm5 =	veq.f32 v9, v16;
	v55 =	vperm.xlane v26, v3;
	v28 =	vsel vm4, v7, v54  }
0xda: {  	vm6 =	veq.f32 v44, v16;
	v28 =	vsel vm5, v6, v28  }
0xdb: {  	v26 =	vmax.f32 v26, v55;
	v56 =	vsel vm6, v0, v28  }
0xdc: {  	v58 =	vperm.xlane v26, v5;
	v32 =	vperm.xlane v56, v1;
	_ =	sdelay $0x1  }
0xdd: {  	v28 =	vmax.f32 v26, v58;
	vm7 =	vlt.s32 v56, v32  }
0xde: {  	vm8 =	veq.f32 v22, v28;
	v59 =	vsel vm7, v56, v32  }
0xdf: {  	vm9 =	veq.f32 v21, v28;
	v60 =	vnsel vm8, $0x40, v27;
	v32 =	vperm.xlane v59, v2  }
0xe0: {  	vm10 =	veq.f32 v19, v28;
	v31 =	vsel vm9, v7, v60  }
0xe1: {  	vm11 =	veq.f32 v17, v28;
	v31 =	vsel vm10, v6, v31;
	vm12 =	vlt.s32 v59, v32  }
0xe2: {  	v31 =	vsel vm11, v0, v31;
	v26 =	vsel vm12, v59, v32  }
0xe3: {  	v61 =	vperm.xlane v31, v1;
	v33 =	vperm.xlane v26, v3;
	_ =	sdelay $0x1  }
0xe4: {  	vm0 =	vlt.s32 v31, v61;
	vm1 =	vlt.s32 v26, v33  }
0xe5: {  	v31 =	vsel vm0, v31, v61;
	v26 =	vsel vm1, v26, v33  }
0xe6: {  	v32 =	vperm.xlane v31, v2;
	v33 =	vperm.xlane v26, v5;
	_ =	sdelay $0x1  }
0xe7: {  	vm0 =	vlt.s32 v31, v32;
	vm1 =	vlt.s32 v26, v33  }
0xe8: {  	v32 =	vsel vm0, v31, v32;
	v31 =	vsel vm1, v26, v33  }
0xe9: {  	v62 =	vperm.xlane v32, v3;
	v33 =	vshrl.u32 v31, $0x4;
	v34 =	vand.u32 $0xF, v31  }
0xea: {  	vm13 =	veq.s32 v34, v0;
	vm14 =	veq.s32 v33, $0x0  }
0xeb: {  	vm15 =	vlt.s32 v32, v62;
	vm6 =	veq.s32 v33, $0x1;
	vm8 =	veq.s32 v33, $0x2  }
0xec: {  	vm9 =	veq.s32 v33, $0x3;
	vm1 =	vmand vm13, vm14;
	v26 =	vsel vm15, v32, v62  }
0xed: {  	vm7 =	vmand vm13, vm6;
	vm0 =	vmand vm13, vm9;
	v32 =	vperm.xlane v26, v5  }
0xee: {  	v30 =	vsel vm1, $0xFF61B1E6, v44;
	v63 =	vsel vm7, $0xFF61B1E6, v9;
	vm1 =	vmand vm13, vm8  }
0xef: {  	v29 =	vsel vm0, $0xFF61B1E6, v46;
	v35 =	vsel vm1, $0xFF61B1E6, v11;
	vm10 =	vlt.s32 v26, v32  }
0xf0: {  	v41 =	vmax.f32 v30, v63;
	v43 =	vmax.f32 v35, v29;
	v40 =	vsel vm10, v26, v32  }
0xf1: {  	v11 =	vmax.f32 v41, v43;
	v26 =	vshrl.u32 v40, $0x4;
	v32 =	vand.u32 $0xF, v40  }
0xf2: {  	v44 =	vperm.xlane v11, v1;
	vm11 =	veq.s32 v32, v0;
	vm12 =	veq.s32 v26, $0x0  }
0xf3: {  	vm13 =	veq.s32 v26, $0x1;
	vm14 =	veq.s32 v26, $0x2;
	vm15 =	veq.s32 v26, $0x3  }
0xf4: {  	vm1 =	vmand vm11, vm12;
	vm2 =	vmand vm11, vm14;
	vm0 =	vmand vm11, vm15  }
0xf5: {  	v11 =	vmax.f32 v11, v44;
	v17 =	vsel vm1, $0xFF61B1E6, v17;
	vm1 =	vmand vm11, vm13  }
0xf6: {  	v21 =	vsel vm2, $0xFF61B1E6, v21;
	v22 =	vsel vm0, $0xFF61B1E6, v22;
	v19 =	vsel vm1, $0xFF61B1E6, v19  }
0xf7: {  	v47 =	vperm.xlane v11, v2;
	v46 =	vmax.f32 v21, v22;
	v45 =	vmax.f32 v17, v19  }
0xf8: {  	v26 =	vmax.f32 v45, v46  }
0xf9: {  	v11 =	vmax.f32 v11, v47;
	v32 =	vperm.xlane v26, v1  }
0xfa: {  	v33 =	vperm.xlane v11, v3  }
0xfb: {  	v26 =	vmax.f32 v26, v32  }
0xfc: {  	v11 =	vmax.f32 v11, v33;
	v32 =	vperm.xlane v26, v2  }
0xfd: {  	v33 =	vperm.xlane v11, v5  }
0xfe: {  	v26 =	vmax.f32 v26, v32  }
0xff: {  	v36 =	vmax.f32 v11, v33;
	v32 =	vperm.xlane v26, v3  }
0x100: {  	vm4 =	veq.f32 v29, v36  }
0x101: {  	vm5 =	veq.f32 v35, v36;
	v49 =	vnsel vm4, $0x40, v27;
	v48 =	vmax.f32 v26, v32  }
0x102: {  	vm6 =	veq.f32 v63, v36;
	v26 =	vsel vm5, v7, v49;
	v32 =	vperm.xlane v48, v5  }
0x103: {  	vm7 =	veq.f32 v30, v36;
	v26 =	vsel vm6, v6, v26  }
0x104: {  	v50 =	vsel vm7, v0, v26;
	v33 =	vmax.f32 v48, v32  }
0x105: {  	v26 =	vperm.xlane v50, v1;
	vm8 =	veq.f32 v22, v33  }
0x106: {  	vm9 =	veq.f32 v21, v33;
	v51 =	vnsel vm8, $0x40, v27  }
0x107: {  	vm10 =	veq.f32 v19, v33;
	vm11 =	vlt.s32 v50, v26;
	v32 =	vsel vm9, v7, v51  }
0x108: {  	vm12 =	veq.f32 v17, v33;
	v11 =	vsel vm11, v50, v26;
	v32 =	vsel vm10, v6, v32  }
0x109: {  	v53 =	vperm.xlane v11, v2;
	v52 =	vsel vm12, v0, v32  }
0x10a: {  	v37 =	vperm.xlane v52, v1  }
0x10b: {  	vm13 =	vlt.s32 v11, v53  }
0x10c: {  	v11 =	vsel vm13, v11, v53;
	vm14 =	vlt.s32 v52, v37  }
0x10d: {  	v32 =	vperm.xlane v11, v3;
	v26 =	vsel vm14, v52, v37  }
0x10e: {  	v37 =	vperm.xlane v26, v2  }
0x10f: {  	vm0 =	vlt.s32 v11, v32  }
0x110: {  	v11 =	vsel vm0, v11, v32;
	vm1 =	vlt.s32 v26, v37  }
0x111: {  	v55 =	vperm.xlane v11, v5;
	v54 =	vsel vm1, v26, v37  }
0x112: {  	v37 =	vperm.xlane v54, v3  }
0x113: {  	vm0 =	vlt.s32 v11, v55  }
0x114: {  	v26 =	vsel vm0, v11, v55;
	vm1 =	vlt.s32 v54, v37  }
0x115: {  	v59 =	vand.u32 $0xF, v26;
	v56 =	vsel vm1, v54, v37  }
0x116: {  	v58 =	vshrl.u32 v26, $0x4;
	vm15 =	veq.s32 v59, v0;
	v38 =	vperm.xlane v56, v5  }
0x117: {  	vm5 =	veq.s32 v58, $0x0;
	vm6 =	veq.s32 v58, $0x1;
	vm9 =	veq.s32 v58, $0x2  }
0x118: {  	vm12 =	veq.s32 v58, $0x3;
	vm1 =	vmand vm15, vm5;
	vm7 =	vlt.s32 v56, v38  }
0x119: {  	vm8 =	vmand vm15, vm6;
	vm0 =	vmand vm15, vm12;
	v60 =	vsel vm7, v56, v38  }
0x11a: {  	v30 =	vsel vm1, $0xFF61B1E6, v30;
	vm1 =	vmand vm15, vm9;
	v38 =	vand.u32 $0xF, v60  }
0x11b: {  	v62 =	vsel vm1, $0xFF61B1E6, v35;
	v61 =	vshrl.u32 v60, $0x4;
	vm10 =	veq.s32 v38, v0  }
0x11c: {  	vm11 =	veq.s32 v61, $0x0;
	vm13 =	veq.s32 v61, $0x1;
	vm14 =	veq.s32 v61, $0x2  }
0x11d: {  	vm15 =	veq.s32 v61, $0x3;
	vm3 =	vmand vm10, vm11;
	vm1 =	vmand vm10, vm13  }
0x11e: {  	vm2 =	vmand vm10, vm15;
	v17 =	vsel vm3, $0xFF61B1E6, v17;
	vm3 =	vmand vm10, vm14  }
0x11f: {  	v19 =	vsel vm1, $0xFF61B1E6, v19;
	v38 =	vsel vm2, $0xFF61B1E6, v22;
	v37 =	vsel vm3, $0xFF61B1E6, v21  }
0x120: {  	v8 =	vmax.f32 v17, v19;
	v9 =	vmax.f32 v37, v38  }
0x121: {  	v22 =	vmax.f32 v8, v9  }
0x122: {  	v34 =	vsel vm8, $0xFF61B1E6, v63;
	v63 =	vsel vm0, $0xFF61B1E6, v29;
	v44 =	vperm.xlane v22, v1  }
0x123: {  	v12 =	vsub.f32 v12, v10;
	v11 =	vmax.f32 v30, v34;
	v39 =	vmax.f32 v62, v63  }
0x124: {  	v13 =	vsub.f32 v13, v10;
	v43 =	vmax.f32 v11, v39;
	v22 =	vmax.f32 v22, v44  }
0x125: {  	v45 =	vsub.f32 v10, v10;
	v39 =	vperm.xlane v43, v1;
	v35 =	vperm.xlane v22, v2  }
0x126: {  	v12 =	vmul.f32 $1.442695020e+00, v12;
	v13 =	vmul.f32 $1.442695020e+00, v13  }
0x127: {  	v29 =	vmax.f32 v43, v39;
	v22 =	vmax.f32 v22, v35;
	v35 =	vmul.f32 $1.442695020e+00, v45  }
0x128: {  	v39 =	vperm.xlane v29, v2;
	v46 =	vperm.xlane v22, v3  }
0x129: {  	v15 =	vsub.f32 v15, v10;
	v47 =	vsub.f32 v14, v10;
	(erf) = vpow2.f32 v35  }
0x12a: {  	v29 =	vmax.f32 v29, v39;
	v22 =	vmax.f32 v22, v46;
	(erf) = vpow2.f32 v12  }
0x12b: {  	v16 =	vsub.f32 v16, v10;
	[tilespmem:$0x1FF00] =	vst v40;
	v40 =	vperm.xlane v29, v3;
	v39 =	vperm.xlane v22, v5  }
0x12c: {  	v12 =	vmul.f32 $1.442695020e+00, v47;
	(erf) = vpow2.f32 v13  }
0x12d: {  	v50 =	vmul.f32 $1.442695020e+00, v15;
	v51 =	vmul.f32 $1.442695020e+00, v16;
	v35 =	vmax.f32 v22, v39  }
0x12e: {  	v29 =	vmax.f32 v29, v40;
	(erf) = vpow2.f32 v12;
	vm5 =	veq.f32 v38, v35  }
0x12f: {  	v48 =	vperm.xlane v29, v5;
	vm6 =	veq.f32 v37, v35;
	v49 =	vnsel vm5, $0x40, v27  }
0x130: {  	(erf) = vpow2.f32 v50;
	vm7 =	veq.f32 v19, v35;
	v13 =	vsel vm6, v7, v49  }
0x131: {  	v53 =	vsub.f32 v36, v10;
	vm8 =	veq.f32 v17, v35;
	v13 =	vsel vm7, v6, v13  }
0x132: {  	v14 =	vmax.f32 v29, v48;
	(erf) = vpow2.f32 v51;
	v13 =	vsel vm8, v0, v13;
	v39 =	vpop (erf)  }
0x133: {  	v10 =	vsub.f32 v14, v10;
	v12 =	vmul.f32 $1.442695020e+00, v53;
	v52 =	vperm.xlane v13, v1;
	v40 =	vpop (erf)  }
0x134: {  	v55 =	vadd.f32 v40, v39  }
0x135: {  	v10 =	vmul.f32 $1.442695020e+00, v10;
	(erf) = vpow2.f32 v12;
	v41 =	vpop (erf);
	vm9 =	vlt.s32 v13, v52  }
0x136: {  	v13 =	vsel vm9, v13, v52;
	v56 =	vadd.f32 v41, v55  }
0x137: {  	[tilespmem:$0x1FEF0] =	vst v4;
	(erf) = vpow2.f32 v10;
	v4 =	vpop (erf);
	v54 =	vperm.xlane v13, v2  }
0x138: {  	v10 =	vadd.f32 v4, v56  }
0x139: {  	v43 =	vpop (erf);
	vm0 =	vlt.s32 v13, v54  }
0x13a: {  	v15 =	vld [tilespmem:$0x110];
	v58 =	vsel vm0, v13, v54;
	v10 =	vadd.f32 v43, v10  }
0x13b: {  	v16 =	vld [tilespmem:$0x120];
	v46 =	vpop (erf);
	v13 =	vperm.xlane v58, v3  }
0x13c: {  	v21 =	vld [tilespmem:$0x100];
	vm10 =	veq.f32 v30, v14;
	v10 =	vadd.f32 v46, v10  }
0x13d: {  	vm11 =	veq.f32 v63, v14;
	vm12 =	veq.f32 v62, v14;
	v22 =	vld [tilespmem:$0x130];
	vm0 =	vlt.s32 v58, v13  }
0x13e: {  	vm13 =	veq.f32 v34, v14;
	v59 =	vnsel vm11, $0x40, v27;
	v14 =	vpop (erf);
	v12 =	vsel vm0, v58, v13  }
0x13f: {  	[tilespmem:$0x1FF10] =	vst v60;
	v60 =	vsel vm12, v7, v59;
	v62 =	vadd.f32 v14, v10;
	v13 =	vperm.xlane v12, v5  }
0x140: {  	v61 =	vsel vm13, v6, v60;
	v10 =	vpop (erf)  }
0x141: {  	v23 =	vsel vm10, v0, v61;
	vm14 =	vlt.s32 v12, v13;
	v30 =	vadd.f32 v10, v62  }
0x142: {  	v50 =	vmax.f32 v21, v15;
	v51 =	vmax.f32 v16, v22;
	v63 =	vsel vm14, v12, v13  }
0x143: {  	v44 =	vshrl.u32 v63, $0x4;
	v45 =	vand.u32 $0xF, v63;
	(erf) = vrcp.f32 v30  }
0x144: {  	vm15 =	veq.s32 v45, v0;
	vm6 =	veq.s32 v44, $0x0;
	vm7 =	veq.s32 v44, $0x1  }
0x145: {  	vm8 =	veq.s32 v44, $0x2;
	vm9 =	veq.s32 v44, $0x3;
	vm1 =	vmand vm15, vm6  }
0x146: {  	vm2 =	vmand vm15, vm8;
	v29 =	vsel vm1, $0xFF61B1E6, v17;
	v17 =	vmax.f32 v50, v51  }
0x147: {  	vm0 =	vmand vm15, vm9;
	vm1 =	vmand vm15, vm7;
	v52 =	vperm.xlane v17, v1  }
0x148: {  	v30 =	vsel vm2, $0xFF61B1E6, v37;
	v34 =	vsel vm0, $0xFF61B1E6, v38;
	v50 =	vsel vm1, $0xFF61B1E6, v19  }
0x149: {  	v37 =	vmax.f32 v30, v34;
	v19 =	vmax.f32 v29, v50;
	v17 =	vmax.f32 v17, v52  }
0x14a: {  	v47 =	vperm.xlane v23, v1;
	v19 =	vmax.f32 v19, v37;
	v32 =	vperm.xlane v17, v2  }
0x14b: {  	v37 =	vperm.xlane v19, v1  }
0x14c: {  	vm10 =	vlt.s32 v23, v47;
	v17 =	vmax.f32 v17, v32  }
0x14d: {  	v12 =	vsel vm10, v23, v47;
	v19 =	vmax.f32 v19, v37;
	v32 =	vperm.xlane v17, v3  }
0x14e: {  	v53 =	vperm.xlane v12, v2;
	v55 =	vperm.xlane v19, v2  }
0x14f: {  	vm11 =	veq.s32 v42, v0;
	vm12 =	veq.s32 v57, v0;
	v17 =	vmax.f32 v17, v32  }
0x150: {  	vm0 =	vlt.s32 v12, v53;
	v19 =	vmax.f32 v19, v55;
	v56 =	vperm.xlane v17, v5  }
0x151: {  	vm10 =	veq.s32 v25, v0;
	v12 =	vsel vm0, v12, v53;
	v36 =	vpop (erf);
	v58 =	vperm.xlane v19, v3  }
0x152: {  	v47 =	vperm.xlane v12, v3;
	v54 =	vmul.f32 v36, v39;
	v17 =	vmax.f32 v17, v56  }
0x153: {  	v39 =	vmul.f32 v36, v40;
	v19 =	vmax.f32 v19, v58;
	vm13 =	veq.f32 v22, v17  }
0x154: {  	v59 =	vperm.xlane v19, v5;
	vm14 =	veq.f32 v16, v17;
	v60 =	vnsel vm13, $0x40, v27  }
0x155: {  	v45 =	vmul.f32 v36, v41;
	vm15 =	veq.f32 v15, v17;
	v38 =	vsel vm14, v7, v60  }
0x156: {  	vm4 =	veq.f32 v21, v17;
	v40 =	vmax.f32 v19, v59;
	v61 =	vsel vm15, v6, v38  }
0x157: {  	v32 =	vadd.f32 $0.0e+00, v54;
	vm5 =	veq.f32 v34, v40;
	v19 =	vsel vm4, v0, v61  }
0x158: {  	[tilespmem:$0x1FF20] =	vst v63;
	vm6 =	veq.f32 v30, v40;
	v63 =	vnsel vm5, $0x40, v27;
	v48 =	vperm.xlane v19, v1  }
0x159: {  	v62 =	vnsel vm12, $0x0, v39;
	vm7 =	veq.f32 v50, v40;
	v38 =	vsel vm6, v7, v63  }
0x15a: {  	vm8 =	veq.f32 v29, v40;
	v38 =	vsel vm7, v6, v38;
	vm9 =	vlt.s32 v19, v48  }
0x15b: {  	v44 =	vnsel vm11, $0x0, v32;
	v38 =	vsel vm8, v0, v38;
	v19 =	vsel vm9, v19, v48  }
0x15c: {  	v37 =	vadd.f32 v44, v62;
	v8 =	vperm.xlane v38, v1;
	v48 =	vperm.xlane v19, v2  }
0x15d: {  	v9 =	vnsel vm10, $0x0, v45;
	vm11 =	vlt.s32 v12, v47;
	v44 =	vmul.f32 v36, v4  }
0x15e: {  	v37 =	vadd.f32 v37, v9;
	vm12 =	vlt.s32 v38, v8;
	vm13 =	vlt.s32 v19, v48  }
0x15f: {  	vm14 =	veq.s32 v20, v0;
	v38 =	vsel vm12, v38, v8;
	v19 =	vsel vm13, v19, v48  }
0x160: {  	v11 =	vnsel vm14, $0x0, v44;
	v41 =	vperm.xlane v38, v2;
	v48 =	vperm.xlane v19, v3  }
0x161: {  	v51 =	vsel vm11, v12, v47;
	v9 =	vmul.f32 v36, v43;
	v12 =	vadd.f32 v37, v11  }
0x162: {  	vm5 =	veq.s32 v24, v0;
	vm15 =	vlt.s32 v38, v41;
	vm4 =	vlt.s32 v19, v48  }
0x163: {  	v13 =	vsel vm15, v38, v41;
	v41 =	vmul.f32 v36, v46;
	v19 =	vsel vm4, v19, v48  }
0x164: {  	v47 =	vnsel vm5, $0x0, v9;
	v38 =	vperm.xlane v13, v3;
	v23 =	vperm.xlane v19, v5  }
0x165: {  	v52 =	vperm.xlane v51, v5;
	vm7 =	veq.s32 v31, v0;
	v48 =	vadd.f32 v12, v47  }
0x166: {  	v55 =	vnsel vm7, $0x0, v41;
	vm6 =	vlt.s32 v13, v38;
	vm1 =	vlt.s32 v19, v23  }
0x167: {  	v37 =	vsel vm6, v13, v38;
	vm6 =	vlt.s32 v51, v52;
	v49 =	vsel vm1, v19, v23  }
0x168: {  	v38 =	vmul.f32 v36, v14;
	v53 =	vperm.xlane v37, v5;
	v43 =	vand.u32 $0xF, v49  }
0x169: {  	v36 =	vmul.f32 v36, v10;
	v54 =	vshrl.u32 v49, $0x4;
	vm8 =	veq.s32 v43, v0  }
0x16a: {  	vm9 =	veq.s32 v54, $0x0;
	vm10 =	vlt.s32 v37, v53;
	vm11 =	veq.s32 v54, $0x1  }
0x16b: {  	vm13 =	veq.s32 v54, $0x2;
	vm14 =	veq.s32 v54, $0x3;
	v43 =	vadd.f32 v48, v55  }
0x16c: {  	vm2 =	vmand vm8, vm9;
	v19 =	vsel vm10, v37, v53;
	vm12 =	vmand vm8, vm11  }
0x16d: {  	vm15 =	vmand vm8, vm13;
	vm1 =	vmand vm8, vm14;
	vm13 =	veq.s32 v42, v6  }
0x16e: {  	vm14 =	veq.s32 v57, v6;
	v46 =	vsel vm2, $0xFF61B1E6, v21;
	v56 =	vshrl.u32 v19, $0x4  }
0x16f: {  	v37 =	vand.u32 $0xF, v19;
	v47 =	vsel vm12, $0xFF61B1E6, v15;
	v48 =	vsel vm15, $0xFF61B1E6, v16  }
0x170: {  	[tilespmem:$0x1FF30] =	vst v49;
	v49 =	vsel vm1, $0xFF61B1E6, v22;
	vm7 =	veq.s32 v37, v0;
	v15 =	vmax.f32 v46, v47  }
0x171: {  	v16 =	vmax.f32 v48, v49;
	vm8 =	veq.s32 v56, $0x0;
	vm9 =	veq.s32 v56, $0x1  }
0x172: {  	vm10 =	veq.s32 v56, $0x2;
	vm11 =	veq.s32 v56, $0x3;
	v15 =	vmax.f32 v15, v16  }
0x173: {  	vm2 =	vmand vm7, vm8;
	vm3 =	vmand vm7, vm9;
	vm1 =	vmand vm7, vm11  }
0x174: {  	v58 =	vperm.xlane v15, v1;
	v22 =	vsel vm2, $0xFF61B1E6, v29;
	vm2 =	vmand vm7, vm10  }
0x175: {  	v16 =	vsel vm3, $0xFF61B1E6, v50;
	v14 =	vsel vm1, $0xFF61B1E6, v34;
	v21 =	vsel vm2, $0xFF61B1E6, v30  }
0x176: {  	v60 =	vmax.f32 v22, v16;
	v15 =	vmax.f32 v15, v58;
	v34 =	vmax.f32 v21, v14  }
0x177: {  	vm12 =	veq.s32 v26, v0;
	v59 =	vperm.xlane v15, v2;
	v30 =	vmax.f32 v60, v34  }
0x178: {  	v13 =	vnsel vm13, $0x0, v32;
	v23 =	vnsel vm14, $0x0, v39;
	v63 =	vperm.xlane v30, v1  }
0x179: {  	vm15 =	veq.s32 v25, v6;
	v61 =	vnsel vm12, $0x0, v38;
	v15 =	vmax.f32 v15, v59  }
0x17a: {  	v37 =	vsel vm6, v51, v52;
	v62 =	vperm.xlane v15, v3;
	v4 =	vmax.f32 v30, v63  }
0x17b: {  	v53 =	vnsel vm15, $0x0, v45;
	vm8 =	veq.s32 v20, v6;
	v52 =	vperm.xlane v4, v2  }
0x17c: {  	v29 =	vadd.f32 v43, v61;
	v58 =	vlaneseq.u32;
	v0 =	vmax.f32 v15, v62  }
0x17d: {  	v34 =	vadd.f32 v13, v23;
	v12 =	vperm.xlane v0, v5;
	v15 =	vmax.f32 v4, v52  }
0x17e: {  	vm10 =	veq.s32 v24, v6;
	vm9 =	veq.s32 v37, v58;
	v54 =	vperm.xlane v15, v3  }
0x17f: {  	v61 =	vnsel vm9, $0x0, v36;
	v10 =	vadd.f32 v34, v53;
	v30 =	vmax.f32 v0, v12  }
0x180: {  	v59 =	vnsel vm8, $0x0, v44;
	vm4 =	veq.f32 v49, v30;
	v15 =	vmax.f32 v15, v54  }
0x181: {  	vm5 =	veq.f32 v48, v30;
	v55 =	vnsel vm4, $0x40, v27;
	v43 =	vperm.xlane v15, v5  }
0x182: {  	v10 =	vadd.f32 v10, v59;
	vm6 =	veq.f32 v47, v30;
	v56 =	vsel vm5, v7, v55  }
0x183: {  	vm7 =	veq.f32 v46, v30;
	v34 =	vsel vm6, v6, v56;
	v43 =	vmax.f32 v15, v43  }
0x184: {  	v4 =	vadd.f32 v29, v61;
	v34 =	vsel vm7, v58, v34;
	vm11 =	veq.f32 v14, v43  }
0x185: {  	vm13 =	veq.f32 v21, v43;
	v60 =	vperm.xlane v34, v1;
	v62 =	vnsel vm11, $0x40, v27  }
0x186: {  	v12 =	vlaneseq.u32;
	vm14 =	veq.f32 v16, v43;
	v15 =	vsel vm13, v7, v62  }
0x187: {  	vm15 =	veq.f32 v22, v43;
	vm12 =	vlt.s32 v34, v60;
	v15 =	vsel vm14, v6, v15  }
0x188: {  	v0 =	vnsel vm10, $0x0, v9;
	v34 =	vsel vm12, v34, v60;
	v15 =	vsel vm15, v12, v15  }
0x189: {  	vm5 =	veq.s32 v31, v6;
	v63 =	vperm.xlane v34, v2;
	v53 =	vperm.xlane v15, v1  }
0x18a: {  	vm10 =	veq.s32 v42, v7;
	v51 =	vadd.f32 v10, v0;
	v8 =	vnsel vm5, $0x0, v41  }
0x18b: {  	vm6 =	veq.s32 v26, v6;
	vm4 =	vlt.s32 v34, v63;
	vm7 =	vlt.s32 v15, v53  }
0x18c: {  	v0 =	vld [tilespmem:$0x190];
	v29 =	vadd.f32 v51, v8;
	v34 =	vsel vm4, v34, v63;
	v15 =	vsel vm7, v15, v53  }
0x18d: {  	v10 =	vnsel vm6, $0x0, v38;
	v51 =	vld [tilespmem:$0x180];
	v50 =	vperm.xlane v34, v3;
	v11 =	vperm.xlane v15, v2  }
0x18e: {  	vm9 =	veq.s32 v37, v6;
	v13 =	vnsel vm10, $0x0, v32;
	v52 =	vadd.f32 v29, v10  }
0x18f: {  	vm12 =	veq.s32 v57, v7;
	vm8 =	vlt.s32 v34, v50;
	vm11 =	vlt.s32 v15, v11  }
0x190: {  	v56 =	vld [tilespmem:$0x1A0];
	v54 =	vnsel vm12, $0x0, v39;
	v34 =	vsel vm8, v34, v50;
	v29 =	vsel vm11, v15, v11  }
0x191: {  	v58 =	vld [tilespmem:$0x1B0];
	v23 =	vadd.f32 v13, v54;
	v50 =	vperm.xlane v34, v5;
	v55 =	vperm.xlane v29, v3  }
0x192: {  	v13 =	vmax.f32 v51, v0;
	v53 =	vnsel vm9, $0x0, v36;
	vm7 =	veq.s32 v25, v7  }
0x193: {  	v59 =	vnsel vm7, $0x0, v45;
	vm13 =	vlt.s32 v34, v50;
	vm14 =	vlt.s32 v29, v55  }
0x194: {  	v15 =	vsel vm13, v34, v50;
	v29 =	vsel vm14, v29, v55;
	v34 =	vadd.f32 v23, v59  }
0x195: {  	vm13 =	veq.s32 v20, v7;
	v50 =	vshrl.u32 v15, $0x4;
	v62 =	vand.u32 $0xF, v15  }
0x196: {  	[tilespmem:$0x1FF40] =	vst v15;
	v60 =	vperm.xlane v29, v5;
	v10 =	vnsel vm13, $0x0, v44;
	v15 =	vmax.f32 v56, v58  }
0x197: {  	vm15 =	veq.s32 v62, v12;
	vm6 =	veq.s32 v50, $0x0;
	vm9 =	veq.s32 v50, $0x1  }
0x198: {  	vm10 =	veq.s32 v50, $0x2;
	vm11 =	veq.s32 v50, $0x3;
	vm8 =	vmand vm15, vm6  }
0x199: {  	vm0 =	vmand vm15, vm9;
	vm2 =	vmand vm15, vm10;
	vm1 =	vmand vm15, vm11  }
0x19a: {  	vm12 =	vlt.s32 v29, v60;
	v61 =	vsel vm8, $0xFF61B1E6, v46;
	v62 =	vsel vm0, $0xFF61B1E6, v47  }
0x19b: {  	v54 =	vsel vm2, $0xFF61B1E6, v48;
	v55 =	vsel vm1, $0xFF61B1E6, v49;
	v29 =	vsel vm12, v29, v60  }
0x19c: {  	v48 =	vmax.f32 v13, v15;
	v46 =	vmax.f32 v61, v62;
	v63 =	vmax.f32 v54, v55  }
0x19d: {  	[tilespmem:$0x1FF60] =	vst v4;
	v60 =	vadd.f32 v34, v10;
	v4 =	vand.u32 $0xF, v29;
	v46 =	vmax.f32 v46, v63  }
0x19e: {  	v11 =	vshrl.u32 v29, $0x4;
	v49 =	vperm.xlane v48, v1;
	v8 =	vperm.xlane v46, v1  }
0x19f: {  	vm14 =	veq.s32 v4, v12;
	vm15 =	veq.s32 v11, $0x0;
	vm5 =	veq.s32 v11, $0x1  }
0x1a0: {  	vm6 =	veq.s32 v11, $0x2;
	v34 =	vmax.f32 v48, v49;
	v46 =	vmax.f32 v46, v8  }
0x1a1: {  	vm8 =	veq.s32 v11, $0x3;
	v48 =	vperm.xlane v34, v2;
	v23 =	vperm.xlane v46, v2  }
0x1a2: {  	vm4 =	vmand vm14, vm15;
	vm2 =	vmand vm14, vm5;
	vm1 =	vmand vm14, vm8  }
0x1a3: {  	v47 =	vsel vm4, $0xFF61B1E6, v22;
	v8 =	vmax.f32 v34, v48;
	v63 =	vmax.f32 v46, v23  }
0x1a4: {  	v50 =	vsel vm2, $0xFF61B1E6, v16;
	v10 =	vperm.xlane v8, v3;
	v46 =	vperm.xlane v63, v3  }
0x1a5: {  	vm7 =	vmand vm14, vm6;
	v49 =	vsel vm1, $0xFF61B1E6, v14;
	v11 =	vmax.f32 v47, v50  }
0x1a6: {  	v48 =	vsel vm7, $0xFF61B1E6, v21;
	v21 =	vmax.f32 v8, v10;
	v4 =	vmax.f32 v63, v46  }
0x1a7: {  	v13 =	vmax.f32 v48, v49;
	v46 =	vperm.xlane v21, v5;
	v22 =	vperm.xlane v4, v5  }
0x1a8: {  	v14 =	vmax.f32 v11, v13  }
0x1a9: {  	v34 =	vmax.f32 v4, v22;
	v22 =	vmax.f32 v21, v46;
	v4 =	vperm.xlane v14, v1  }
0x1aa: {  	vm9 =	veq.f32 v55, v34;
	vm10 =	veq.f32 v54, v34;
	vm11 =	veq.f32 v62, v34  }
0x1ab: {  	vm12 =	veq.f32 v61, v34;
	vm13 =	veq.f32 v58, v22;
	vm14 =	veq.f32 v56, v22  }
0x1ac: {  	vm15 =	veq.f32 v0, v22;
	v59 =	vnsel vm9, $0x40, v27;
	v10 =	vnsel vm13, $0x40, v27  }
0x1ad: {  	vm7 =	veq.f32 v51, v22;
	v63 =	vsel vm10, v7, v59;
	v11 =	vsel vm14, v7, v10  }
0x1ae: {  	v21 =	vmax.f32 v14, v4;
	v16 =	vsel vm11, v6, v63;
	v14 =	vsel vm15, v6, v11  }
0x1af: {  	v13 =	vperm.xlane v21, v2;
	v16 =	vsel vm12, v12, v16;
	v14 =	vsel vm7, v12, v14  }
0x1b0: {  	v8 =	vperm.xlane v16, v1;
	v23 =	vperm.xlane v14, v1  }
0x1b1: {  	v53 =	vadd.f32 v52, v53;
	vm0 =	veq.s32 v24, v7;
	vm10 =	veq.s32 v31, v7  }
0x1b2: {  	v21 =	vmax.f32 v21, v13;
	vm6 =	vlt.s32 v16, v8;
	vm9 =	vlt.s32 v14, v23  }
0x1b3: {  	v13 =	vperm.xlane v21, v3;
	v16 =	vsel vm6, v16, v8;
	v14 =	vsel vm9, v14, v23  }
0x1b4: {  	v63 =	vnsel vm0, $0x0, v9;
	v15 =	vperm.xlane v16, v2;
	v46 =	vperm.xlane v14, v2  }
0x1b5: {  	v59 =	vnsel vm10, $0x0, v41;
	vm11 =	veq.s32 v26, v7;
	v21 =	vmax.f32 v21, v13  }
0x1b6: {  	v52 =	vperm.xlane v21, v5;
	vm8 =	vlt.s32 v16, v15;
	vm13 =	vlt.s32 v14, v46  }
0x1b7: {  	v60 =	vadd.f32 v60, v63;
	v4 =	vsel vm8, v16, v15;
	v16 =	vsel vm13, v14, v46  }
0x1b8: {  	v46 =	vmax.f32 v21, v52;
	v15 =	vperm.xlane v4, v3;
	v10 =	vperm.xlane v16, v3  }
0x1b9: {  	v63 =	vnsel vm11, $0x0, v38;
	vm15 =	veq.f32 v50, v46;
	vm5 =	veq.f32 v49, v46  }
0x1ba: {  	vm8 =	veq.f32 v48, v46;
	vm12 =	vlt.s32 v4, v15;
	vm7 =	vlt.s32 v16, v10  }
0x1bb: {  	v11 =	vnsel vm5, $0x40, v27;
	v4 =	vsel vm12, v4, v15;
	v13 =	vsel vm7, v16, v10  }
0x1bc: {  	v52 =	vsel vm8, v7, v11;
	v8 =	vperm.xlane v4, v5;
	v10 =	vperm.xlane v13, v5  }
0x1bd: {  	v59 =	vadd.f32 v60, v59;
	vm14 =	veq.f32 v47, v46;
	v11 =	vsel vm15, v6, v52  }
0x1be: {  	v52 =	vsel vm14, v12, v11;
	vm6 =	vlt.s32 v4, v8;
	vm11 =	vlt.s32 v13, v10  }
0x1bf: {  	v15 =	vperm.xlane v52, v1;
	v21 =	vsel vm6, v4, v8;
	v13 =	vsel vm11, v13, v10  }
0x1c0: {  	v14 =	vshrl.u32 v21, $0x4;
	v8 =	vand.u32 $0xF, v21;
	v4 =	vshrl.u32 v13, $0x4  }
0x1c1: {  	[tilespmem:$0x1FF70] =	vst v53;
	v53 =	vand.u32 $0xF, v13;
	vm0 =	veq.s32 v8, v12;
	vm9 =	veq.s32 v14, $0x0  }
0x1c2: {  	vm12 =	veq.s32 v14, $0x1;
	vm13 =	veq.s32 v53, v12;
	vm14 =	veq.s32 v4, $0x0  }
0x1c3: {  	vm6 =	veq.s32 v4, $0x1;
	vm8 =	veq.s32 v4, $0x2;
	vm11 =	veq.s32 v14, $0x3  }
0x1c4: {  	vm10 =	vmand vm0, vm9;
	vm1 =	vmand vm0, vm12;
	vm15 =	vmand vm13, vm14  }
0x1c5: {  	vm7 =	vmand vm13, vm6;
	vm9 =	veq.s32 v4, $0x3;
	v61 =	vsel vm10, $0xFF61B1E6, v61  }
0x1c6: {  	v53 =	vsel vm1, $0xFF61B1E6, v62;
	v60 =	vsel vm15, $0xFF61B1E6, v51;
	v0 =	vsel vm7, $0xFF61B1E6, v0  }
0x1c7: {  	vm1 =	vmand vm13, vm8;
	vm2 =	vmand vm13, vm9;
	vm10 =	veq.s32 v14, $0x2  }
0x1c8: {  	v4 =	vsel vm1, $0xFF61B1E6, v56;
	v58 =	vsel vm2, $0xFF61B1E6, v58;
	v14 =	vmax.f32 v60, v0  }
0x1c9: {  	vm12 =	vmand vm0, vm10;
	vm0 =	vmand vm0, vm11;
	v56 =	vmax.f32 v4, v58  }
0x1ca: {  	v54 =	vsel vm12, $0xFF61B1E6, v54;
	v55 =	vsel vm0, $0xFF61B1E6, v55;
	v23 =	vmax.f32 v14, v56  }
0x1cb: {  	v62 =	vmax.f32 v61, v53;
	v16 =	vmax.f32 v54, v55;
	v56 =	vperm.xlane v23, v1  }
0x1cc: {  	vm4 =	veq.s32 v37, v7;
	v62 =	vmax.f32 v62, v16  }
0x1cd: {  	vm14 =	vlt.s32 v52, v15;
	v11 =	vperm.xlane v62, v1;
	v23 =	vmax.f32 v23, v56  }
0x1ce: {  	[tilespmem:$0x1FF50] =	vst v13;
	v51 =	vadd.f32 v59, v63;
	v52 =	vsel vm14, v52, v15;
	v13 =	vperm.xlane v23, v2  }
0x1cf: {  	vm13 =	veq.s32 v42, v27;
	v59 =	vperm.xlane v52, v2;
	v56 =	vmax.f32 v62, v11  }
0x1d0: {  	vm15 =	veq.s32 v57, v27;
	v62 =	vperm.xlane v56, v2;
	v23 =	vmax.f32 v23, v13  }
0x1d1: {  	v32 =	vnsel vm13, $0x0, v32;
	vm6 =	vlt.s32 v52, v59;
	v63 =	vperm.xlane v23, v3  }
0x1d2: {  	v39 =	vnsel vm15, $0x0, v39;
	v15 =	vsel vm6, v52, v59;
	v14 =	vmax.f32 v56, v62  }
0x1d3: {  	v8 =	vperm.xlane v15, v3;
	v16 =	vperm.xlane v14, v3;
	v23 =	vmax.f32 v23, v63  }
0x1d4: {  	vm5 =	veq.s32 v25, v27;
	v32 =	vadd.f32 v32, v39;
	v42 =	vperm.xlane v23, v5  }
0x1d5: {  	v45 =	vnsel vm5, $0x0, v45;
	vm7 =	vlt.s32 v15, v8;
	v25 =	vmax.f32 v14, v16  }
0x1d6: {  	v63 =	vadd.f32 v32, v45;
	v11 =	vperm.xlane v25, v5;
	v32 =	vmax.f32 v23, v42  }
0x1d7: {  	v45 =	vsel vm7, v15, v8;
	vm8 =	veq.f32 v58, v32;
	vm9 =	veq.f32 v4, v32  }
0x1d8: {  	v39 =	vmax.f32 v25, v11;
	vm10 =	veq.f32 v0, v32;
	v13 =	vnsel vm8, $0x40, v27  }
0x1d9: {  	vm12 =	veq.f32 v60, v32;
	vm11 =	veq.f32 v55, v39;
	v14 =	vsel vm9, v7, v13  }
0x1da: {  	vm13 =	veq.f32 v54, v39;
	v15 =	vnsel vm11, $0x40, v27;
	v23 =	vsel vm10, v6, v14  }
0x1db: {  	vm14 =	veq.f32 v53, v39;
	v25 =	vsel vm13, v7, v15;
	v23 =	vsel vm12, v12, v23  }
0x1dc: {  	vm15 =	veq.f32 v61, v39;
	v25 =	vsel vm14, v6, v25;
	v16 =	vperm.xlane v23, v1  }
0x1dd: {  	v59 =	vnsel vm4, $0x0, v36;
	v42 =	vperm.xlane v45, v5;
	v25 =	vsel vm15, v12, v25  }
0x1de: {  	vm4 =	veq.s32 v20, v27;
	v57 =	vperm.xlane v25, v1;
	vm5 =	vlt.s32 v23, v16  }
0x1df: {  	v8 =	vnsel vm4, $0x0, v44;
	vm6 =	vlt.s32 v45, v42;
	v23 =	vsel vm5, v23, v16  }
0x1e0: {  	v16 =	vsel vm6, v45, v42;
	vm7 =	vlt.s32 v25, v57;
	v13 =	vperm.xlane v23, v2  }
0x1e1: {  	v45 =	vshrl.u32 v16, $0x4;
	v14 =	vand.u32 $0xF, v16;
	v25 =	vsel vm7, v25, v57  }
0x1e2: {  	vm8 =	veq.s32 v14, v12;
	vm10 =	veq.s32 v45, $0x0;
	v15 =	vperm.xlane v25, v2  }
0x1e3: {  	vm12 =	veq.s32 v45, $0x1;
	vm4 =	veq.s32 v45, $0x2;
	vm6 =	veq.s32 v45, $0x3  }
0x1e4: {  	vm9 =	vlt.s32 v23, v13;
	vm11 =	vmand vm8, vm10;
	vm13 =	vmand vm8, vm12  }
0x1e5: {  	vm5 =	vmand vm8, vm4;
	vm7 =	vmand vm8, vm6;
	v23 =	vsel vm9, v23, v13  }
0x1e6: {  	v47 =	vsel vm11, $0xFF61B1E6, v47;
	vm14 =	vlt.s32 v25, v15;
	v20 =	vperm.xlane v23, v3  }
0x1e7: {  	v44 =	vsel vm13, $0xFF61B1E6, v50;
	v45 =	vsel vm5, $0xFF61B1E6, v48;
	v25 =	vsel vm14, v25, v15  }
0x1e8: {  	v62 =	vsel vm7, $0xFF61B1E6, v49;
	v57 =	vperm.xlane v25, v3;
	vm15 =	vlt.s32 v23, v20  }
0x1e9: {  	v13 =	vmax.f32 v47, v44;
	v15 =	vmax.f32 v45, v62;
	v23 =	vsel vm15, v23, v20  }
0x1ea: {  	v48 =	vmax.f32 v13, v15;
	vm8 =	vlt.s32 v25, v57;
	v11 =	vperm.xlane v23, v5  }
0x1eb: {  	v28 =	vsub.f32 v28, v18;
	v42 =	vperm.xlane v48, v1;
	v25 =	vsel vm8, v25, v57  }
0x1ec: {  	v14 =	vperm.xlane v25, v5;
	vm9 =	vlt.s32 v23, v11  }
0x1ed: {  	v28 =	vmul.f32 $1.442695020e+00, v28;
	v15 =	vmax.f32 v48, v42;
	v23 =	vsel vm9, v23, v11  }
0x1ee: {  	vm10 =	vlt.s32 v25, v14;
	v52 =	vshrl.u32 v23, $0x4;
	v20 =	vand.u32 $0xF, v23  }
0x1ef: {  	v25 =	vsel vm10, v25, v14;
	vm11 =	veq.s32 v20, v12;
	vm12 =	veq.s32 v52, $0x0  }
0x1f0: {  	v50 =	vshrl.u32 v25, $0x4;
	vm14 =	veq.s32 v52, $0x1;
	vm15 =	veq.s32 v52, $0x2  }
0x1f1: {  	vm6 =	veq.s32 v52, $0x3;
	v57 =	vand.u32 $0xF, v25;
	vm13 =	vmand vm11, vm12  }
0x1f2: {  	vm0 =	vmand vm11, vm14;
	vm2 =	vmand vm11, vm15;
	vm1 =	vmand vm11, vm6  }
0x1f3: {  	vm7 =	veq.s32 v57, v12;
	vm8 =	veq.s32 v50, $0x0;
	vm9 =	veq.s32 v50, $0x1  }
0x1f4: {  	vm11 =	veq.s32 v50, $0x2;
	vm12 =	veq.s32 v50, $0x3;
	v60 =	vsel vm13, $0xFF61B1E6, v60  }
0x1f5: {  	v56 =	vsel vm0, $0xFF61B1E6, v0;
	v0 =	vsel vm2, $0xFF61B1E6, v4;
	v58 =	vsel vm1, $0xFF61B1E6, v58  }
0x1f6: {  	vm1 =	vmand vm7, vm8;
	vm10 =	vmand vm7, vm9;
	vm2 =	vmand vm7, vm11  }
0x1f7: {  	vm0 =	vmand vm7, vm12;
	v11 =	vmax.f32 v60, v56;
	v13 =	vmax.f32 v0, v58  }
0x1f8: {  	v49 =	vsel vm1, $0xFF61B1E6, v61;
	v52 =	vsel vm10, $0xFF61B1E6, v53;
	v14 =	vmax.f32 v11, v13  }
0x1f9: {  	v50 =	vsel vm2, $0xFF61B1E6, v54;
	v48 =	vsel vm0, $0xFF61B1E6, v55;
	v20 =	vperm.xlane v14, v1  }
0x1fa: {  	v8 =	vadd.f32 v63, v8;
	v53 =	vmax.f32 v49, v52;
	v54 =	vmax.f32 v50, v48  }
0x1fb: {  	v57 =	vperm.xlane v15, v2;
	v53 =	vmax.f32 v53, v54;
	v4 =	vmax.f32 v14, v20  }
0x1fc: {  	vm13 =	veq.s32 v24, v27;
	v63 =	vperm.xlane v53, v1;
	v20 =	vperm.xlane v4, v2  }
0x1fd: {  	v35 =	vsub.f32 v35, v18;
	v30 =	vsub.f32 v30, v17;
	v9 =	vnsel vm13, $0x0, v9  }
0x1fe: {  	v24 =	vmax.f32 v53, v63;
	v4 =	vmax.f32 v4, v20;
	v20 =	vmax.f32 v15, v57  }
0x1ff: {  	v57 =	vadd.f32 v51, v59;
	v59 =	vperm.xlane v24, v2;
	v61 =	vperm.xlane v4, v3  }
0x200: {  	v30 =	vmul.f32 $1.442695020e+00, v30;
	v34 =	vsub.f32 v34, v17;
	v8 =	vadd.f32 v8, v9  }
0x201: {  	v14 =	vperm.xlane v20, v3;
	v9 =	vmax.f32 v24, v59;
	v13 =	vmax.f32 v4, v61  }
0x202: {  	vm14 =	veq.s32 v31, v27;
	v24 =	vperm.xlane v9, v3;
	v15 =	vperm.xlane v13, v5  }
0x203: {  	v34 =	vmul.f32 $1.442695020e+00, v34;
	v53 =	vnsel vm14, $0x0, v41;
	[tilespmem:$0x1FF80] =	vst v57;
	v57 =	vsub.f32 v33, v18  }
0x204: {  	v20 =	vmax.f32 v20, v14;
	v9 =	vmax.f32 v9, v24;
	v31 =	vmax.f32 v13, v15  }
0x205: {  	v4 =	vsub.f32 v18, v18;
	v15 =	vperm.xlane v9, v5;
	vm15 =	veq.f32 v58, v31  }
0x206: {  	v61 =	vperm.xlane v20, v5;
	vm4 =	veq.f32 v0, v31;
	v63 =	vnsel vm15, $0x40, v27  }
0x207: {  	vm5 =	veq.f32 v56, v31;
	v41 =	vmax.f32 v9, v15;
	v51 =	vsel vm4, v7, v63  }
0x208: {  	vm6 =	veq.f32 v60, v31;
	vm7 =	veq.f32 v48, v41;
	v13 =	vsel vm5, v6, v51  }
0x209: {  	vm9 =	veq.f32 v50, v41;
	v59 =	vnsel vm7, $0x40, v27;
	v24 =	vsel vm6, v12, v13  }
0x20a: {  	vm10 =	veq.f32 v52, v41;
	v33 =	vsel vm9, v7, v59;
	v55 =	vperm.xlane v24, v1  }
0x20b: {  	v14 =	vmul.f32 $1.442695020e+00, v4;
	vm11 =	veq.f32 v49, v41;
	v33 =	vsel vm10, v6, v33  }
0x20c: {  	v4 =	vmul.f32 $1.442695020e+00, v35;
	v33 =	vsel vm11, v12, v33;
	vm8 =	vlt.s32 v24, v55  }
0x20d: {  	v20 =	vmax.f32 v20, v61;
	v61 =	vperm.xlane v33, v1;
	v24 =	vsel vm8, v24, v55  }
0x20e: {  	v32 =	vsub.f32 v32, v22;
	(erf) = vpow2.f32 v14;
	v42 =	vperm.xlane v24, v2  }
0x20f: {  	vm13 =	veq.f32 v62, v20;
	v14 =	vsub.f32 v43, v18;
	vm1 =	vlt.s32 v33, v61  }
0x210: {  	v9 =	vmul.f32 $1.442695020e+00, v57;
	v33 =	vsel vm1, v33, v61;
	vm12 =	vlt.s32 v24, v42  }
0x211: {  	(erf) = vpow2.f32 v28;
	v15 =	vperm.xlane v33, v2;
	v24 =	vsel vm12, v24, v42  }
0x212: {  	v28 =	vnsel vm13, $0x40, v27;
	v57 =	vsub.f32 v46, v18;
	v63 =	vperm.xlane v24, v3  }
0x213: {  	v54 =	vmul.f32 $1.442695020e+00, v14;
	v13 =	vsub.f32 v40, v18;
	vm15 =	vlt.s32 v33, v15  }
0x214: {  	(erf) = vpow2.f32 v9;
	v33 =	vsel vm15, v33, v15;
	vm14 =	vlt.s32 v24, v63  }
0x215: {  	v35 =	vmul.f32 $1.442695020e+00, v13;
	v55 =	vperm.xlane v33, v3;
	v24 =	vsel vm14, v24, v63  }
0x216: {  	vm13 =	veq.f32 v47, v20;
	(erf) = vpow2.f32 v4;
	v51 =	vperm.xlane v24, v5  }
0x217: {  	v18 =	vsub.f32 v20, v18;
	(erf) = vpow2.f32 v35;
	vm5 =	vlt.s32 v33, v55  }
0x218: {  	v35 =	vmul.f32 $1.442695020e+00, v57;
	v9 =	vsel vm5, v33, v55;
	vm4 =	vlt.s32 v24, v51  }
0x219: {  	(erf) = vpow2.f32 v54;
	v63 =	vperm.xlane v9, v5;
	v24 =	vsel vm4, v24, v51  }
0x21a: {  	v18 =	vmul.f32 $1.442695020e+00, v18;
	v42 =	vpop (erf);
	(erf) = vpow2.f32 v35;
	v61 =	vand.u32 $0xF, v24  }
0x21b: {  	v59 =	vshrl.u32 v24, $0x4;
	vm14 =	vlt.s32 v9, v63;
	vm6 =	veq.s32 v61, v12  }
0x21c: {  	vm7 =	veq.s32 v59, $0x0;
	vm9 =	veq.s32 v59, $0x1;
	vm10 =	veq.s32 v59, $0x2  }
0x21d: {  	vm12 =	veq.s32 v59, $0x3;
	vm8 =	vmand vm6, vm7;
	vm11 =	vmand vm6, vm9  }
0x21e: {  	vm2 =	vmand vm6, vm10;
	vm1 =	vmand vm6, vm12;
	v46 =	vsel vm8, $0xFF61B1E6, v60  }
0x21f: {  	v55 =	vsel vm11, $0xFF61B1E6, v56;
	v56 =	vsel vm2, $0xFF61B1E6, v0;
	v0 =	vsel vm1, $0xFF61B1E6, v58  }
0x220: {  	vm12 =	veq.f32 v45, v20;
	v59 =	vpop (erf);
	v4 =	vmax.f32 v46, v55;
	v11 =	vmax.f32 v56, v0  }
0x221: {  	vm11 =	veq.f32 v44, v20;
	v62 =	vadd.f32 v59, v42;
	v47 =	vpop (erf);
	v40 =	vmax.f32 v4, v11  }
0x222: {  	v54 =	vpop (erf);
	(erf) = vpow2.f32 v18;
	v18 =	vsel vm14, v9, v63;
	v13 =	vperm.xlane v40, v1  }
0x223: {  	v33 =	vadd.f32 v47, v62;
	v35 =	vshrl.u32 v18, $0x4;
	v14 =	vand.u32 $0xF, v18  }
0x224: {  	vm15 =	veq.s32 v14, v12;
	vm5 =	veq.s32 v35, $0x0;
	v9 =	vmax.f32 v40, v13  }
0x225: {  	vm6 =	veq.s32 v35, $0x1;
	vm8 =	veq.s32 v35, $0x2;
	v15 =	vperm.xlane v9, v2  }
0x226: {  	vm10 =	veq.s32 v35, $0x3;
	v33 =	vadd.f32 v54, v33;
	vm2 =	vmand vm15, vm5  }
0x227: {  	vm7 =	vmand vm15, vm6;
	vm9 =	vmand vm15, vm8;
	v9 =	vmax.f32 v9, v15  }
0x228: {  	vm1 =	vmand vm15, vm10;
	v51 =	vsel vm2, $0xFF61B1E6, v49;
	v43 =	vperm.xlane v9, v3  }
0x229: {  	v40 =	vsel vm7, $0xFF61B1E6, v52;
	v50 =	vsel vm9, $0xFF61B1E6, v50;
	v52 =	vsel vm1, $0xFF61B1E6, v48  }
0x22a: {  	v20 =	vpop (erf);
	v48 =	vmax.f32 v51, v40;
	v57 =	vmax.f32 v50, v52;
	v9 =	vmax.f32 v9, v43  }
0x22b: {  	v33 =	vadd.f32 v20, v33;
	v43 =	vmax.f32 v48, v57;
	v58 =	vperm.xlane v9, v5  }
0x22c: {  	v32 =	vmul.f32 $1.442695020e+00, v32;
	v28 =	vsel vm12, v7, v28;
	v49 =	vpop (erf);
	v61 =	vperm.xlane v43, v1  }
0x22d: {  	v60 =	vsel vm11, v6, v28;
	v33 =	vadd.f32 v49, v33;
	v35 =	vmax.f32 v9, v58  }
0x22e: {  	v9 =	vsel vm13, v12, v60;
	v43 =	vmax.f32 v43, v61;
	vm13 =	veq.f32 v0, v35  }
0x22f: {  	v28 =	vpop (erf);
	vm14 =	veq.f32 v56, v35;
	v4 =	vperm.xlane v43, v2;
	v63 =	vnsel vm13, $0x40, v27  }
0x230: {  	v62 =	vadd.f32 v28, v33;
	vm15 =	veq.f32 v55, v35;
	v11 =	vsel vm14, v7, v63  }
0x231: {  	vm4 =	veq.f32 v46, v35;
	v43 =	vmax.f32 v43, v4;
	v48 =	vsel vm15, v6, v11  }
0x232: {  	v13 =	vperm.xlane v9, v1;
	v15 =	vperm.xlane v43, v3;
	v14 =	vsel vm4, v12, v48  }
0x233: {  	v8 =	vadd.f32 v8, v53;
	vm7 =	veq.s32 v26, v27;
	v33 =	vpop (erf);
	v57 =	vperm.xlane v14, v1  }
0x234: {  	v44 =	vadd.f32 v33, v62;
	vm5 =	vlt.s32 v9, v13;
	v43 =	vmax.f32 v43, v15  }
0x235: {  	v9 =	vsel vm5, v9, v13;
	v61 =	vperm.xlane v43, v5;
	vm6 =	vlt.s32 v14, v57  }
0x236: {  	(erf) = vrcp.f32 v44;
	v58 =	vperm.xlane v9, v2;
	v62 =	vsel vm6, v14, v57  }
0x237: {  	v38 =	vnsel vm7, $0x0, v38;
	v45 =	vmax.f32 v43, v61;
	v63 =	vperm.xlane v62, v2  }
0x238: {  	v8 =	vadd.f32 v8, v38;
	vm8 =	vlt.s32 v9, v58;
	vm9 =	veq.f32 v52, v45  }
0x239: {  	vm11 =	veq.f32 v50, v45;
	v11 =	vnsel vm9, $0x40, v27;
	vm10 =	vlt.s32 v62, v63  }
0x23a: {  	vm12 =	veq.f32 v40, v45;
	v38 =	vsel vm11, v7, v11;
	v13 =	vsel vm10, v62, v63  }
0x23b: {  	vm14 =	veq.f32 v51, v45;
	v15 =	vsel vm12, v6, v38;
	v14 =	vperm.xlane v13, v3  }
0x23c: {  	vm13 =	veq.s32 v37, v27;
	v9 =	vsel vm8, v9, v58;
	v37 =	vsel vm14, v12, v15  }
0x23d: {  	v4 =	vperm.xlane v9, v3;
	v11 =	vld [tilespmem:$0x1FF00];
	v53 =	vperm.xlane v37, v1;
	vm4 =	vlt.s32 v13, v14  }
0x23e: {  	v31 =	vsub.f32 v31, v22;
	v60 =	vnsel vm13, $0x0, v36;
	v44 =	vsel vm4, v13, v14;
	v14 =	vld [tilespmem:$0x1FEF0]  }
0x23f: {  	vm15 =	vlt.s32 v9, v4;
	v58 =	vpop (erf);
	vm5 =	vlt.s32 v37, v53;
	v57 =	vperm.xlane v44, v5  }
0x240: {  	v48 =	vmul.f32 v58, v42;
	v9 =	vsel vm15, v9, v4;
	v63 =	vsel vm5, v37, v53  }
0x241: {  	v61 =	vperm.xlane v9, v5;
	v4 =	vperm.xlane v63, v2;
	vm7 =	vlt.s32 v44, v57  }
0x242: {  	v43 =	vadd.f32 $0.0e+00, v48;
	vm11 =	veq.s32 v11, v12;
	v26 =	vsel vm7, v44, v57  }
0x243: {  	v44 =	vmul.f32 v58, v59;
	vm8 =	vlt.s32 v63, v4;
	vm6 =	veq.s32 v14, v12  }
0x244: {  	v13 =	vshrl.u32 v26, $0x4;
	v15 =	vand.u32 $0xF, v26;
	v36 =	vsel vm8, v63, v4  }
0x245: {  	vm8 =	veq.s32 v19, v12;
	v37 =	vnsel vm6, $0x0, v43;
	vm9 =	veq.s32 v15, v12  }
0x246: {  	vm10 =	veq.s32 v13, $0x0;
	v48 =	vnsel vm11, $0x0, v44;
	v4 =	vperm.xlane v36, v3  }
0x247: {  	vm13 =	veq.s32 v13, $0x1;
	vm14 =	veq.s32 v13, $0x2;
	vm15 =	veq.s32 v13, $0x3  }
0x248: {  	vm12 =	vmand vm9, vm10;
	vm0 =	vmand vm9, vm13;
	vm2 =	vmand vm9, vm14  }
0x249: {  	v15 =	vld [tilespmem:$0x1FF10];
	vm1 =	vmand vm9, vm15;
	v37 =	vadd.f32 v37, v48;
	v48 =	vmul.f32 v58, v47  }
0x24a: {  	v13 =	vld [tilespmem:$0x1FF20];
	v47 =	vmul.f32 v58, v20;
	v59 =	vsel vm12, $0xFF61B1E6, v46;
	v42 =	vsel vm0, $0xFF61B1E6, v55  }
0x24b: {  	v62 =	vsel vm2, $0xFF61B1E6, v56;
	v63 =	vsel vm1, $0xFF61B1E6, v0;
	vm4 =	vlt.s32 v36, v4  }
0x24c: {  	v55 =	vmax.f32 v59, v42;
	v56 =	vmax.f32 v62, v63;
	v36 =	vsel vm4, v36, v4  }
0x24d: {  	v46 =	vmul.f32 v58, v54;
	v38 =	vmax.f32 v55, v56;
	v4 =	vperm.xlane v36, v5  }
0x24e: {  	v53 =	vnsel vm8, $0x0, v47;
	vm5 =	veq.s32 v15, v12;
	v57 =	vperm.xlane v38, v1  }
0x24f: {  	vm6 =	veq.s32 v13, v12;
	v0 =	vnsel vm5, $0x0, v48;
	vm7 =	vlt.s32 v36, v4  }
0x250: {  	v37 =	vadd.f32 v37, v0;
	v38 =	vmax.f32 v38, v57;
	v36 =	vsel vm7, v36, v4  }
0x251: {  	v57 =	vnsel vm6, $0x0, v46;
	v4 =	vshrl.u32 v36, $0x4;
	v54 =	vand.u32 $0xF, v36  }
0x252: {  	v0 =	vperm.xlane v38, v2;
	vm9 =	veq.s32 v54, v12;
	vm10 =	veq.s32 v4, $0x0  }
0x253: {  	v37 =	vadd.f32 v37, v57;
	vm12 =	veq.s32 v4, $0x1;
	vm13 =	veq.s32 v4, $0x2  }
0x254: {  	vm15 =	veq.s32 v4, $0x3;
	v38 =	vmax.f32 v38, v0;
	vm11 =	vmand vm9, vm10  }
0x255: {  	vm1 =	vmand vm9, vm12;
	vm14 =	vmand vm9, vm13;
	v55 =	vperm.xlane v38, v3  }
0x256: {  	vm0 =	vmand vm9, vm15;
	v54 =	vsel vm11, $0xFF61B1E6, v51;
	v0 =	vsel vm1, $0xFF61B1E6, v40  }
0x257: {  	v56 =	vsel vm0, $0xFF61B1E6, v52;
	v57 =	vmax.f32 v38, v55;
	v38 =	vsel vm14, $0xFF61B1E6, v50  }
0x258: {  	v4 =	vmax.f32 v54, v0;
	v55 =	vperm.xlane v57, v5;
	v50 =	vmax.f32 v38, v56  }
0x259: {  	vm8 =	veq.s32 v29, v12;
	vm9 =	vlt.s32 v9, v61;
	v20 =	vmax.f32 v4, v50  }
0x25a: {  	vm12 =	veq.s32 v14, v6;
	v40 =	vmax.f32 v57, v55;
	v4 =	vperm.xlane v20, v1  }
0x25b: {  	vm15 =	veq.s32 v15, v6;
	v37 =	vadd.f32 v37, v53;
	vm4 =	veq.f32 v63, v40  }
0x25c: {  	vm5 =	veq.f32 v62, v40;
	v55 =	vnsel vm4, $0x40, v27;
	v20 =	vmax.f32 v20, v4  }
0x25d: {  	vm6 =	veq.f32 v42, v40;
	v57 =	vsel vm5, v7, v55;
	v4 =	vperm.xlane v20, v2  }
0x25e: {  	v53 =	vmul.f32 v58, v49;
	vm7 =	veq.f32 v59, v40;
	v50 =	vsel vm6, v6, v57  }
0x25f: {  	v49 =	vsel vm7, v12, v50;
	v50 =	vmul.f32 v58, v28;
	v20 =	vmax.f32 v20, v4  }
0x260: {  	v57 =	vnsel vm8, $0x0, v53;
	v51 =	vperm.xlane v49, v1;
	v4 =	vperm.xlane v20, v3  }
0x261: {  	vm11 =	veq.s32 v16, v12;
	v37 =	vadd.f32 v37, v57;
	v28 =	vadd.f32 v8, v60  }
0x262: {  	v57 =	vnsel vm11, $0x0, v50;
	vm10 =	vlt.s32 v49, v51;
	v20 =	vmax.f32 v20, v4  }
0x263: {  	v8 =	vadd.f32 v37, v57;
	v49 =	vsel vm10, v49, v51;
	v37 =	vperm.xlane v20, v5  }
0x264: {  	v9 =	vsel vm9, v9, v61;
	v52 =	vmul.f32 v58, v33;
	v51 =	vperm.xlane v49, v2  }
0x265: {  	v61 =	vnsel vm15, $0x0, v48;
	vm14 =	veq.s32 v11, v6;
	v55 =	vmax.f32 v20, v37  }
0x266: {  	v57 =	vnsel vm14, $0x0, v44;
	vm13 =	vlt.s32 v49, v51;
	vm6 =	veq.f32 v56, v55  }
0x267: {  	vm8 =	veq.f32 v38, v55;
	vm9 =	veq.f32 v0, v55;
	v49 =	vsel vm13, v49, v51  }
0x268: {  	vm10 =	veq.f32 v54, v55;
	v58 =	vnsel vm6, $0x40, v27;
	v4 =	vperm.xlane v49, v3  }
0x269: {  	v51 =	vnsel vm12, $0x0, v43;
	vm12 =	veq.s32 v13, v6;
	v20 =	vsel vm8, v7, v58  }
0x26a: {  	v57 =	vadd.f32 v51, v57;
	v20 =	vsel vm9, v6, v20;
	vm7 =	vlt.s32 v49, v4  }
0x26b: {  	vm9 =	veq.s32 v19, v6;
	v20 =	vsel vm10, v12, v20;
	v60 =	vsel vm7, v49, v4  }
0x26c: {  	v51 =	vadd.f32 v57, v61;
	v58 =	vperm.xlane v20, v1;
	v49 =	vperm.xlane v60, v5  }
0x26d: {  	vm10 =	veq.s32 v9, v12;
	v4 =	vnsel vm12, $0x0, v46;
	vm12 =	veq.s32 v29, v6  }
0x26e: {  	v37 =	vadd.f32 v51, v4;
	vm13 =	vlt.s32 v20, v58;
	vm11 =	vlt.s32 v60, v49  }
0x26f: {  	v20 =	vsel vm13, v20, v58;
	vm13 =	veq.s32 v16, v6;
	v33 =	vsel vm11, v60, v49  }
0x270: {  	v4 =	vperm.xlane v20, v2;
	v49 =	vshrl.u32 v33, $0x4;
	v57 =	vand.u32 $0xF, v33  }
0x271: {  	vm14 =	veq.s32 v57, v12;
	vm15 =	veq.s32 v49, $0x0;
	vm5 =	veq.s32 v49, $0x1  }
0x272: {  	vm6 =	veq.s32 v49, $0x2;
	vm7 =	veq.s32 v49, $0x3;
	vm8 =	vlt.s32 v20, v4  }
0x273: {  	vm4 =	vmand vm14, vm15;
	vm0 =	vmand vm14, vm5;
	vm2 =	vmand vm14, vm6  }
0x274: {  	vm1 =	vmand vm14, vm7;
	v20 =	vsel vm8, v20, v4;
	vm6 =	veq.s32 v9, v6  }
0x275: {  	v60 =	vsel vm4, $0xFF61B1E6, v59;
	v42 =	vsel vm0, $0xFF61B1E6, v42;
	v58 =	vsel vm2, $0xFF61B1E6, v62  }
0x276: {  	v59 =	vsel vm1, $0xFF61B1E6, v63;
	v61 =	vperm.xlane v20, v3;
	v63 =	vnsel vm10, $0x0, v52  }
0x277: {  	vm4 =	veq.s32 v11, v7;
	v57 =	vmax.f32 v60, v42;
	v4 =	vmax.f32 v58, v59  }
0x278: {  	v49 =	vmax.f32 v57, v4;
	v57 =	vnsel vm9, $0x0, v47;
	vm11 =	vlt.s32 v20, v61  }
0x279: {  	v4 =	vperm.xlane v49, v1;
	v51 =	vadd.f32 v37, v57;
	v20 =	vsel vm11, v20, v61  }
0x27a: {  	v63 =	vadd.f32 v8, v63;
	v57 =	vnsel vm12, $0x0, v53;
	v62 =	vperm.xlane v20, v5  }
0x27b: {  	v61 =	vnsel vm13, $0x0, v50;
	v49 =	vmax.f32 v49, v4;
	v57 =	vadd.f32 v51, v57  }
0x27c: {  	v51 =	vnsel vm6, $0x0, v52;
	v4 =	vperm.xlane v49, v2;
	vm14 =	vlt.s32 v20, v62  }
0x27d: {  	vm6 =	veq.s32 v15, v7;
	v20 =	vsel vm14, v20, v62;
	v8 =	vadd.f32 v57, v61  }
0x27e: {  	vm14 =	veq.s32 v14, v7;
	v37 =	vmax.f32 v49, v4;
	v57 =	vand.u32 $0xF, v20  }
0x27f: {  	v61 =	vshrl.u32 v20, $0x4;
	v4 =	vperm.xlane v37, v3;
	vm15 =	veq.s32 v57, v12  }
0x280: {  	vm5 =	veq.s32 v61, $0x0;
	vm7 =	veq.s32 v61, $0x1;
	vm8 =	veq.s32 v61, $0x2  }
0x281: {  	vm11 =	veq.s32 v61, $0x3;
	v57 =	vnsel vm14, $0x0, v43;
	v51 =	vadd.f32 v8, v51  }
0x282: {  	vm1 =	vmand vm15, vm5;
	vm9 =	vmand vm15, vm8;
	v37 =	vmax.f32 v37, v4  }
0x283: {  	vm0 =	vmand vm15, vm11;
	v54 =	vsel vm1, $0xFF61B1E6, v54;
	v62 =	vperm.xlane v37, v5  }
0x284: {  	vm1 =	vmand vm15, vm7;
	v61 =	vsel vm9, $0xFF61B1E6, v38;
	v38 =	vnsel vm4, $0x0, v44  }
0x285: {  	vm7 =	veq.s32 v13, v7;
	vm9 =	veq.s32 v19, v7;
	v49 =	vmax.f32 v37, v62  }
0x286: {  	v4 =	vsel vm1, $0xFF61B1E6, v0;
	v62 =	vsel vm0, $0xFF61B1E6, v56;
	vm10 =	veq.f32 v59, v49  }
0x287: {  	vm12 =	veq.f32 v58, v49;
	vm13 =	veq.f32 v42, v49;
	v0 =	vnsel vm10, $0x40, v27  }
0x288: {  	v10 =	vmovc v27;
	v56 =	vmax.f32 v61, v62;
	v27 =	vmax.f32 v54, v4;
	v37 =	vsel vm12, v7, v0  }
0x289: {  	vm15 =	veq.f32 v60, v49;
	v56 =	vmax.f32 v27, v56;
	v37 =	vsel vm13, v6, v37  }
0x28a: {  	v8 =	vadd.f32 v57, v38;
	v27 =	vperm.xlane v56, v1;
	v37 =	vsel vm15, v12, v37  }
0x28b: {  	v38 =	vnsel vm6, $0x0, v48;
	vm6 =	veq.s32 v11, v10;
	v0 =	vperm.xlane v37, v1  }
0x28c: {  	v44 =	vnsel vm6, $0x0, v44;
	v8 =	vadd.f32 v8, v38;
	v27 =	vmax.f32 v56, v27  }
0x28d: {  	v38 =	vnsel vm7, $0x0, v46;
	v56 =	vperm.xlane v27, v2;
	vm5 =	vlt.s32 v37, v0  }
0x28e: {  	v8 =	vadd.f32 v8, v38;
	v38 =	vnsel vm9, $0x0, v47;
	v0 =	vsel vm5, v37, v0  }
0x28f: {  	v27 =	vmax.f32 v27, v56;
	v56 =	vsub.f32 v17, v17;
	v37 =	vperm.xlane v0, v2  }
0x290: {  	vm7 =	veq.s32 v29, v7;
	vm9 =	veq.s32 v16, v7;
	v8 =	vadd.f32 v8, v38  }
0x291: {  	vm5 =	veq.s32 v14, v10;
	v56 =	vmul.f32 $1.442695020e+00, v56;
	vm8 =	vlt.s32 v0, v37  }
0x292: {  	v43 =	vnsel vm5, $0x0, v43;
	v0 =	vsel vm8, v0, v37;
	v37 =	vperm.xlane v27, v3  }
0x293: {  	v43 =	vadd.f32 v43, v44;
	(erf) = vpow2.f32 v56;
	v57 =	vperm.xlane v0, v3  }
0x294: {  	v56 =	vsub.f32 v41, v17;
	vm8 =	veq.s32 v15, v10;
	(erf) = vpow2.f32 v30  }
0x295: {  	v27 =	vmax.f32 v27, v37;
	(erf) = vpow2.f32 v34;
	vm0 =	vlt.s32 v0, v57  }
0x296: {  	v30 =	vperm.xlane v27, v5;
	v0 =	vsel vm0, v0, v57;
	v57 =	vsub.f32 v39, v17  }
0x297: {  	v34 =	vmul.f32 $1.442695020e+00, v56;
	v56 =	vsub.f32 v45, v17;
	v37 =	vperm.xlane v0, v5  }
0x298: {  	v15 =	vnsel vm8, $0x0, v48;
	v27 =	vmax.f32 v27, v30;
	v57 =	vmul.f32 $1.442695020e+00, v57  }
0x299: {  	v45 =	vmul.f32 $1.442695020e+00, v56;
	vm5 =	veq.f32 v54, v27;
	vm10 =	vlt.s32 v0, v37  }
0x29a: {  	(erf) = vpow2.f32 v57;
	v57 =	vsub.f32 v55, v17;
	v30 =	vsel vm10, v0, v37  }
0x29b: {  	(erf) = vpow2.f32 v34;
	v37 =	vshrl.u32 v30, $0x4;
	v56 =	vand.u32 $0xF, v30  }
0x29c: {  	v55 =	vmul.f32 $1.442695020e+00, v57;
	(erf) = vpow2.f32 v45;
	vm11 =	veq.s32 v56, v12  }
0x29d: {  	vm12 =	veq.s32 v37, $0x0;
	vm13 =	veq.s32 v37, $0x1;
	v57 =	vsub.f32 v27, v17  }
0x29e: {  	vm15 =	veq.s32 v37, $0x2;
	vm4 =	veq.s32 v37, $0x3;
	vm1 =	vmand vm11, vm12  }
0x29f: {  	vm14 =	vmand vm11, vm13;
	vm0 =	vmand vm11, vm4;
	(erf) = vpow2.f32 v55  }
0x2a0: {  	v34 =	vpop (erf);
	v17 =	vsel vm1, $0xFF61B1E6, v60;
	v45 =	vsel vm14, $0xFF61B1E6, v42;
	vm1 =	vmand vm11, vm15  }
0x2a1: {  	v37 =	vpop (erf);
	v0 =	vmul.f32 $1.442695020e+00, v57;
	v56 =	vsel vm0, $0xFF61B1E6, v59;
	v55 =	vsel vm1, $0xFF61B1E6, v58  }
0x2a2: {  	v39 =	vadd.f32 v37, v34;
	v58 =	vmax.f32 v17, v45;
	v59 =	vmax.f32 v55, v56  }
0x2a3: {  	vm10 =	veq.s32 v13, v10;
	vm12 =	veq.s32 v29, v10;
	v38 =	vpop (erf);
	v60 =	vmax.f32 v58, v59  }
0x2a4: {  	(erf) = vpow2.f32 v0;
	v39 =	vadd.f32 v38, v39;
	v41 =	vperm.xlane v60, v1  }
0x2a5: {  	vm13 =	veq.f32 v4, v27;
	vm4 =	veq.s32 v9, v7;
	vm11 =	veq.s32 v19, v10;
	v42 =	vpop (erf)  }
0x2a6: {  	vm14 =	veq.f32 v62, v27;
	v39 =	vadd.f32 v42, v39;
	v0 =	vmax.f32 v60, v41  }
0x2a7: {  	vm15 =	veq.f32 v61, v27;
	v19 =	vnsel vm11, $0x0, v47;
	v44 =	vpop (erf);
	v57 =	vperm.xlane v0, v2  }
0x2a8: {  	v29 =	vnsel vm14, $0x40, v10;
	v60 =	vnsel vm7, $0x0, v53;
	v14 =	vadd.f32 v44, v39  }
0x2a9: {  	v59 =	vnsel vm9, $0x0, v50;
	v8 =	vadd.f32 v8, v60;
	v48 =	vpop (erf);
	v0 =	vmax.f32 v0, v57  }
0x2aa: {  	v39 =	vadd.f32 v43, v15;
	v11 =	vadd.f32 v48, v14;
	v14 =	vperm.xlane v0, v3  }
0x2ab: {  	v47 =	vnsel vm4, $0x0, v52;
	v60 =	vnsel vm10, $0x0, v46;
	v13 =	vpop (erf);
	v8 =	vadd.f32 v8, v59  }
0x2ac: {  	v39 =	vadd.f32 v39, v60;
	v11 =	vadd.f32 v13, v11;
	v0 =	vmax.f32 v0, v14  }
0x2ad: {  	vm11 =	veq.s32 v16, v10;
	v57 =	vpop (erf);
	v8 =	vadd.f32 v8, v47;
	v15 =	vperm.xlane v0, v5  }
0x2ae: {  	v54 =	vnsel vm11, $0x0, v50;
	v19 =	vadd.f32 v39, v19;
	v11 =	vadd.f32 v57, v11  }
0x2af: {  	v39 =	vnsel vm12, $0x0, v53;
	v46 =	vmax.f32 v0, v15;
	v0 =	vsel vm15, v7, v29  }
0x2b0: {  	(erf) = vrcp.f32 v11;
	v0 =	vsel vm13, v6, v0;
	vm6 =	veq.f32 v56, v46  }
0x2b1: {  	vm7 =	veq.f32 v55, v46;
	v0 =	vsel vm5, v12, v0;
	v41 =	vnsel vm6, $0x40, v10  }
0x2b2: {  	v58 =	vmovc v10;
	vm8 =	veq.f32 v45, v46;
	v43 =	vperm.xlane v0, v1;
	v11 =	vsel vm7, v7, v41  }
0x2b3: {  	vm12 =	veq.s32 v9, v58;
	vm9 =	veq.f32 v17, v46;
	v11 =	vsel vm8, v6, v11  }
0x2b4: {  	v4 =	vadd.f32 v19, v39;
	vm10 =	vlt.s32 v0, v43;
	v11 =	vsel vm9, v12, v11  }
0x2b5: {  	v14 =	vlaneseq.u32;
	v0 =	vsel vm10, v0, v43;
	v53 =	vperm.xlane v11, v1  }
0x2b6: {  	v9 =	vnsel vm12, $0x0, v52;
	v15 =	vld [tilespmem:$0x1FF40];
	v4 =	vadd.f32 v4, v54;
	v27 =	vperm.xlane v0, v2  }
0x2b7: {  	vm11 =	veq.s32 v36, v14;
	vm6 =	veq.s32 v21, v14;
	v12 =	vld [tilespmem:$0x1FF30];
	vm13 =	vlt.s32 v11, v53  }
0x2b8: {  	v9 =	vadd.f32 v4, v9;
	vm14 =	vlt.s32 v0, v27;
	v10 =	vsel vm13, v11, v53  }
0x2b9: {  	vm8 =	veq.s32 v25, v14;
	v47 =	vpop (erf);
	v60 =	vsel vm14, v0, v27;
	v61 =	vperm.xlane v10, v2  }
0x2ba: {  	vm9 =	veq.s32 v18, v14;
	v59 =	vmul.f32 v47, v34;
	v62 =	vperm.xlane v60, v3  }
0x2bb: {  	v34 =	vlaneseq.u32;
	v41 =	vmul.f32 v47, v37;
	v29 =	vmul.f32 v47, v38  }
0x2bc: {  	vm15 =	veq.s32 v12, v34;
	vm1 =	vlt.s32 v10, v61;
	vm4 =	veq.s32 v15, v34  }
0x2bd: {  	v34 =	vmul.f32 v47, v42;
	v43 =	vadd.f32 $0.0e+00, v59;
	v0 =	vsel vm1, v10, v61  }
0x2be: {  	v37 =	vnsel vm4, $0x0, v41;
	vm5 =	vlt.s32 v60, v62;
	v50 =	vnsel vm6, $0x0, v29  }
0x2bf: {  	vm4 =	veq.s32 v36, v6;
	v39 =	vperm.xlane v0, v3;
	v53 =	vnsel vm8, $0x0, v34  }
0x2c0: {  	v4 =	vsel vm5, v60, v62;
	vm5 =	veq.s32 v20, v6;
	v19 =	vnsel vm15, $0x0, v43  }
0x2c1: {  	v59 =	vperm.xlane v4, v5;
	v10 =	vadd.f32 v19, v37;
	vm7 =	vlt.s32 v0, v39  }
0x2c2: {  	v52 =	vsel vm7, v0, v39;
	v0 =	vmul.f32 v47, v44;
	v39 =	vmul.f32 v47, v48  }
0x2c3: {  	vm15 =	vlt.s32 v4, v59;
	v44 =	vmul.f32 v47, v13;
	v10 =	vadd.f32 v10, v50  }
0x2c4: {  	v54 =	vperm.xlane v52, v5;
	v60 =	vnsel vm9, $0x0, v0;
	v61 =	vnsel vm11, $0x0, v39  }
0x2c5: {  	vm9 =	veq.s32 v20, v14;
	vm11 =	veq.s32 v15, v6;
	v10 =	vadd.f32 v10, v53  }
0x2c6: {  	vm10 =	vlt.s32 v52, v54;
	v13 =	vnsel vm9, $0x0, v44;
	v53 =	vsub.f32 v22, v22  }
0x2c7: {  	vm9 =	veq.s32 v21, v7;
	v11 =	vsel vm10, v52, v54;
	vm10 =	veq.s32 v12, v6  }
0x2c8: {  	v54 =	vnsel vm11, $0x0, v41;
	vm11 =	veq.s32 v25, v7;
	v10 =	vadd.f32 v10, v60  }
0x2c9: {  	v19 =	vshrl.u32 v11, $0x4;
	v37 =	vand.u32 $0xF, v11;
	v52 =	vnsel vm10, $0x0, v43  }
0x2ca: {  	vm12 =	veq.s32 v37, v14;
	vm13 =	veq.s32 v19, $0x0;
	vm14 =	veq.s32 v19, $0x1  }
0x2cb: {  	vm7 =	veq.s32 v19, $0x2;
	vm8 =	veq.s32 v19, $0x3;
	v19 =	vsel vm15, v4, v59  }
0x2cc: {  	vm15 =	veq.s32 v18, v6;
	v10 =	vadd.f32 v10, v61;
	vm1 =	vmand vm12, vm13  }
0x2cd: {  	vm6 =	vmand vm12, vm14;
	vm0 =	vmand vm12, vm8;
	vm13 =	veq.s32 v21, v6  }
0x2ce: {  	vm14 =	veq.s32 v25, v6;
	vm8 =	veq.s32 v15, v7;
	v37 =	vsel vm1, $0xFF61B1E6, v17  }
0x2cf: {  	v38 =	vsel vm6, $0xFF61B1E6, v45;
	vm1 =	vmand vm12, vm7;
	v45 =	vsel vm0, $0xFF61B1E6, v56  }
0x2d0: {  	vm12 =	veq.s32 v19, v14;
	v56 =	vmul.f32 $1.442695020e+00, v31;
	v59 =	vnsel vm13, $0x0, v29  }
0x2d1: {  	v16 =	vnsel vm14, $0x0, v34;
	vm6 =	veq.s32 v19, v6;
	v42 =	vsel vm1, $0xFF61B1E6, v55  }
0x2d2: {  	v4 =	vadd.f32 v10, v13;
	v13 =	vmul.f32 v47, v57;
	v47 =	vmul.f32 $1.442695020e+00, v53  }
0x2d3: {  	v17 =	vmax.f32 v37, v38;
	v57 =	vsub.f32 v35, v22;
	v62 =	vmax.f32 v42, v45  }
0x2d4: {  	v50 =	vmax.f32 v17, v62;
	(erf) = vpow2.f32 v47;
	v62 =	vsub.f32 v40, v22  }
0x2d5: {  	v47 =	vsub.f32 v49, v22;
	v17 =	vperm.xlane v50, v1;
	(erf) = vpow2.f32 v32  }
0x2d6: {  	vm7 =	veq.s32 v12, v7;
	v61 =	vmul.f32 $1.442695020e+00, v57;
	(erf) = vpow2.f32 v56  }
0x2d7: {  	v40 =	vmul.f32 $1.442695020e+00, v62;
	v49 =	vmul.f32 $1.442695020e+00, v47;
	v10 =	vmax.f32 v50, v17  }
0x2d8: {  	v62 =	vnsel vm8, $0x0, v41;
	vm8 =	veq.s32 v21, v58;
	v55 =	vperm.xlane v10, v2  }
0x2d9: {  	v17 =	vadd.f32 v52, v54;
	(erf) = vpow2.f32 v61;
	v50 =	vsub.f32 v46, v22  }
0x2da: {  	v52 =	vnsel vm15, $0x0, v0;
	v54 =	vnsel vm12, $0x0, v13;
	v10 =	vmax.f32 v10, v55  }
0x2db: {  	v61 =	vnsel vm7, $0x0, v43;
	vm15 =	veq.s32 v12, v58;
	v60 =	vperm.xlane v10, v3  }
0x2dc: {  	vm7 =	veq.s32 v36, v7;
	(erf) = vpow2.f32 v40;
	v40 =	vadd.f32 v61, v62  }
0x2dd: {  	v61 =	vnsel vm7, $0x0, v39;
	v62 =	vnsel vm8, $0x0, v29;
	v10 =	vmax.f32 v10, v60  }
0x2de: {  	v17 =	vadd.f32 v17, v59;
	v53 =	vmul.f32 $1.442695020e+00, v50;
	v48 =	vperm.xlane v10, v5  }
0x2df: {  	v59 =	vnsel vm5, $0x0, v44;
	vm5 =	veq.s32 v15, v58;
	v55 =	vnsel vm4, $0x0, v39  }
0x2e0: {  	v15 =	vnsel vm5, $0x0, v41;
	vm4 =	veq.s32 v20, v58;
	v10 =	vmax.f32 v10, v48  }
0x2e1: {  	v17 =	vadd.f32 v17, v16;
	v32 =	vpop (erf);
	(erf) = vpow2.f32 v49;
	v22 =	vsub.f32 v10, v22  }
0x2e2: {  	v16 =	vnsel vm6, $0x0, v13;
	vm6 =	veq.s32 v18, v7;
	v41 =	vnsel vm4, $0x0, v44;
	v46 =	vpop (erf)  }
0x2e3: {  	(erf) = vpow2.f32 v53;
	v56 =	vadd.f32 v46, v32;
	v22 =	vmul.f32 $1.442695020e+00, v22  }
0x2e4: {  	vm4 =	veq.s32 v26, v6;
	v35 =	vadd.f32 v17, v52;
	v17 =	vadd.f32 v4, v54;
	v31 =	vpop (erf)  }
0x2e5: {  	v52 =	vnsel vm9, $0x0, v29;
	v60 =	vadd.f32 v31, v56;
	(erf) = vpow2.f32 v22  }
0x2e6: {  	v53 =	vnsel vm11, $0x0, v34;
	vm11 =	veq.s32 v25, v58;
	v57 =	vadd.f32 v35, v55;
	v27 =	vpop (erf)  }
0x2e7: {  	vm10 =	veq.f32 v37, v10;
	vm14 =	veq.f32 v45, v10;
	v22 =	vadd.f32 v27, v60  }
0x2e8: {  	vm12 =	veq.f32 v38, v10;
	vm13 =	veq.f32 v42, v10;
	v48 =	vpop (erf);
	v10 =	vnsel vm14, $0x40, v58  }
0x2e9: {  	v55 =	vadd.f32 v40, v52;
	v10 =	vsel vm13, v7, v10;
	v22 =	vadd.f32 v48, v22  }
0x2ea: {  	v4 =	vadd.f32 v57, v59;
	v57 =	vnsel vm15, $0x0, v43;
	v10 =	vsel vm12, v6, v10;
	v37 =	vpop (erf)  }
0x2eb: {  	v59 =	vnsel vm6, $0x0, v0;
	v10 =	vsel vm10, v14, v10;
	v54 =	vadd.f32 v37, v22  }
0x2ec: {  	vm15 =	veq.s32 v36, v58;
	v43 =	vlaneseq.u32;
	v60 =	vperm.xlane v10, v1;
	v49 =	vpop (erf)  }
0x2ed: {  	v15 =	vadd.f32 v57, v15;
	v39 =	vnsel vm15, $0x0, v39;
	v56 =	vadd.f32 v49, v54  }
0x2ee: {  	vm7 =	veq.s32 v23, v43;
	vm8 =	veq.s32 v24, v43;
	vm9 =	vlt.s32 v10, v60;
	v38 =	vpop (erf)  }
0x2ef: {  	vm15 =	veq.s32 v30, v43;
	v10 =	vsel vm9, v10, v60;
	v12 =	vadd.f32 v38, v56  }
0x2f0: {  	vm13 =	veq.s32 v18, v58;
	vm10 =	veq.s32 v20, v7;
	v29 =	vperm.xlane v10, v2  }
0x2f1: {  	v22 =	vadd.f32 v4, v16;
	v4 =	vadd.f32 v55, v53;
	(erf) = vrcp.f32 v12  }
0x2f2: {  	vm12 =	veq.s32 v19, v7;
	v1 =	vnsel vm10, $0x0, v44;
	v44 =	vld [tilespmem:$0x1FF50];
	vm14 =	vlt.s32 v10, v29  }
0x2f3: {  	v0 =	vnsel vm13, $0x0, v0;
	v4 =	vadd.f32 v4, v59;
	v10 =	vsel vm14, v10, v29  }
0x2f4: {  	vm13 =	veq.s32 v33, v43;
	vm10 =	veq.s32 v26, v43;
	v35 =	vperm.xlane v10, v3  }
0x2f5: {  	v16 =	vnsel vm11, $0x0, v34;
	v34 =	vnsel vm12, $0x0, v13;
	v4 =	vadd.f32 v4, v61  }
0x2f6: {  	vm12 =	veq.s32 v23, v6;
	vm5 =	vlt.s32 v10, v35;
	v12 =	vadd.f32 v15, v62  }
0x2f7: {  	vm6 =	veq.s32 v44, v43;
	v4 =	vadd.f32 v4, v1;
	v10 =	vsel vm5, v10, v35  }
0x2f8: {  	vm11 =	veq.s32 v44, v6;
	v42 =	vperm.xlane v10, v5;
	v12 =	vadd.f32 v12, v16  }
0x2f9: {  	v59 =	vlaneseq.u32;
	vm14 =	veq.s32 v24, v6;
	v4 =	vadd.f32 v4, v34  }
0x2fa: {  	vm5 =	veq.s32 v11, v59;
	vm9 =	vlt.s32 v10, v42;
	v0 =	vadd.f32 v12, v0;
	v36 =	vpop (erf)  }
0x2fb: {  	v10 =	vsel vm9, v10, v42;
	v40 =	vmul.f32 v36, v32;
	v20 =	vmul.f32 v36, v46  }
0x2fc: {  	v0 =	vadd.f32 v0, v39;
	v31 =	vmul.f32 v36, v31;
	v27 =	vmul.f32 v36, v27  }
0x2fd: {  	vm9 =	veq.s32 v10, v59;
	v25 =	vmul.f32 v36, v48;
	v57 =	vmul.f32 v36, v37  }
0x2fe: {  	v0 =	vadd.f32 v0, v41;
	v62 =	vmul.f32 v36, v49;
	v15 =	vmul.f32 v36, v38  }
0x2ff: {  	v12 =	vadd.f32 $0.0e+00, v40;
	v46 =	vnsel vm7, $0x0, v20;
	v50 =	vnsel vm8, $0x0, v31  }
0x300: {  	v52 =	vnsel vm10, $0x0, v27;
	v54 =	vnsel vm12, $0x0, v20;
	v56 =	vnsel vm13, $0x0, v25  }
0x301: {  	v60 =	vnsel vm14, $0x0, v31;
	v61 =	vnsel vm15, $0x0, v57;
	v3 =	vnsel vm4, $0x0, v27  }
0x302: {  	vm7 =	veq.s32 v19, v58;
	v5 =	vnsel vm5, $0x0, v62;
	vm8 =	veq.s32 v30, v6  }
0x303: {  	vm10 =	veq.s32 v11, v6;
	v37 =	vnsel vm9, $0x0, v15;
	v53 =	vnsel vm11, $0x0, v12  }
0x304: {  	vm12 =	veq.s32 v44, v7;
	vm13 =	veq.s32 v23, v7;
	v55 =	vadd.f32 v53, v54  }
0x305: {  	vm14 =	veq.s32 v44, v58;
	vm15 =	veq.s32 v23, v58;
	vm4 =	veq.s32 v24, v7  }
0x306: {  	vm5 =	veq.s32 v24, v58;
	vm9 =	veq.s32 v33, v58;
	v21 =	vadd.f32 v55, v60  }
0x307: {  	v13 =	vnsel vm7, $0x0, v13;
	v36 =	vnsel vm8, $0x0, v57;
	v38 =	vnsel vm10, $0x0, v62  }
0x308: {  	v45 =	vnsel vm6, $0x0, v12;
	vm6 =	veq.s32 v33, v6;
	v21 =	vadd.f32 v21, v3  }
0x309: {  	v42 =	vnsel vm13, $0x0, v20;
	v44 =	vnsel vm15, $0x0, v20;
	v14 =	vnsel vm6, $0x0, v25  }
0x30a: {  	v49 =	vnsel vm5, $0x0, v31;
	vm7 =	veq.s32 v26, v58;
	v35 =	vadd.f32 v21, v14  }
0x30b: {  	vm8 =	veq.s32 v33, v7;
	vm10 =	veq.s32 v30, v7;
	v47 =	vadd.f32 v45, v46  }
0x30c: {  	vm13 =	veq.s32 v11, v58;
	vm15 =	veq.s32 v10, v58;
	v19 =	vadd.f32 v35, v36  }
0x30d: {  	v0 =	vadd.f32 v0, v13;
	v41 =	vnsel vm12, $0x0, v12;
	v18 =	vadd.f32 v47, v50  }
0x30e: {  	[tilespmem:$0x230] =	vst v28;
	v12 =	vnsel vm14, $0x0, v12;
	v39 =	vadd.f32 v19, v38;
	v19 =	vadd.f32 v41, v42  }
0x30f: {  	[tilespmem:$0x240] =	vst v63;
	vm11 =	veq.s32 v10, v6;
	v12 =	vadd.f32 v12, v44;
	v46 =	vnsel vm4, $0x0, v31  }
0x310: {  	[tilespmem:$0x250] =	vst v51;
	v43 =	vld [tilespmem:$0x1FF60];
	vm6 =	veq.s32 v26, v7;
	v18 =	vadd.f32 v18, v52;
	v48 =	vadd.f32 v19, v46  }
0x311: {  	[tilespmem:$0x260] =	vst v8;
	vm12 =	veq.s32 v11, v7;
	v12 =	vadd.f32 v12, v49;
	v50 =	vnsel vm6, $0x0, v27  }
0x312: {  	[tilespmem:$0x270] =	vst v9;
	v52 =	vnsel vm7, $0x0, v27;
	v18 =	vadd.f32 v18, v56;
	v14 =	vadd.f32 v48, v50  }
0x313: {  	[tilespmem:$0x280] =	vst v17;
	v40 =	vnsel vm11, $0x0, v15;
	v45 =	vld [tilespmem:$0x1FF70];
	v53 =	vnsel vm8, $0x0, v25;
	v12 =	vadd.f32 v12, v52  }
0x314: {  	[tilespmem:$0x290] =	vst v22;
	v47 =	vld [tilespmem:$0x1FF80];
	v55 =	vnsel vm9, $0x0, v25;
	v18 =	vadd.f32 v18, v61;
	v54 =	vadd.f32 v14, v53  }
0x315: {  	[tilespmem:$0x200] =	vst v43;
	vm11 =	veq.s32 v30, v58;
	v56 =	vnsel vm10, $0x0, v57;
	v12 =	vadd.f32 v12, v55  }
0x316: {  	[tilespmem:$0x2A0] =	vst v4;
	v57 =	vnsel vm11, $0x0, v57;
	v18 =	vadd.f32 v18, v5;
	v8 =	vadd.f32 v54, v56  }
0x317: {  	vm14 =	veq.s32 v10, v7;
	v59 =	vnsel vm12, $0x0, v62;
	[tilespmem:$0x2B0] =	vst v0;
	v9 =	vadd.f32 v12, v57  }
0x318: {  	[tilespmem:$0x210] =	vst v45;
	v61 =	vnsel vm13, $0x0, v62;
	v13 =	vadd.f32 v18, v37;
	v60 =	vadd.f32 v8, v59  }
0x319: {  	[tilespmem:$0x220] =	vst v47;
	v62 =	vnsel vm14, $0x0, v15;
	v18 =	vadd.f32 v39, v40;
	v8 =	vadd.f32 v9, v61  }
0x31a: {  	v63 =	vnsel vm15, $0x0, v15;
	[tilespmem:$0x2C0] =	vst v13;
	v0 =	vadd.f32 v60, v62  }
0x31b: {  	[tilespmem:$0x2D0] =	vst v18;
	v4 =	vadd.f32 v8, v63  }
0x31c: {  	p0 =	sne.s32 s5, $0x1;
	[tilespmem:$0x2E0] =	vst v0  }
.Ltmp0:
0x31d: {  	[tilespmem:$0x2F0] =	vst v4;
	(pc) =	sbr.rel @p0 .LBB2_1-.Ltmp0, $4  }
0x31e: {  	[hbm4b:s4+s1] =	stream.linear.scatter [tilespmem:s7], [sflag:$0x1], $0x100, $0x38;
	[tilespmem:$0x300] =	vst v63  }
0x31f: {  	_ =	swait.ge [sflag:s6], $0x100  }
0x320: {  	[sflag:s6] =	ssyncset.done $0x0  }
0x321: {  	s5 =	sadd.s32 $0xFFFFFFFF, s5;
	[sflag:s6] =	ssyncadd.s32 $0xFFFFFF00  }
0x322: {  	_ =	sfence.sel $0x180000  }
0x323: {  	[bflag:$0x0] =	sbarrier.arrive $0xFFFF  }
0x324: {  	p0 =	sne.s32 s2, $0x0;
	_ =	strace $0x90000047  }
0x325: {  	s0 =	sadd.s32 @!p0 $0x100000, s0;
	[bflag:$0x2] =	sbarrier.arrive $0xFFFF  }
0x326: {  	[sflag:s0] =	ssyncadd.tile.s32 @!p0 $0x1;
	_ =	shalt  }
.Lfunc_end2:
_tile_overlayer_lowered:
.L_overlay_start_2:
0x327: {  	(tag) =	ssettag $0x2  }
0x328: {  	s0 =	rddreg [dreg:$0x0];
	s2 =	stileid.u32  }
0x329: {  	s1 =	rddreg [dreg:$0x1];
	p0 =	sne.s32 s2, $0x0  }
0x32a: {  	s3 =	rddreg [dreg:$0x2];
	[bflag:$0x3] =	sbarrier.arrive $0xFFFF;
	s2 =	simm.s32 @!p0 $0x1C01  }
0x32b: {  	[timem:s3], [sflag:s2] =	dma.local @!p0 [hbm:s0], s1  }
0x32c: {  	s0 =	simm.s32 @!p0 $0x1  }
0x32d: {  	_ =	swait.ge @!p0 [sflag:s0], s1  }
0x32e: {  	s1 =	ssub.s32 @!p0 $0x0, s1;
	[sflag:s0] =	ssyncset.done @!p0 $0x0  }
0x32f: {  	[sflag:s0] =	ssyncadd.s32 @!p0 s1  }
0x330: {  	[bflag:$0x3] =	sbarrier.arrive $0xFFFF  }
0x331: {  	_ =	shalt  }

</sc_bundles>
